<compile_context>
chip_gen: v7x
topology: tpu7x:2x2x1
jax: 0.10.2.dev20260603
libtpu: 0.0.44.dev20260713+nightly
codegen_flags: <defaults>
</compile_context>

<pallas_src>
import functools

import jax
import jax.numpy as jnp
from jax import lax
from jax.experimental import pallas as pl
from jax.experimental.pallas import tpu as pltpu
from jax.experimental.pallas import tpu_sc as plsc

NA, T, M, H, W = 512, 20, 4, 1024, 1024
R = 12
KW = 2 * R + 1
NT = NA * T
NC, NS, L = 2, 16, 16
NWORK = NC * NS
PPW = NT // NWORK
NG = PPW // L
NCH = 3
NROW = KW * NCH
TROWS = M * H * W // L
BIG = 1e9
ACC0 = 1e12


def _body(table, trajf, vehf, mapi, dxa, out,
          rows_v, traj_v, veh_v, map_v, dx_v, out_v, grp_v, sem0, sem1):
    wid = lax.axis_index("s") * NC + lax.axis_index("c")
    iota = lax.iota(jnp.int32, L)

    cp1 = pltpu.async_copy(trajf.at[pl.ds(wid * (PPW * 4), PPW * 4)], traj_v,
                           sem0)
    cp2 = pltpu.async_copy(vehf.at[:], veh_v, sem0)
    cp3 = pltpu.async_copy(mapi.at[:], map_v, sem0)
    cp4 = pltpu.async_copy(dxa.at[:], dx_v, sem0)
    cp1.wait()
    cp2.wait()
    cp3.wait()
    cp4.wait()
    dxv = dx_v[...]

    def point_params(g):
        lp = g * L + iota
        px = plsc.load_gather(traj_v, [lp * 4])
        py = plsc.load_gather(traj_v, [lp * 4 + 1])
        gp = wid * PPW + lp
        aid = gp // T
        ln = plsc.load_gather(veh_v, [aid * 2])
        wd = plsc.load_gather(veh_v, [aid * 2 + 1])
        mapf = plsc.load_gather(map_v, [aid])
        pd2 = (ln * ln + wd * wd) * 0.25

        pixx = (px / dxv).astype(jnp.int32)
        pixy = (py / dxv).astype(jnp.int32)
        cx0 = pixx - R
        chunk = cx0 >> 4
        s = cx0 & 15
        y0 = pixy - R
        mb = mapf * (H * W // L)
        cps = []
        for c in range(NCH):
            ch = chunk + c
            cps.append(mb + ((ch >> 3) << 6) + (ch & 7))
        fx = px - (pixx.astype(jnp.float32) + 0.5) * dxv
        fy = py - (pixy.astype(jnp.float32) + 0.5) * dxv
        ax = fx + (s + R).astype(jnp.float32) * dxv
        ay = fy + jnp.float32(R) * dxv
        return (y0, cps), ax, ay, pd2

    def fire_group(g, par, base):
        off = par * NROW * L

        y0, cps = base

        def fire(oy, _):
            y = y0 + oy
            ypart = ((y >> 3) << 9) + ((y & 7) << 3)
            for c in range(NCH):
                k = oy * NCH + c
                pltpu.async_copy(table.at[cps[c] + ypart],
                                 rows_v.at[pl.ds(off + k * L, L)],
                                 sem0 if par == 0 else sem1)
            return 0
        lax.fori_loop(0, KW, fire, 0)

    def drain_group(par):
        off = par * NROW * L
        pltpu.make_async_copy(table.at[pl.ds(0, NROW * L)],
                              rows_v.at[pl.ds(off, NROW * L)],
                              sem0 if par == 0 else sem1).wait()

    base0, _, _, _ = point_params(0)
    fire_group(0, 0, base0)

    def group(g, carry):
        par = lax.rem(g, 2)
        base, ax, ay, pd2 = point_params(g)

        @pl.when(g + 1 < NG)
        def _():
            nbase, _, _, _ = point_params(g + 1)
            @pl.when(par == 0)
            def _():
                fire_group(g + 1, 1, nbase)

            @pl.when(par == 1)
            def _():
                fire_group(g + 1, 0, nbase)

        @pl.when(par == 0)
        def _():
            drain_group(0)

        @pl.when(par == 1)
        def _():
            drain_group(1)

        off = par * (NROW * L)
        iota_f = iota.astype(jnp.float32)
        grp_v[pl.ds(0, L)] = ax
        grp_v[pl.ds(L, L)] = ay

        def pbody(p, accg):
            pidx = jnp.full((L,), p, jnp.int32)
            axp = plsc.load_gather(grp_v, [pidx])
            ayp = plsc.load_gather(grp_v, [pidx + L])
            xs = []
            for c in range(NCH):
                xd = axp - (iota_f + float(c * L)) * dxv
                xs.append(xd * xd)
            accs = [jnp.full((L,), ACC0, jnp.float32) for _ in range(NCH)]
            rowbase = off + p
            for r in range(KW):
                yd = ayp - float(r) * dxv
                yv = yd * yd
                for c in range(NCH):
                    driv = rows_v[rowbase + (r * NCH + c) * L, :]
                    accs[c] = jnp.minimum(accs[c], yv + driv * BIG)
            accp = jnp.minimum(jnp.minimum(xs[0] + accs[0], xs[1] + accs[1]),
                               xs[2] + accs[2])
            m = jnp.min(accp)
            return jnp.where(iota == pidx, m, accg)

        acc = lax.fori_loop(0, L, pbody, jnp.full((L,), ACC0, jnp.float32),
                            unroll=4)

        ratio = acc / pd2
        ibits = lax.bitcast_convert_type(ratio, jnp.int32)
        z = lax.bitcast_convert_type(jnp.int32(0x5F3759DF) - (ibits >> 1),
                                     jnp.float32)
        h = ratio * 0.5
        for _ in range(3):
            z = z * (1.5 - h * z * z)
        pen = jnp.where(ratio <= 1.0, 1.0 - ratio * z, 0.0)
        out_v[pl.ds(g * L, L)] = pen
        return carry

    lax.fori_loop(0, NG, group, 0)
    pltpu.sync_copy(out_v, out.at[pl.ds(wid * PPW, PPW)])


@jax.jit
def _coll_loss(table, trajf, vehf, mapi, dxa):
    mesh = plsc.VectorSubcoreMesh(core_axis_name="c", subcore_axis_name="s")
    f = functools.partial(
        pl.kernel,
        mesh=mesh,
        compiler_params=pltpu.CompilerParams(
            needs_layout_passes=False, use_tc_tiling_on_sc=False),
        out_type=jax.ShapeDtypeStruct((NT,), jnp.float32),
        scratch_types=[
            pltpu.VMEM((2 * NROW * L, L), jnp.float32),
            pltpu.VMEM((PPW * 4,), jnp.float32),
            pltpu.VMEM((NA * 2,), jnp.float32),
            pltpu.VMEM((NA,), jnp.int32),
            pltpu.VMEM((L,), jnp.float32),
            pltpu.VMEM((PPW,), jnp.float32),
            pltpu.VMEM((2 * L,), jnp.float32),
            pltpu.SemaphoreType.DMA,
            pltpu.SemaphoreType.DMA,
        ],
    )(_body)
    return f(table, trajf, vehf, mapi, dxa)


def kernel(traj, veh_att, drivable_raster, mapixes, dx):
    table = (drivable_raster
             .reshape(M, H // 8, 8, W // 128, 128)
             .transpose(0, 1, 3, 2, 4)
             .reshape(TROWS, L))
    trajf = traj.reshape(NT * 4)
    vehf = veh_att.reshape(NA * 2)
    dxa = jnp.full((L,), dx, dtype=jnp.float32)
    pen = _coll_loss(table, trajf, vehf, mapixes.astype(jnp.int32), dxa)
    return pen.reshape(NA, T)

# --- scband reference (transcript-rebuilt; emitter-appended) ---
"""Pipeline reference for scband-env-coll-loss-51608327028964 (READ-ONLY COPY).

The authoritative reference and input builder live on the scoring server;
editing this copy changes nothing except your own understanding.
"""

import jax, jax.numpy as jnp
import numpy as np

NA, T, M, H, W = 512, 20, 4, 1024, 1024
DX = 0.25
R = 12  # collision search window radius in cells (3.0 m)


def setup_inputs(seed: int = 0) -> dict:
    key = jax.random.key(seed)
    k1, k2, k3, k4, k5, k6 = jax.random.split(key, 6)
    lengths = jax.random.uniform(k1, (NA,), minval=3.5, maxval=5.5)
    widths = jax.random.uniform(k2, (NA,), minval=1.6, maxval=2.2)
    veh_att = jnp.stack([lengths, widths], axis=1)  # (NA, 2) UNNORMALIZED
    mapixes = jax.random.randint(k3, (NA,), 0, M).astype(jnp.int32)
    # drivable channel of nusc_raster: 1 = drivable, 0 = non-drivable (sparse holes)
    drivable_raster = (jax.random.uniform(k4, (M, H, W)) > 0.05).astype(jnp.float32)
    pos = jax.random.uniform(k5, (NA, T, 2), minval=8.0, maxval=H * DX - 8.0)
    theta = jax.random.uniform(k6, (NA, T), minval=0.0, maxval=2.0 * np.pi)
    traj = jnp.concatenate([pos, jnp.cos(theta)[..., None], jnp.sin(theta)[..., None]], axis=-1)
    return {"traj": traj, "veh_att": veh_att, "drivable_raster": drivable_raster,
            "mapixes": mapixes, "dx": DX}


def _get_coll_point(drivable_raster, dx, pos, penalty_dists, mapixes_f):
    # For each point, search a (2R+1)^2 window of raster cells around it for the
    # nearest non-drivable cell center within penalty distance; NaN if none.
    rng = jnp.arange(-R, R + 1)
    oy, ox = jnp.meshgrid(rng, rng, indexing='ij')
    offs = jnp.stack([ox.reshape(-1), oy.reshape(-1)], axis=-1)  # (K2, 2) as (dx, dy)
    pix = jnp.floor(pos / dx).astype(jnp.int32)  # (NT, 2) -> (ix, iy)
    cand = pix[:, None, :] + offs[None, :, :]  # (NT, K2, 2)
    cx = jnp.clip(cand[..., 0], 0, W - 1)
    cy = jnp.clip(cand[..., 1], 0, H - 1)
    flat_idx = mapixes_f[:, None] * (H * W) + cy * W + cx  # (NT, K2)
    driv = jnp.take(drivable_raster.reshape(-1), flat_idx)  # gather (NT*K2,)
    cand_pos = (jnp.stack([cx, cy], axis=-1).astype(jnp.float32) + 0.5) * dx
    dist = jnp.linalg.norm(cand_pos - pos[:, None, :], axis=-1)
    viable = (driv == 0.0) & (dist <= penalty_dists[:, None])
    dist_m = jnp.where(viable, dist, jnp.inf)
    idx = jnp.argmin(dist_m, axis=1)
    has = jnp.isfinite(jnp.min(dist_m, axis=1))
    cp = jnp.take_along_axis(cand_pos, idx[:, None, None], axis=1)[:, 0, :]
    coll_pt = jnp.where(has[:, None], cp, jnp.nan)
    return coll_pt


def reference(traj, veh_att, drivable_raster, mapixes, dx):
    NA_, T_ = traj.shape[0], traj.shape[1]
    traj_f = traj.reshape(NA_ * T_, 4)
    veh_f = jnp.repeat(veh_att, T_, axis=0)  # expand (NA,2) -> (NA*T,2)
    map_f = jnp.repeat(mapixes, T_)
    penalty_dists = jnp.sqrt(veh_f[:, 0] ** 2 / 4.0 + veh_f[:, 1] ** 2 / 4.0)
    # traj is detached for collision-point query (matches traj.detach() in torch)
    coll_pt = _get_coll_point(drivable_raster, dx,
                              jax.lax.stop_gradient(traj_f[:, :2]),
                              jax.lax.stop_gradient(penalty_dists), map_f)
    valid = ~jnp.isnan(jnp.sum(coll_pt, axis=1))
    coll_safe = jnp.where(valid[:, None], coll_pt, 0.0)
    traj_cent = traj_f[:, :2]
    cur_dists = jnp.linalg.norm(traj_cent - coll_safe, axis=1)
    val_penalties = 1.0 - cur_dists / penalty_dists
    all_penalties = jnp.where(valid, val_penalties, 0.0)
    return all_penalties.reshape(NA_, T_)

if __name__ == "__main__":
    import jax
    _d = setup_inputs()
    print(jax.jit(kernel)(*tuple(_d.values())))

</pallas_src>

<mosaic_0001>
#map = affine_map<(d0, d1) -> (0, 0)>
#map1 = affine_map<(d0, d1) -> (0)>
module attributes {stable_mosaic.version = 14 : i64} {
  func.func @_body(%arg0: i32, %arg1: i32, %arg2: memref<262144x16xf32, #tpu.memory_space<hbm>>, %arg3: memref<40960xf32, #tpu.memory_space<hbm>>, %arg4: memref<1024xf32, #tpu.memory_space<hbm>>, %arg5: memref<512xi32, #tpu.memory_space<hbm>>, %arg6: memref<16xf32, #tpu.memory_space<hbm>>, %arg7: memref<10240xf32, #tpu.memory_space<hbm>>, %arg8: memref<2400x16xf32, #tpu.memory_space<vmem>>, %arg9: memref<1280xf32, #tpu.memory_space<vmem>>, %arg10: memref<1024xf32, #tpu.memory_space<vmem>>, %arg11: memref<512xi32, #tpu.memory_space<vmem>>, %arg12: memref<16xf32, #tpu.memory_space<vmem>>, %arg13: memref<320xf32, #tpu.memory_space<vmem>>, %arg14: memref<32xf32, #tpu.memory_space<vmem>>, %arg15: memref<!tpu.dma_semaphore, #tpu.memory_space<semaphore_mem>>, %arg16: memref<!tpu.dma_semaphore, #tpu.memory_space<semaphore_mem>>) attributes {dimension_semantics = [#tpu.dimension_semantics<core_parallel>, #tpu.dimension_semantics<subcore_parallel>], iteration_bounds = array<i64: 2, 16>, scalar_prefetch = 0 : i64, scratch_operands = 9 : i64, tpu.core_type = #tpu.core_type<sc_vector_subcore>, window_params = [{transform_indices = #map}, {transform_indices = #map1}, {transform_indices = #map1}, {transform_indices = #map1}, {transform_indices = #map1}, {transform_indices = #map1}]} {
    %mul3A = arith.constant 2 : i32
    %mul3A_0 = arith.muli %arg1, %mul3A : i32
    %add3A = arith.addi %mul3A_0, %arg0 : i32
    %iota3A = tpu.iota {dimensions = array<i32: 0>} : vector<16xi32>
    %mul3A_1 = arith.constant 1280 : i32
    %mul3A_2 = arith.muli %add3A, %mul3A_1 : i32
    %dma_start3A = tpu.memref_slice %arg3[%mul3A_2] : memref<40960xf32, #tpu.memory_space<hbm>> -> memref<1280xf32, #tpu.memory_space<hbm>>
    %dma_start3A_3 = tpu.memref_slice %arg3[%mul3A_2] : memref<40960xf32, #tpu.memory_space<hbm>> -> memref<1280xf32, #tpu.memory_space<hbm>>
    tpu.enqueue_dma source(%dma_start3A_3 : memref<1280xf32, #tpu.memory_space<hbm>>) target(%arg9 : memref<1280xf32, #tpu.memory_space<vmem>>) target_semaphore(%arg15 : memref<!tpu.dma_semaphore, #tpu.memory_space<semaphore_mem>>)
    %dma_start3A_4 = arith.constant 0 : i32
    %dma_start3A_5 = tpu.memref_slice %arg4[%dma_start3A_4] : memref<1024xf32, #tpu.memory_space<hbm>> -> memref<1024xf32, #tpu.memory_space<hbm>>
    %dma_start3A_6 = arith.constant 0 : i32
    %dma_start3A_7 = tpu.memref_slice %arg4[%dma_start3A_6] : memref<1024xf32, #tpu.memory_space<hbm>> -> memref<1024xf32, #tpu.memory_space<hbm>>
    tpu.enqueue_dma source(%dma_start3A_7 : memref<1024xf32, #tpu.memory_space<hbm>>) target(%arg10 : memref<1024xf32, #tpu.memory_space<vmem>>) target_semaphore(%arg15 : memref<!tpu.dma_semaphore, #tpu.memory_space<semaphore_mem>>)
    %dma_start3A_8 = arith.constant 0 : i32
    %dma_start3A_9 = tpu.memref_slice %arg5[%dma_start3A_8] : memref<512xi32, #tpu.memory_space<hbm>> -> memref<512xi32, #tpu.memory_space<hbm>>
    %dma_start3A_10 = arith.constant 0 : i32
    %dma_start3A_11 = tpu.memref_slice %arg5[%dma_start3A_10] : memref<512xi32, #tpu.memory_space<hbm>> -> memref<512xi32, #tpu.memory_space<hbm>>
    tpu.enqueue_dma source(%dma_start3A_11 : memref<512xi32, #tpu.memory_space<hbm>>) target(%arg11 : memref<512xi32, #tpu.memory_space<vmem>>) target_semaphore(%arg15 : memref<!tpu.dma_semaphore, #tpu.memory_space<semaphore_mem>>)
    %dma_start3A_12 = arith.constant 0 : i32
    %dma_start3A_13 = tpu.memref_slice %arg6[%dma_start3A_12] : memref<16xf32, #tpu.memory_space<hbm>> -> memref<16xf32, #tpu.memory_space<hbm>>
    %dma_start3A_14 = arith.constant 0 : i32
    %dma_start3A_15 = tpu.memref_slice %arg6[%dma_start3A_14] : memref<16xf32, #tpu.memory_space<hbm>> -> memref<16xf32, #tpu.memory_space<hbm>>
    tpu.enqueue_dma source(%dma_start3A_15 : memref<16xf32, #tpu.memory_space<hbm>>) target(%arg12 : memref<16xf32, #tpu.memory_space<vmem>>) target_semaphore(%arg15 : memref<!tpu.dma_semaphore, #tpu.memory_space<semaphore_mem>>)
    %dma_wait3A = tpu.memref_slice %arg3[%mul3A_2] : memref<40960xf32, #tpu.memory_space<hbm>> -> memref<1280xf32, #tpu.memory_space<hbm>>
    %dma_wait3A_16 = tpu.memref_slice %arg3[%mul3A_2] : memref<40960xf32, #tpu.memory_space<hbm>> -> memref<1280xf32, #tpu.memory_space<hbm>>
    tpu.wait_dma2 semaphore(%arg15 : memref<!tpu.dma_semaphore, #tpu.memory_space<semaphore_mem>>) src(%dma_wait3A_16 : memref<1280xf32, #tpu.memory_space<hbm>>) dst(%arg9 : memref<1280xf32, #tpu.memory_space<vmem>>)
    %dma_wait3A_17 = arith.constant 0 : i32
    %dma_wait3A_18 = tpu.memref_slice %arg4[%dma_wait3A_17] : memref<1024xf32, #tpu.memory_space<hbm>> -> memref<1024xf32, #tpu.memory_space<hbm>>
    %dma_wait3A_19 = arith.constant 0 : i32
    %dma_wait3A_20 = tpu.memref_slice %arg4[%dma_wait3A_19] : memref<1024xf32, #tpu.memory_space<hbm>> -> memref<1024xf32, #tpu.memory_space<hbm>>
    tpu.wait_dma2 semaphore(%arg15 : memref<!tpu.dma_semaphore, #tpu.memory_space<semaphore_mem>>) src(%dma_wait3A_20 : memref<1024xf32, #tpu.memory_space<hbm>>) dst(%arg10 : memref<1024xf32, #tpu.memory_space<vmem>>)
    %dma_wait3A_21 = arith.constant 0 : i32
    %dma_wait3A_22 = tpu.memref_slice %arg5[%dma_wait3A_21] : memref<512xi32, #tpu.memory_space<hbm>> -> memref<512xi32, #tpu.memory_space<hbm>>
    %dma_wait3A_23 = arith.constant 0 : i32
    %dma_wait3A_24 = tpu.memref_slice %arg5[%dma_wait3A_23] : memref<512xi32, #tpu.memory_space<hbm>> -> memref<512xi32, #tpu.memory_space<hbm>>
    tpu.wait_dma2 semaphore(%arg15 : memref<!tpu.dma_semaphore, #tpu.memory_space<semaphore_mem>>) src(%dma_wait3A_24 : memref<512xi32, #tpu.memory_space<hbm>>) dst(%arg11 : memref<512xi32, #tpu.memory_space<vmem>>)
    %dma_wait3A_25 = arith.constant 0 : i32
    %dma_wait3A_26 = tpu.memref_slice %arg6[%dma_wait3A_25] : memref<16xf32, #tpu.memory_space<hbm>> -> memref<16xf32, #tpu.memory_space<hbm>>
    %dma_wait3A_27 = arith.constant 0 : i32
    %dma_wait3A_28 = tpu.memref_slice %arg6[%dma_wait3A_27] : memref<16xf32, #tpu.memory_space<hbm>> -> memref<16xf32, #tpu.memory_space<hbm>>
    tpu.wait_dma2 semaphore(%arg15 : memref<!tpu.dma_semaphore, #tpu.memory_space<semaphore_mem>>) src(%dma_wait3A_28 : memref<16xf32, #tpu.memory_space<hbm>>) dst(%arg12 : memref<16xf32, #tpu.memory_space<vmem>>)
    %get3A = arith.constant 0 : index
    %get3A_29 = tpu.vector_load %arg12[%get3A] {strides = array<i32>} : memref<16xf32, #tpu.memory_space<vmem>>, vector<16xf32>,
    %add3A_30 = arith.constant 0 : i32
    %add3A_31 = vector.broadcast %add3A_30 : i32 to vector<16xi32>
    %add3A_32 = arith.addi %add3A_31, %iota3A : vector<16xi32>
    %mul3A_33 = arith.constant 4 : i32
    %mul3A_34 = vector.broadcast %mul3A_33 : i32 to vector<16xi32>
    %mul3A_35 = arith.muli %add3A_32, %mul3A_34 : vector<16xi32>
    %gather3A = tpu.vector_load_idx %arg9[%mul3A_35] : memref<1280xf32, #tpu.memory_space<vmem>>[vector<16xi32>], vector<16xf32>,
    %mul3A_36 = arith.constant 4 : i32
    %mul3A_37 = vector.broadcast %mul3A_36 : i32 to vector<16xi32>
    %mul3A_38 = arith.muli %add3A_32, %mul3A_37 : vector<16xi32>
    %add3A_39 = arith.constant 1 : i32
    %add3A_40 = vector.broadcast %add3A_39 : i32 to vector<16xi32>
    %add3A_41 = arith.addi %mul3A_38, %add3A_40 : vector<16xi32>
    %gather3A_42 = tpu.vector_load_idx %arg9[%add3A_41] : memref<1280xf32, #tpu.memory_space<vmem>>[vector<16xi32>], vector<16xf32>,
    %mul3A_43 = arith.constant 320 : i32
    %mul3A_44 = arith.muli %add3A, %mul3A_43 : i32
    %add3A_45 = vector.broadcast %mul3A_44 : i32 to vector<16xi32>
    %add3A_46 = arith.addi %add3A_45, %add3A_32 : vector<16xi32>
    %jit3A = arith.constant 20 : i32
    %div3A = vector.broadcast %jit3A : i32 to vector<16xi32>
    %div3A_47 = arith.divsi %add3A_46, %div3A : vector<16xi32>
    %sign3A = arith.constant 0 : i32
    %sign3A_48 = vector.broadcast %sign3A : i32 to vector<16xi32>
    %sign3A_49 = arith.cmpi sgt, %add3A_46, %sign3A_48 : vector<16xi32>
    %sign3A_50 = arith.extui %sign3A_49 : vector<16xi1> to vector<16xi32>
    %sign3A_51 = arith.constant 0 : i32
    %sign3A_52 = vector.broadcast %sign3A_51 : i32 to vector<16xi32>
    %sign3A_53 = arith.cmpi slt, %add3A_46, %sign3A_52 : vector<16xi32>
    %sign3A_54 = arith.extui %sign3A_53 : vector<16xi1> to vector<16xi32>
    %sign3A_55 = arith.subi %sign3A_50, %sign3A_54 : vector<16xi32>
    %sign3A_56 = arith.constant 0 : i32
    %sign3A_57 = arith.cmpi sgt, %jit3A, %sign3A_56 : i32
    %sign3A_58 = arith.extui %sign3A_57 : i1 to i32
    %sign3A_59 = arith.constant 0 : i32
    %sign3A_60 = arith.cmpi slt, %jit3A, %sign3A_59 : i32
    %sign3A_61 = arith.extui %sign3A_60 : i1 to i32
    %sign3A_62 = arith.subi %sign3A_58, %sign3A_61 : i32
    %ne3A = vector.broadcast %sign3A_62 : i32 to vector<16xi32>
    %ne3A_63 = arith.cmpi ne, %sign3A_55, %ne3A : vector<16xi32>
    %rem3A = vector.broadcast %jit3A : i32 to vector<16xi32>
    %rem3A_64 = arith.remsi %add3A_46, %rem3A : vector<16xi32>
    %ne3A_65 = arith.constant 0 : i32
    %ne3A_66 = vector.broadcast %ne3A_65 : i32 to vector<16xi32>
    %ne3A_67 = arith.cmpi ne, %rem3A_64, %ne3A_66 : vector<16xi32>
    %and3A = arith.andi %ne3A_63, %ne3A_67 : vector<16xi1>
    %sub3A = arith.constant 1 : i32
    %sub3A_68 = vector.broadcast %sub3A : i32 to vector<16xi32>
    %sub3A_69 = arith.subi %div3A_47, %sub3A_68 : vector<16xi32>
    %select_n3A = arith.select %and3A, %sub3A_69, %div3A_47 : vector<16xi1>, vector<16xi32>
    %mul3A_70 = arith.constant 2 : i32
    %mul3A_71 = vector.broadcast %mul3A_70 : i32 to vector<16xi32>
    %mul3A_72 = arith.muli %select_n3A, %mul3A_71 : vector<16xi32>
    %gather3A_73 = tpu.vector_load_idx %arg10[%mul3A_72] : memref<1024xf32, #tpu.memory_space<vmem>>[vector<16xi32>], vector<16xf32>,
    %mul3A_74 = arith.constant 2 : i32
    %mul3A_75 = vector.broadcast %mul3A_74 : i32 to vector<16xi32>
    %mul3A_76 = arith.muli %select_n3A, %mul3A_75 : vector<16xi32>
    %add3A_77 = arith.constant 1 : i32
    %add3A_78 = vector.broadcast %add3A_77 : i32 to vector<16xi32>
    %add3A_79 = arith.addi %mul3A_76, %add3A_78 : vector<16xi32>
    %gather3A_80 = tpu.vector_load_idx %arg10[%add3A_79] : memref<1024xf32, #tpu.memory_space<vmem>>[vector<16xi32>], vector<16xf32>,
    %gather3A_81 = tpu.vector_load_idx %arg11[%select_n3A] : memref<512xi32, #tpu.memory_space<vmem>>[vector<16xi32>], vector<16xi32>,
    %mul3A_82 = arith.mulf %gather3A_73, %gather3A_73 : vector<16xf32>
    %mul3A_83 = arith.mulf %gather3A_80, %gather3A_80 : vector<16xf32>
    %add3A_84 = arith.addf %mul3A_82, %mul3A_83 : vector<16xf32>
    %mul3A_85 = arith.constant 2.500000e-01 : f32
    %mul3A_86 = vector.broadcast %mul3A_85 : f32 to vector<16xf32>
    %mul3A_87 = arith.mulf %add3A_84, %mul3A_86 : vector<16xf32>
    %div3A_88 = arith.divf %gather3A, %get3A_29 : vector<16xf32>
    %convert_element_type3A = arith.fptosi %div3A_88 : vector<16xf32> to vector<16xi32>
    %div3A_89 = arith.divf %gather3A_42, %get3A_29 : vector<16xf32>
    %convert_element_type3A_90 = arith.fptosi %div3A_89 : vector<16xf32> to vector<16xi32>
    %sub3A_91 = arith.constant 12 : i32
    %sub3A_92 = vector.broadcast %sub3A_91 : i32 to vector<16xi32>
    %sub3A_93 = arith.subi %convert_element_type3A, %sub3A_92 : vector<16xi32>
    %shift_right_arithmetic3A = arith.constant 4 : i32
    %shift_right_arithmetic3A_94 = vector.broadcast %shift_right_arithmetic3A : i32 to vector<16xi32>
    %shift_right_arithmetic3A_95 = arith.shrsi %sub3A_93, %shift_right_arithmetic3A_94 : vector<16xi32>
    %and3A_96 = arith.constant 15 : i32
    %and3A_97 = vector.broadcast %and3A_96 : i32 to vector<16xi32>
    %and3A_98 = arith.andi %sub3A_93, %and3A_97 : vector<16xi32>
    %sub3A_99 = arith.constant 12 : i32
    %sub3A_100 = vector.broadcast %sub3A_99 : i32 to vector<16xi32>
    %sub3A_101 = arith.subi %convert_element_type3A_90, %sub3A_100 : vector<16xi32>
    %mul3A_102 = arith.constant 65536 : i32
    %mul3A_103 = vector.broadcast %mul3A_102 : i32 to vector<16xi32>
    %mul3A_104 = arith.muli %gather3A_81, %mul3A_103 : vector<16xi32>
    %add3A_105 = arith.constant 0 : i32
    %add3A_106 = vector.broadcast %add3A_105 : i32 to vector<16xi32>
    %add3A_107 = arith.addi %shift_right_arithmetic3A_95, %add3A_106 : vector<16xi32>
    %shift_right_arithmetic3A_108 = arith.constant 3 : i32
    %shift_right_arithmetic3A_109 = vector.broadcast %shift_right_arithmetic3A_108 : i32 to vector<16xi32>
    %shift_right_arithmetic3A_110 = arith.shrsi %add3A_107, %shift_right_arithmetic3A_109 : vector<16xi32>
    %shift_left3A = arith.constant 6 : i32
    %shift_left3A_111 = vector.broadcast %shift_left3A : i32 to vector<16xi32>
    %shift_left3A_112 = arith.shli %shift_right_arithmetic3A_110, %shift_left3A_111 : vector<16xi32>
    %add3A_113 = arith.addi %mul3A_104, %shift_left3A_112 : vector<16xi32>
    %and3A_114 = arith.constant 7 : i32
    %and3A_115 = vector.broadcast %and3A_114 : i32 to vector<16xi32>
    %and3A_116 = arith.andi %add3A_107, %and3A_115 : vector<16xi32>
    %add3A_117 = arith.addi %add3A_113, %and3A_116 : vector<16xi32>
    %add3A_118 = arith.constant 1 : i32
    %add3A_119 = vector.broadcast %add3A_118 : i32 to vector<16xi32>
    %add3A_120 = arith.addi %shift_right_arithmetic3A_95, %add3A_119 : vector<16xi32>
    %shift_right_arithmetic3A_121 = arith.constant 3 : i32
    %shift_right_arithmetic3A_122 = vector.broadcast %shift_right_arithmetic3A_121 : i32 to vector<16xi32>
    %shift_right_arithmetic3A_123 = arith.shrsi %add3A_120, %shift_right_arithmetic3A_122 : vector<16xi32>
    %shift_left3A_124 = arith.constant 6 : i32
    %shift_left3A_125 = vector.broadcast %shift_left3A_124 : i32 to vector<16xi32>
    %shift_left3A_126 = arith.shli %shift_right_arithmetic3A_123, %shift_left3A_125 : vector<16xi32>
    %add3A_127 = arith.addi %mul3A_104, %shift_left3A_126 : vector<16xi32>
    %and3A_128 = arith.constant 7 : i32
    %and3A_129 = vector.broadcast %and3A_128 : i32 to vector<16xi32>
    %and3A_130 = arith.andi %add3A_120, %and3A_129 : vector<16xi32>
    %add3A_131 = arith.addi %add3A_127, %and3A_130 : vector<16xi32>
    %add3A_132 = arith.constant 2 : i32
    %add3A_133 = vector.broadcast %add3A_132 : i32 to vector<16xi32>
    %add3A_134 = arith.addi %shift_right_arithmetic3A_95, %add3A_133 : vector<16xi32>
    %shift_right_arithmetic3A_135 = arith.constant 3 : i32
    %shift_right_arithmetic3A_136 = vector.broadcast %shift_right_arithmetic3A_135 : i32 to vector<16xi32>
    %shift_right_arithmetic3A_137 = arith.shrsi %add3A_134, %shift_right_arithmetic3A_136 : vector<16xi32>
    %shift_left3A_138 = arith.constant 6 : i32
    %shift_left3A_139 = vector.broadcast %shift_left3A_138 : i32 to vector<16xi32>
    %shift_left3A_140 = arith.shli %shift_right_arithmetic3A_137, %shift_left3A_139 : vector<16xi32>
    %add3A_141 = arith.addi %mul3A_104, %shift_left3A_140 : vector<16xi32>
    %and3A_142 = arith.constant 7 : i32
    %and3A_143 = vector.broadcast %and3A_142 : i32 to vector<16xi32>
    %and3A_144 = arith.andi %add3A_134, %and3A_143 : vector<16xi32>
    %add3A_145 = arith.addi %add3A_141, %and3A_144 : vector<16xi32>
    %convert_element_type3A_146 = arith.sitofp %convert_element_type3A : vector<16xi32> to vector<16xf32>
    %add3A_147 = arith.constant 5.000000e-01 : f32
    %add3A_148 = vector.broadcast %add3A_147 : f32 to vector<16xf32>
    %add3A_149 = arith.addf %convert_element_type3A_146, %add3A_148 : vector<16xf32>
    %mul3A_150 = arith.mulf %add3A_149, %get3A_29 : vector<16xf32>
    %sub3A_151 = arith.subf %gather3A, %mul3A_150 : vector<16xf32>
    %convert_element_type3A_152 = arith.sitofp %convert_element_type3A_90 : vector<16xi32> to vector<16xf32>
    %add3A_153 = arith.constant 5.000000e-01 : f32
    %add3A_154 = vector.broadcast %add3A_153 : f32 to vector<16xf32>
    %add3A_155 = arith.addf %convert_element_type3A_152, %add3A_154 : vector<16xf32>
    %mul3A_156 = arith.mulf %add3A_155, %get3A_29 : vector<16xf32>
    %sub3A_157 = arith.subf %gather3A_42, %mul3A_156 : vector<16xf32>
    %add3A_158 = arith.constant 12 : i32
    %add3A_159 = vector.broadcast %add3A_158 : i32 to vector<16xi32>
    %add3A_160 = arith.addi %and3A_98, %add3A_159 : vector<16xi32>
    %convert_element_type3A_161 = arith.sitofp %add3A_160 : vector<16xi32> to vector<16xf32>
    %mul3A_162 = arith.mulf %convert_element_type3A_161, %get3A_29 : vector<16xf32>
    %add3A_163 = arith.addf %sub3A_151, %mul3A_162 : vector<16xf32>
    %mul3A_164 = arith.constant 1.200000e+01 : f32
    %mul3A_165 = vector.broadcast %mul3A_164 : f32 to vector<16xf32>
    %mul3A_166 = arith.mulf %mul3A_165, %get3A_29 : vector<16xf32>
    %add3A_167 = arith.addf %sub3A_157, %mul3A_166 : vector<16xf32>
    %scan3A = arith.constant 0 : i32
    %scan3A_168 = arith.constant 0 : i32
    %scan3A_169 = arith.constant 25 : i32
    %scan3A_170 = arith.addi %scan3A_168, %scan3A_169 : i32
    %scan3A_171 = arith.constant 1 : i32
    %scan3A_172 = scf.for %scan3A_182 = %scan3A_168 to %scan3A_170 step %scan3A_171 iter_args(%scan3A_183 = %scan3A) -> (i32)  : i32 {
      %add3A_184 = vector.broadcast %scan3A_182 : i32 to vector<16xi32>
      %add3A_185 = arith.addi %sub3A_101, %add3A_184 : vector<16xi32>
      %shift_right_arithmetic3A_186 = arith.constant 3 : i32
      %shift_right_arithmetic3A_187 = vector.broadcast %shift_right_arithmetic3A_186 : i32 to vector<16xi32>
      %shift_right_arithmetic3A_188 = arith.shrsi %add3A_185, %shift_right_arithmetic3A_187 : vector<16xi32>
      %shift_left3A_189 = arith.constant 9 : i32
      %shift_left3A_190 = vector.broadcast %shift_left3A_189 : i32 to vector<16xi32>
      %shift_left3A_191 = arith.shli %shift_right_arithmetic3A_188, %shift_left3A_190 : vector<16xi32>
      %and3A_192 = arith.constant 7 : i32
      %and3A_193 = vector.broadcast %and3A_192 : i32 to vector<16xi32>
      %and3A_194 = arith.andi %add3A_185, %and3A_193 : vector<16xi32>
      %shift_left3A_195 = arith.constant 3 : i32
      %shift_left3A_196 = vector.broadcast %shift_left3A_195 : i32 to vector<16xi32>
      %shift_left3A_197 = arith.shli %and3A_194, %shift_left3A_196 : vector<16xi32>
      %add3A_198 = arith.addi %shift_left3A_191, %shift_left3A_197 : vector<16xi32>
      %mul3A_199 = arith.constant 3 : i32
      %mul3A_200 = arith.muli %scan3A_182, %mul3A_199 : i32
      %add3A_201 = arith.constant 0 : i32
      %add3A_202 = arith.addi %mul3A_200, %add3A_201 : i32
      %add3A_203 = arith.addi %add3A_117, %add3A_198 : vector<16xi32>
      %mul3A_204 = arith.constant 16 : i32
      %mul3A_205 = arith.muli %add3A_202, %mul3A_204 : i32
      %add3A_206 = arith.constant 0 : i32
      %add3A_207 = arith.addi %add3A_206, %mul3A_205 : i32
      %dma_start3A_208 = arith.constant 0 : i32
      %dma_start3A_209 = tpu.memref_slice %arg8[%add3A_207, %dma_start3A_208] : memref<2400x16xf32, #tpu.memory_space<vmem>> -> memref<16x16xf32, #tpu.memory_space<vmem>>
      %dma_start3A_210 = arith.constant 0 : i32
      %dma_start3A_211 = arith.constant 0 : i32
      %dma_start3A_212 = tpu.memref_slice %arg2[%dma_start3A_210, %dma_start3A_211] : memref<262144x16xf32, #tpu.memory_space<hbm>> -> memref<262144x16xf32, #tpu.memory_space<hbm>>
      tpu.enqueue_indirect_dma source(%dma_start3A_212 : memref<262144x16xf32, #tpu.memory_space<hbm>>) target(%dma_start3A_209 : memref<16x16xf32, #tpu.memory_space<vmem>>) offsets(%add3A_203 : vector<16xi32>) semaphore(%arg15 : memref<!tpu.dma_semaphore, #tpu.memory_space<semaphore_mem>>)
      %mul3A_213 = arith.constant 3 : i32
      %mul3A_214 = arith.muli %scan3A_182, %mul3A_213 : i32
      %add3A_215 = arith.constant 1 : i32
      %add3A_216 = arith.addi %mul3A_214, %add3A_215 : i32
      %add3A_217 = arith.addi %add3A_131, %add3A_198 : vector<16xi32>
      %mul3A_218 = arith.constant 16 : i32
      %mul3A_219 = arith.muli %add3A_216, %mul3A_218 : i32
      %add3A_220 = arith.constant 0 : i32
      %add3A_221 = arith.addi %add3A_220, %mul3A_219 : i32
      %dma_start3A_222 = arith.constant 0 : i32
      %dma_start3A_223 = tpu.memref_slice %arg8[%add3A_221, %dma_start3A_222] : memref<2400x16xf32, #tpu.memory_space<vmem>> -> memref<16x16xf32, #tpu.memory_space<vmem>>
      %dma_start3A_224 = arith.constant 0 : i32
      %dma_start3A_225 = arith.constant 0 : i32
      %dma_start3A_226 = tpu.memref_slice %arg2[%dma_start3A_224, %dma_start3A_225] : memref<262144x16xf32, #tpu.memory_space<hbm>> -> memref<262144x16xf32, #tpu.memory_space<hbm>>
      tpu.enqueue_indirect_dma source(%dma_start3A_226 : memref<262144x16xf32, #tpu.memory_space<hbm>>) target(%dma_start3A_223 : memref<16x16xf32, #tpu.memory_space<vmem>>) offsets(%add3A_217 : vector<16xi32>) semaphore(%arg15 : memref<!tpu.dma_semaphore, #tpu.memory_space<semaphore_mem>>)
      %mul3A_227 = arith.constant 3 : i32
      %mul3A_228 = arith.muli %scan3A_182, %mul3A_227 : i32
      %add3A_229 = arith.constant 2 : i32
      %add3A_230 = arith.addi %mul3A_228, %add3A_229 : i32
      %add3A_231 = arith.addi %add3A_145, %add3A_198 : vector<16xi32>
      %mul3A_232 = arith.constant 16 : i32
      %mul3A_233 = arith.muli %add3A_230, %mul3A_232 : i32
      %add3A_234 = arith.constant 0 : i32
      %add3A_235 = arith.addi %add3A_234, %mul3A_233 : i32
      %dma_start3A_236 = arith.constant 0 : i32
      %dma_start3A_237 = tpu.memref_slice %arg8[%add3A_235, %dma_start3A_236] : memref<2400x16xf32, #tpu.memory_space<vmem>> -> memref<16x16xf32, #tpu.memory_space<vmem>>
      %dma_start3A_238 = arith.constant 0 : i32
      %dma_start3A_239 = arith.constant 0 : i32
      %dma_start3A_240 = tpu.memref_slice %arg2[%dma_start3A_238, %dma_start3A_239] : memref<262144x16xf32, #tpu.memory_space<hbm>> -> memref<262144x16xf32, #tpu.memory_space<hbm>>
      tpu.enqueue_indirect_dma source(%dma_start3A_240 : memref<262144x16xf32, #tpu.memory_space<hbm>>) target(%dma_start3A_237 : memref<16x16xf32, #tpu.memory_space<vmem>>) offsets(%add3A_231 : vector<16xi32>) semaphore(%arg15 : memref<!tpu.dma_semaphore, #tpu.memory_space<semaphore_mem>>)
      %scan3A_241 = arith.constant 0 : i32
      scf.yield %scan3A_241 : i32
    }
    %scan3A_173 = arith.constant 25 : i32
    %scan3A_174 = arith.constant 0 : i32
    %scan3A_175 = arith.constant 0 : i32
    %scan3A_176 = arith.constant 20 : i32
    %scan3A_177 = arith.addi %scan3A_175, %scan3A_176 : i32
    %scan3A_178 = arith.constant 1 : i32
    scf.for %scan3A_182 = %scan3A_175 to %scan3A_177 step %scan3A_178  : i32 {
      %rem3A_183 = arith.constant 2 : i32
      %rem3A_184 = arith.remsi %scan3A_182, %rem3A_183 : i32
      %mul3A_185 = arith.constant 16 : i32
      %mul3A_186 = arith.muli %scan3A_182, %mul3A_185 : i32
      %add3A_187 = vector.broadcast %mul3A_186 : i32 to vector<16xi32>
      %add3A_188 = arith.addi %add3A_187, %iota3A : vector<16xi32>
      %mul3A_189 = arith.constant 4 : i32
      %mul3A_190 = vector.broadcast %mul3A_189 : i32 to vector<16xi32>
      %mul3A_191 = arith.muli %add3A_188, %mul3A_190 : vector<16xi32>
      %gather3A_192 = tpu.vector_load_idx %arg9[%mul3A_191] : memref<1280xf32, #tpu.memory_space<vmem>>[vector<16xi32>], vector<16xf32>,
      %mul3A_193 = arith.constant 4 : i32
      %mul3A_194 = vector.broadcast %mul3A_193 : i32 to vector<16xi32>
      %mul3A_195 = arith.muli %add3A_188, %mul3A_194 : vector<16xi32>
      %add3A_196 = arith.constant 1 : i32
      %add3A_197 = vector.broadcast %add3A_196 : i32 to vector<16xi32>
      %add3A_198 = arith.addi %mul3A_195, %add3A_197 : vector<16xi32>
      %gather3A_199 = tpu.vector_load_idx %arg9[%add3A_198] : memref<1280xf32, #tpu.memory_space<vmem>>[vector<16xi32>], vector<16xf32>,
      %mul3A_200 = arith.constant 320 : i32
      %mul3A_201 = arith.muli %add3A, %mul3A_200 : i32
      %add3A_202 = vector.broadcast %mul3A_201 : i32 to vector<16xi32>
      %add3A_203 = arith.addi %add3A_202, %add3A_188 : vector<16xi32>
      %jit3A_204 = arith.constant 20 : i32
      %div3A_205 = vector.broadcast %jit3A_204 : i32 to vector<16xi32>
      %div3A_206 = arith.divsi %add3A_203, %div3A_205 : vector<16xi32>
      %sign3A_207 = arith.constant 0 : i32
      %sign3A_208 = vector.broadcast %sign3A_207 : i32 to vector<16xi32>
      %sign3A_209 = arith.cmpi sgt, %add3A_203, %sign3A_208 : vector<16xi32>
      %sign3A_210 = arith.extui %sign3A_209 : vector<16xi1> to vector<16xi32>
      %sign3A_211 = arith.constant 0 : i32
      %sign3A_212 = vector.broadcast %sign3A_211 : i32 to vector<16xi32>
      %sign3A_213 = arith.cmpi slt, %add3A_203, %sign3A_212 : vector<16xi32>
      %sign3A_214 = arith.extui %sign3A_213 : vector<16xi1> to vector<16xi32>
      %sign3A_215 = arith.subi %sign3A_210, %sign3A_214 : vector<16xi32>
      %sign3A_216 = arith.constant 0 : i32
      %sign3A_217 = arith.cmpi sgt, %jit3A_204, %sign3A_216 : i32
      %sign3A_218 = arith.extui %sign3A_217 : i1 to i32
      %sign3A_219 = arith.constant 0 : i32
      %sign3A_220 = arith.cmpi slt, %jit3A_204, %sign3A_219 : i32
      %sign3A_221 = arith.extui %sign3A_220 : i1 to i32
      %sign3A_222 = arith.subi %sign3A_218, %sign3A_221 : i32
      %ne3A_223 = vector.broadcast %sign3A_222 : i32 to vector<16xi32>
      %ne3A_224 = arith.cmpi ne, %sign3A_215, %ne3A_223 : vector<16xi32>
      %rem3A_225 = vector.broadcast %jit3A_204 : i32 to vector<16xi32>
      %rem3A_226 = arith.remsi %add3A_203, %rem3A_225 : vector<16xi32>
      %ne3A_227 = arith.constant 0 : i32
      %ne3A_228 = vector.broadcast %ne3A_227 : i32 to vector<16xi32>
      %ne3A_229 = arith.cmpi ne, %rem3A_226, %ne3A_228 : vector<16xi32>
      %and3A_230 = arith.andi %ne3A_224, %ne3A_229 : vector<16xi1>
      %sub3A_231 = arith.constant 1 : i32
      %sub3A_232 = vector.broadcast %sub3A_231 : i32 to vector<16xi32>
      %sub3A_233 = arith.subi %div3A_206, %sub3A_232 : vector<16xi32>
      %select_n3A_234 = arith.select %and3A_230, %sub3A_233, %div3A_206 : vector<16xi1>, vector<16xi32>
      %mul3A_235 = arith.constant 2 : i32
      %mul3A_236 = vector.broadcast %mul3A_235 : i32 to vector<16xi32>
      %mul3A_237 = arith.muli %select_n3A_234, %mul3A_236 : vector<16xi32>
      %gather3A_238 = tpu.vector_load_idx %arg10[%mul3A_237] : memref<1024xf32, #tpu.memory_space<vmem>>[vector<16xi32>], vector<16xf32>,
      %mul3A_239 = arith.constant 2 : i32
      %mul3A_240 = vector.broadcast %mul3A_239 : i32 to vector<16xi32>
      %mul3A_241 = arith.muli %select_n3A_234, %mul3A_240 : vector<16xi32>
      %add3A_242 = arith.constant 1 : i32
      %add3A_243 = vector.broadcast %add3A_242 : i32 to vector<16xi32>
      %add3A_244 = arith.addi %mul3A_241, %add3A_243 : vector<16xi32>
      %gather3A_245 = tpu.vector_load_idx %arg10[%add3A_244] : memref<1024xf32, #tpu.memory_space<vmem>>[vector<16xi32>], vector<16xf32>,
      %gather3A_246 = tpu.vector_load_idx %arg11[%select_n3A_234] : memref<512xi32, #tpu.memory_space<vmem>>[vector<16xi32>], vector<16xi32>,
      %mul3A_247 = arith.mulf %gather3A_238, %gather3A_238 : vector<16xf32>
      %mul3A_248 = arith.mulf %gather3A_245, %gather3A_245 : vector<16xf32>
      %add3A_249 = arith.addf %mul3A_247, %mul3A_248 : vector<16xf32>
      %mul3A_250 = arith.constant 2.500000e-01 : f32
      %mul3A_251 = vector.broadcast %mul3A_250 : f32 to vector<16xf32>
      %mul3A_252 = arith.mulf %add3A_249, %mul3A_251 : vector<16xf32>
      %div3A_253 = arith.divf %gather3A_192, %get3A_29 : vector<16xf32>
      %convert_element_type3A_254 = arith.fptosi %div3A_253 : vector<16xf32> to vector<16xi32>
      %div3A_255 = arith.divf %gather3A_199, %get3A_29 : vector<16xf32>
      %convert_element_type3A_256 = arith.fptosi %div3A_255 : vector<16xf32> to vector<16xi32>
      %sub3A_257 = arith.constant 12 : i32
      %sub3A_258 = vector.broadcast %sub3A_257 : i32 to vector<16xi32>
      %sub3A_259 = arith.subi %convert_element_type3A_254, %sub3A_258 : vector<16xi32>
      %shift_right_arithmetic3A_260 = arith.constant 4 : i32
      %shift_right_arithmetic3A_261 = vector.broadcast %shift_right_arithmetic3A_260 : i32 to vector<16xi32>
      %shift_right_arithmetic3A_262 = arith.shrsi %sub3A_259, %shift_right_arithmetic3A_261 : vector<16xi32>
      %and3A_263 = arith.constant 15 : i32
      %and3A_264 = vector.broadcast %and3A_263 : i32 to vector<16xi32>
      %and3A_265 = arith.andi %sub3A_259, %and3A_264 : vector<16xi32>
      %sub3A_266 = arith.constant 12 : i32
      %sub3A_267 = vector.broadcast %sub3A_266 : i32 to vector<16xi32>
      %sub3A_268 = arith.subi %convert_element_type3A_256, %sub3A_267 : vector<16xi32>
      %mul3A_269 = arith.constant 65536 : i32
      %mul3A_270 = vector.broadcast %mul3A_269 : i32 to vector<16xi32>
      %mul3A_271 = arith.muli %gather3A_246, %mul3A_270 : vector<16xi32>
      %add3A_272 = arith.constant 0 : i32
      %add3A_273 = vector.broadcast %add3A_272 : i32 to vector<16xi32>
      %add3A_274 = arith.addi %shift_right_arithmetic3A_262, %add3A_273 : vector<16xi32>
      %shift_right_arithmetic3A_275 = arith.constant 3 : i32
      %shift_right_arithmetic3A_276 = vector.broadcast %shift_right_arithmetic3A_275 : i32 to vector<16xi32>
      %shift_right_arithmetic3A_277 = arith.shrsi %add3A_274, %shift_right_arithmetic3A_276 : vector<16xi32>
      %shift_left3A_278 = arith.constant 6 : i32
      %shift_left3A_279 = vector.broadcast %shift_left3A_278 : i32 to vector<16xi32>
      %shift_left3A_280 = arith.shli %shift_right_arithmetic3A_277, %shift_left3A_279 : vector<16xi32>
      %add3A_281 = arith.addi %mul3A_271, %shift_left3A_280 : vector<16xi32>
      %and3A_282 = arith.constant 7 : i32
      %and3A_283 = vector.broadcast %and3A_282 : i32 to vector<16xi32>
      %and3A_284 = arith.andi %add3A_274, %and3A_283 : vector<16xi32>
      %add3A_285 = arith.addi %add3A_281, %and3A_284 : vector<16xi32>
      %add3A_286 = arith.constant 1 : i32
      %add3A_287 = vector.broadcast %add3A_286 : i32 to vector<16xi32>
      %add3A_288 = arith.addi %shift_right_arithmetic3A_262, %add3A_287 : vector<16xi32>
      %shift_right_arithmetic3A_289 = arith.constant 3 : i32
      %shift_right_arithmetic3A_290 = vector.broadcast %shift_right_arithmetic3A_289 : i32 to vector<16xi32>
      %shift_right_arithmetic3A_291 = arith.shrsi %add3A_288, %shift_right_arithmetic3A_290 : vector<16xi32>
      %shift_left3A_292 = arith.constant 6 : i32
      %shift_left3A_293 = vector.broadcast %shift_left3A_292 : i32 to vector<16xi32>
      %shift_left3A_294 = arith.shli %shift_right_arithmetic3A_291, %shift_left3A_293 : vector<16xi32>
      %add3A_295 = arith.addi %mul3A_271, %shift_left3A_294 : vector<16xi32>
      %and3A_296 = arith.constant 7 : i32
      %and3A_297 = vector.broadcast %and3A_296 : i32 to vector<16xi32>
      %and3A_298 = arith.andi %add3A_288, %and3A_297 : vector<16xi32>
      %add3A_299 = arith.addi %add3A_295, %and3A_298 : vector<16xi32>
      %add3A_300 = arith.constant 2 : i32
      %add3A_301 = vector.broadcast %add3A_300 : i32 to vector<16xi32>
      %add3A_302 = arith.addi %shift_right_arithmetic3A_262, %add3A_301 : vector<16xi32>
      %shift_right_arithmetic3A_303 = arith.constant 3 : i32
      %shift_right_arithmetic3A_304 = vector.broadcast %shift_right_arithmetic3A_303 : i32 to vector<16xi32>
      %shift_right_arithmetic3A_305 = arith.shrsi %add3A_302, %shift_right_arithmetic3A_304 : vector<16xi32>
      %shift_left3A_306 = arith.constant 6 : i32
      %shift_left3A_307 = vector.broadcast %shift_left3A_306 : i32 to vector<16xi32>
      %shift_left3A_308 = arith.shli %shift_right_arithmetic3A_305, %shift_left3A_307 : vector<16xi32>
      %add3A_309 = arith.addi %mul3A_271, %shift_left3A_308 : vector<16xi32>
      %and3A_310 = arith.constant 7 : i32
      %and3A_311 = vector.broadcast %and3A_310 : i32 to vector<16xi32>
      %and3A_312 = arith.andi %add3A_302, %and3A_311 : vector<16xi32>
      %add3A_313 = arith.addi %add3A_309, %and3A_312 : vector<16xi32>
      %convert_element_type3A_314 = arith.sitofp %convert_element_type3A_254 : vector<16xi32> to vector<16xf32>
      %add3A_315 = arith.constant 5.000000e-01 : f32
      %add3A_316 = vector.broadcast %add3A_315 : f32 to vector<16xf32>
      %add3A_317 = arith.addf %convert_element_type3A_314, %add3A_316 : vector<16xf32>
      %mul3A_318 = arith.mulf %add3A_317, %get3A_29 : vector<16xf32>
      %sub3A_319 = arith.subf %gather3A_192, %mul3A_318 : vector<16xf32>
      %convert_element_type3A_320 = arith.sitofp %convert_element_type3A_256 : vector<16xi32> to vector<16xf32>
      %add3A_321 = arith.constant 5.000000e-01 : f32
      %add3A_322 = vector.broadcast %add3A_321 : f32 to vector<16xf32>
      %add3A_323 = arith.addf %convert_element_type3A_320, %add3A_322 : vector<16xf32>
      %mul3A_324 = arith.mulf %add3A_323, %get3A_29 : vector<16xf32>
      %sub3A_325 = arith.subf %gather3A_199, %mul3A_324 : vector<16xf32>
      %add3A_326 = arith.constant 12 : i32
      %add3A_327 = vector.broadcast %add3A_326 : i32 to vector<16xi32>
      %add3A_328 = arith.addi %and3A_265, %add3A_327 : vector<16xi32>
      %convert_element_type3A_329 = arith.sitofp %add3A_328 : vector<16xi32> to vector<16xf32>
      %mul3A_330 = arith.mulf %convert_element_type3A_329, %get3A_29 : vector<16xf32>
      %add3A_331 = arith.addf %sub3A_319, %mul3A_330 : vector<16xf32>
      %mul3A_332 = arith.constant 1.200000e+01 : f32
      %mul3A_333 = vector.broadcast %mul3A_332 : f32 to vector<16xf32>
      %mul3A_334 = arith.mulf %mul3A_333, %get3A_29 : vector<16xf32>
      %add3A_335 = arith.addf %sub3A_325, %mul3A_334 : vector<16xf32>
      %add3A_336 = arith.constant 1 : i32
      %add3A_337 = arith.addi %scan3A_182, %add3A_336 : i32
      %lt3A = arith.constant 20 : i32
      %lt3A_338 = arith.cmpi slt, %add3A_337, %lt3A : i32
      %convert_element_type3A_339 = arith.extui %lt3A_338 : i1 to i32
      %cond3A = arith.constant 0 : i32
      %cond3A_340 = arith.cmpi ne, %convert_element_type3A_339, %cond3A : i32
      scf.if %cond3A_340 {
        %add3A_405 = arith.constant 1 : i32
        %add3A_406 = arith.addi %scan3A_182, %add3A_405 : i32
        %mul3A_407 = arith.constant 16 : i32
        %mul3A_408 = arith.muli %add3A_406, %mul3A_407 : i32
        %add3A_409 = vector.broadcast %mul3A_408 : i32 to vector<16xi32>
        %add3A_410 = arith.addi %add3A_409, %iota3A : vector<16xi32>
        %mul3A_411 = arith.constant 4 : i32
        %mul3A_412 = vector.broadcast %mul3A_411 : i32 to vector<16xi32>
        %mul3A_413 = arith.muli %add3A_410, %mul3A_412 : vector<16xi32>
        %gather3A_414 = tpu.vector_load_idx %arg9[%mul3A_413] : memref<1280xf32, #tpu.memory_space<vmem>>[vector<16xi32>], vector<16xf32>,
        %mul3A_415 = arith.constant 4 : i32
        %mul3A_416 = vector.broadcast %mul3A_415 : i32 to vector<16xi32>
        %mul3A_417 = arith.muli %add3A_410, %mul3A_416 : vector<16xi32>
        %add3A_418 = arith.constant 1 : i32
        %add3A_419 = vector.broadcast %add3A_418 : i32 to vector<16xi32>
        %add3A_420 = arith.addi %mul3A_417, %add3A_419 : vector<16xi32>
        %gather3A_421 = tpu.vector_load_idx %arg9[%add3A_420] : memref<1280xf32, #tpu.memory_space<vmem>>[vector<16xi32>], vector<16xf32>,
        %mul3A_422 = arith.constant 320 : i32
        %mul3A_423 = arith.muli %add3A, %mul3A_422 : i32
        %add3A_424 = vector.broadcast %mul3A_423 : i32 to vector<16xi32>
        %add3A_425 = arith.addi %add3A_424, %add3A_410 : vector<16xi32>
        %jit3A_426 = arith.constant 20 : i32
        %div3A_427 = vector.broadcast %jit3A_426 : i32 to vector<16xi32>
        %div3A_428 = arith.divsi %add3A_425, %div3A_427 : vector<16xi32>
        %sign3A_429 = arith.constant 0 : i32
        %sign3A_430 = vector.broadcast %sign3A_429 : i32 to vector<16xi32>
        %sign3A_431 = arith.cmpi sgt, %add3A_425, %sign3A_430 : vector<16xi32>
        %sign3A_432 = arith.extui %sign3A_431 : vector<16xi1> to vector<16xi32>
        %sign3A_433 = arith.constant 0 : i32
        %sign3A_434 = vector.broadcast %sign3A_433 : i32 to vector<16xi32>
        %sign3A_435 = arith.cmpi slt, %add3A_425, %sign3A_434 : vector<16xi32>
        %sign3A_436 = arith.extui %sign3A_435 : vector<16xi1> to vector<16xi32>
        %sign3A_437 = arith.subi %sign3A_432, %sign3A_436 : vector<16xi32>
        %sign3A_438 = arith.constant 0 : i32
        %sign3A_439 = arith.cmpi sgt, %jit3A_426, %sign3A_438 : i32
        %sign3A_440 = arith.extui %sign3A_439 : i1 to i32
        %sign3A_441 = arith.constant 0 : i32
        %sign3A_442 = arith.cmpi slt, %jit3A_426, %sign3A_441 : i32
        %sign3A_443 = arith.extui %sign3A_442 : i1 to i32
        %sign3A_444 = arith.subi %sign3A_440, %sign3A_443 : i32
        %ne3A_445 = vector.broadcast %sign3A_444 : i32 to vector<16xi32>
        %ne3A_446 = arith.cmpi ne, %sign3A_437, %ne3A_445 : vector<16xi32>
        %rem3A_447 = vector.broadcast %jit3A_426 : i32 to vector<16xi32>
        %rem3A_448 = arith.remsi %add3A_425, %rem3A_447 : vector<16xi32>
        %ne3A_449 = arith.constant 0 : i32
        %ne3A_450 = vector.broadcast %ne3A_449 : i32 to vector<16xi32>
        %ne3A_451 = arith.cmpi ne, %rem3A_448, %ne3A_450 : vector<16xi32>
        %and3A_452 = arith.andi %ne3A_446, %ne3A_451 : vector<16xi1>
        %sub3A_453 = arith.constant 1 : i32
        %sub3A_454 = vector.broadcast %sub3A_453 : i32 to vector<16xi32>
        %sub3A_455 = arith.subi %div3A_428, %sub3A_454 : vector<16xi32>
        %select_n3A_456 = arith.select %and3A_452, %sub3A_455, %div3A_428 : vector<16xi1>, vector<16xi32>
        %mul3A_457 = arith.constant 2 : i32
        %mul3A_458 = vector.broadcast %mul3A_457 : i32 to vector<16xi32>
        %mul3A_459 = arith.muli %select_n3A_456, %mul3A_458 : vector<16xi32>
        %gather3A_460 = tpu.vector_load_idx %arg10[%mul3A_459] : memref<1024xf32, #tpu.memory_space<vmem>>[vector<16xi32>], vector<16xf32>,
        %mul3A_461 = arith.constant 2 : i32
        %mul3A_462 = vector.broadcast %mul3A_461 : i32 to vector<16xi32>
        %mul3A_463 = arith.muli %select_n3A_456, %mul3A_462 : vector<16xi32>
        %add3A_464 = arith.constant 1 : i32
        %add3A_465 = vector.broadcast %add3A_464 : i32 to vector<16xi32>
        %add3A_466 = arith.addi %mul3A_463, %add3A_465 : vector<16xi32>
        %gather3A_467 = tpu.vector_load_idx %arg10[%add3A_466] : memref<1024xf32, #tpu.memory_space<vmem>>[vector<16xi32>], vector<16xf32>,
        %gather3A_468 = tpu.vector_load_idx %arg11[%select_n3A_456] : memref<512xi32, #tpu.memory_space<vmem>>[vector<16xi32>], vector<16xi32>,
        %mul3A_469 = arith.mulf %gather3A_460, %gather3A_460 : vector<16xf32>
        %mul3A_470 = arith.mulf %gather3A_467, %gather3A_467 : vector<16xf32>
        %add3A_471 = arith.addf %mul3A_469, %mul3A_470 : vector<16xf32>
        %mul3A_472 = arith.constant 2.500000e-01 : f32
        %mul3A_473 = vector.broadcast %mul3A_472 : f32 to vector<16xf32>
        %mul3A_474 = arith.mulf %add3A_471, %mul3A_473 : vector<16xf32>
        %div3A_475 = arith.divf %gather3A_414, %get3A_29 : vector<16xf32>
        %convert_element_type3A_476 = arith.fptosi %div3A_475 : vector<16xf32> to vector<16xi32>
        %div3A_477 = arith.divf %gather3A_421, %get3A_29 : vector<16xf32>
        %convert_element_type3A_478 = arith.fptosi %div3A_477 : vector<16xf32> to vector<16xi32>
        %sub3A_479 = arith.constant 12 : i32
        %sub3A_480 = vector.broadcast %sub3A_479 : i32 to vector<16xi32>
        %sub3A_481 = arith.subi %convert_element_type3A_476, %sub3A_480 : vector<16xi32>
        %shift_right_arithmetic3A_482 = arith.constant 4 : i32
        %shift_right_arithmetic3A_483 = vector.broadcast %shift_right_arithmetic3A_482 : i32 to vector<16xi32>
        %shift_right_arithmetic3A_484 = arith.shrsi %sub3A_481, %shift_right_arithmetic3A_483 : vector<16xi32>
        %and3A_485 = arith.constant 15 : i32
        %and3A_486 = vector.broadcast %and3A_485 : i32 to vector<16xi32>
        %and3A_487 = arith.andi %sub3A_481, %and3A_486 : vector<16xi32>
        %sub3A_488 = arith.constant 12 : i32
        %sub3A_489 = vector.broadcast %sub3A_488 : i32 to vector<16xi32>
        %sub3A_490 = arith.subi %convert_element_type3A_478, %sub3A_489 : vector<16xi32>
        %mul3A_491 = arith.constant 65536 : i32
        %mul3A_492 = vector.broadcast %mul3A_491 : i32 to vector<16xi32>
        %mul3A_493 = arith.muli %gather3A_468, %mul3A_492 : vector<16xi32>
        %add3A_494 = arith.constant 0 : i32
        %add3A_495 = vector.broadcast %add3A_494 : i32 to vector<16xi32>
        %add3A_496 = arith.addi %shift_right_arithmetic3A_484, %add3A_495 : vector<16xi32>
        %shift_right_arithmetic3A_497 = arith.constant 3 : i32
        %shift_right_arithmetic3A_498 = vector.broadcast %shift_right_arithmetic3A_497 : i32 to vector<16xi32>
        %shift_right_arithmetic3A_499 = arith.shrsi %add3A_496, %shift_right_arithmetic3A_498 : vector<16xi32>
        %shift_left3A_500 = arith.constant 6 : i32
        %shift_left3A_501 = vector.broadcast %shift_left3A_500 : i32 to vector<16xi32>
        %shift_left3A_502 = arith.shli %shift_right_arithmetic3A_499, %shift_left3A_501 : vector<16xi32>
        %add3A_503 = arith.addi %mul3A_493, %shift_left3A_502 : vector<16xi32>
        %and3A_504 = arith.constant 7 : i32
        %and3A_505 = vector.broadcast %and3A_504 : i32 to vector<16xi32>
        %and3A_506 = arith.andi %add3A_496, %and3A_505 : vector<16xi32>
        %add3A_507 = arith.addi %add3A_503, %and3A_506 : vector<16xi32>
        %add3A_508 = arith.constant 1 : i32
        %add3A_509 = vector.broadcast %add3A_508 : i32 to vector<16xi32>
        %add3A_510 = arith.addi %shift_right_arithmetic3A_484, %add3A_509 : vector<16xi32>
        %shift_right_arithmetic3A_511 = arith.constant 3 : i32
        %shift_right_arithmetic3A_512 = vector.broadcast %shift_right_arithmetic3A_511 : i32 to vector<16xi32>
        %shift_right_arithmetic3A_513 = arith.shrsi %add3A_510, %shift_right_arithmetic3A_512 : vector<16xi32>
        %shift_left3A_514 = arith.constant 6 : i32
        %shift_left3A_515 = vector.broadcast %shift_left3A_514 : i32 to vector<16xi32>
        %shift_left3A_516 = arith.shli %shift_right_arithmetic3A_513, %shift_left3A_515 : vector<16xi32>
        %add3A_517 = arith.addi %mul3A_493, %shift_left3A_516 : vector<16xi32>
        %and3A_518 = arith.constant 7 : i32
        %and3A_519 = vector.broadcast %and3A_518 : i32 to vector<16xi32>
        %and3A_520 = arith.andi %add3A_510, %and3A_519 : vector<16xi32>
        %add3A_521 = arith.addi %add3A_517, %and3A_520 : vector<16xi32>
        %add3A_522 = arith.constant 2 : i32
        %add3A_523 = vector.broadcast %add3A_522 : i32 to vector<16xi32>
        %add3A_524 = arith.addi %shift_right_arithmetic3A_484, %add3A_523 : vector<16xi32>
        %shift_right_arithmetic3A_525 = arith.constant 3 : i32
        %shift_right_arithmetic3A_526 = vector.broadcast %shift_right_arithmetic3A_525 : i32 to vector<16xi32>
        %shift_right_arithmetic3A_527 = arith.shrsi %add3A_524, %shift_right_arithmetic3A_526 : vector<16xi32>
        %shift_left3A_528 = arith.constant 6 : i32
        %shift_left3A_529 = vector.broadcast %shift_left3A_528 : i32 to vector<16xi32>
        %shift_left3A_530 = arith.shli %shift_right_arithmetic3A_527, %shift_left3A_529 : vector<16xi32>
        %add3A_531 = arith.addi %mul3A_493, %shift_left3A_530 : vector<16xi32>
        %and3A_532 = arith.constant 7 : i32
        %and3A_533 = vector.broadcast %and3A_532 : i32 to vector<16xi32>
        %and3A_534 = arith.andi %add3A_524, %and3A_533 : vector<16xi32>
        %add3A_535 = arith.addi %add3A_531, %and3A_534 : vector<16xi32>
        %convert_element_type3A_536 = arith.sitofp %convert_element_type3A_476 : vector<16xi32> to vector<16xf32>
        %add3A_537 = arith.constant 5.000000e-01 : f32
        %add3A_538 = vector.broadcast %add3A_537 : f32 to vector<16xf32>
        %add3A_539 = arith.addf %convert_element_type3A_536, %add3A_538 : vector<16xf32>
        %mul3A_540 = arith.mulf %add3A_539, %get3A_29 : vector<16xf32>
        %sub3A_541 = arith.subf %gather3A_414, %mul3A_540 : vector<16xf32>
        %convert_element_type3A_542 = arith.sitofp %convert_element_type3A_478 : vector<16xi32> to vector<16xf32>
        %add3A_543 = arith.constant 5.000000e-01 : f32
        %add3A_544 = vector.broadcast %add3A_543 : f32 to vector<16xf32>
        %add3A_545 = arith.addf %convert_element_type3A_542, %add3A_544 : vector<16xf32>
        %mul3A_546 = arith.mulf %add3A_545, %get3A_29 : vector<16xf32>
        %sub3A_547 = arith.subf %gather3A_421, %mul3A_546 : vector<16xf32>
        %add3A_548 = arith.constant 12 : i32
        %add3A_549 = vector.broadcast %add3A_548 : i32 to vector<16xi32>
        %add3A_550 = arith.addi %and3A_487, %add3A_549 : vector<16xi32>
        %convert_element_type3A_551 = arith.sitofp %add3A_550 : vector<16xi32> to vector<16xf32>
        %mul3A_552 = arith.mulf %convert_element_type3A_551, %get3A_29 : vector<16xf32>
        %add3A_553 = arith.addf %sub3A_541, %mul3A_552 : vector<16xf32>
        %mul3A_554 = arith.constant 1.200000e+01 : f32
        %mul3A_555 = vector.broadcast %mul3A_554 : f32 to vector<16xf32>
        %mul3A_556 = arith.mulf %mul3A_555, %get3A_29 : vector<16xf32>
        %add3A_557 = arith.addf %sub3A_547, %mul3A_556 : vector<16xf32>
        %eq3A_558 = arith.constant 0 : i32
        %eq3A_559 = arith.cmpi eq, %rem3A_184, %eq3A_558 : i32
        %convert_element_type3A_560 = arith.extui %eq3A_559 : i1 to i32
        %cond3A_561 = arith.constant 0 : i32
        %cond3A_562 = arith.cmpi ne, %convert_element_type3A_560, %cond3A_561 : i32
        scf.if %cond3A_562 {
          %add3A_568 = arith.constant 1 : i32
          %add3A_569 = arith.addi %scan3A_182, %add3A_568 : i32
          %scan3A_570 = arith.constant 0 : i32
          %scan3A_571 = arith.constant 0 : i32
          %scan3A_572 = arith.constant 25 : i32
          %scan3A_573 = arith.addi %scan3A_571, %scan3A_572 : i32
          %scan3A_574 = arith.constant 1 : i32
          %scan3A_575 = scf.for %scan3A_577 = %scan3A_571 to %scan3A_573 step %scan3A_574 iter_args(%scan3A_578 = %scan3A_570) -> (i32)  : i32 {
            %add3A_579 = vector.broadcast %scan3A_577 : i32 to vector<16xi32>
            %add3A_580 = arith.addi %sub3A_490, %add3A_579 : vector<16xi32>
            %shift_right_arithmetic3A_581 = arith.constant 3 : i32
            %shift_right_arithmetic3A_582 = vector.broadcast %shift_right_arithmetic3A_581 : i32 to vector<16xi32>
            %shift_right_arithmetic3A_583 = arith.shrsi %add3A_580, %shift_right_arithmetic3A_582 : vector<16xi32>
            %shift_left3A_584 = arith.constant 9 : i32
            %shift_left3A_585 = vector.broadcast %shift_left3A_584 : i32 to vector<16xi32>
            %shift_left3A_586 = arith.shli %shift_right_arithmetic3A_583, %shift_left3A_585 : vector<16xi32>
            %and3A_587 = arith.constant 7 : i32
            %and3A_588 = vector.broadcast %and3A_587 : i32 to vector<16xi32>
            %and3A_589 = arith.andi %add3A_580, %and3A_588 : vector<16xi32>
            %shift_left3A_590 = arith.constant 3 : i32
            %shift_left3A_591 = vector.broadcast %shift_left3A_590 : i32 to vector<16xi32>
            %shift_left3A_592 = arith.shli %and3A_589, %shift_left3A_591 : vector<16xi32>
            %add3A_593 = arith.addi %shift_left3A_586, %shift_left3A_592 : vector<16xi32>
            %mul3A_594 = arith.constant 3 : i32
            %mul3A_595 = arith.muli %scan3A_577, %mul3A_594 : i32
            %add3A_596 = arith.constant 0 : i32
            %add3A_597 = arith.addi %mul3A_595, %add3A_596 : i32
            %add3A_598 = arith.addi %add3A_507, %add3A_593 : vector<16xi32>
            %mul3A_599 = arith.constant 16 : i32
            %mul3A_600 = arith.muli %add3A_597, %mul3A_599 : i32
            %add3A_601 = arith.constant 1200 : i32
            %add3A_602 = arith.addi %add3A_601, %mul3A_600 : i32
            %dma_start3A_603 = arith.constant 0 : i32
            %dma_start3A_604 = tpu.memref_slice %arg8[%add3A_602, %dma_start3A_603] : memref<2400x16xf32, #tpu.memory_space<vmem>> -> memref<16x16xf32, #tpu.memory_space<vmem>>
            %dma_start3A_605 = arith.constant 0 : i32
            %dma_start3A_606 = arith.constant 0 : i32
            %dma_start3A_607 = tpu.memref_slice %arg2[%dma_start3A_605, %dma_start3A_606] : memref<262144x16xf32, #tpu.memory_space<hbm>> -> memref<262144x16xf32, #tpu.memory_space<hbm>>
            tpu.enqueue_indirect_dma source(%dma_start3A_607 : memref<262144x16xf32, #tpu.memory_space<hbm>>) target(%dma_start3A_604 : memref<16x16xf32, #tpu.memory_space<vmem>>) offsets(%add3A_598 : vector<16xi32>) semaphore(%arg16 : memref<!tpu.dma_semaphore, #tpu.memory_space<semaphore_mem>>)
            %mul3A_608 = arith.constant 3 : i32
            %mul3A_609 = arith.muli %scan3A_577, %mul3A_608 : i32
            %add3A_610 = arith.constant 1 : i32
            %add3A_611 = arith.addi %mul3A_609, %add3A_610 : i32
            %add3A_612 = arith.addi %add3A_521, %add3A_593 : vector<16xi32>
            %mul3A_613 = arith.constant 16 : i32
            %mul3A_614 = arith.muli %add3A_611, %mul3A_613 : i32
            %add3A_615 = arith.constant 1200 : i32
            %add3A_616 = arith.addi %add3A_615, %mul3A_614 : i32
            %dma_start3A_617 = arith.constant 0 : i32
            %dma_start3A_618 = tpu.memref_slice %arg8[%add3A_616, %dma_start3A_617] : memref<2400x16xf32, #tpu.memory_space<vmem>> -> memref<16x16xf32, #tpu.memory_space<vmem>>
            %dma_start3A_619 = arith.constant 0 : i32
            %dma_start3A_620 = arith.constant 0 : i32
            %dma_start3A_621 = tpu.memref_slice %arg2[%dma_start3A_619, %dma_start3A_620] : memref<262144x16xf32, #tpu.memory_space<hbm>> -> memref<262144x16xf32, #tpu.memory_space<hbm>>
            tpu.enqueue_indirect_dma source(%dma_start3A_621 : memref<262144x16xf32, #tpu.memory_space<hbm>>) target(%dma_start3A_618 : memref<16x16xf32, #tpu.memory_space<vmem>>) offsets(%add3A_612 : vector<16xi32>) semaphore(%arg16 : memref<!tpu.dma_semaphore, #tpu.memory_space<semaphore_mem>>)
            %mul3A_622 = arith.constant 3 : i32
            %mul3A_623 = arith.muli %scan3A_577, %mul3A_622 : i32
            %add3A_624 = arith.constant 2 : i32
            %add3A_625 = arith.addi %mul3A_623, %add3A_624 : i32
            %add3A_626 = arith.addi %add3A_535, %add3A_593 : vector<16xi32>
            %mul3A_627 = arith.constant 16 : i32
            %mul3A_628 = arith.muli %add3A_625, %mul3A_627 : i32
            %add3A_629 = arith.constant 1200 : i32
            %add3A_630 = arith.addi %add3A_629, %mul3A_628 : i32
            %dma_start3A_631 = arith.constant 0 : i32
            %dma_start3A_632 = tpu.memref_slice %arg8[%add3A_630, %dma_start3A_631] : memref<2400x16xf32, #tpu.memory_space<vmem>> -> memref<16x16xf32, #tpu.memory_space<vmem>>
            %dma_start3A_633 = arith.constant 0 : i32
            %dma_start3A_634 = arith.constant 0 : i32
            %dma_start3A_635 = tpu.memref_slice %arg2[%dma_start3A_633, %dma_start3A_634] : memref<262144x16xf32, #tpu.memory_space<hbm>> -> memref<262144x16xf32, #tpu.memory_space<hbm>>
            tpu.enqueue_indirect_dma source(%dma_start3A_635 : memref<262144x16xf32, #tpu.memory_space<hbm>>) target(%dma_start3A_632 : memref<16x16xf32, #tpu.memory_space<vmem>>) offsets(%add3A_626 : vector<16xi32>) semaphore(%arg16 : memref<!tpu.dma_semaphore, #tpu.memory_space<semaphore_mem>>)
            %scan3A_636 = arith.constant 0 : i32
            scf.yield %scan3A_636 : i32
          }
          %scan3A_576 = arith.constant 25 : i32
        } else {
        }
        %eq3A_563 = arith.constant 1 : i32
        %eq3A_564 = arith.cmpi eq, %rem3A_184, %eq3A_563 : i32
        %convert_element_type3A_565 = arith.extui %eq3A_564 : i1 to i32
        %cond3A_566 = arith.constant 0 : i32
        %cond3A_567 = arith.cmpi ne, %convert_element_type3A_565, %cond3A_566 : i32
        scf.if %cond3A_567 {
          %add3A_568 = arith.constant 1 : i32
          %add3A_569 = arith.addi %scan3A_182, %add3A_568 : i32
          %scan3A_570 = arith.constant 0 : i32
          %scan3A_571 = arith.constant 0 : i32
          %scan3A_572 = arith.constant 25 : i32
          %scan3A_573 = arith.addi %scan3A_571, %scan3A_572 : i32
          %scan3A_574 = arith.constant 1 : i32
          %scan3A_575 = scf.for %scan3A_577 = %scan3A_571 to %scan3A_573 step %scan3A_574 iter_args(%scan3A_578 = %scan3A_570) -> (i32)  : i32 {
            %add3A_579 = vector.broadcast %scan3A_577 : i32 to vector<16xi32>
            %add3A_580 = arith.addi %sub3A_490, %add3A_579 : vector<16xi32>
            %shift_right_arithmetic3A_581 = arith.constant 3 : i32
            %shift_right_arithmetic3A_582 = vector.broadcast %shift_right_arithmetic3A_581 : i32 to vector<16xi32>
            %shift_right_arithmetic3A_583 = arith.shrsi %add3A_580, %shift_right_arithmetic3A_582 : vector<16xi32>
            %shift_left3A_584 = arith.constant 9 : i32
            %shift_left3A_585 = vector.broadcast %shift_left3A_584 : i32 to vector<16xi32>
            %shift_left3A_586 = arith.shli %shift_right_arithmetic3A_583, %shift_left3A_585 : vector<16xi32>
            %and3A_587 = arith.constant 7 : i32
            %and3A_588 = vector.broadcast %and3A_587 : i32 to vector<16xi32>
            %and3A_589 = arith.andi %add3A_580, %and3A_588 : vector<16xi32>
            %shift_left3A_590 = arith.constant 3 : i32
            %shift_left3A_591 = vector.broadcast %shift_left3A_590 : i32 to vector<16xi32>
            %shift_left3A_592 = arith.shli %and3A_589, %shift_left3A_591 : vector<16xi32>
            %add3A_593 = arith.addi %shift_left3A_586, %shift_left3A_592 : vector<16xi32>
            %mul3A_594 = arith.constant 3 : i32
            %mul3A_595 = arith.muli %scan3A_577, %mul3A_594 : i32
            %add3A_596 = arith.constant 0 : i32
            %add3A_597 = arith.addi %mul3A_595, %add3A_596 : i32
            %add3A_598 = arith.addi %add3A_507, %add3A_593 : vector<16xi32>
            %mul3A_599 = arith.constant 16 : i32
            %mul3A_600 = arith.muli %add3A_597, %mul3A_599 : i32
            %add3A_601 = arith.constant 0 : i32
            %add3A_602 = arith.addi %add3A_601, %mul3A_600 : i32
            %dma_start3A_603 = arith.constant 0 : i32
            %dma_start3A_604 = tpu.memref_slice %arg8[%add3A_602, %dma_start3A_603] : memref<2400x16xf32, #tpu.memory_space<vmem>> -> memref<16x16xf32, #tpu.memory_space<vmem>>
            %dma_start3A_605 = arith.constant 0 : i32
            %dma_start3A_606 = arith.constant 0 : i32
            %dma_start3A_607 = tpu.memref_slice %arg2[%dma_start3A_605, %dma_start3A_606] : memref<262144x16xf32, #tpu.memory_space<hbm>> -> memref<262144x16xf32, #tpu.memory_space<hbm>>
            tpu.enqueue_indirect_dma source(%dma_start3A_607 : memref<262144x16xf32, #tpu.memory_space<hbm>>) target(%dma_start3A_604 : memref<16x16xf32, #tpu.memory_space<vmem>>) offsets(%add3A_598 : vector<16xi32>) semaphore(%arg15 : memref<!tpu.dma_semaphore, #tpu.memory_space<semaphore_mem>>)
            %mul3A_608 = arith.constant 3 : i32
            %mul3A_609 = arith.muli %scan3A_577, %mul3A_608 : i32
            %add3A_610 = arith.constant 1 : i32
            %add3A_611 = arith.addi %mul3A_609, %add3A_610 : i32
            %add3A_612 = arith.addi %add3A_521, %add3A_593 : vector<16xi32>
            %mul3A_613 = arith.constant 16 : i32
            %mul3A_614 = arith.muli %add3A_611, %mul3A_613 : i32
            %add3A_615 = arith.constant 0 : i32
            %add3A_616 = arith.addi %add3A_615, %mul3A_614 : i32
            %dma_start3A_617 = arith.constant 0 : i32
            %dma_start3A_618 = tpu.memref_slice %arg8[%add3A_616, %dma_start3A_617] : memref<2400x16xf32, #tpu.memory_space<vmem>> -> memref<16x16xf32, #tpu.memory_space<vmem>>
            %dma_start3A_619 = arith.constant 0 : i32
            %dma_start3A_620 = arith.constant 0 : i32
            %dma_start3A_621 = tpu.memref_slice %arg2[%dma_start3A_619, %dma_start3A_620] : memref<262144x16xf32, #tpu.memory_space<hbm>> -> memref<262144x16xf32, #tpu.memory_space<hbm>>
            tpu.enqueue_indirect_dma source(%dma_start3A_621 : memref<262144x16xf32, #tpu.memory_space<hbm>>) target(%dma_start3A_618 : memref<16x16xf32, #tpu.memory_space<vmem>>) offsets(%add3A_612 : vector<16xi32>) semaphore(%arg15 : memref<!tpu.dma_semaphore, #tpu.memory_space<semaphore_mem>>)
            %mul3A_622 = arith.constant 3 : i32
            %mul3A_623 = arith.muli %scan3A_577, %mul3A_622 : i32
            %add3A_624 = arith.constant 2 : i32
            %add3A_625 = arith.addi %mul3A_623, %add3A_624 : i32
            %add3A_626 = arith.addi %add3A_535, %add3A_593 : vector<16xi32>
            %mul3A_627 = arith.constant 16 : i32
            %mul3A_628 = arith.muli %add3A_625, %mul3A_627 : i32
            %add3A_629 = arith.constant 0 : i32
            %add3A_630 = arith.addi %add3A_629, %mul3A_628 : i32
            %dma_start3A_631 = arith.constant 0 : i32
            %dma_start3A_632 = tpu.memref_slice %arg8[%add3A_630, %dma_start3A_631] : memref<2400x16xf32, #tpu.memory_space<vmem>> -> memref<16x16xf32, #tpu.memory_space<vmem>>
            %dma_start3A_633 = arith.constant 0 : i32
            %dma_start3A_634 = arith.constant 0 : i32
            %dma_start3A_635 = tpu.memref_slice %arg2[%dma_start3A_633, %dma_start3A_634] : memref<262144x16xf32, #tpu.memory_space<hbm>> -> memref<262144x16xf32, #tpu.memory_space<hbm>>
            tpu.enqueue_indirect_dma source(%dma_start3A_635 : memref<262144x16xf32, #tpu.memory_space<hbm>>) target(%dma_start3A_632 : memref<16x16xf32, #tpu.memory_space<vmem>>) offsets(%add3A_626 : vector<16xi32>) semaphore(%arg15 : memref<!tpu.dma_semaphore, #tpu.memory_space<semaphore_mem>>)
            %scan3A_636 = arith.constant 0 : i32
            scf.yield %scan3A_636 : i32
          }
          %scan3A_576 = arith.constant 25 : i32
        } else {
        }
      } else {
      }
      %eq3A = arith.constant 0 : i32
      %eq3A_341 = arith.cmpi eq, %rem3A_184, %eq3A : i32
      %convert_element_type3A_342 = arith.extui %eq3A_341 : i1 to i32
      %cond3A_343 = arith.constant 0 : i32
      %cond3A_344 = arith.cmpi ne, %convert_element_type3A_342, %cond3A_343 : i32
      scf.if %cond3A_344 {
        %dma_wait3A_405 = arith.constant 0 : i32
        %dma_wait3A_406 = arith.constant 0 : i32
        %dma_wait3A_407 = tpu.memref_slice %arg8[%dma_wait3A_405, %dma_wait3A_406] : memref<2400x16xf32, #tpu.memory_space<vmem>> -> memref<1200x16xf32, #tpu.memory_space<vmem>>
        %dma_wait3A_408 = arith.constant 0 : i32
        %dma_wait3A_409 = arith.constant 0 : i32
        %dma_wait3A_410 = tpu.memref_slice %arg2[%dma_wait3A_408, %dma_wait3A_409] : memref<262144x16xf32, #tpu.memory_space<hbm>> -> memref<1200x16xf32, #tpu.memory_space<hbm>>
        %dma_wait3A_411 = arith.constant 0 : i32
        %dma_wait3A_412 = arith.constant 0 : i32
        %dma_wait3A_413 = tpu.memref_slice %arg8[%dma_wait3A_411, %dma_wait3A_412] : memref<2400x16xf32, #tpu.memory_space<vmem>> -> memref<1200x16xf32, #tpu.memory_space<vmem>>
        %dma_wait3A_414 = arith.constant 0 : i32
        %dma_wait3A_415 = arith.constant 0 : i32
        %dma_wait3A_416 = tpu.memref_slice %arg2[%dma_wait3A_414, %dma_wait3A_415] : memref<262144x16xf32, #tpu.memory_space<hbm>> -> memref<1200x16xf32, #tpu.memory_space<hbm>>
        tpu.wait_dma2 semaphore(%arg15 : memref<!tpu.dma_semaphore, #tpu.memory_space<semaphore_mem>>) src(%dma_wait3A_416 : memref<1200x16xf32, #tpu.memory_space<hbm>>) dst(%dma_wait3A_413 : memref<1200x16xf32, #tpu.memory_space<vmem>>)
      } else {
      }
      %eq3A_345 = arith.constant 1 : i32
      %eq3A_346 = arith.cmpi eq, %rem3A_184, %eq3A_345 : i32
      %convert_element_type3A_347 = arith.extui %eq3A_346 : i1 to i32
      %cond3A_348 = arith.constant 0 : i32
      %cond3A_349 = arith.cmpi ne, %convert_element_type3A_347, %cond3A_348 : i32
      scf.if %cond3A_349 {
        %dma_wait3A_405 = arith.constant 1200 : i32
        %dma_wait3A_406 = arith.constant 0 : i32
        %dma_wait3A_407 = tpu.memref_slice %arg8[%dma_wait3A_405, %dma_wait3A_406] : memref<2400x16xf32, #tpu.memory_space<vmem>> -> memref<1200x16xf32, #tpu.memory_space<vmem>>
        %dma_wait3A_408 = arith.constant 0 : i32
        %dma_wait3A_409 = arith.constant 0 : i32
        %dma_wait3A_410 = tpu.memref_slice %arg2[%dma_wait3A_408, %dma_wait3A_409] : memref<262144x16xf32, #tpu.memory_space<hbm>> -> memref<1200x16xf32, #tpu.memory_space<hbm>>
        %dma_wait3A_411 = arith.constant 1200 : i32
        %dma_wait3A_412 = arith.constant 0 : i32
        %dma_wait3A_413 = tpu.memref_slice %arg8[%dma_wait3A_411, %dma_wait3A_412] : memref<2400x16xf32, #tpu.memory_space<vmem>> -> memref<1200x16xf32, #tpu.memory_space<vmem>>
        %dma_wait3A_414 = arith.constant 0 : i32
        %dma_wait3A_415 = arith.constant 0 : i32
        %dma_wait3A_416 = tpu.memref_slice %arg2[%dma_wait3A_414, %dma_wait3A_415] : memref<262144x16xf32, #tpu.memory_space<hbm>> -> memref<1200x16xf32, #tpu.memory_space<hbm>>
        tpu.wait_dma2 semaphore(%arg16 : memref<!tpu.dma_semaphore, #tpu.memory_space<semaphore_mem>>) src(%dma_wait3A_416 : memref<1200x16xf32, #tpu.memory_space<hbm>>) dst(%dma_wait3A_413 : memref<1200x16xf32, #tpu.memory_space<vmem>>)
      } else {
      }
      %mul3A_350 = arith.constant 1200 : i32
      %mul3A_351 = arith.muli %rem3A_184, %mul3A_350 : i32
      %convert_element_type3A_352 = arith.sitofp %iota3A : vector<16xi32> to vector<16xf32>
      %swap3A = arith.constant 0 : index
      %swap3A_353 = tpu.vector_load %arg14[%swap3A] {strides = array<i32>} : memref<32xf32, #tpu.memory_space<vmem>>, vector<16xf32>,
      tpu.vector_store %arg14[%swap3A], %add3A_331 {strides = array<i32>} : memref<32xf32, #tpu.memory_space<vmem>>, vector<16xf32>,
      %swap3A_354 = arith.constant 16 : index
      %swap3A_355 = tpu.vector_load %arg14[%swap3A_354] {strides = array<i32>} : memref<32xf32, #tpu.memory_space<vmem>>, vector<16xf32>,
      tpu.vector_store %arg14[%swap3A_354], %add3A_335 {strides = array<i32>} : memref<32xf32, #tpu.memory_space<vmem>>, vector<16xf32>,
      %broadcast_in_dim3A = arith.constant 9.99999995E+11 : f32
      %broadcast_in_dim3A_356 = vector.broadcast %broadcast_in_dim3A : f32 to vector<16xf32>
      %scan3A_357 = arith.constant 0 : i32
      %scan3A_358 = arith.constant 16 : i32
      %scan3A_359 = arith.addi %scan3A_357, %scan3A_358 : i32
      %scan3A_360 = arith.constant 4 : i32
      %scan3A_361 = scf.for %scan3A_405 = %scan3A_357 to %scan3A_359 step %scan3A_360 iter_args(%scan3A_406 = %broadcast_in_dim3A_356) -> (vector<16xf32>)  : i32 {
        %broadcast_in_dim3A_407 = vector.broadcast %scan3A_405 : i32 to vector<16xi32>
        %gather3A_408 = tpu.vector_load_idx %arg14[%broadcast_in_dim3A_407] : memref<32xf32, #tpu.memory_space<vmem>>[vector<16xi32>], vector<16xf32>,
        %add3A_409 = arith.constant 16 : i32
        %add3A_410 = vector.broadcast %add3A_409 : i32 to vector<16xi32>
        %add3A_411 = arith.addi %broadcast_in_dim3A_407, %add3A_410 : vector<16xi32>
        %gather3A_412 = tpu.vector_load_idx %arg14[%add3A_411] : memref<32xf32, #tpu.memory_space<vmem>>[vector<16xi32>], vector<16xf32>,
        %add3A_413 = arith.constant 0.000000e+00 : f32
        %add3A_414 = vector.broadcast %add3A_413 : f32 to vector<16xf32>
        %add3A_415 = arith.addf %convert_element_type3A_352, %add3A_414 : vector<16xf32>
        %mul3A_416 = arith.mulf %add3A_415, %get3A_29 : vector<16xf32>
        %sub3A_417 = arith.subf %gather3A_408, %mul3A_416 : vector<16xf32>
        %mul3A_418 = arith.mulf %sub3A_417, %sub3A_417 : vector<16xf32>
        %add3A_419 = arith.constant 1.600000e+01 : f32
        %add3A_420 = vector.broadcast %add3A_419 : f32 to vector<16xf32>
        %add3A_421 = arith.addf %convert_element_type3A_352, %add3A_420 : vector<16xf32>
        %mul3A_422 = arith.mulf %add3A_421, %get3A_29 : vector<16xf32>
        %sub3A_423 = arith.subf %gather3A_408, %mul3A_422 : vector<16xf32>
        %mul3A_424 = arith.mulf %sub3A_423, %sub3A_423 : vector<16xf32>
        %add3A_425 = arith.constant 3.200000e+01 : f32
        %add3A_426 = vector.broadcast %add3A_425 : f32 to vector<16xf32>
        %add3A_427 = arith.addf %convert_element_type3A_352, %add3A_426 : vector<16xf32>
        %mul3A_428 = arith.mulf %add3A_427, %get3A_29 : vector<16xf32>
        %sub3A_429 = arith.subf %gather3A_408, %mul3A_428 : vector<16xf32>
        %mul3A_430 = arith.mulf %sub3A_429, %sub3A_429 : vector<16xf32>
        %broadcast_in_dim3A_431 = arith.constant 9.99999995E+11 : f32
        %broadcast_in_dim3A_432 = vector.broadcast %broadcast_in_dim3A_431 : f32 to vector<16xf32>
        %broadcast_in_dim3A_433 = arith.constant 9.99999995E+11 : f32
        %broadcast_in_dim3A_434 = vector.broadcast %broadcast_in_dim3A_433 : f32 to vector<16xf32>
        %broadcast_in_dim3A_435 = arith.constant 9.99999995E+11 : f32
        %broadcast_in_dim3A_436 = vector.broadcast %broadcast_in_dim3A_435 : f32 to vector<16xf32>
        %add3A_437 = arith.addi %mul3A_351, %scan3A_405 : i32
        %mul3A_438 = arith.constant 0.000000e+00 : f32
        %mul3A_439 = vector.broadcast %mul3A_438 : f32 to vector<16xf32>
        %mul3A_440 = arith.mulf %mul3A_439, %get3A_29 : vector<16xf32>
        %sub3A_441 = arith.subf %gather3A_412, %mul3A_440 : vector<16xf32>
        %mul3A_442 = arith.mulf %sub3A_441, %sub3A_441 : vector<16xf32>
        %add3A_443 = arith.constant 0 : i32
        %add3A_444 = arith.addi %add3A_437, %add3A_443 : i32
        %get3A_445 = arith.index_cast %add3A_444 : i32 to index
        %get3A_446 = arith.constant 0 : index
        %get3A_447 = tpu.vector_load %arg8[%get3A_445, %get3A_446] {strides = array<i32>} : memref<2400x16xf32, #tpu.memory_space<vmem>>, vector<16xf32>,
        %mul3A_448 = arith.constant 1.000000e+09 : f32
        %mul3A_449 = vector.broadcast %mul3A_448 : f32 to vector<16xf32>
        %mul3A_450 = arith.mulf %get3A_447, %mul3A_449 : vector<16xf32>
        %add3A_451 = arith.addf %mul3A_442, %mul3A_450 : vector<16xf32>
        %min3A = arith.minimumf %broadcast_in_dim3A_432, %add3A_451 : vector<16xf32>
        %add3A_452 = arith.constant 16 : i32
        %add3A_453 = arith.addi %add3A_437, %add3A_452 : i32
        %get3A_454 = arith.index_cast %add3A_453 : i32 to index
        %get3A_455 = arith.constant 0 : index
        %get3A_456 = tpu.vector_load %arg8[%get3A_454, %get3A_455] {strides = array<i32>} : memref<2400x16xf32, #tpu.memory_space<vmem>>, vector<16xf32>,
        %mul3A_457 = arith.constant 1.000000e+09 : f32
        %mul3A_458 = vector.broadcast %mul3A_457 : f32 to vector<16xf32>
        %mul3A_459 = arith.mulf %get3A_456, %mul3A_458 : vector<16xf32>
        %add3A_460 = arith.addf %mul3A_442, %mul3A_459 : vector<16xf32>
        %min3A_461 = arith.minimumf %broadcast_in_dim3A_434, %add3A_460 : vector<16xf32>
        %add3A_462 = arith.constant 32 : i32
        %add3A_463 = arith.addi %add3A_437, %add3A_462 : i32
        %get3A_464 = arith.index_cast %add3A_463 : i32 to index
        %get3A_465 = arith.constant 0 : index
        %get3A_466 = tpu.vector_load %arg8[%get3A_464, %get3A_465] {strides = array<i32>} : memref<2400x16xf32, #tpu.memory_space<vmem>>, vector<16xf32>,
        %mul3A_467 = arith.constant 1.000000e+09 : f32
        %mul3A_468 = vector.broadcast %mul3A_467 : f32 to vector<16xf32>
        %mul3A_469 = arith.mulf %get3A_466, %mul3A_468 : vector<16xf32>
        %add3A_470 = arith.addf %mul3A_442, %mul3A_469 : vector<16xf32>
        %min3A_471 = arith.minimumf %broadcast_in_dim3A_436, %add3A_470 : vector<16xf32>
        %mul3A_472 = arith.constant 1.000000e+00 : f32
        %mul3A_473 = vector.broadcast %mul3A_472 : f32 to vector<16xf32>
        %mul3A_474 = arith.mulf %mul3A_473, %get3A_29 : vector<16xf32>
        %sub3A_475 = arith.subf %gather3A_412, %mul3A_474 : vector<16xf32>
        %mul3A_476 = arith.mulf %sub3A_475, %sub3A_475 : vector<16xf32>
        %add3A_477 = arith.constant 48 : i32
        %add3A_478 = arith.addi %add3A_437, %add3A_477 : i32
        %get3A_479 = arith.index_cast %add3A_478 : i32 to index
        %get3A_480 = arith.constant 0 : index
        %get3A_481 = tpu.vector_load %arg8[%get3A_479, %get3A_480] {strides = array<i32>} : memref<2400x16xf32, #tpu.memory_space<vmem>>, vector<16xf32>,
        %mul3A_482 = arith.constant 1.000000e+09 : f32
        %mul3A_483 = vector.broadcast %mul3A_482 : f32 to vector<16xf32>
        %mul3A_484 = arith.mulf %get3A_481, %mul3A_483 : vector<16xf32>
        %add3A_485 = arith.addf %mul3A_476, %mul3A_484 : vector<16xf32>
        %min3A_486 = arith.minimumf %min3A, %add3A_485 : vector<16xf32>
        %add3A_487 = arith.constant 64 : i32
        %add3A_488 = arith.addi %add3A_437, %add3A_487 : i32
        %get3A_489 = arith.index_cast %add3A_488 : i32 to index
        %get3A_490 = arith.constant 0 : index
        %get3A_491 = tpu.vector_load %arg8[%get3A_489, %get3A_490] {strides = array<i32>} : memref<2400x16xf32, #tpu.memory_space<vmem>>, vector<16xf32>,
        %mul3A_492 = arith.constant 1.000000e+09 : f32
        %mul3A_493 = vector.broadcast %mul3A_492 : f32 to vector<16xf32>
        %mul3A_494 = arith.mulf %get3A_491, %mul3A_493 : vector<16xf32>
        %add3A_495 = arith.addf %mul3A_476, %mul3A_494 : vector<16xf32>
        %min3A_496 = arith.minimumf %min3A_461, %add3A_495 : vector<16xf32>
        %add3A_497 = arith.constant 80 : i32
        %add3A_498 = arith.addi %add3A_437, %add3A_497 : i32
        %get3A_499 = arith.index_cast %add3A_498 : i32 to index
        %get3A_500 = arith.constant 0 : index
        %get3A_501 = tpu.vector_load %arg8[%get3A_499, %get3A_500] {strides = array<i32>} : memref<2400x16xf32, #tpu.memory_space<vmem>>, vector<16xf32>,
        %mul3A_502 = arith.constant 1.000000e+09 : f32
        %mul3A_503 = vector.broadcast %mul3A_502 : f32 to vector<16xf32>
        %mul3A_504 = arith.mulf %get3A_501, %mul3A_503 : vector<16xf32>
        %add3A_505 = arith.addf %mul3A_476, %mul3A_504 : vector<16xf32>
        %min3A_506 = arith.minimumf %min3A_471, %add3A_505 : vector<16xf32>
        %mul3A_507 = arith.constant 2.000000e+00 : f32
        %mul3A_508 = vector.broadcast %mul3A_507 : f32 to vector<16xf32>
        %mul3A_509 = arith.mulf %mul3A_508, %get3A_29 : vector<16xf32>
        %sub3A_510 = arith.subf %gather3A_412, %mul3A_509 : vector<16xf32>
        %mul3A_511 = arith.mulf %sub3A_510, %sub3A_510 : vector<16xf32>
        %add3A_512 = arith.constant 96 : i32
        %add3A_513 = arith.addi %add3A_437, %add3A_512 : i32
        %get3A_514 = arith.index_cast %add3A_513 : i32 to index
        %get3A_515 = arith.constant 0 : index
        %get3A_516 = tpu.vector_load %arg8[%get3A_514, %get3A_515] {strides = array<i32>} : memref<2400x16xf32, #tpu.memory_space<vmem>>, vector<16xf32>,
        %mul3A_517 = arith.constant 1.000000e+09 : f32
        %mul3A_518 = vector.broadcast %mul3A_517 : f32 to vector<16xf32>
        %mul3A_519 = arith.mulf %get3A_516, %mul3A_518 : vector<16xf32>
        %add3A_520 = arith.addf %mul3A_511, %mul3A_519 : vector<16xf32>
        %min3A_521 = arith.minimumf %min3A_486, %add3A_520 : vector<16xf32>
        %add3A_522 = arith.constant 112 : i32
        %add3A_523 = arith.addi %add3A_437, %add3A_522 : i32
        %get3A_524 = arith.index_cast %add3A_523 : i32 to index
        %get3A_525 = arith.constant 0 : index
        %get3A_526 = tpu.vector_load %arg8[%get3A_524, %get3A_525] {strides = array<i32>} : memref<2400x16xf32, #tpu.memory_space<vmem>>, vector<16xf32>,
        %mul3A_527 = arith.constant 1.000000e+09 : f32
        %mul3A_528 = vector.broadcast %mul3A_527 : f32 to vector<16xf32>
        %mul3A_529 = arith.mulf %get3A_526, %mul3A_528 : vector<16xf32>
        %add3A_530 = arith.addf %mul3A_511, %mul3A_529 : vector<16xf32>
        %min3A_531 = arith.minimumf %min3A_496, %add3A_530 : vector<16xf32>
        %add3A_532 = arith.constant 128 : i32
        %add3A_533 = arith.addi %add3A_437, %add3A_532 : i32
        %get3A_534 = arith.index_cast %add3A_533 : i32 to index
        %get3A_535 = arith.constant 0 : index
        %get3A_536 = tpu.vector_load %arg8[%get3A_534, %get3A_535] {strides = array<i32>} : memref<2400x16xf32, #tpu.memory_space<vmem>>, vector<16xf32>,
        %mul3A_537 = arith.constant 1.000000e+09 : f32
        %mul3A_538 = vector.broadcast %mul3A_537 : f32 to vector<16xf32>
        %mul3A_539 = arith.mulf %get3A_536, %mul3A_538 : vector<16xf32>
        %add3A_540 = arith.addf %mul3A_511, %mul3A_539 : vector<16xf32>
        %min3A_541 = arith.minimumf %min3A_506, %add3A_540 : vector<16xf32>
        %mul3A_542 = arith.constant 3.000000e+00 : f32
        %mul3A_543 = vector.broadcast %mul3A_542 : f32 to vector<16xf32>
        %mul3A_544 = arith.mulf %mul3A_543, %get3A_29 : vector<16xf32>
        %sub3A_545 = arith.subf %gather3A_412, %mul3A_544 : vector<16xf32>
        %mul3A_546 = arith.mulf %sub3A_545, %sub3A_545 : vector<16xf32>
        %add3A_547 = arith.constant 144 : i32
        %add3A_548 = arith.addi %add3A_437, %add3A_547 : i32
        %get3A_549 = arith.index_cast %add3A_548 : i32 to index
        %get3A_550 = arith.constant 0 : index
        %get3A_551 = tpu.vector_load %arg8[%get3A_549, %get3A_550] {strides = array<i32>} : memref<2400x16xf32, #tpu.memory_space<vmem>>, vector<16xf32>,
        %mul3A_552 = arith.constant 1.000000e+09 : f32
        %mul3A_553 = vector.broadcast %mul3A_552 : f32 to vector<16xf32>
        %mul3A_554 = arith.mulf %get3A_551, %mul3A_553 : vector<16xf32>
        %add3A_555 = arith.addf %mul3A_546, %mul3A_554 : vector<16xf32>
        %min3A_556 = arith.minimumf %min3A_521, %add3A_555 : vector<16xf32>
        %add3A_557 = arith.constant 160 : i32
        %add3A_558 = arith.addi %add3A_437, %add3A_557 : i32
        %get3A_559 = arith.index_cast %add3A_558 : i32 to index
        %get3A_560 = arith.constant 0 : index
        %get3A_561 = tpu.vector_load %arg8[%get3A_559, %get3A_560] {strides = array<i32>} : memref<2400x16xf32, #tpu.memory_space<vmem>>, vector<16xf32>,
        %mul3A_562 = arith.constant 1.000000e+09 : f32
        %mul3A_563 = vector.broadcast %mul3A_562 : f32 to vector<16xf32>
        %mul3A_564 = arith.mulf %get3A_561, %mul3A_563 : vector<16xf32>
        %add3A_565 = arith.addf %mul3A_546, %mul3A_564 : vector<16xf32>
        %min3A_566 = arith.minimumf %min3A_531, %add3A_565 : vector<16xf32>
        %add3A_567 = arith.constant 176 : i32
        %add3A_568 = arith.addi %add3A_437, %add3A_567 : i32
        %get3A_569 = arith.index_cast %add3A_568 : i32 to index
        %get3A_570 = arith.constant 0 : index
        %get3A_571 = tpu.vector_load %arg8[%get3A_569, %get3A_570] {strides = array<i32>} : memref<2400x16xf32, #tpu.memory_space<vmem>>, vector<16xf32>,
        %mul3A_572 = arith.constant 1.000000e+09 : f32
        %mul3A_573 = vector.broadcast %mul3A_572 : f32 to vector<16xf32>
        %mul3A_574 = arith.mulf %get3A_571, %mul3A_573 : vector<16xf32>
        %add3A_575 = arith.addf %mul3A_546, %mul3A_574 : vector<16xf32>
        %min3A_576 = arith.minimumf %min3A_541, %add3A_575 : vector<16xf32>
        %mul3A_577 = arith.constant 4.000000e+00 : f32
        %mul3A_578 = vector.broadcast %mul3A_577 : f32 to vector<16xf32>
        %mul3A_579 = arith.mulf %mul3A_578, %get3A_29 : vector<16xf32>
        %sub3A_580 = arith.subf %gather3A_412, %mul3A_579 : vector<16xf32>
        %mul3A_581 = arith.mulf %sub3A_580, %sub3A_580 : vector<16xf32>
        %add3A_582 = arith.constant 192 : i32
        %add3A_583 = arith.addi %add3A_437, %add3A_582 : i32
        %get3A_584 = arith.index_cast %add3A_583 : i32 to index
        %get3A_585 = arith.constant 0 : index
        %get3A_586 = tpu.vector_load %arg8[%get3A_584, %get3A_585] {strides = array<i32>} : memref<2400x16xf32, #tpu.memory_space<vmem>>, vector<16xf32>,
        %mul3A_587 = arith.constant 1.000000e+09 : f32
        %mul3A_588 = vector.broadcast %mul3A_587 : f32 to vector<16xf32>
        %mul3A_589 = arith.mulf %get3A_586, %mul3A_588 : vector<16xf32>
        %add3A_590 = arith.addf %mul3A_581, %mul3A_589 : vector<16xf32>
        %min3A_591 = arith.minimumf %min3A_556, %add3A_590 : vector<16xf32>
        %add3A_592 = arith.constant 208 : i32
        %add3A_593 = arith.addi %add3A_437, %add3A_592 : i32
        %get3A_594 = arith.index_cast %add3A_593 : i32 to index
        %get3A_595 = arith.constant 0 : index
        %get3A_596 = tpu.vector_load %arg8[%get3A_594, %get3A_595] {strides = array<i32>} : memref<2400x16xf32, #tpu.memory_space<vmem>>, vector<16xf32>,
        %mul3A_597 = arith.constant 1.000000e+09 : f32
        %mul3A_598 = vector.broadcast %mul3A_597 : f32 to vector<16xf32>
        %mul3A_599 = arith.mulf %get3A_596, %mul3A_598 : vector<16xf32>
        %add3A_600 = arith.addf %mul3A_581, %mul3A_599 : vector<16xf32>
        %min3A_601 = arith.minimumf %min3A_566, %add3A_600 : vector<16xf32>
        %add3A_602 = arith.constant 224 : i32
        %add3A_603 = arith.addi %add3A_437, %add3A_602 : i32
        %get3A_604 = arith.index_cast %add3A_603 : i32 to index
        %get3A_605 = arith.constant 0 : index
        %get3A_606 = tpu.vector_load %arg8[%get3A_604, %get3A_605] {strides = array<i32>} : memref<2400x16xf32, #tpu.memory_space<vmem>>, vector<16xf32>,
        %mul3A_607 = arith.constant 1.000000e+09 : f32
        %mul3A_608 = vector.broadcast %mul3A_607 : f32 to vector<16xf32>
        %mul3A_609 = arith.mulf %get3A_606, %mul3A_608 : vector<16xf32>
        %add3A_610 = arith.addf %mul3A_581, %mul3A_609 : vector<16xf32>
        %min3A_611 = arith.minimumf %min3A_576, %add3A_610 : vector<16xf32>
        %mul3A_612 = arith.constant 5.000000e+00 : f32
        %mul3A_613 = vector.broadcast %mul3A_612 : f32 to vector<16xf32>
        %mul3A_614 = arith.mulf %mul3A_613, %get3A_29 : vector<16xf32>
        %sub3A_615 = arith.subf %gather3A_412, %mul3A_614 : vector<16xf32>
        %mul3A_616 = arith.mulf %sub3A_615, %sub3A_615 : vector<16xf32>
        %add3A_617 = arith.constant 240 : i32
        %add3A_618 = arith.addi %add3A_437, %add3A_617 : i32
        %get3A_619 = arith.index_cast %add3A_618 : i32 to index
        %get3A_620 = arith.constant 0 : index
        %get3A_621 = tpu.vector_load %arg8[%get3A_619, %get3A_620] {strides = array<i32>} : memref<2400x16xf32, #tpu.memory_space<vmem>>, vector<16xf32>,
        %mul3A_622 = arith.constant 1.000000e+09 : f32
        %mul3A_623 = vector.broadcast %mul3A_622 : f32 to vector<16xf32>
        %mul3A_624 = arith.mulf %get3A_621, %mul3A_623 : vector<16xf32>
        %add3A_625 = arith.addf %mul3A_616, %mul3A_624 : vector<16xf32>
        %min3A_626 = arith.minimumf %min3A_591, %add3A_625 : vector<16xf32>
        %add3A_627 = arith.constant 256 : i32
        %add3A_628 = arith.addi %add3A_437, %add3A_627 : i32
        %get3A_629 = arith.index_cast %add3A_628 : i32 to index
        %get3A_630 = arith.constant 0 : index
        %get3A_631 = tpu.vector_load %arg8[%get3A_629, %get3A_630] {strides = array<i32>} : memref<2400x16xf32, #tpu.memory_space<vmem>>, vector<16xf32>,
        %mul3A_632 = arith.constant 1.000000e+09 : f32
        %mul3A_633 = vector.broadcast %mul3A_632 : f32 to vector<16xf32>
        %mul3A_634 = arith.mulf %get3A_631, %mul3A_633 : vector<16xf32>
        %add3A_635 = arith.addf %mul3A_616, %mul3A_634 : vector<16xf32>
        %min3A_636 = arith.minimumf %min3A_601, %add3A_635 : vector<16xf32>
        %add3A_637 = arith.constant 272 : i32
        %add3A_638 = arith.addi %add3A_437, %add3A_637 : i32
        %get3A_639 = arith.index_cast %add3A_638 : i32 to index
        %get3A_640 = arith.constant 0 : index
        %get3A_641 = tpu.vector_load %arg8[%get3A_639, %get3A_640] {strides = array<i32>} : memref<2400x16xf32, #tpu.memory_space<vmem>>, vector<16xf32>,
        %mul3A_642 = arith.constant 1.000000e+09 : f32
        %mul3A_643 = vector.broadcast %mul3A_642 : f32 to vector<16xf32>
        %mul3A_644 = arith.mulf %get3A_641, %mul3A_643 : vector<16xf32>
        %add3A_645 = arith.addf %mul3A_616, %mul3A_644 : vector<16xf32>
        %min3A_646 = arith.minimumf %min3A_611, %add3A_645 : vector<16xf32>
        %mul3A_647 = arith.constant 6.000000e+00 : f32
        %mul3A_648 = vector.broadcast %mul3A_647 : f32 to vector<16xf32>
        %mul3A_649 = arith.mulf %mul3A_648, %get3A_29 : vector<16xf32>
        %sub3A_650 = arith.subf %gather3A_412, %mul3A_649 : vector<16xf32>
        %mul3A_651 = arith.mulf %sub3A_650, %sub3A_650 : vector<16xf32>
        %add3A_652 = arith.constant 288 : i32
        %add3A_653 = arith.addi %add3A_437, %add3A_652 : i32
        %get3A_654 = arith.index_cast %add3A_653 : i32 to index
        %get3A_655 = arith.constant 0 : index
        %get3A_656 = tpu.vector_load %arg8[%get3A_654, %get3A_655] {strides = array<i32>} : memref<2400x16xf32, #tpu.memory_space<vmem>>, vector<16xf32>,
        %mul3A_657 = arith.constant 1.000000e+09 : f32
        %mul3A_658 = vector.broadcast %mul3A_657 : f32 to vector<16xf32>
        %mul3A_659 = arith.mulf %get3A_656, %mul3A_658 : vector<16xf32>
        %add3A_660 = arith.addf %mul3A_651, %mul3A_659 : vector<16xf32>
        %min3A_661 = arith.minimumf %min3A_626, %add3A_660 : vector<16xf32>
        %add3A_662 = arith.constant 304 : i32
        %add3A_663 = arith.addi %add3A_437, %add3A_662 : i32
        %get3A_664 = arith.index_cast %add3A_663 : i32 to index
        %get3A_665 = arith.constant 0 : index
        %get3A_666 = tpu.vector_load %arg8[%get3A_664, %get3A_665] {strides = array<i32>} : memref<2400x16xf32, #tpu.memory_space<vmem>>, vector<16xf32>,
        %mul3A_667 = arith.constant 1.000000e+09 : f32
        %mul3A_668 = vector.broadcast %mul3A_667 : f32 to vector<16xf32>
        %mul3A_669 = arith.mulf %get3A_666, %mul3A_668 : vector<16xf32>
        %add3A_670 = arith.addf %mul3A_651, %mul3A_669 : vector<16xf32>
        %min3A_671 = arith.minimumf %min3A_636, %add3A_670 : vector<16xf32>
        %add3A_672 = arith.constant 320 : i32
        %add3A_673 = arith.addi %add3A_437, %add3A_672 : i32
        %get3A_674 = arith.index_cast %add3A_673 : i32 to index
        %get3A_675 = arith.constant 0 : index
        %get3A_676 = tpu.vector_load %arg8[%get3A_674, %get3A_675] {strides = array<i32>} : memref<2400x16xf32, #tpu.memory_space<vmem>>, vector<16xf32>,
        %mul3A_677 = arith.constant 1.000000e+09 : f32
        %mul3A_678 = vector.broadcast %mul3A_677 : f32 to vector<16xf32>
        %mul3A_679 = arith.mulf %get3A_676, %mul3A_678 : vector<16xf32>
        %add3A_680 = arith.addf %mul3A_651, %mul3A_679 : vector<16xf32>
        %min3A_681 = arith.minimumf %min3A_646, %add3A_680 : vector<16xf32>
        %mul3A_682 = arith.constant 7.000000e+00 : f32
        %mul3A_683 = vector.broadcast %mul3A_682 : f32 to vector<16xf32>
        %mul3A_684 = arith.mulf %mul3A_683, %get3A_29 : vector<16xf32>
        %sub3A_685 = arith.subf %gather3A_412, %mul3A_684 : vector<16xf32>
        %mul3A_686 = arith.mulf %sub3A_685, %sub3A_685 : vector<16xf32>
        %add3A_687 = arith.constant 336 : i32
        %add3A_688 = arith.addi %add3A_437, %add3A_687 : i32
        %get3A_689 = arith.index_cast %add3A_688 : i32 to index
        %get3A_690 = arith.constant 0 : index
        %get3A_691 = tpu.vector_load %arg8[%get3A_689, %get3A_690] {strides = array<i32>} : memref<2400x16xf32, #tpu.memory_space<vmem>>, vector<16xf32>,
        %mul3A_692 = arith.constant 1.000000e+09 : f32
        %mul3A_693 = vector.broadcast %mul3A_692 : f32 to vector<16xf32>
        %mul3A_694 = arith.mulf %get3A_691, %mul3A_693 : vector<16xf32>
        %add3A_695 = arith.addf %mul3A_686, %mul3A_694 : vector<16xf32>
        %min3A_696 = arith.minimumf %min3A_661, %add3A_695 : vector<16xf32>
        %add3A_697 = arith.constant 352 : i32
        %add3A_698 = arith.addi %add3A_437, %add3A_697 : i32
        %get3A_699 = arith.index_cast %add3A_698 : i32 to index
        %get3A_700 = arith.constant 0 : index
        %get3A_701 = tpu.vector_load %arg8[%get3A_699, %get3A_700] {strides = array<i32>} : memref<2400x16xf32, #tpu.memory_space<vmem>>, vector<16xf32>,
        %mul3A_702 = arith.constant 1.000000e+09 : f32
        %mul3A_703 = vector.broadcast %mul3A_702 : f32 to vector<16xf32>
        %mul3A_704 = arith.mulf %get3A_701, %mul3A_703 : vector<16xf32>
        %add3A_705 = arith.addf %mul3A_686, %mul3A_704 : vector<16xf32>
        %min3A_706 = arith.minimumf %min3A_671, %add3A_705 : vector<16xf32>
        %add3A_707 = arith.constant 368 : i32
        %add3A_708 = arith.addi %add3A_437, %add3A_707 : i32
        %get3A_709 = arith.index_cast %add3A_708 : i32 to index
        %get3A_710 = arith.constant 0 : index
        %get3A_711 = tpu.vector_load %arg8[%get3A_709, %get3A_710] {strides = array<i32>} : memref<2400x16xf32, #tpu.memory_space<vmem>>, vector<16xf32>,
        %mul3A_712 = arith.constant 1.000000e+09 : f32
        %mul3A_713 = vector.broadcast %mul3A_712 : f32 to vector<16xf32>
        %mul3A_714 = arith.mulf %get3A_711, %mul3A_713 : vector<16xf32>
        %add3A_715 = arith.addf %mul3A_686, %mul3A_714 : vector<16xf32>
        %min3A_716 = arith.minimumf %min3A_681, %add3A_715 : vector<16xf32>
        %mul3A_717 = arith.constant 8.000000e+00 : f32
        %mul3A_718 = vector.broadcast %mul3A_717 : f32 to vector<16xf32>
        %mul3A_719 = arith.mulf %mul3A_718, %get3A_29 : vector<16xf32>
        %sub3A_720 = arith.subf %gather3A_412, %mul3A_719 : vector<16xf32>
        %mul3A_721 = arith.mulf %sub3A_720, %sub3A_720 : vector<16xf32>
        %add3A_722 = arith.constant 384 : i32
        %add3A_723 = arith.addi %add3A_437, %add3A_722 : i32
        %get3A_724 = arith.index_cast %add3A_723 : i32 to index
        %get3A_725 = arith.constant 0 : index
        %get3A_726 = tpu.vector_load %arg8[%get3A_724, %get3A_725] {strides = array<i32>} : memref<2400x16xf32, #tpu.memory_space<vmem>>, vector<16xf32>,
        %mul3A_727 = arith.constant 1.000000e+09 : f32
        %mul3A_728 = vector.broadcast %mul3A_727 : f32 to vector<16xf32>
        %mul3A_729 = arith.mulf %get3A_726, %mul3A_728 : vector<16xf32>
        %add3A_730 = arith.addf %mul3A_721, %mul3A_729 : vector<16xf32>
        %min3A_731 = arith.minimumf %min3A_696, %add3A_730 : vector<16xf32>
        %add3A_732 = arith.constant 400 : i32
        %add3A_733 = arith.addi %add3A_437, %add3A_732 : i32
        %get3A_734 = arith.index_cast %add3A_733 : i32 to index
        %get3A_735 = arith.constant 0 : index
        %get3A_736 = tpu.vector_load %arg8[%get3A_734, %get3A_735] {strides = array<i32>} : memref<2400x16xf32, #tpu.memory_space<vmem>>, vector<16xf32>,
        %mul3A_737 = arith.constant 1.000000e+09 : f32
        %mul3A_738 = vector.broadcast %mul3A_737 : f32 to vector<16xf32>
        %mul3A_739 = arith.mulf %get3A_736, %mul3A_738 : vector<16xf32>
        %add3A_740 = arith.addf %mul3A_721, %mul3A_739 : vector<16xf32>
        %min3A_741 = arith.minimumf %min3A_706, %add3A_740 : vector<16xf32>
        %add3A_742 = arith.constant 416 : i32
        %add3A_743 = arith.addi %add3A_437, %add3A_742 : i32
        %get3A_744 = arith.index_cast %add3A_743 : i32 to index
        %get3A_745 = arith.constant 0 : index
        %get3A_746 = tpu.vector_load %arg8[%get3A_744, %get3A_745] {strides = array<i32>} : memref<2400x16xf32, #tpu.memory_space<vmem>>, vector<16xf32>,
        %mul3A_747 = arith.constant 1.000000e+09 : f32
        %mul3A_748 = vector.broadcast %mul3A_747 : f32 to vector<16xf32>
        %mul3A_749 = arith.mulf %get3A_746, %mul3A_748 : vector<16xf32>
        %add3A_750 = arith.addf %mul3A_721, %mul3A_749 : vector<16xf32>
        %min3A_751 = arith.minimumf %min3A_716, %add3A_750 : vector<16xf32>
        %mul3A_752 = arith.constant 9.000000e+00 : f32
        %mul3A_753 = vector.broadcast %mul3A_752 : f32 to vector<16xf32>
        %mul3A_754 = arith.mulf %mul3A_753, %get3A_29 : vector<16xf32>
        %sub3A_755 = arith.subf %gather3A_412, %mul3A_754 : vector<16xf32>
        %mul3A_756 = arith.mulf %sub3A_755, %sub3A_755 : vector<16xf32>
        %add3A_757 = arith.constant 432 : i32
        %add3A_758 = arith.addi %add3A_437, %add3A_757 : i32
        %get3A_759 = arith.index_cast %add3A_758 : i32 to index
        %get3A_760 = arith.constant 0 : index
        %get3A_761 = tpu.vector_load %arg8[%get3A_759, %get3A_760] {strides = array<i32>} : memref<2400x16xf32, #tpu.memory_space<vmem>>, vector<16xf32>,
        %mul3A_762 = arith.constant 1.000000e+09 : f32
        %mul3A_763 = vector.broadcast %mul3A_762 : f32 to vector<16xf32>
        %mul3A_764 = arith.mulf %get3A_761, %mul3A_763 : vector<16xf32>
        %add3A_765 = arith.addf %mul3A_756, %mul3A_764 : vector<16xf32>
        %min3A_766 = arith.minimumf %min3A_731, %add3A_765 : vector<16xf32>
        %add3A_767 = arith.constant 448 : i32
        %add3A_768 = arith.addi %add3A_437, %add3A_767 : i32
        %get3A_769 = arith.index_cast %add3A_768 : i32 to index
        %get3A_770 = arith.constant 0 : index
        %get3A_771 = tpu.vector_load %arg8[%get3A_769, %get3A_770] {strides = array<i32>} : memref<2400x16xf32, #tpu.memory_space<vmem>>, vector<16xf32>,
        %mul3A_772 = arith.constant 1.000000e+09 : f32
        %mul3A_773 = vector.broadcast %mul3A_772 : f32 to vector<16xf32>
        %mul3A_774 = arith.mulf %get3A_771, %mul3A_773 : vector<16xf32>
        %add3A_775 = arith.addf %mul3A_756, %mul3A_774 : vector<16xf32>
        %min3A_776 = arith.minimumf %min3A_741, %add3A_775 : vector<16xf32>
        %add3A_777 = arith.constant 464 : i32
        %add3A_778 = arith.addi %add3A_437, %add3A_777 : i32
        %get3A_779 = arith.index_cast %add3A_778 : i32 to index
        %get3A_780 = arith.constant 0 : index
        %get3A_781 = tpu.vector_load %arg8[%get3A_779, %get3A_780] {strides = array<i32>} : memref<2400x16xf32, #tpu.memory_space<vmem>>, vector<16xf32>,
        %mul3A_782 = arith.constant 1.000000e+09 : f32
        %mul3A_783 = vector.broadcast %mul3A_782 : f32 to vector<16xf32>
        %mul3A_784 = arith.mulf %get3A_781, %mul3A_783 : vector<16xf32>
        %add3A_785 = arith.addf %mul3A_756, %mul3A_784 : vector<16xf32>
        %min3A_786 = arith.minimumf %min3A_751, %add3A_785 : vector<16xf32>
        %mul3A_787 = arith.constant 1.000000e+01 : f32
        %mul3A_788 = vector.broadcast %mul3A_787 : f32 to vector<16xf32>
        %mul3A_789 = arith.mulf %mul3A_788, %get3A_29 : vector<16xf32>
        %sub3A_790 = arith.subf %gather3A_412, %mul3A_789 : vector<16xf32>
        %mul3A_791 = arith.mulf %sub3A_790, %sub3A_790 : vector<16xf32>
        %add3A_792 = arith.constant 480 : i32
        %add3A_793 = arith.addi %add3A_437, %add3A_792 : i32
        %get3A_794 = arith.index_cast %add3A_793 : i32 to index
        %get3A_795 = arith.constant 0 : index
        %get3A_796 = tpu.vector_load %arg8[%get3A_794, %get3A_795] {strides = array<i32>} : memref<2400x16xf32, #tpu.memory_space<vmem>>, vector<16xf32>,
        %mul3A_797 = arith.constant 1.000000e+09 : f32
        %mul3A_798 = vector.broadcast %mul3A_797 : f32 to vector<16xf32>
        %mul3A_799 = arith.mulf %get3A_796, %mul3A_798 : vector<16xf32>
        %add3A_800 = arith.addf %mul3A_791, %mul3A_799 : vector<16xf32>
        %min3A_801 = arith.minimumf %min3A_766, %add3A_800 : vector<16xf32>
        %add3A_802 = arith.constant 496 : i32
        %add3A_803 = arith.addi %add3A_437, %add3A_802 : i32
        %get3A_804 = arith.index_cast %add3A_803 : i32 to index
        %get3A_805 = arith.constant 0 : index
        %get3A_806 = tpu.vector_load %arg8[%get3A_804, %get3A_805] {strides = array<i32>} : memref<2400x16xf32, #tpu.memory_space<vmem>>, vector<16xf32>,
        %mul3A_807 = arith.constant 1.000000e+09 : f32
        %mul3A_808 = vector.broadcast %mul3A_807 : f32 to vector<16xf32>
        %mul3A_809 = arith.mulf %get3A_806, %mul3A_808 : vector<16xf32>
        %add3A_810 = arith.addf %mul3A_791, %mul3A_809 : vector<16xf32>
        %min3A_811 = arith.minimumf %min3A_776, %add3A_810 : vector<16xf32>
        %add3A_812 = arith.constant 512 : i32
        %add3A_813 = arith.addi %add3A_437, %add3A_812 : i32
        %get3A_814 = arith.index_cast %add3A_813 : i32 to index
        %get3A_815 = arith.constant 0 : index
        %get3A_816 = tpu.vector_load %arg8[%get3A_814, %get3A_815] {strides = array<i32>} : memref<2400x16xf32, #tpu.memory_space<vmem>>, vector<16xf32>,
        %mul3A_817 = arith.constant 1.000000e+09 : f32
        %mul3A_818 = vector.broadcast %mul3A_817 : f32 to vector<16xf32>
        %mul3A_819 = arith.mulf %get3A_816, %mul3A_818 : vector<16xf32>
        %add3A_820 = arith.addf %mul3A_791, %mul3A_819 : vector<16xf32>
        %min3A_821 = arith.minimumf %min3A_786, %add3A_820 : vector<16xf32>
        %mul3A_822 = arith.constant 1.100000e+01 : f32
        %mul3A_823 = vector.broadcast %mul3A_822 : f32 to vector<16xf32>
        %mul3A_824 = arith.mulf %mul3A_823, %get3A_29 : vector<16xf32>
        %sub3A_825 = arith.subf %gather3A_412, %mul3A_824 : vector<16xf32>
        %mul3A_826 = arith.mulf %sub3A_825, %sub3A_825 : vector<16xf32>
        %add3A_827 = arith.constant 528 : i32
        %add3A_828 = arith.addi %add3A_437, %add3A_827 : i32
        %get3A_829 = arith.index_cast %add3A_828 : i32 to index
        %get3A_830 = arith.constant 0 : index
        %get3A_831 = tpu.vector_load %arg8[%get3A_829, %get3A_830] {strides = array<i32>} : memref<2400x16xf32, #tpu.memory_space<vmem>>, vector<16xf32>,
        %mul3A_832 = arith.constant 1.000000e+09 : f32
        %mul3A_833 = vector.broadcast %mul3A_832 : f32 to vector<16xf32>
        %mul3A_834 = arith.mulf %get3A_831, %mul3A_833 : vector<16xf32>
        %add3A_835 = arith.addf %mul3A_826, %mul3A_834 : vector<16xf32>
        %min3A_836 = arith.minimumf %min3A_801, %add3A_835 : vector<16xf32>
        %add3A_837 = arith.constant 544 : i32
        %add3A_838 = arith.addi %add3A_437, %add3A_837 : i32
        %get3A_839 = arith.index_cast %add3A_838 : i32 to index
        %get3A_840 = arith.constant 0 : index
        %get3A_841 = tpu.vector_load %arg8[%get3A_839, %get3A_840] {strides = array<i32>} : memref<2400x16xf32, #tpu.memory_space<vmem>>, vector<16xf32>,
        %mul3A_842 = arith.constant 1.000000e+09 : f32
        %mul3A_843 = vector.broadcast %mul3A_842 : f32 to vector<16xf32>
        %mul3A_844 = arith.mulf %get3A_841, %mul3A_843 : vector<16xf32>
        %add3A_845 = arith.addf %mul3A_826, %mul3A_844 : vector<16xf32>
        %min3A_846 = arith.minimumf %min3A_811, %add3A_845 : vector<16xf32>
        %add3A_847 = arith.constant 560 : i32
        %add3A_848 = arith.addi %add3A_437, %add3A_847 : i32
        %get3A_849 = arith.index_cast %add3A_848 : i32 to index
        %get3A_850 = arith.constant 0 : index
        %get3A_851 = tpu.vector_load %arg8[%get3A_849, %get3A_850] {strides = array<i32>} : memref<2400x16xf32, #tpu.memory_space<vmem>>, vector<16xf32>,
        %mul3A_852 = arith.constant 1.000000e+09 : f32
        %mul3A_853 = vector.broadcast %mul3A_852 : f32 to vector<16xf32>
        %mul3A_854 = arith.mulf %get3A_851, %mul3A_853 : vector<16xf32>
        %add3A_855 = arith.addf %mul3A_826, %mul3A_854 : vector<16xf32>
        %min3A_856 = arith.minimumf %min3A_821, %add3A_855 : vector<16xf32>
        %mul3A_857 = arith.constant 1.200000e+01 : f32
        %mul3A_858 = vector.broadcast %mul3A_857 : f32 to vector<16xf32>
        %mul3A_859 = arith.mulf %mul3A_858, %get3A_29 : vector<16xf32>
        %sub3A_860 = arith.subf %gather3A_412, %mul3A_859 : vector<16xf32>
        %mul3A_861 = arith.mulf %sub3A_860, %sub3A_860 : vector<16xf32>
        %add3A_862 = arith.constant 576 : i32
        %add3A_863 = arith.addi %add3A_437, %add3A_862 : i32
        %get3A_864 = arith.index_cast %add3A_863 : i32 to index
        %get3A_865 = arith.constant 0 : index
        %get3A_866 = tpu.vector_load %arg8[%get3A_864, %get3A_865] {strides = array<i32>} : memref<2400x16xf32, #tpu.memory_space<vmem>>, vector<16xf32>,
        %mul3A_867 = arith.constant 1.000000e+09 : f32
        %mul3A_868 = vector.broadcast %mul3A_867 : f32 to vector<16xf32>
        %mul3A_869 = arith.mulf %get3A_866, %mul3A_868 : vector<16xf32>
        %add3A_870 = arith.addf %mul3A_861, %mul3A_869 : vector<16xf32>
        %min3A_871 = arith.minimumf %min3A_836, %add3A_870 : vector<16xf32>
        %add3A_872 = arith.constant 592 : i32
        %add3A_873 = arith.addi %add3A_437, %add3A_872 : i32
        %get3A_874 = arith.index_cast %add3A_873 : i32 to index
        %get3A_875 = arith.constant 0 : index
        %get3A_876 = tpu.vector_load %arg8[%get3A_874, %get3A_875] {strides = array<i32>} : memref<2400x16xf32, #tpu.memory_space<vmem>>, vector<16xf32>,
        %mul3A_877 = arith.constant 1.000000e+09 : f32
        %mul3A_878 = vector.broadcast %mul3A_877 : f32 to vector<16xf32>
        %mul3A_879 = arith.mulf %get3A_876, %mul3A_878 : vector<16xf32>
        %add3A_880 = arith.addf %mul3A_861, %mul3A_879 : vector<16xf32>
        %min3A_881 = arith.minimumf %min3A_846, %add3A_880 : vector<16xf32>
        %add3A_882 = arith.constant 608 : i32
        %add3A_883 = arith.addi %add3A_437, %add3A_882 : i32
        %get3A_884 = arith.index_cast %add3A_883 : i32 to index
        %get3A_885 = arith.constant 0 : index
        %get3A_886 = tpu.vector_load %arg8[%get3A_884, %get3A_885] {strides = array<i32>} : memref<2400x16xf32, #tpu.memory_space<vmem>>, vector<16xf32>,
        %mul3A_887 = arith.constant 1.000000e+09 : f32
        %mul3A_888 = vector.broadcast %mul3A_887 : f32 to vector<16xf32>
        %mul3A_889 = arith.mulf %get3A_886, %mul3A_888 : vector<16xf32>
        %add3A_890 = arith.addf %mul3A_861, %mul3A_889 : vector<16xf32>
        %min3A_891 = arith.minimumf %min3A_856, %add3A_890 : vector<16xf32>
        %mul3A_892 = arith.constant 1.300000e+01 : f32
        %mul3A_893 = vector.broadcast %mul3A_892 : f32 to vector<16xf32>
        %mul3A_894 = arith.mulf %mul3A_893, %get3A_29 : vector<16xf32>
        %sub3A_895 = arith.subf %gather3A_412, %mul3A_894 : vector<16xf32>
        %mul3A_896 = arith.mulf %sub3A_895, %sub3A_895 : vector<16xf32>
        %add3A_897 = arith.constant 624 : i32
        %add3A_898 = arith.addi %add3A_437, %add3A_897 : i32
        %get3A_899 = arith.index_cast %add3A_898 : i32 to index
        %get3A_900 = arith.constant 0 : index
        %get3A_901 = tpu.vector_load %arg8[%get3A_899, %get3A_900] {strides = array<i32>} : memref<2400x16xf32, #tpu.memory_space<vmem>>, vector<16xf32>,
        %mul3A_902 = arith.constant 1.000000e+09 : f32
        %mul3A_903 = vector.broadcast %mul3A_902 : f32 to vector<16xf32>
        %mul3A_904 = arith.mulf %get3A_901, %mul3A_903 : vector<16xf32>
        %add3A_905 = arith.addf %mul3A_896, %mul3A_904 : vector<16xf32>
        %min3A_906 = arith.minimumf %min3A_871, %add3A_905 : vector<16xf32>
        %add3A_907 = arith.constant 640 : i32
        %add3A_908 = arith.addi %add3A_437, %add3A_907 : i32
        %get3A_909 = arith.index_cast %add3A_908 : i32 to index
        %get3A_910 = arith.constant 0 : index
        %get3A_911 = tpu.vector_load %arg8[%get3A_909, %get3A_910] {strides = array<i32>} : memref<2400x16xf32, #tpu.memory_space<vmem>>, vector<16xf32>,
        %mul3A_912 = arith.constant 1.000000e+09 : f32
        %mul3A_913 = vector.broadcast %mul3A_912 : f32 to vector<16xf32>
        %mul3A_914 = arith.mulf %get3A_911, %mul3A_913 : vector<16xf32>
        %add3A_915 = arith.addf %mul3A_896, %mul3A_914 : vector<16xf32>
        %min3A_916 = arith.minimumf %min3A_881, %add3A_915 : vector<16xf32>
        %add3A_917 = arith.constant 656 : i32
        %add3A_918 = arith.addi %add3A_437, %add3A_917 : i32
        %get3A_919 = arith.index_cast %add3A_918 : i32 to index
        %get3A_920 = arith.constant 0 : index
        %get3A_921 = tpu.vector_load %arg8[%get3A_919, %get3A_920] {strides = array<i32>} : memref<2400x16xf32, #tpu.memory_space<vmem>>, vector<16xf32>,
        %mul3A_922 = arith.constant 1.000000e+09 : f32
        %mul3A_923 = vector.broadcast %mul3A_922 : f32 to vector<16xf32>
        %mul3A_924 = arith.mulf %get3A_921, %mul3A_923 : vector<16xf32>
        %add3A_925 = arith.addf %mul3A_896, %mul3A_924 : vector<16xf32>
        %min3A_926 = arith.minimumf %min3A_891, %add3A_925 : vector<16xf32>
        %mul3A_927 = arith.constant 1.400000e+01 : f32
        %mul3A_928 = vector.broadcast %mul3A_927 : f32 to vector<16xf32>
        %mul3A_929 = arith.mulf %mul3A_928, %get3A_29 : vector<16xf32>
        %sub3A_930 = arith.subf %gather3A_412, %mul3A_929 : vector<16xf32>
        %mul3A_931 = arith.mulf %sub3A_930, %sub3A_930 : vector<16xf32>
        %add3A_932 = arith.constant 672 : i32
        %add3A_933 = arith.addi %add3A_437, %add3A_932 : i32
        %get3A_934 = arith.index_cast %add3A_933 : i32 to index
        %get3A_935 = arith.constant 0 : index
        %get3A_936 = tpu.vector_load %arg8[%get3A_934, %get3A_935] {strides = array<i32>} : memref<2400x16xf32, #tpu.memory_space<vmem>>, vector<16xf32>,
        %mul3A_937 = arith.constant 1.000000e+09 : f32
        %mul3A_938 = vector.broadcast %mul3A_937 : f32 to vector<16xf32>
        %mul3A_939 = arith.mulf %get3A_936, %mul3A_938 : vector<16xf32>
        %add3A_940 = arith.addf %mul3A_931, %mul3A_939 : vector<16xf32>
        %min3A_941 = arith.minimumf %min3A_906, %add3A_940 : vector<16xf32>
        %add3A_942 = arith.constant 688 : i32
        %add3A_943 = arith.addi %add3A_437, %add3A_942 : i32
        %get3A_944 = arith.index_cast %add3A_943 : i32 to index
        %get3A_945 = arith.constant 0 : index
        %get3A_946 = tpu.vector_load %arg8[%get3A_944, %get3A_945] {strides = array<i32>} : memref<2400x16xf32, #tpu.memory_space<vmem>>, vector<16xf32>,
        %mul3A_947 = arith.constant 1.000000e+09 : f32
        %mul3A_948 = vector.broadcast %mul3A_947 : f32 to vector<16xf32>
        %mul3A_949 = arith.mulf %get3A_946, %mul3A_948 : vector<16xf32>
        %add3A_950 = arith.addf %mul3A_931, %mul3A_949 : vector<16xf32>
        %min3A_951 = arith.minimumf %min3A_916, %add3A_950 : vector<16xf32>
        %add3A_952 = arith.constant 704 : i32
        %add3A_953 = arith.addi %add3A_437, %add3A_952 : i32
        %get3A_954 = arith.index_cast %add3A_953 : i32 to index
        %get3A_955 = arith.constant 0 : index
        %get3A_956 = tpu.vector_load %arg8[%get3A_954, %get3A_955] {strides = array<i32>} : memref<2400x16xf32, #tpu.memory_space<vmem>>, vector<16xf32>,
        %mul3A_957 = arith.constant 1.000000e+09 : f32
        %mul3A_958 = vector.broadcast %mul3A_957 : f32 to vector<16xf32>
        %mul3A_959 = arith.mulf %get3A_956, %mul3A_958 : vector<16xf32>
        %add3A_960 = arith.addf %mul3A_931, %mul3A_959 : vector<16xf32>
        %min3A_961 = arith.minimumf %min3A_926, %add3A_960 : vector<16xf32>
        %mul3A_962 = arith.constant 1.500000e+01 : f32
        %mul3A_963 = vector.broadcast %mul3A_962 : f32 to vector<16xf32>
        %mul3A_964 = arith.mulf %mul3A_963, %get3A_29 : vector<16xf32>
        %sub3A_965 = arith.subf %gather3A_412, %mul3A_964 : vector<16xf32>
        %mul3A_966 = arith.mulf %sub3A_965, %sub3A_965 : vector<16xf32>
        %add3A_967 = arith.constant 720 : i32
        %add3A_968 = arith.addi %add3A_437, %add3A_967 : i32
        %get3A_969 = arith.index_cast %add3A_968 : i32 to index
        %get3A_970 = arith.constant 0 : index
        %get3A_971 = tpu.vector_load %arg8[%get3A_969, %get3A_970] {strides = array<i32>} : memref<2400x16xf32, #tpu.memory_space<vmem>>, vector<16xf32>,
        %mul3A_972 = arith.constant 1.000000e+09 : f32
        %mul3A_973 = vector.broadcast %mul3A_972 : f32 to vector<16xf32>
        %mul3A_974 = arith.mulf %get3A_971, %mul3A_973 : vector<16xf32>
        %add3A_975 = arith.addf %mul3A_966, %mul3A_974 : vector<16xf32>
        %min3A_976 = arith.minimumf %min3A_941, %add3A_975 : vector<16xf32>
        %add3A_977 = arith.constant 736 : i32
        %add3A_978 = arith.addi %add3A_437, %add3A_977 : i32
        %get3A_979 = arith.index_cast %add3A_978 : i32 to index
        %get3A_980 = arith.constant 0 : index
        %get3A_981 = tpu.vector_load %arg8[%get3A_979, %get3A_980] {strides = array<i32>} : memref<2400x16xf32, #tpu.memory_space<vmem>>, vector<16xf32>,
        %mul3A_982 = arith.constant 1.000000e+09 : f32
        %mul3A_983 = vector.broadcast %mul3A_982 : f32 to vector<16xf32>
        %mul3A_984 = arith.mulf %get3A_981, %mul3A_983 : vector<16xf32>
        %add3A_985 = arith.addf %mul3A_966, %mul3A_984 : vector<16xf32>
        %min3A_986 = arith.minimumf %min3A_951, %add3A_985 : vector<16xf32>
        %add3A_987 = arith.constant 752 : i32
        %add3A_988 = arith.addi %add3A_437, %add3A_987 : i32
        %get3A_989 = arith.index_cast %add3A_988 : i32 to index
        %get3A_990 = arith.constant 0 : index
        %get3A_991 = tpu.vector_load %arg8[%get3A_989, %get3A_990] {strides = array<i32>} : memref<2400x16xf32, #tpu.memory_space<vmem>>, vector<16xf32>,
        %mul3A_992 = arith.constant 1.000000e+09 : f32
        %mul3A_993 = vector.broadcast %mul3A_992 : f32 to vector<16xf32>
        %mul3A_994 = arith.mulf %get3A_991, %mul3A_993 : vector<16xf32>
        %add3A_995 = arith.addf %mul3A_966, %mul3A_994 : vector<16xf32>
        %min3A_996 = arith.minimumf %min3A_961, %add3A_995 : vector<16xf32>
        %mul3A_997 = arith.constant 1.600000e+01 : f32
        %mul3A_998 = vector.broadcast %mul3A_997 : f32 to vector<16xf32>
        %mul3A_999 = arith.mulf %mul3A_998, %get3A_29 : vector<16xf32>
        %sub3A_1000 = arith.subf %gather3A_412, %mul3A_999 : vector<16xf32>
        %mul3A_1001 = arith.mulf %sub3A_1000, %sub3A_1000 : vector<16xf32>
        %add3A_1002 = arith.constant 768 : i32
        %add3A_1003 = arith.addi %add3A_437, %add3A_1002 : i32
        %get3A_1004 = arith.index_cast %add3A_1003 : i32 to index
        %get3A_1005 = arith.constant 0 : index
        %get3A_1006 = tpu.vector_load %arg8[%get3A_1004, %get3A_1005] {strides = array<i32>} : memref<2400x16xf32, #tpu.memory_space<vmem>>, vector<16xf32>,
        %mul3A_1007 = arith.constant 1.000000e+09 : f32
        %mul3A_1008 = vector.broadcast %mul3A_1007 : f32 to vector<16xf32>
        %mul3A_1009 = arith.mulf %get3A_1006, %mul3A_1008 : vector<16xf32>
        %add3A_1010 = arith.addf %mul3A_1001, %mul3A_1009 : vector<16xf32>
        %min3A_1011 = arith.minimumf %min3A_976, %add3A_1010 : vector<16xf32>
        %add3A_1012 = arith.constant 784 : i32
        %add3A_1013 = arith.addi %add3A_437, %add3A_1012 : i32
        %get3A_1014 = arith.index_cast %add3A_1013 : i32 to index
        %get3A_1015 = arith.constant 0 : index
        %get3A_1016 = tpu.vector_load %arg8[%get3A_1014, %get3A_1015] {strides = array<i32>} : memref<2400x16xf32, #tpu.memory_space<vmem>>, vector<16xf32>,
        %mul3A_1017 = arith.constant 1.000000e+09 : f32
        %mul3A_1018 = vector.broadcast %mul3A_1017 : f32 to vector<16xf32>
        %mul3A_1019 = arith.mulf %get3A_1016, %mul3A_1018 : vector<16xf32>
        %add3A_1020 = arith.addf %mul3A_1001, %mul3A_1019 : vector<16xf32>
        %min3A_1021 = arith.minimumf %min3A_986, %add3A_1020 : vector<16xf32>
        %add3A_1022 = arith.constant 800 : i32
        %add3A_1023 = arith.addi %add3A_437, %add3A_1022 : i32
        %get3A_1024 = arith.index_cast %add3A_1023 : i32 to index
        %get3A_1025 = arith.constant 0 : index
        %get3A_1026 = tpu.vector_load %arg8[%get3A_1024, %get3A_1025] {strides = array<i32>} : memref<2400x16xf32, #tpu.memory_space<vmem>>, vector<16xf32>,
        %mul3A_1027 = arith.constant 1.000000e+09 : f32
        %mul3A_1028 = vector.broadcast %mul3A_1027 : f32 to vector<16xf32>
        %mul3A_1029 = arith.mulf %get3A_1026, %mul3A_1028 : vector<16xf32>
        %add3A_1030 = arith.addf %mul3A_1001, %mul3A_1029 : vector<16xf32>
        %min3A_1031 = arith.minimumf %min3A_996, %add3A_1030 : vector<16xf32>
        %mul3A_1032 = arith.constant 1.700000e+01 : f32
        %mul3A_1033 = vector.broadcast %mul3A_1032 : f32 to vector<16xf32>
        %mul3A_1034 = arith.mulf %mul3A_1033, %get3A_29 : vector<16xf32>
        %sub3A_1035 = arith.subf %gather3A_412, %mul3A_1034 : vector<16xf32>
        %mul3A_1036 = arith.mulf %sub3A_1035, %sub3A_1035 : vector<16xf32>
        %add3A_1037 = arith.constant 816 : i32
        %add3A_1038 = arith.addi %add3A_437, %add3A_1037 : i32
        %get3A_1039 = arith.index_cast %add3A_1038 : i32 to index
        %get3A_1040 = arith.constant 0 : index
        %get3A_1041 = tpu.vector_load %arg8[%get3A_1039, %get3A_1040] {strides = array<i32>} : memref<2400x16xf32, #tpu.memory_space<vmem>>, vector<16xf32>,
        %mul3A_1042 = arith.constant 1.000000e+09 : f32
        %mul3A_1043 = vector.broadcast %mul3A_1042 : f32 to vector<16xf32>
        %mul3A_1044 = arith.mulf %get3A_1041, %mul3A_1043 : vector<16xf32>
        %add3A_1045 = arith.addf %mul3A_1036, %mul3A_1044 : vector<16xf32>
        %min3A_1046 = arith.minimumf %min3A_1011, %add3A_1045 : vector<16xf32>
        %add3A_1047 = arith.constant 832 : i32
        %add3A_1048 = arith.addi %add3A_437, %add3A_1047 : i32
        %get3A_1049 = arith.index_cast %add3A_1048 : i32 to index
        %get3A_1050 = arith.constant 0 : index
        %get3A_1051 = tpu.vector_load %arg8[%get3A_1049, %get3A_1050] {strides = array<i32>} : memref<2400x16xf32, #tpu.memory_space<vmem>>, vector<16xf32>,
        %mul3A_1052 = arith.constant 1.000000e+09 : f32
        %mul3A_1053 = vector.broadcast %mul3A_1052 : f32 to vector<16xf32>
        %mul3A_1054 = arith.mulf %get3A_1051, %mul3A_1053 : vector<16xf32>
        %add3A_1055 = arith.addf %mul3A_1036, %mul3A_1054 : vector<16xf32>
        %min3A_1056 = arith.minimumf %min3A_1021, %add3A_1055 : vector<16xf32>
        %add3A_1057 = arith.constant 848 : i32
        %add3A_1058 = arith.addi %add3A_437, %add3A_1057 : i32
        %get3A_1059 = arith.index_cast %add3A_1058 : i32 to index
        %get3A_1060 = arith.constant 0 : index
        %get3A_1061 = tpu.vector_load %arg8[%get3A_1059, %get3A_1060] {strides = array<i32>} : memref<2400x16xf32, #tpu.memory_space<vmem>>, vector<16xf32>,
        %mul3A_1062 = arith.constant 1.000000e+09 : f32
        %mul3A_1063 = vector.broadcast %mul3A_1062 : f32 to vector<16xf32>
        %mul3A_1064 = arith.mulf %get3A_1061, %mul3A_1063 : vector<16xf32>
        %add3A_1065 = arith.addf %mul3A_1036, %mul3A_1064 : vector<16xf32>
        %min3A_1066 = arith.minimumf %min3A_1031, %add3A_1065 : vector<16xf32>
        %mul3A_1067 = arith.constant 1.800000e+01 : f32
        %mul3A_1068 = vector.broadcast %mul3A_1067 : f32 to vector<16xf32>
        %mul3A_1069 = arith.mulf %mul3A_1068, %get3A_29 : vector<16xf32>
        %sub3A_1070 = arith.subf %gather3A_412, %mul3A_1069 : vector<16xf32>
        %mul3A_1071 = arith.mulf %sub3A_1070, %sub3A_1070 : vector<16xf32>
        %add3A_1072 = arith.constant 864 : i32
        %add3A_1073 = arith.addi %add3A_437, %add3A_1072 : i32
        %get3A_1074 = arith.index_cast %add3A_1073 : i32 to index
        %get3A_1075 = arith.constant 0 : index
        %get3A_1076 = tpu.vector_load %arg8[%get3A_1074, %get3A_1075] {strides = array<i32>} : memref<2400x16xf32, #tpu.memory_space<vmem>>, vector<16xf32>,
        %mul3A_1077 = arith.constant 1.000000e+09 : f32
        %mul3A_1078 = vector.broadcast %mul3A_1077 : f32 to vector<16xf32>
        %mul3A_1079 = arith.mulf %get3A_1076, %mul3A_1078 : vector<16xf32>
        %add3A_1080 = arith.addf %mul3A_1071, %mul3A_1079 : vector<16xf32>
        %min3A_1081 = arith.minimumf %min3A_1046, %add3A_1080 : vector<16xf32>
        %add3A_1082 = arith.constant 880 : i32
        %add3A_1083 = arith.addi %add3A_437, %add3A_1082 : i32
        %get3A_1084 = arith.index_cast %add3A_1083 : i32 to index
        %get3A_1085 = arith.constant 0 : index
        %get3A_1086 = tpu.vector_load %arg8[%get3A_1084, %get3A_1085] {strides = array<i32>} : memref<2400x16xf32, #tpu.memory_space<vmem>>, vector<16xf32>,
        %mul3A_1087 = arith.constant 1.000000e+09 : f32
        %mul3A_1088 = vector.broadcast %mul3A_1087 : f32 to vector<16xf32>
        %mul3A_1089 = arith.mulf %get3A_1086, %mul3A_1088 : vector<16xf32>
        %add3A_1090 = arith.addf %mul3A_1071, %mul3A_1089 : vector<16xf32>
        %min3A_1091 = arith.minimumf %min3A_1056, %add3A_1090 : vector<16xf32>
        %add3A_1092 = arith.constant 896 : i32
        %add3A_1093 = arith.addi %add3A_437, %add3A_1092 : i32
        %get3A_1094 = arith.index_cast %add3A_1093 : i32 to index
        %get3A_1095 = arith.constant 0 : index
        %get3A_1096 = tpu.vector_load %arg8[%get3A_1094, %get3A_1095] {strides = array<i32>} : memref<2400x16xf32, #tpu.memory_space<vmem>>, vector<16xf32>,
        %mul3A_1097 = arith.constant 1.000000e+09 : f32
        %mul3A_1098 = vector.broadcast %mul3A_1097 : f32 to vector<16xf32>
        %mul3A_1099 = arith.mulf %get3A_1096, %mul3A_1098 : vector<16xf32>
        %add3A_1100 = arith.addf %mul3A_1071, %mul3A_1099 : vector<16xf32>
        %min3A_1101 = arith.minimumf %min3A_1066, %add3A_1100 : vector<16xf32>
        %mul3A_1102 = arith.constant 1.900000e+01 : f32
        %mul3A_1103 = vector.broadcast %mul3A_1102 : f32 to vector<16xf32>
        %mul3A_1104 = arith.mulf %mul3A_1103, %get3A_29 : vector<16xf32>
        %sub3A_1105 = arith.subf %gather3A_412, %mul3A_1104 : vector<16xf32>
        %mul3A_1106 = arith.mulf %sub3A_1105, %sub3A_1105 : vector<16xf32>
        %add3A_1107 = arith.constant 912 : i32
        %add3A_1108 = arith.addi %add3A_437, %add3A_1107 : i32
        %get3A_1109 = arith.index_cast %add3A_1108 : i32 to index
        %get3A_1110 = arith.constant 0 : index
        %get3A_1111 = tpu.vector_load %arg8[%get3A_1109, %get3A_1110] {strides = array<i32>} : memref<2400x16xf32, #tpu.memory_space<vmem>>, vector<16xf32>,
        %mul3A_1112 = arith.constant 1.000000e+09 : f32
        %mul3A_1113 = vector.broadcast %mul3A_1112 : f32 to vector<16xf32>
        %mul3A_1114 = arith.mulf %get3A_1111, %mul3A_1113 : vector<16xf32>
        %add3A_1115 = arith.addf %mul3A_1106, %mul3A_1114 : vector<16xf32>
        %min3A_1116 = arith.minimumf %min3A_1081, %add3A_1115 : vector<16xf32>
        %add3A_1117 = arith.constant 928 : i32
        %add3A_1118 = arith.addi %add3A_437, %add3A_1117 : i32
        %get3A_1119 = arith.index_cast %add3A_1118 : i32 to index
        %get3A_1120 = arith.constant 0 : index
        %get3A_1121 = tpu.vector_load %arg8[%get3A_1119, %get3A_1120] {strides = array<i32>} : memref<2400x16xf32, #tpu.memory_space<vmem>>, vector<16xf32>,
        %mul3A_1122 = arith.constant 1.000000e+09 : f32
        %mul3A_1123 = vector.broadcast %mul3A_1122 : f32 to vector<16xf32>
        %mul3A_1124 = arith.mulf %get3A_1121, %mul3A_1123 : vector<16xf32>
        %add3A_1125 = arith.addf %mul3A_1106, %mul3A_1124 : vector<16xf32>
        %min3A_1126 = arith.minimumf %min3A_1091, %add3A_1125 : vector<16xf32>
        %add3A_1127 = arith.constant 944 : i32
        %add3A_1128 = arith.addi %add3A_437, %add3A_1127 : i32
        %get3A_1129 = arith.index_cast %add3A_1128 : i32 to index
        %get3A_1130 = arith.constant 0 : index
        %get3A_1131 = tpu.vector_load %arg8[%get3A_1129, %get3A_1130] {strides = array<i32>} : memref<2400x16xf32, #tpu.memory_space<vmem>>, vector<16xf32>,
        %mul3A_1132 = arith.constant 1.000000e+09 : f32
        %mul3A_1133 = vector.broadcast %mul3A_1132 : f32 to vector<16xf32>
        %mul3A_1134 = arith.mulf %get3A_1131, %mul3A_1133 : vector<16xf32>
        %add3A_1135 = arith.addf %mul3A_1106, %mul3A_1134 : vector<16xf32>
        %min3A_1136 = arith.minimumf %min3A_1101, %add3A_1135 : vector<16xf32>
        %mul3A_1137 = arith.constant 2.000000e+01 : f32
        %mul3A_1138 = vector.broadcast %mul3A_1137 : f32 to vector<16xf32>
        %mul3A_1139 = arith.mulf %mul3A_1138, %get3A_29 : vector<16xf32>
        %sub3A_1140 = arith.subf %gather3A_412, %mul3A_1139 : vector<16xf32>
        %mul3A_1141 = arith.mulf %sub3A_1140, %sub3A_1140 : vector<16xf32>
        %add3A_1142 = arith.constant 960 : i32
        %add3A_1143 = arith.addi %add3A_437, %add3A_1142 : i32
        %get3A_1144 = arith.index_cast %add3A_1143 : i32 to index
        %get3A_1145 = arith.constant 0 : index
        %get3A_1146 = tpu.vector_load %arg8[%get3A_1144, %get3A_1145] {strides = array<i32>} : memref<2400x16xf32, #tpu.memory_space<vmem>>, vector<16xf32>,
        %mul3A_1147 = arith.constant 1.000000e+09 : f32
        %mul3A_1148 = vector.broadcast %mul3A_1147 : f32 to vector<16xf32>
        %mul3A_1149 = arith.mulf %get3A_1146, %mul3A_1148 : vector<16xf32>
        %add3A_1150 = arith.addf %mul3A_1141, %mul3A_1149 : vector<16xf32>
        %min3A_1151 = arith.minimumf %min3A_1116, %add3A_1150 : vector<16xf32>
        %add3A_1152 = arith.constant 976 : i32
        %add3A_1153 = arith.addi %add3A_437, %add3A_1152 : i32
        %get3A_1154 = arith.index_cast %add3A_1153 : i32 to index
        %get3A_1155 = arith.constant 0 : index
        %get3A_1156 = tpu.vector_load %arg8[%get3A_1154, %get3A_1155] {strides = array<i32>} : memref<2400x16xf32, #tpu.memory_space<vmem>>, vector<16xf32>,
        %mul3A_1157 = arith.constant 1.000000e+09 : f32
        %mul3A_1158 = vector.broadcast %mul3A_1157 : f32 to vector<16xf32>
        %mul3A_1159 = arith.mulf %get3A_1156, %mul3A_1158 : vector<16xf32>
        %add3A_1160 = arith.addf %mul3A_1141, %mul3A_1159 : vector<16xf32>
        %min3A_1161 = arith.minimumf %min3A_1126, %add3A_1160 : vector<16xf32>
        %add3A_1162 = arith.constant 992 : i32
        %add3A_1163 = arith.addi %add3A_437, %add3A_1162 : i32
        %get3A_1164 = arith.index_cast %add3A_1163 : i32 to index
        %get3A_1165 = arith.constant 0 : index
        %get3A_1166 = tpu.vector_load %arg8[%get3A_1164, %get3A_1165] {strides = array<i32>} : memref<2400x16xf32, #tpu.memory_space<vmem>>, vector<16xf32>,
        %mul3A_1167 = arith.constant 1.000000e+09 : f32
        %mul3A_1168 = vector.broadcast %mul3A_1167 : f32 to vector<16xf32>
        %mul3A_1169 = arith.mulf %get3A_1166, %mul3A_1168 : vector<16xf32>
        %add3A_1170 = arith.addf %mul3A_1141, %mul3A_1169 : vector<16xf32>
        %min3A_1171 = arith.minimumf %min3A_1136, %add3A_1170 : vector<16xf32>
        %mul3A_1172 = arith.constant 2.100000e+01 : f32
        %mul3A_1173 = vector.broadcast %mul3A_1172 : f32 to vector<16xf32>
        %mul3A_1174 = arith.mulf %mul3A_1173, %get3A_29 : vector<16xf32>
        %sub3A_1175 = arith.subf %gather3A_412, %mul3A_1174 : vector<16xf32>
        %mul3A_1176 = arith.mulf %sub3A_1175, %sub3A_1175 : vector<16xf32>
        %add3A_1177 = arith.constant 1008 : i32
        %add3A_1178 = arith.addi %add3A_437, %add3A_1177 : i32
        %get3A_1179 = arith.index_cast %add3A_1178 : i32 to index
        %get3A_1180 = arith.constant 0 : index
        %get3A_1181 = tpu.vector_load %arg8[%get3A_1179, %get3A_1180] {strides = array<i32>} : memref<2400x16xf32, #tpu.memory_space<vmem>>, vector<16xf32>,
        %mul3A_1182 = arith.constant 1.000000e+09 : f32
        %mul3A_1183 = vector.broadcast %mul3A_1182 : f32 to vector<16xf32>
        %mul3A_1184 = arith.mulf %get3A_1181, %mul3A_1183 : vector<16xf32>
        %add3A_1185 = arith.addf %mul3A_1176, %mul3A_1184 : vector<16xf32>
        %min3A_1186 = arith.minimumf %min3A_1151, %add3A_1185 : vector<16xf32>
        %add3A_1187 = arith.constant 1024 : i32
        %add3A_1188 = arith.addi %add3A_437, %add3A_1187 : i32
        %get3A_1189 = arith.index_cast %add3A_1188 : i32 to index
        %get3A_1190 = arith.constant 0 : index
        %get3A_1191 = tpu.vector_load %arg8[%get3A_1189, %get3A_1190] {strides = array<i32>} : memref<2400x16xf32, #tpu.memory_space<vmem>>, vector<16xf32>,
        %mul3A_1192 = arith.constant 1.000000e+09 : f32
        %mul3A_1193 = vector.broadcast %mul3A_1192 : f32 to vector<16xf32>
        %mul3A_1194 = arith.mulf %get3A_1191, %mul3A_1193 : vector<16xf32>
        %add3A_1195 = arith.addf %mul3A_1176, %mul3A_1194 : vector<16xf32>
        %min3A_1196 = arith.minimumf %min3A_1161, %add3A_1195 : vector<16xf32>
        %add3A_1197 = arith.constant 1040 : i32
        %add3A_1198 = arith.addi %add3A_437, %add3A_1197 : i32
        %get3A_1199 = arith.index_cast %add3A_1198 : i32 to index
        %get3A_1200 = arith.constant 0 : index
        %get3A_1201 = tpu.vector_load %arg8[%get3A_1199, %get3A_1200] {strides = array<i32>} : memref<2400x16xf32, #tpu.memory_space<vmem>>, vector<16xf32>,
        %mul3A_1202 = arith.constant 1.000000e+09 : f32
        %mul3A_1203 = vector.broadcast %mul3A_1202 : f32 to vector<16xf32>
        %mul3A_1204 = arith.mulf %get3A_1201, %mul3A_1203 : vector<16xf32>
        %add3A_1205 = arith.addf %mul3A_1176, %mul3A_1204 : vector<16xf32>
        %min3A_1206 = arith.minimumf %min3A_1171, %add3A_1205 : vector<16xf32>
        %mul3A_1207 = arith.constant 2.200000e+01 : f32
        %mul3A_1208 = vector.broadcast %mul3A_1207 : f32 to vector<16xf32>
        %mul3A_1209 = arith.mulf %mul3A_1208, %get3A_29 : vector<16xf32>
        %sub3A_1210 = arith.subf %gather3A_412, %mul3A_1209 : vector<16xf32>
        %mul3A_1211 = arith.mulf %sub3A_1210, %sub3A_1210 : vector<16xf32>
        %add3A_1212 = arith.constant 1056 : i32
        %add3A_1213 = arith.addi %add3A_437, %add3A_1212 : i32
        %get3A_1214 = arith.index_cast %add3A_1213 : i32 to index
        %get3A_1215 = arith.constant 0 : index
        %get3A_1216 = tpu.vector_load %arg8[%get3A_1214, %get3A_1215] {strides = array<i32>} : memref<2400x16xf32, #tpu.memory_space<vmem>>, vector<16xf32>,
        %mul3A_1217 = arith.constant 1.000000e+09 : f32
        %mul3A_1218 = vector.broadcast %mul3A_1217 : f32 to vector<16xf32>
        %mul3A_1219 = arith.mulf %get3A_1216, %mul3A_1218 : vector<16xf32>
        %add3A_1220 = arith.addf %mul3A_1211, %mul3A_1219 : vector<16xf32>
        %min3A_1221 = arith.minimumf %min3A_1186, %add3A_1220 : vector<16xf32>
        %add3A_1222 = arith.constant 1072 : i32
        %add3A_1223 = arith.addi %add3A_437, %add3A_1222 : i32
        %get3A_1224 = arith.index_cast %add3A_1223 : i32 to index
        %get3A_1225 = arith.constant 0 : index
        %get3A_1226 = tpu.vector_load %arg8[%get3A_1224, %get3A_1225] {strides = array<i32>} : memref<2400x16xf32, #tpu.memory_space<vmem>>, vector<16xf32>,
        %mul3A_1227 = arith.constant 1.000000e+09 : f32
        %mul3A_1228 = vector.broadcast %mul3A_1227 : f32 to vector<16xf32>
        %mul3A_1229 = arith.mulf %get3A_1226, %mul3A_1228 : vector<16xf32>
        %add3A_1230 = arith.addf %mul3A_1211, %mul3A_1229 : vector<16xf32>
        %min3A_1231 = arith.minimumf %min3A_1196, %add3A_1230 : vector<16xf32>
        %add3A_1232 = arith.constant 1088 : i32
        %add3A_1233 = arith.addi %add3A_437, %add3A_1232 : i32
        %get3A_1234 = arith.index_cast %add3A_1233 : i32 to index
        %get3A_1235 = arith.constant 0 : index
        %get3A_1236 = tpu.vector_load %arg8[%get3A_1234, %get3A_1235] {strides = array<i32>} : memref<2400x16xf32, #tpu.memory_space<vmem>>, vector<16xf32>,
        %mul3A_1237 = arith.constant 1.000000e+09 : f32
        %mul3A_1238 = vector.broadcast %mul3A_1237 : f32 to vector<16xf32>
        %mul3A_1239 = arith.mulf %get3A_1236, %mul3A_1238 : vector<16xf32>
        %add3A_1240 = arith.addf %mul3A_1211, %mul3A_1239 : vector<16xf32>
        %min3A_1241 = arith.minimumf %min3A_1206, %add3A_1240 : vector<16xf32>
        %mul3A_1242 = arith.constant 2.300000e+01 : f32
        %mul3A_1243 = vector.broadcast %mul3A_1242 : f32 to vector<16xf32>
        %mul3A_1244 = arith.mulf %mul3A_1243, %get3A_29 : vector<16xf32>
        %sub3A_1245 = arith.subf %gather3A_412, %mul3A_1244 : vector<16xf32>
        %mul3A_1246 = arith.mulf %sub3A_1245, %sub3A_1245 : vector<16xf32>
        %add3A_1247 = arith.constant 1104 : i32
        %add3A_1248 = arith.addi %add3A_437, %add3A_1247 : i32
        %get3A_1249 = arith.index_cast %add3A_1248 : i32 to index
        %get3A_1250 = arith.constant 0 : index
        %get3A_1251 = tpu.vector_load %arg8[%get3A_1249, %get3A_1250] {strides = array<i32>} : memref<2400x16xf32, #tpu.memory_space<vmem>>, vector<16xf32>,
        %mul3A_1252 = arith.constant 1.000000e+09 : f32
        %mul3A_1253 = vector.broadcast %mul3A_1252 : f32 to vector<16xf32>
        %mul3A_1254 = arith.mulf %get3A_1251, %mul3A_1253 : vector<16xf32>
        %add3A_1255 = arith.addf %mul3A_1246, %mul3A_1254 : vector<16xf32>
        %min3A_1256 = arith.minimumf %min3A_1221, %add3A_1255 : vector<16xf32>
        %add3A_1257 = arith.constant 1120 : i32
        %add3A_1258 = arith.addi %add3A_437, %add3A_1257 : i32
        %get3A_1259 = arith.index_cast %add3A_1258 : i32 to index
        %get3A_1260 = arith.constant 0 : index
        %get3A_1261 = tpu.vector_load %arg8[%get3A_1259, %get3A_1260] {strides = array<i32>} : memref<2400x16xf32, #tpu.memory_space<vmem>>, vector<16xf32>,
        %mul3A_1262 = arith.constant 1.000000e+09 : f32
        %mul3A_1263 = vector.broadcast %mul3A_1262 : f32 to vector<16xf32>
        %mul3A_1264 = arith.mulf %get3A_1261, %mul3A_1263 : vector<16xf32>
        %add3A_1265 = arith.addf %mul3A_1246, %mul3A_1264 : vector<16xf32>
        %min3A_1266 = arith.minimumf %min3A_1231, %add3A_1265 : vector<16xf32>
        %add3A_1267 = arith.constant 1136 : i32
        %add3A_1268 = arith.addi %add3A_437, %add3A_1267 : i32
        %get3A_1269 = arith.index_cast %add3A_1268 : i32 to index
        %get3A_1270 = arith.constant 0 : index
        %get3A_1271 = tpu.vector_load %arg8[%get3A_1269, %get3A_1270] {strides = array<i32>} : memref<2400x16xf32, #tpu.memory_space<vmem>>, vector<16xf32>,
        %mul3A_1272 = arith.constant 1.000000e+09 : f32
        %mul3A_1273 = vector.broadcast %mul3A_1272 : f32 to vector<16xf32>
        %mul3A_1274 = arith.mulf %get3A_1271, %mul3A_1273 : vector<16xf32>
        %add3A_1275 = arith.addf %mul3A_1246, %mul3A_1274 : vector<16xf32>
        %min3A_1276 = arith.minimumf %min3A_1241, %add3A_1275 : vector<16xf32>
        %mul3A_1277 = arith.constant 2.400000e+01 : f32
        %mul3A_1278 = vector.broadcast %mul3A_1277 : f32 to vector<16xf32>
        %mul3A_1279 = arith.mulf %mul3A_1278, %get3A_29 : vector<16xf32>
        %sub3A_1280 = arith.subf %gather3A_412, %mul3A_1279 : vector<16xf32>
        %mul3A_1281 = arith.mulf %sub3A_1280, %sub3A_1280 : vector<16xf32>
        %add3A_1282 = arith.constant 1152 : i32
        %add3A_1283 = arith.addi %add3A_437, %add3A_1282 : i32
        %get3A_1284 = arith.index_cast %add3A_1283 : i32 to index
        %get3A_1285 = arith.constant 0 : index
        %get3A_1286 = tpu.vector_load %arg8[%get3A_1284, %get3A_1285] {strides = array<i32>} : memref<2400x16xf32, #tpu.memory_space<vmem>>, vector<16xf32>,
        %mul3A_1287 = arith.constant 1.000000e+09 : f32
        %mul3A_1288 = vector.broadcast %mul3A_1287 : f32 to vector<16xf32>
        %mul3A_1289 = arith.mulf %get3A_1286, %mul3A_1288 : vector<16xf32>
        %add3A_1290 = arith.addf %mul3A_1281, %mul3A_1289 : vector<16xf32>
        %min3A_1291 = arith.minimumf %min3A_1256, %add3A_1290 : vector<16xf32>
        %add3A_1292 = arith.constant 1168 : i32
        %add3A_1293 = arith.addi %add3A_437, %add3A_1292 : i32
        %get3A_1294 = arith.index_cast %add3A_1293 : i32 to index
        %get3A_1295 = arith.constant 0 : index
        %get3A_1296 = tpu.vector_load %arg8[%get3A_1294, %get3A_1295] {strides = array<i32>} : memref<2400x16xf32, #tpu.memory_space<vmem>>, vector<16xf32>,
        %mul3A_1297 = arith.constant 1.000000e+09 : f32
        %mul3A_1298 = vector.broadcast %mul3A_1297 : f32 to vector<16xf32>
        %mul3A_1299 = arith.mulf %get3A_1296, %mul3A_1298 : vector<16xf32>
        %add3A_1300 = arith.addf %mul3A_1281, %mul3A_1299 : vector<16xf32>
        %min3A_1301 = arith.minimumf %min3A_1266, %add3A_1300 : vector<16xf32>
        %add3A_1302 = arith.constant 1184 : i32
        %add3A_1303 = arith.addi %add3A_437, %add3A_1302 : i32
        %get3A_1304 = arith.index_cast %add3A_1303 : i32 to index
        %get3A_1305 = arith.constant 0 : index
        %get3A_1306 = tpu.vector_load %arg8[%get3A_1304, %get3A_1305] {strides = array<i32>} : memref<2400x16xf32, #tpu.memory_space<vmem>>, vector<16xf32>,
        %mul3A_1307 = arith.constant 1.000000e+09 : f32
        %mul3A_1308 = vector.broadcast %mul3A_1307 : f32 to vector<16xf32>
        %mul3A_1309 = arith.mulf %get3A_1306, %mul3A_1308 : vector<16xf32>
        %add3A_1310 = arith.addf %mul3A_1281, %mul3A_1309 : vector<16xf32>
        %min3A_1311 = arith.minimumf %min3A_1276, %add3A_1310 : vector<16xf32>
        %add3A_1312 = arith.addf %mul3A_418, %min3A_1291 : vector<16xf32>
        %add3A_1313 = arith.addf %mul3A_424, %min3A_1301 : vector<16xf32>
        %min3A_1314 = arith.minimumf %add3A_1312, %add3A_1313 : vector<16xf32>
        %add3A_1315 = arith.addf %mul3A_430, %min3A_1311 : vector<16xf32>
        %min3A_1316 = arith.minimumf %min3A_1314, %add3A_1315 : vector<16xf32>
        %reduce_min3A = arith.constant true
        %reduce_min3A_1317 = vector.broadcast %reduce_min3A : i1 to vector<16xi1>
        %reduce_min3A_1318 = tpu.scan <min>, %min3A_1316 masked %reduce_min3A_1317 : vector<16xf32>, vector<16xi1> -> vector<16xf32>
        %reduce_min3A_1319 = vector.extract %reduce_min3A_1318[15] : f32 from vector<16xf32>
        %eq3A_1320 = arith.cmpi eq, %iota3A, %broadcast_in_dim3A_407 : vector<16xi32>
        %broadcast_in_dim3A_1321 = vector.broadcast %reduce_min3A_1319 : f32 to vector<16xf32>
        %select_n3A_1322 = arith.select %eq3A_1320, %broadcast_in_dim3A_1321, %scan3A_406 : vector<16xi1>, vector<16xf32>
        %scan3A_1323 = arith.constant 1 : i32
        %scan3A_1324 = arith.addi %scan3A_405, %scan3A_1323 : i32
        %broadcast_in_dim3A_1325 = vector.broadcast %scan3A_1324 : i32 to vector<16xi32>
        %gather3A_1326 = tpu.vector_load_idx %arg14[%broadcast_in_dim3A_1325] : memref<32xf32, #tpu.memory_space<vmem>>[vector<16xi32>], vector<16xf32>,
        %add3A_1327 = arith.constant 16 : i32
        %add3A_1328 = vector.broadcast %add3A_1327 : i32 to vector<16xi32>
        %add3A_1329 = arith.addi %broadcast_in_dim3A_1325, %add3A_1328 : vector<16xi32>
        %gather3A_1330 = tpu.vector_load_idx %arg14[%add3A_1329] : memref<32xf32, #tpu.memory_space<vmem>>[vector<16xi32>], vector<16xf32>,
        %add3A_1331 = arith.constant 0.000000e+00 : f32
        %add3A_1332 = vector.broadcast %add3A_1331 : f32 to vector<16xf32>
        %add3A_1333 = arith.addf %convert_element_type3A_352, %add3A_1332 : vector<16xf32>
        %mul3A_1334 = arith.mulf %add3A_1333, %get3A_29 : vector<16xf32>
        %sub3A_1335 = arith.subf %gather3A_1326, %mul3A_1334 : vector<16xf32>
        %mul3A_1336 = arith.mulf %sub3A_1335, %sub3A_1335 : vector<16xf32>
        %add3A_1337 = arith.constant 1.600000e+01 : f32
        %add3A_1338 = vector.broadcast %add3A_1337 : f32 to vector<16xf32>
        %add3A_1339 = arith.addf %convert_element_type3A_352, %add3A_1338 : vector<16xf32>
        %mul3A_1340 = arith.mulf %add3A_1339, %get3A_29 : vector<16xf32>
        %sub3A_1341 = arith.subf %gather3A_1326, %mul3A_1340 : vector<16xf32>
        %mul3A_1342 = arith.mulf %sub3A_1341, %sub3A_1341 : vector<16xf32>
        %add3A_1343 = arith.constant 3.200000e+01 : f32
        %add3A_1344 = vector.broadcast %add3A_1343 : f32 to vector<16xf32>
        %add3A_1345 = arith.addf %convert_element_type3A_352, %add3A_1344 : vector<16xf32>
        %mul3A_1346 = arith.mulf %add3A_1345, %get3A_29 : vector<16xf32>
        %sub3A_1347 = arith.subf %gather3A_1326, %mul3A_1346 : vector<16xf32>
        %mul3A_1348 = arith.mulf %sub3A_1347, %sub3A_1347 : vector<16xf32>
        %broadcast_in_dim3A_1349 = arith.constant 9.99999995E+11 : f32
        %broadcast_in_dim3A_1350 = vector.broadcast %broadcast_in_dim3A_1349 : f32 to vector<16xf32>
        %broadcast_in_dim3A_1351 = arith.constant 9.99999995E+11 : f32
        %broadcast_in_dim3A_1352 = vector.broadcast %broadcast_in_dim3A_1351 : f32 to vector<16xf32>
        %broadcast_in_dim3A_1353 = arith.constant 9.99999995E+11 : f32
        %broadcast_in_dim3A_1354 = vector.broadcast %broadcast_in_dim3A_1353 : f32 to vector<16xf32>
        %add3A_1355 = arith.addi %mul3A_351, %scan3A_1324 : i32
        %mul3A_1356 = arith.constant 0.000000e+00 : f32
        %mul3A_1357 = vector.broadcast %mul3A_1356 : f32 to vector<16xf32>
        %mul3A_1358 = arith.mulf %mul3A_1357, %get3A_29 : vector<16xf32>
        %sub3A_1359 = arith.subf %gather3A_1330, %mul3A_1358 : vector<16xf32>
        %mul3A_1360 = arith.mulf %sub3A_1359, %sub3A_1359 : vector<16xf32>
        %add3A_1361 = arith.constant 0 : i32
        %add3A_1362 = arith.addi %add3A_1355, %add3A_1361 : i32
        %get3A_1363 = arith.index_cast %add3A_1362 : i32 to index
        %get3A_1364 = arith.constant 0 : index
        %get3A_1365 = tpu.vector_load %arg8[%get3A_1363, %get3A_1364] {strides = array<i32>} : memref<2400x16xf32, #tpu.memory_space<vmem>>, vector<16xf32>,
        %mul3A_1366 = arith.constant 1.000000e+09 : f32
        %mul3A_1367 = vector.broadcast %mul3A_1366 : f32 to vector<16xf32>
        %mul3A_1368 = arith.mulf %get3A_1365, %mul3A_1367 : vector<16xf32>
        %add3A_1369 = arith.addf %mul3A_1360, %mul3A_1368 : vector<16xf32>
        %min3A_1370 = arith.minimumf %broadcast_in_dim3A_1350, %add3A_1369 : vector<16xf32>
        %add3A_1371 = arith.constant 16 : i32
        %add3A_1372 = arith.addi %add3A_1355, %add3A_1371 : i32
        %get3A_1373 = arith.index_cast %add3A_1372 : i32 to index
        %get3A_1374 = arith.constant 0 : index
        %get3A_1375 = tpu.vector_load %arg8[%get3A_1373, %get3A_1374] {strides = array<i32>} : memref<2400x16xf32, #tpu.memory_space<vmem>>, vector<16xf32>,
        %mul3A_1376 = arith.constant 1.000000e+09 : f32
        %mul3A_1377 = vector.broadcast %mul3A_1376 : f32 to vector<16xf32>
        %mul3A_1378 = arith.mulf %get3A_1375, %mul3A_1377 : vector<16xf32>
        %add3A_1379 = arith.addf %mul3A_1360, %mul3A_1378 : vector<16xf32>
        %min3A_1380 = arith.minimumf %broadcast_in_dim3A_1352, %add3A_1379 : vector<16xf32>
        %add3A_1381 = arith.constant 32 : i32
        %add3A_1382 = arith.addi %add3A_1355, %add3A_1381 : i32
        %get3A_1383 = arith.index_cast %add3A_1382 : i32 to index
        %get3A_1384 = arith.constant 0 : index
        %get3A_1385 = tpu.vector_load %arg8[%get3A_1383, %get3A_1384] {strides = array<i32>} : memref<2400x16xf32, #tpu.memory_space<vmem>>, vector<16xf32>,
        %mul3A_1386 = arith.constant 1.000000e+09 : f32
        %mul3A_1387 = vector.broadcast %mul3A_1386 : f32 to vector<16xf32>
        %mul3A_1388 = arith.mulf %get3A_1385, %mul3A_1387 : vector<16xf32>
        %add3A_1389 = arith.addf %mul3A_1360, %mul3A_1388 : vector<16xf32>
        %min3A_1390 = arith.minimumf %broadcast_in_dim3A_1354, %add3A_1389 : vector<16xf32>
        %mul3A_1391 = arith.constant 1.000000e+00 : f32
        %mul3A_1392 = vector.broadcast %mul3A_1391 : f32 to vector<16xf32>
        %mul3A_1393 = arith.mulf %mul3A_1392, %get3A_29 : vector<16xf32>
        %sub3A_1394 = arith.subf %gather3A_1330, %mul3A_1393 : vector<16xf32>
        %mul3A_1395 = arith.mulf %sub3A_1394, %sub3A_1394 : vector<16xf32>
        %add3A_1396 = arith.constant 48 : i32
        %add3A_1397 = arith.addi %add3A_1355, %add3A_1396 : i32
        %get3A_1398 = arith.index_cast %add3A_1397 : i32 to index
        %get3A_1399 = arith.constant 0 : index
        %get3A_1400 = tpu.vector_load %arg8[%get3A_1398, %get3A_1399] {strides = array<i32>} : memref<2400x16xf32, #tpu.memory_space<vmem>>, vector<16xf32>,
        %mul3A_1401 = arith.constant 1.000000e+09 : f32
        %mul3A_1402 = vector.broadcast %mul3A_1401 : f32 to vector<16xf32>
        %mul3A_1403 = arith.mulf %get3A_1400, %mul3A_1402 : vector<16xf32>
        %add3A_1404 = arith.addf %mul3A_1395, %mul3A_1403 : vector<16xf32>
        %min3A_1405 = arith.minimumf %min3A_1370, %add3A_1404 : vector<16xf32>
        %add3A_1406 = arith.constant 64 : i32
        %add3A_1407 = arith.addi %add3A_1355, %add3A_1406 : i32
        %get3A_1408 = arith.index_cast %add3A_1407 : i32 to index
        %get3A_1409 = arith.constant 0 : index
        %get3A_1410 = tpu.vector_load %arg8[%get3A_1408, %get3A_1409] {strides = array<i32>} : memref<2400x16xf32, #tpu.memory_space<vmem>>, vector<16xf32>,
        %mul3A_1411 = arith.constant 1.000000e+09 : f32
        %mul3A_1412 = vector.broadcast %mul3A_1411 : f32 to vector<16xf32>
        %mul3A_1413 = arith.mulf %get3A_1410, %mul3A_1412 : vector<16xf32>
        %add3A_1414 = arith.addf %mul3A_1395, %mul3A_1413 : vector<16xf32>
        %min3A_1415 = arith.minimumf %min3A_1380, %add3A_1414 : vector<16xf32>
        %add3A_1416 = arith.constant 80 : i32
        %add3A_1417 = arith.addi %add3A_1355, %add3A_1416 : i32
        %get3A_1418 = arith.index_cast %add3A_1417 : i32 to index
        %get3A_1419 = arith.constant 0 : index
        %get3A_1420 = tpu.vector_load %arg8[%get3A_1418, %get3A_1419] {strides = array<i32>} : memref<2400x16xf32, #tpu.memory_space<vmem>>, vector<16xf32>,
        %mul3A_1421 = arith.constant 1.000000e+09 : f32
        %mul3A_1422 = vector.broadcast %mul3A_1421 : f32 to vector<16xf32>
        %mul3A_1423 = arith.mulf %get3A_1420, %mul3A_1422 : vector<16xf32>
        %add3A_1424 = arith.addf %mul3A_1395, %mul3A_1423 : vector<16xf32>
        %min3A_1425 = arith.minimumf %min3A_1390, %add3A_1424 : vector<16xf32>
        %mul3A_1426 = arith.constant 2.000000e+00 : f32
        %mul3A_1427 = vector.broadcast %mul3A_1426 : f32 to vector<16xf32>
        %mul3A_1428 = arith.mulf %mul3A_1427, %get3A_29 : vector<16xf32>
        %sub3A_1429 = arith.subf %gather3A_1330, %mul3A_1428 : vector<16xf32>
        %mul3A_1430 = arith.mulf %sub3A_1429, %sub3A_1429 : vector<16xf32>
        %add3A_1431 = arith.constant 96 : i32
        %add3A_1432 = arith.addi %add3A_1355, %add3A_1431 : i32
        %get3A_1433 = arith.index_cast %add3A_1432 : i32 to index
        %get3A_1434 = arith.constant 0 : index
        %get3A_1435 = tpu.vector_load %arg8[%get3A_1433, %get3A_1434] {strides = array<i32>} : memref<2400x16xf32, #tpu.memory_space<vmem>>, vector<16xf32>,
        %mul3A_1436 = arith.constant 1.000000e+09 : f32
        %mul3A_1437 = vector.broadcast %mul3A_1436 : f32 to vector<16xf32>
        %mul3A_1438 = arith.mulf %get3A_1435, %mul3A_1437 : vector<16xf32>
        %add3A_1439 = arith.addf %mul3A_1430, %mul3A_1438 : vector<16xf32>
        %min3A_1440 = arith.minimumf %min3A_1405, %add3A_1439 : vector<16xf32>
        %add3A_1441 = arith.constant 112 : i32
        %add3A_1442 = arith.addi %add3A_1355, %add3A_1441 : i32
        %get3A_1443 = arith.index_cast %add3A_1442 : i32 to index
        %get3A_1444 = arith.constant 0 : index
        %get3A_1445 = tpu.vector_load %arg8[%get3A_1443, %get3A_1444] {strides = array<i32>} : memref<2400x16xf32, #tpu.memory_space<vmem>>, vector<16xf32>,
        %mul3A_1446 = arith.constant 1.000000e+09 : f32
        %mul3A_1447 = vector.broadcast %mul3A_1446 : f32 to vector<16xf32>
        %mul3A_1448 = arith.mulf %get3A_1445, %mul3A_1447 : vector<16xf32>
        %add3A_1449 = arith.addf %mul3A_1430, %mul3A_1448 : vector<16xf32>
        %min3A_1450 = arith.minimumf %min3A_1415, %add3A_1449 : vector<16xf32>
        %add3A_1451 = arith.constant 128 : i32
        %add3A_1452 = arith.addi %add3A_1355, %add3A_1451 : i32
        %get3A_1453 = arith.index_cast %add3A_1452 : i32 to index
        %get3A_1454 = arith.constant 0 : index
        %get3A_1455 = tpu.vector_load %arg8[%get3A_1453, %get3A_1454] {strides = array<i32>} : memref<2400x16xf32, #tpu.memory_space<vmem>>, vector<16xf32>,
        %mul3A_1456 = arith.constant 1.000000e+09 : f32
        %mul3A_1457 = vector.broadcast %mul3A_1456 : f32 to vector<16xf32>
        %mul3A_1458 = arith.mulf %get3A_1455, %mul3A_1457 : vector<16xf32>
        %add3A_1459 = arith.addf %mul3A_1430, %mul3A_1458 : vector<16xf32>
        %min3A_1460 = arith.minimumf %min3A_1425, %add3A_1459 : vector<16xf32>
        %mul3A_1461 = arith.constant 3.000000e+00 : f32
        %mul3A_1462 = vector.broadcast %mul3A_1461 : f32 to vector<16xf32>
        %mul3A_1463 = arith.mulf %mul3A_1462, %get3A_29 : vector<16xf32>
        %sub3A_1464 = arith.subf %gather3A_1330, %mul3A_1463 : vector<16xf32>
        %mul3A_1465 = arith.mulf %sub3A_1464, %sub3A_1464 : vector<16xf32>
        %add3A_1466 = arith.constant 144 : i32
        %add3A_1467 = arith.addi %add3A_1355, %add3A_1466 : i32
        %get3A_1468 = arith.index_cast %add3A_1467 : i32 to index
        %get3A_1469 = arith.constant 0 : index
        %get3A_1470 = tpu.vector_load %arg8[%get3A_1468, %get3A_1469] {strides = array<i32>} : memref<2400x16xf32, #tpu.memory_space<vmem>>, vector<16xf32>,
        %mul3A_1471 = arith.constant 1.000000e+09 : f32
        %mul3A_1472 = vector.broadcast %mul3A_1471 : f32 to vector<16xf32>
        %mul3A_1473 = arith.mulf %get3A_1470, %mul3A_1472 : vector<16xf32>
        %add3A_1474 = arith.addf %mul3A_1465, %mul3A_1473 : vector<16xf32>
        %min3A_1475 = arith.minimumf %min3A_1440, %add3A_1474 : vector<16xf32>
        %add3A_1476 = arith.constant 160 : i32
        %add3A_1477 = arith.addi %add3A_1355, %add3A_1476 : i32
        %get3A_1478 = arith.index_cast %add3A_1477 : i32 to index
        %get3A_1479 = arith.constant 0 : index
        %get3A_1480 = tpu.vector_load %arg8[%get3A_1478, %get3A_1479] {strides = array<i32>} : memref<2400x16xf32, #tpu.memory_space<vmem>>, vector<16xf32>,
        %mul3A_1481 = arith.constant 1.000000e+09 : f32
        %mul3A_1482 = vector.broadcast %mul3A_1481 : f32 to vector<16xf32>
        %mul3A_1483 = arith.mulf %get3A_1480, %mul3A_1482 : vector<16xf32>
        %add3A_1484 = arith.addf %mul3A_1465, %mul3A_1483 : vector<16xf32>
        %min3A_1485 = arith.minimumf %min3A_1450, %add3A_1484 : vector<16xf32>
        %add3A_1486 = arith.constant 176 : i32
        %add3A_1487 = arith.addi %add3A_1355, %add3A_1486 : i32
        %get3A_1488 = arith.index_cast %add3A_1487 : i32 to index
        %get3A_1489 = arith.constant 0 : index
        %get3A_1490 = tpu.vector_load %arg8[%get3A_1488, %get3A_1489] {strides = array<i32>} : memref<2400x16xf32, #tpu.memory_space<vmem>>, vector<16xf32>,
        %mul3A_1491 = arith.constant 1.000000e+09 : f32
        %mul3A_1492 = vector.broadcast %mul3A_1491 : f32 to vector<16xf32>
        %mul3A_1493 = arith.mulf %get3A_1490, %mul3A_1492 : vector<16xf32>
        %add3A_1494 = arith.addf %mul3A_1465, %mul3A_1493 : vector<16xf32>
        %min3A_1495 = arith.minimumf %min3A_1460, %add3A_1494 : vector<16xf32>
        %mul3A_1496 = arith.constant 4.000000e+00 : f32
        %mul3A_1497 = vector.broadcast %mul3A_1496 : f32 to vector<16xf32>
        %mul3A_1498 = arith.mulf %mul3A_1497, %get3A_29 : vector<16xf32>
        %sub3A_1499 = arith.subf %gather3A_1330, %mul3A_1498 : vector<16xf32>
        %mul3A_1500 = arith.mulf %sub3A_1499, %sub3A_1499 : vector<16xf32>
        %add3A_1501 = arith.constant 192 : i32
        %add3A_1502 = arith.addi %add3A_1355, %add3A_1501 : i32
        %get3A_1503 = arith.index_cast %add3A_1502 : i32 to index
        %get3A_1504 = arith.constant 0 : index
        %get3A_1505 = tpu.vector_load %arg8[%get3A_1503, %get3A_1504] {strides = array<i32>} : memref<2400x16xf32, #tpu.memory_space<vmem>>, vector<16xf32>,
        %mul3A_1506 = arith.constant 1.000000e+09 : f32
        %mul3A_1507 = vector.broadcast %mul3A_1506 : f32 to vector<16xf32>
        %mul3A_1508 = arith.mulf %get3A_1505, %mul3A_1507 : vector<16xf32>
        %add3A_1509 = arith.addf %mul3A_1500, %mul3A_1508 : vector<16xf32>
        %min3A_1510 = arith.minimumf %min3A_1475, %add3A_1509 : vector<16xf32>
        %add3A_1511 = arith.constant 208 : i32
        %add3A_1512 = arith.addi %add3A_1355, %add3A_1511 : i32
        %get3A_1513 = arith.index_cast %add3A_1512 : i32 to index
        %get3A_1514 = arith.constant 0 : index
        %get3A_1515 = tpu.vector_load %arg8[%get3A_1513, %get3A_1514] {strides = array<i32>} : memref<2400x16xf32, #tpu.memory_space<vmem>>, vector<16xf32>,
        %mul3A_1516 = arith.constant 1.000000e+09 : f32
        %mul3A_1517 = vector.broadcast %mul3A_1516 : f32 to vector<16xf32>
        %mul3A_1518 = arith.mulf %get3A_1515, %mul3A_1517 : vector<16xf32>
        %add3A_1519 = arith.addf %mul3A_1500, %mul3A_1518 : vector<16xf32>
        %min3A_1520 = arith.minimumf %min3A_1485, %add3A_1519 : vector<16xf32>
        %add3A_1521 = arith.constant 224 : i32
        %add3A_1522 = arith.addi %add3A_1355, %add3A_1521 : i32
        %get3A_1523 = arith.index_cast %add3A_1522 : i32 to index
        %get3A_1524 = arith.constant 0 : index
        %get3A_1525 = tpu.vector_load %arg8[%get3A_1523, %get3A_1524] {strides = array<i32>} : memref<2400x16xf32, #tpu.memory_space<vmem>>, vector<16xf32>,
        %mul3A_1526 = arith.constant 1.000000e+09 : f32
        %mul3A_1527 = vector.broadcast %mul3A_1526 : f32 to vector<16xf32>
        %mul3A_1528 = arith.mulf %get3A_1525, %mul3A_1527 : vector<16xf32>
        %add3A_1529 = arith.addf %mul3A_1500, %mul3A_1528 : vector<16xf32>
        %min3A_1530 = arith.minimumf %min3A_1495, %add3A_1529 : vector<16xf32>
        %mul3A_1531 = arith.constant 5.000000e+00 : f32
        %mul3A_1532 = vector.broadcast %mul3A_1531 : f32 to vector<16xf32>
        %mul3A_1533 = arith.mulf %mul3A_1532, %get3A_29 : vector<16xf32>
        %sub3A_1534 = arith.subf %gather3A_1330, %mul3A_1533 : vector<16xf32>
        %mul3A_1535 = arith.mulf %sub3A_1534, %sub3A_1534 : vector<16xf32>
        %add3A_1536 = arith.constant 240 : i32
        %add3A_1537 = arith.addi %add3A_1355, %add3A_1536 : i32
        %get3A_1538 = arith.index_cast %add3A_1537 : i32 to index
        %get3A_1539 = arith.constant 0 : index
        %get3A_1540 = tpu.vector_load %arg8[%get3A_1538, %get3A_1539] {strides = array<i32>} : memref<2400x16xf32, #tpu.memory_space<vmem>>, vector<16xf32>,
        %mul3A_1541 = arith.constant 1.000000e+09 : f32
        %mul3A_1542 = vector.broadcast %mul3A_1541 : f32 to vector<16xf32>
        %mul3A_1543 = arith.mulf %get3A_1540, %mul3A_1542 : vector<16xf32>
        %add3A_1544 = arith.addf %mul3A_1535, %mul3A_1543 : vector<16xf32>
        %min3A_1545 = arith.minimumf %min3A_1510, %add3A_1544 : vector<16xf32>
        %add3A_1546 = arith.constant 256 : i32
        %add3A_1547 = arith.addi %add3A_1355, %add3A_1546 : i32
        %get3A_1548 = arith.index_cast %add3A_1547 : i32 to index
        %get3A_1549 = arith.constant 0 : index
        %get3A_1550 = tpu.vector_load %arg8[%get3A_1548, %get3A_1549] {strides = array<i32>} : memref<2400x16xf32, #tpu.memory_space<vmem>>, vector<16xf32>,
        %mul3A_1551 = arith.constant 1.000000e+09 : f32
        %mul3A_1552 = vector.broadcast %mul3A_1551 : f32 to vector<16xf32>
        %mul3A_1553 = arith.mulf %get3A_1550, %mul3A_1552 : vector<16xf32>
        %add3A_1554 = arith.addf %mul3A_1535, %mul3A_1553 : vector<16xf32>
        %min3A_1555 = arith.minimumf %min3A_1520, %add3A_1554 : vector<16xf32>
        %add3A_1556 = arith.constant 272 : i32
        %add3A_1557 = arith.addi %add3A_1355, %add3A_1556 : i32
        %get3A_1558 = arith.index_cast %add3A_1557 : i32 to index
        %get3A_1559 = arith.constant 0 : index
        %get3A_1560 = tpu.vector_load %arg8[%get3A_1558, %get3A_1559] {strides = array<i32>} : memref<2400x16xf32, #tpu.memory_space<vmem>>, vector<16xf32>,
        %mul3A_1561 = arith.constant 1.000000e+09 : f32
        %mul3A_1562 = vector.broadcast %mul3A_1561 : f32 to vector<16xf32>
        %mul3A_1563 = arith.mulf %get3A_1560, %mul3A_1562 : vector<16xf32>
        %add3A_1564 = arith.addf %mul3A_1535, %mul3A_1563 : vector<16xf32>
        %min3A_1565 = arith.minimumf %min3A_1530, %add3A_1564 : vector<16xf32>
        %mul3A_1566 = arith.constant 6.000000e+00 : f32
        %mul3A_1567 = vector.broadcast %mul3A_1566 : f32 to vector<16xf32>
        %mul3A_1568 = arith.mulf %mul3A_1567, %get3A_29 : vector<16xf32>
        %sub3A_1569 = arith.subf %gather3A_1330, %mul3A_1568 : vector<16xf32>
        %mul3A_1570 = arith.mulf %sub3A_1569, %sub3A_1569 : vector<16xf32>
        %add3A_1571 = arith.constant 288 : i32
        %add3A_1572 = arith.addi %add3A_1355, %add3A_1571 : i32
        %get3A_1573 = arith.index_cast %add3A_1572 : i32 to index
        %get3A_1574 = arith.constant 0 : index
        %get3A_1575 = tpu.vector_load %arg8[%get3A_1573, %get3A_1574] {strides = array<i32>} : memref<2400x16xf32, #tpu.memory_space<vmem>>, vector<16xf32>,
        %mul3A_1576 = arith.constant 1.000000e+09 : f32
        %mul3A_1577 = vector.broadcast %mul3A_1576 : f32 to vector<16xf32>
        %mul3A_1578 = arith.mulf %get3A_1575, %mul3A_1577 : vector<16xf32>
        %add3A_1579 = arith.addf %mul3A_1570, %mul3A_1578 : vector<16xf32>
        %min3A_1580 = arith.minimumf %min3A_1545, %add3A_1579 : vector<16xf32>
        %add3A_1581 = arith.constant 304 : i32
        %add3A_1582 = arith.addi %add3A_1355, %add3A_1581 : i32
        %get3A_1583 = arith.index_cast %add3A_1582 : i32 to index
        %get3A_1584 = arith.constant 0 : index
        %get3A_1585 = tpu.vector_load %arg8[%get3A_1583, %get3A_1584] {strides = array<i32>} : memref<2400x16xf32, #tpu.memory_space<vmem>>, vector<16xf32>,
        %mul3A_1586 = arith.constant 1.000000e+09 : f32
        %mul3A_1587 = vector.broadcast %mul3A_1586 : f32 to vector<16xf32>
        %mul3A_1588 = arith.mulf %get3A_1585, %mul3A_1587 : vector<16xf32>
        %add3A_1589 = arith.addf %mul3A_1570, %mul3A_1588 : vector<16xf32>
        %min3A_1590 = arith.minimumf %min3A_1555, %add3A_1589 : vector<16xf32>
        %add3A_1591 = arith.constant 320 : i32
        %add3A_1592 = arith.addi %add3A_1355, %add3A_1591 : i32
        %get3A_1593 = arith.index_cast %add3A_1592 : i32 to index
        %get3A_1594 = arith.constant 0 : index
        %get3A_1595 = tpu.vector_load %arg8[%get3A_1593, %get3A_1594] {strides = array<i32>} : memref<2400x16xf32, #tpu.memory_space<vmem>>, vector<16xf32>,
        %mul3A_1596 = arith.constant 1.000000e+09 : f32
        %mul3A_1597 = vector.broadcast %mul3A_1596 : f32 to vector<16xf32>
        %mul3A_1598 = arith.mulf %get3A_1595, %mul3A_1597 : vector<16xf32>
        %add3A_1599 = arith.addf %mul3A_1570, %mul3A_1598 : vector<16xf32>
        %min3A_1600 = arith.minimumf %min3A_1565, %add3A_1599 : vector<16xf32>
        %mul3A_1601 = arith.constant 7.000000e+00 : f32
        %mul3A_1602 = vector.broadcast %mul3A_1601 : f32 to vector<16xf32>
        %mul3A_1603 = arith.mulf %mul3A_1602, %get3A_29 : vector<16xf32>
        %sub3A_1604 = arith.subf %gather3A_1330, %mul3A_1603 : vector<16xf32>
        %mul3A_1605 = arith.mulf %sub3A_1604, %sub3A_1604 : vector<16xf32>
        %add3A_1606 = arith.constant 336 : i32
        %add3A_1607 = arith.addi %add3A_1355, %add3A_1606 : i32
        %get3A_1608 = arith.index_cast %add3A_1607 : i32 to index
        %get3A_1609 = arith.constant 0 : index
        %get3A_1610 = tpu.vector_load %arg8[%get3A_1608, %get3A_1609] {strides = array<i32>} : memref<2400x16xf32, #tpu.memory_space<vmem>>, vector<16xf32>,
        %mul3A_1611 = arith.constant 1.000000e+09 : f32
        %mul3A_1612 = vector.broadcast %mul3A_1611 : f32 to vector<16xf32>
        %mul3A_1613 = arith.mulf %get3A_1610, %mul3A_1612 : vector<16xf32>
        %add3A_1614 = arith.addf %mul3A_1605, %mul3A_1613 : vector<16xf32>
        %min3A_1615 = arith.minimumf %min3A_1580, %add3A_1614 : vector<16xf32>
        %add3A_1616 = arith.constant 352 : i32
        %add3A_1617 = arith.addi %add3A_1355, %add3A_1616 : i32
        %get3A_1618 = arith.index_cast %add3A_1617 : i32 to index
        %get3A_1619 = arith.constant 0 : index
        %get3A_1620 = tpu.vector_load %arg8[%get3A_1618, %get3A_1619] {strides = array<i32>} : memref<2400x16xf32, #tpu.memory_space<vmem>>, vector<16xf32>,
        %mul3A_1621 = arith.constant 1.000000e+09 : f32
        %mul3A_1622 = vector.broadcast %mul3A_1621 : f32 to vector<16xf32>
        %mul3A_1623 = arith.mulf %get3A_1620, %mul3A_1622 : vector<16xf32>
        %add3A_1624 = arith.addf %mul3A_1605, %mul3A_1623 : vector<16xf32>
        %min3A_1625 = arith.minimumf %min3A_1590, %add3A_1624 : vector<16xf32>
        %add3A_1626 = arith.constant 368 : i32
        %add3A_1627 = arith.addi %add3A_1355, %add3A_1626 : i32
        %get3A_1628 = arith.index_cast %add3A_1627 : i32 to index
        %get3A_1629 = arith.constant 0 : index
        %get3A_1630 = tpu.vector_load %arg8[%get3A_1628, %get3A_1629] {strides = array<i32>} : memref<2400x16xf32, #tpu.memory_space<vmem>>, vector<16xf32>,
        %mul3A_1631 = arith.constant 1.000000e+09 : f32
        %mul3A_1632 = vector.broadcast %mul3A_1631 : f32 to vector<16xf32>
        %mul3A_1633 = arith.mulf %get3A_1630, %mul3A_1632 : vector<16xf32>
        %add3A_1634 = arith.addf %mul3A_1605, %mul3A_1633 : vector<16xf32>
        %min3A_1635 = arith.minimumf %min3A_1600, %add3A_1634 : vector<16xf32>
        %mul3A_1636 = arith.constant 8.000000e+00 : f32
        %mul3A_1637 = vector.broadcast %mul3A_1636 : f32 to vector<16xf32>
        %mul3A_1638 = arith.mulf %mul3A_1637, %get3A_29 : vector<16xf32>
        %sub3A_1639 = arith.subf %gather3A_1330, %mul3A_1638 : vector<16xf32>
        %mul3A_1640 = arith.mulf %sub3A_1639, %sub3A_1639 : vector<16xf32>
        %add3A_1641 = arith.constant 384 : i32
        %add3A_1642 = arith.addi %add3A_1355, %add3A_1641 : i32
        %get3A_1643 = arith.index_cast %add3A_1642 : i32 to index
        %get3A_1644 = arith.constant 0 : index
        %get3A_1645 = tpu.vector_load %arg8[%get3A_1643, %get3A_1644] {strides = array<i32>} : memref<2400x16xf32, #tpu.memory_space<vmem>>, vector<16xf32>,
        %mul3A_1646 = arith.constant 1.000000e+09 : f32
        %mul3A_1647 = vector.broadcast %mul3A_1646 : f32 to vector<16xf32>
        %mul3A_1648 = arith.mulf %get3A_1645, %mul3A_1647 : vector<16xf32>
        %add3A_1649 = arith.addf %mul3A_1640, %mul3A_1648 : vector<16xf32>
        %min3A_1650 = arith.minimumf %min3A_1615, %add3A_1649 : vector<16xf32>
        %add3A_1651 = arith.constant 400 : i32
        %add3A_1652 = arith.addi %add3A_1355, %add3A_1651 : i32
        %get3A_1653 = arith.index_cast %add3A_1652 : i32 to index
        %get3A_1654 = arith.constant 0 : index
        %get3A_1655 = tpu.vector_load %arg8[%get3A_1653, %get3A_1654] {strides = array<i32>} : memref<2400x16xf32, #tpu.memory_space<vmem>>, vector<16xf32>,
        %mul3A_1656 = arith.constant 1.000000e+09 : f32
        %mul3A_1657 = vector.broadcast %mul3A_1656 : f32 to vector<16xf32>
        %mul3A_1658 = arith.mulf %get3A_1655, %mul3A_1657 : vector<16xf32>
        %add3A_1659 = arith.addf %mul3A_1640, %mul3A_1658 : vector<16xf32>
        %min3A_1660 = arith.minimumf %min3A_1625, %add3A_1659 : vector<16xf32>
        %add3A_1661 = arith.constant 416 : i32
        %add3A_1662 = arith.addi %add3A_1355, %add3A_1661 : i32
        %get3A_1663 = arith.index_cast %add3A_1662 : i32 to index
        %get3A_1664 = arith.constant 0 : index
        %get3A_1665 = tpu.vector_load %arg8[%get3A_1663, %get3A_1664] {strides = array<i32>} : memref<2400x16xf32, #tpu.memory_space<vmem>>, vector<16xf32>,
        %mul3A_1666 = arith.constant 1.000000e+09 : f32
        %mul3A_1667 = vector.broadcast %mul3A_1666 : f32 to vector<16xf32>
        %mul3A_1668 = arith.mulf %get3A_1665, %mul3A_1667 : vector<16xf32>
        %add3A_1669 = arith.addf %mul3A_1640, %mul3A_1668 : vector<16xf32>
        %min3A_1670 = arith.minimumf %min3A_1635, %add3A_1669 : vector<16xf32>
        %mul3A_1671 = arith.constant 9.000000e+00 : f32
        %mul3A_1672 = vector.broadcast %mul3A_1671 : f32 to vector<16xf32>
        %mul3A_1673 = arith.mulf %mul3A_1672, %get3A_29 : vector<16xf32>
        %sub3A_1674 = arith.subf %gather3A_1330, %mul3A_1673 : vector<16xf32>
        %mul3A_1675 = arith.mulf %sub3A_1674, %sub3A_1674 : vector<16xf32>
        %add3A_1676 = arith.constant 432 : i32
        %add3A_1677 = arith.addi %add3A_1355, %add3A_1676 : i32
        %get3A_1678 = arith.index_cast %add3A_1677 : i32 to index
        %get3A_1679 = arith.constant 0 : index
        %get3A_1680 = tpu.vector_load %arg8[%get3A_1678, %get3A_1679] {strides = array<i32>} : memref<2400x16xf32, #tpu.memory_space<vmem>>, vector<16xf32>,
        %mul3A_1681 = arith.constant 1.000000e+09 : f32
        %mul3A_1682 = vector.broadcast %mul3A_1681 : f32 to vector<16xf32>
        %mul3A_1683 = arith.mulf %get3A_1680, %mul3A_1682 : vector<16xf32>
        %add3A_1684 = arith.addf %mul3A_1675, %mul3A_1683 : vector<16xf32>
        %min3A_1685 = arith.minimumf %min3A_1650, %add3A_1684 : vector<16xf32>
        %add3A_1686 = arith.constant 448 : i32
        %add3A_1687 = arith.addi %add3A_1355, %add3A_1686 : i32
        %get3A_1688 = arith.index_cast %add3A_1687 : i32 to index
        %get3A_1689 = arith.constant 0 : index
        %get3A_1690 = tpu.vector_load %arg8[%get3A_1688, %get3A_1689] {strides = array<i32>} : memref<2400x16xf32, #tpu.memory_space<vmem>>, vector<16xf32>,
        %mul3A_1691 = arith.constant 1.000000e+09 : f32
        %mul3A_1692 = vector.broadcast %mul3A_1691 : f32 to vector<16xf32>
        %mul3A_1693 = arith.mulf %get3A_1690, %mul3A_1692 : vector<16xf32>
        %add3A_1694 = arith.addf %mul3A_1675, %mul3A_1693 : vector<16xf32>
        %min3A_1695 = arith.minimumf %min3A_1660, %add3A_1694 : vector<16xf32>
        %add3A_1696 = arith.constant 464 : i32
        %add3A_1697 = arith.addi %add3A_1355, %add3A_1696 : i32
        %get3A_1698 = arith.index_cast %add3A_1697 : i32 to index
        %get3A_1699 = arith.constant 0 : index
        %get3A_1700 = tpu.vector_load %arg8[%get3A_1698, %get3A_1699] {strides = array<i32>} : memref<2400x16xf32, #tpu.memory_space<vmem>>, vector<16xf32>,
        %mul3A_1701 = arith.constant 1.000000e+09 : f32
        %mul3A_1702 = vector.broadcast %mul3A_1701 : f32 to vector<16xf32>
        %mul3A_1703 = arith.mulf %get3A_1700, %mul3A_1702 : vector<16xf32>
        %add3A_1704 = arith.addf %mul3A_1675, %mul3A_1703 : vector<16xf32>
        %min3A_1705 = arith.minimumf %min3A_1670, %add3A_1704 : vector<16xf32>
        %mul3A_1706 = arith.constant 1.000000e+01 : f32
        %mul3A_1707 = vector.broadcast %mul3A_1706 : f32 to vector<16xf32>
        %mul3A_1708 = arith.mulf %mul3A_1707, %get3A_29 : vector<16xf32>
        %sub3A_1709 = arith.subf %gather3A_1330, %mul3A_1708 : vector<16xf32>
        %mul3A_1710 = arith.mulf %sub3A_1709, %sub3A_1709 : vector<16xf32>
        %add3A_1711 = arith.constant 480 : i32
        %add3A_1712 = arith.addi %add3A_1355, %add3A_1711 : i32
        %get3A_1713 = arith.index_cast %add3A_1712 : i32 to index
        %get3A_1714 = arith.constant 0 : index
        %get3A_1715 = tpu.vector_load %arg8[%get3A_1713, %get3A_1714] {strides = array<i32>} : memref<2400x16xf32, #tpu.memory_space<vmem>>, vector<16xf32>,
        %mul3A_1716 = arith.constant 1.000000e+09 : f32
        %mul3A_1717 = vector.broadcast %mul3A_1716 : f32 to vector<16xf32>
        %mul3A_1718 = arith.mulf %get3A_1715, %mul3A_1717 : vector<16xf32>
        %add3A_1719 = arith.addf %mul3A_1710, %mul3A_1718 : vector<16xf32>
        %min3A_1720 = arith.minimumf %min3A_1685, %add3A_1719 : vector<16xf32>
        %add3A_1721 = arith.constant 496 : i32
        %add3A_1722 = arith.addi %add3A_1355, %add3A_1721 : i32
        %get3A_1723 = arith.index_cast %add3A_1722 : i32 to index
        %get3A_1724 = arith.constant 0 : index
        %get3A_1725 = tpu.vector_load %arg8[%get3A_1723, %get3A_1724] {strides = array<i32>} : memref<2400x16xf32, #tpu.memory_space<vmem>>, vector<16xf32>,
        %mul3A_1726 = arith.constant 1.000000e+09 : f32
        %mul3A_1727 = vector.broadcast %mul3A_1726 : f32 to vector<16xf32>
        %mul3A_1728 = arith.mulf %get3A_1725, %mul3A_1727 : vector<16xf32>
        %add3A_1729 = arith.addf %mul3A_1710, %mul3A_1728 : vector<16xf32>
        %min3A_1730 = arith.minimumf %min3A_1695, %add3A_1729 : vector<16xf32>
        %add3A_1731 = arith.constant 512 : i32
        %add3A_1732 = arith.addi %add3A_1355, %add3A_1731 : i32
        %get3A_1733 = arith.index_cast %add3A_1732 : i32 to index
        %get3A_1734 = arith.constant 0 : index
        %get3A_1735 = tpu.vector_load %arg8[%get3A_1733, %get3A_1734] {strides = array<i32>} : memref<2400x16xf32, #tpu.memory_space<vmem>>, vector<16xf32>,
        %mul3A_1736 = arith.constant 1.000000e+09 : f32
        %mul3A_1737 = vector.broadcast %mul3A_1736 : f32 to vector<16xf32>
        %mul3A_1738 = arith.mulf %get3A_1735, %mul3A_1737 : vector<16xf32>
        %add3A_1739 = arith.addf %mul3A_1710, %mul3A_1738 : vector<16xf32>
        %min3A_1740 = arith.minimumf %min3A_1705, %add3A_1739 : vector<16xf32>
        %mul3A_1741 = arith.constant 1.100000e+01 : f32
        %mul3A_1742 = vector.broadcast %mul3A_1741 : f32 to vector<16xf32>
        %mul3A_1743 = arith.mulf %mul3A_1742, %get3A_29 : vector<16xf32>
        %sub3A_1744 = arith.subf %gather3A_1330, %mul3A_1743 : vector<16xf32>
        %mul3A_1745 = arith.mulf %sub3A_1744, %sub3A_1744 : vector<16xf32>
        %add3A_1746 = arith.constant 528 : i32
        %add3A_1747 = arith.addi %add3A_1355, %add3A_1746 : i32
        %get3A_1748 = arith.index_cast %add3A_1747 : i32 to index
        %get3A_1749 = arith.constant 0 : index
        %get3A_1750 = tpu.vector_load %arg8[%get3A_1748, %get3A_1749] {strides = array<i32>} : memref<2400x16xf32, #tpu.memory_space<vmem>>, vector<16xf32>,
        %mul3A_1751 = arith.constant 1.000000e+09 : f32
        %mul3A_1752 = vector.broadcast %mul3A_1751 : f32 to vector<16xf32>
        %mul3A_1753 = arith.mulf %get3A_1750, %mul3A_1752 : vector<16xf32>
        %add3A_1754 = arith.addf %mul3A_1745, %mul3A_1753 : vector<16xf32>
        %min3A_1755 = arith.minimumf %min3A_1720, %add3A_1754 : vector<16xf32>
        %add3A_1756 = arith.constant 544 : i32
        %add3A_1757 = arith.addi %add3A_1355, %add3A_1756 : i32
        %get3A_1758 = arith.index_cast %add3A_1757 : i32 to index
        %get3A_1759 = arith.constant 0 : index
        %get3A_1760 = tpu.vector_load %arg8[%get3A_1758, %get3A_1759] {strides = array<i32>} : memref<2400x16xf32, #tpu.memory_space<vmem>>, vector<16xf32>,
        %mul3A_1761 = arith.constant 1.000000e+09 : f32
        %mul3A_1762 = vector.broadcast %mul3A_1761 : f32 to vector<16xf32>
        %mul3A_1763 = arith.mulf %get3A_1760, %mul3A_1762 : vector<16xf32>
        %add3A_1764 = arith.addf %mul3A_1745, %mul3A_1763 : vector<16xf32>
        %min3A_1765 = arith.minimumf %min3A_1730, %add3A_1764 : vector<16xf32>
        %add3A_1766 = arith.constant 560 : i32
        %add3A_1767 = arith.addi %add3A_1355, %add3A_1766 : i32
        %get3A_1768 = arith.index_cast %add3A_1767 : i32 to index
        %get3A_1769 = arith.constant 0 : index
        %get3A_1770 = tpu.vector_load %arg8[%get3A_1768, %get3A_1769] {strides = array<i32>} : memref<2400x16xf32, #tpu.memory_space<vmem>>, vector<16xf32>,
        %mul3A_1771 = arith.constant 1.000000e+09 : f32
        %mul3A_1772 = vector.broadcast %mul3A_1771 : f32 to vector<16xf32>
        %mul3A_1773 = arith.mulf %get3A_1770, %mul3A_1772 : vector<16xf32>
        %add3A_1774 = arith.addf %mul3A_1745, %mul3A_1773 : vector<16xf32>
        %min3A_1775 = arith.minimumf %min3A_1740, %add3A_1774 : vector<16xf32>
        %mul3A_1776 = arith.constant 1.200000e+01 : f32
        %mul3A_1777 = vector.broadcast %mul3A_1776 : f32 to vector<16xf32>
        %mul3A_1778 = arith.mulf %mul3A_1777, %get3A_29 : vector<16xf32>
        %sub3A_1779 = arith.subf %gather3A_1330, %mul3A_1778 : vector<16xf32>
        %mul3A_1780 = arith.mulf %sub3A_1779, %sub3A_1779 : vector<16xf32>
        %add3A_1781 = arith.constant 576 : i32
        %add3A_1782 = arith.addi %add3A_1355, %add3A_1781 : i32
        %get3A_1783 = arith.index_cast %add3A_1782 : i32 to index
        %get3A_1784 = arith.constant 0 : index
        %get3A_1785 = tpu.vector_load %arg8[%get3A_1783, %get3A_1784] {strides = array<i32>} : memref<2400x16xf32, #tpu.memory_space<vmem>>, vector<16xf32>,
        %mul3A_1786 = arith.constant 1.000000e+09 : f32
        %mul3A_1787 = vector.broadcast %mul3A_1786 : f32 to vector<16xf32>
        %mul3A_1788 = arith.mulf %get3A_1785, %mul3A_1787 : vector<16xf32>
        %add3A_1789 = arith.addf %mul3A_1780, %mul3A_1788 : vector<16xf32>
        %min3A_1790 = arith.minimumf %min3A_1755, %add3A_1789 : vector<16xf32>
        %add3A_1791 = arith.constant 592 : i32
        %add3A_1792 = arith.addi %add3A_1355, %add3A_1791 : i32
        %get3A_1793 = arith.index_cast %add3A_1792 : i32 to index
        %get3A_1794 = arith.constant 0 : index
        %get3A_1795 = tpu.vector_load %arg8[%get3A_1793, %get3A_1794] {strides = array<i32>} : memref<2400x16xf32, #tpu.memory_space<vmem>>, vector<16xf32>,
        %mul3A_1796 = arith.constant 1.000000e+09 : f32
        %mul3A_1797 = vector.broadcast %mul3A_1796 : f32 to vector<16xf32>
        %mul3A_1798 = arith.mulf %get3A_1795, %mul3A_1797 : vector<16xf32>
        %add3A_1799 = arith.addf %mul3A_1780, %mul3A_1798 : vector<16xf32>
        %min3A_1800 = arith.minimumf %min3A_1765, %add3A_1799 : vector<16xf32>
        %add3A_1801 = arith.constant 608 : i32
        %add3A_1802 = arith.addi %add3A_1355, %add3A_1801 : i32
        %get3A_1803 = arith.index_cast %add3A_1802 : i32 to index
        %get3A_1804 = arith.constant 0 : index
        %get3A_1805 = tpu.vector_load %arg8[%get3A_1803, %get3A_1804] {strides = array<i32>} : memref<2400x16xf32, #tpu.memory_space<vmem>>, vector<16xf32>,
        %mul3A_1806 = arith.constant 1.000000e+09 : f32
        %mul3A_1807 = vector.broadcast %mul3A_1806 : f32 to vector<16xf32>
        %mul3A_1808 = arith.mulf %get3A_1805, %mul3A_1807 : vector<16xf32>
        %add3A_1809 = arith.addf %mul3A_1780, %mul3A_1808 : vector<16xf32>
        %min3A_1810 = arith.minimumf %min3A_1775, %add3A_1809 : vector<16xf32>
        %mul3A_1811 = arith.constant 1.300000e+01 : f32
        %mul3A_1812 = vector.broadcast %mul3A_1811 : f32 to vector<16xf32>
        %mul3A_1813 = arith.mulf %mul3A_1812, %get3A_29 : vector<16xf32>
        %sub3A_1814 = arith.subf %gather3A_1330, %mul3A_1813 : vector<16xf32>
        %mul3A_1815 = arith.mulf %sub3A_1814, %sub3A_1814 : vector<16xf32>
        %add3A_1816 = arith.constant 624 : i32
        %add3A_1817 = arith.addi %add3A_1355, %add3A_1816 : i32
        %get3A_1818 = arith.index_cast %add3A_1817 : i32 to index
        %get3A_1819 = arith.constant 0 : index
        %get3A_1820 = tpu.vector_load %arg8[%get3A_1818, %get3A_1819] {strides = array<i32>} : memref<2400x16xf32, #tpu.memory_space<vmem>>, vector<16xf32>,
        %mul3A_1821 = arith.constant 1.000000e+09 : f32
        %mul3A_1822 = vector.broadcast %mul3A_1821 : f32 to vector<16xf32>
        %mul3A_1823 = arith.mulf %get3A_1820, %mul3A_1822 : vector<16xf32>
        %add3A_1824 = arith.addf %mul3A_1815, %mul3A_1823 : vector<16xf32>
        %min3A_1825 = arith.minimumf %min3A_1790, %add3A_1824 : vector<16xf32>
        %add3A_1826 = arith.constant 640 : i32
        %add3A_1827 = arith.addi %add3A_1355, %add3A_1826 : i32
        %get3A_1828 = arith.index_cast %add3A_1827 : i32 to index
        %get3A_1829 = arith.constant 0 : index
        %get3A_1830 = tpu.vector_load %arg8[%get3A_1828, %get3A_1829] {strides = array<i32>} : memref<2400x16xf32, #tpu.memory_space<vmem>>, vector<16xf32>,
        %mul3A_1831 = arith.constant 1.000000e+09 : f32
        %mul3A_1832 = vector.broadcast %mul3A_1831 : f32 to vector<16xf32>
        %mul3A_1833 = arith.mulf %get3A_1830, %mul3A_1832 : vector<16xf32>
        %add3A_1834 = arith.addf %mul3A_1815, %mul3A_1833 : vector<16xf32>
        %min3A_1835 = arith.minimumf %min3A_1800, %add3A_1834 : vector<16xf32>
        %add3A_1836 = arith.constant 656 : i32
        %add3A_1837 = arith.addi %add3A_1355, %add3A_1836 : i32
        %get3A_1838 = arith.index_cast %add3A_1837 : i32 to index
        %get3A_1839 = arith.constant 0 : index
        %get3A_1840 = tpu.vector_load %arg8[%get3A_1838, %get3A_1839] {strides = array<i32>} : memref<2400x16xf32, #tpu.memory_space<vmem>>, vector<16xf32>,
        %mul3A_1841 = arith.constant 1.000000e+09 : f32
        %mul3A_1842 = vector.broadcast %mul3A_1841 : f32 to vector<16xf32>
        %mul3A_1843 = arith.mulf %get3A_1840, %mul3A_1842 : vector<16xf32>
        %add3A_1844 = arith.addf %mul3A_1815, %mul3A_1843 : vector<16xf32>
        %min3A_1845 = arith.minimumf %min3A_1810, %add3A_1844 : vector<16xf32>
        %mul3A_1846 = arith.constant 1.400000e+01 : f32
        %mul3A_1847 = vector.broadcast %mul3A_1846 : f32 to vector<16xf32>
        %mul3A_1848 = arith.mulf %mul3A_1847, %get3A_29 : vector<16xf32>
        %sub3A_1849 = arith.subf %gather3A_1330, %mul3A_1848 : vector<16xf32>
        %mul3A_1850 = arith.mulf %sub3A_1849, %sub3A_1849 : vector<16xf32>
        %add3A_1851 = arith.constant 672 : i32
        %add3A_1852 = arith.addi %add3A_1355, %add3A_1851 : i32
        %get3A_1853 = arith.index_cast %add3A_1852 : i32 to index
        %get3A_1854 = arith.constant 0 : index
        %get3A_1855 = tpu.vector_load %arg8[%get3A_1853, %get3A_1854] {strides = array<i32>} : memref<2400x16xf32, #tpu.memory_space<vmem>>, vector<16xf32>,
        %mul3A_1856 = arith.constant 1.000000e+09 : f32
        %mul3A_1857 = vector.broadcast %mul3A_1856 : f32 to vector<16xf32>
        %mul3A_1858 = arith.mulf %get3A_1855, %mul3A_1857 : vector<16xf32>
        %add3A_1859 = arith.addf %mul3A_1850, %mul3A_1858 : vector<16xf32>
        %min3A_1860 = arith.minimumf %min3A_1825, %add3A_1859 : vector<16xf32>
        %add3A_1861 = arith.constant 688 : i32
        %add3A_1862 = arith.addi %add3A_1355, %add3A_1861 : i32
        %get3A_1863 = arith.index_cast %add3A_1862 : i32 to index
        %get3A_1864 = arith.constant 0 : index
        %get3A_1865 = tpu.vector_load %arg8[%get3A_1863, %get3A_1864] {strides = array<i32>} : memref<2400x16xf32, #tpu.memory_space<vmem>>, vector<16xf32>,
        %mul3A_1866 = arith.constant 1.000000e+09 : f32
        %mul3A_1867 = vector.broadcast %mul3A_1866 : f32 to vector<16xf32>
        %mul3A_1868 = arith.mulf %get3A_1865, %mul3A_1867 : vector<16xf32>
        %add3A_1869 = arith.addf %mul3A_1850, %mul3A_1868 : vector<16xf32>
        %min3A_1870 = arith.minimumf %min3A_1835, %add3A_1869 : vector<16xf32>
        %add3A_1871 = arith.constant 704 : i32
        %add3A_1872 = arith.addi %add3A_1355, %add3A_1871 : i32
        %get3A_1873 = arith.index_cast %add3A_1872 : i32 to index
        %get3A_1874 = arith.constant 0 : index
        %get3A_1875 = tpu.vector_load %arg8[%get3A_1873, %get3A_1874] {strides = array<i32>} : memref<2400x16xf32, #tpu.memory_space<vmem>>, vector<16xf32>,
        %mul3A_1876 = arith.constant 1.000000e+09 : f32
        %mul3A_1877 = vector.broadcast %mul3A_1876 : f32 to vector<16xf32>
        %mul3A_1878 = arith.mulf %get3A_1875, %mul3A_1877 : vector<16xf32>
        %add3A_1879 = arith.addf %mul3A_1850, %mul3A_1878 : vector<16xf32>
        %min3A_1880 = arith.minimumf %min3A_1845, %add3A_1879 : vector<16xf32>
        %mul3A_1881 = arith.constant 1.500000e+01 : f32
        %mul3A_1882 = vector.broadcast %mul3A_1881 : f32 to vector<16xf32>
        %mul3A_1883 = arith.mulf %mul3A_1882, %get3A_29 : vector<16xf32>
        %sub3A_1884 = arith.subf %gather3A_1330, %mul3A_1883 : vector<16xf32>
        %mul3A_1885 = arith.mulf %sub3A_1884, %sub3A_1884 : vector<16xf32>
        %add3A_1886 = arith.constant 720 : i32
        %add3A_1887 = arith.addi %add3A_1355, %add3A_1886 : i32
        %get3A_1888 = arith.index_cast %add3A_1887 : i32 to index
        %get3A_1889 = arith.constant 0 : index
        %get3A_1890 = tpu.vector_load %arg8[%get3A_1888, %get3A_1889] {strides = array<i32>} : memref<2400x16xf32, #tpu.memory_space<vmem>>, vector<16xf32>,
        %mul3A_1891 = arith.constant 1.000000e+09 : f32
        %mul3A_1892 = vector.broadcast %mul3A_1891 : f32 to vector<16xf32>
        %mul3A_1893 = arith.mulf %get3A_1890, %mul3A_1892 : vector<16xf32>
        %add3A_1894 = arith.addf %mul3A_1885, %mul3A_1893 : vector<16xf32>
        %min3A_1895 = arith.minimumf %min3A_1860, %add3A_1894 : vector<16xf32>
        %add3A_1896 = arith.constant 736 : i32
        %add3A_1897 = arith.addi %add3A_1355, %add3A_1896 : i32
        %get3A_1898 = arith.index_cast %add3A_1897 : i32 to index
        %get3A_1899 = arith.constant 0 : index
        %get3A_1900 = tpu.vector_load %arg8[%get3A_1898, %get3A_1899] {strides = array<i32>} : memref<2400x16xf32, #tpu.memory_space<vmem>>, vector<16xf32>,
        %mul3A_1901 = arith.constant 1.000000e+09 : f32
        %mul3A_1902 = vector.broadcast %mul3A_1901 : f32 to vector<16xf32>
        %mul3A_1903 = arith.mulf %get3A_1900, %mul3A_1902 : vector<16xf32>
        %add3A_1904 = arith.addf %mul3A_1885, %mul3A_1903 : vector<16xf32>
        %min3A_1905 = arith.minimumf %min3A_1870, %add3A_1904 : vector<16xf32>
        %add3A_1906 = arith.constant 752 : i32
        %add3A_1907 = arith.addi %add3A_1355, %add3A_1906 : i32
        %get3A_1908 = arith.index_cast %add3A_1907 : i32 to index
        %get3A_1909 = arith.constant 0 : index
        %get3A_1910 = tpu.vector_load %arg8[%get3A_1908, %get3A_1909] {strides = array<i32>} : memref<2400x16xf32, #tpu.memory_space<vmem>>, vector<16xf32>,
        %mul3A_1911 = arith.constant 1.000000e+09 : f32
        %mul3A_1912 = vector.broadcast %mul3A_1911 : f32 to vector<16xf32>
        %mul3A_1913 = arith.mulf %get3A_1910, %mul3A_1912 : vector<16xf32>
        %add3A_1914 = arith.addf %mul3A_1885, %mul3A_1913 : vector<16xf32>
        %min3A_1915 = arith.minimumf %min3A_1880, %add3A_1914 : vector<16xf32>
        %mul3A_1916 = arith.constant 1.600000e+01 : f32
        %mul3A_1917 = vector.broadcast %mul3A_1916 : f32 to vector<16xf32>
        %mul3A_1918 = arith.mulf %mul3A_1917, %get3A_29 : vector<16xf32>
        %sub3A_1919 = arith.subf %gather3A_1330, %mul3A_1918 : vector<16xf32>
        %mul3A_1920 = arith.mulf %sub3A_1919, %sub3A_1919 : vector<16xf32>
        %add3A_1921 = arith.constant 768 : i32
        %add3A_1922 = arith.addi %add3A_1355, %add3A_1921 : i32
        %get3A_1923 = arith.index_cast %add3A_1922 : i32 to index
        %get3A_1924 = arith.constant 0 : index
        %get3A_1925 = tpu.vector_load %arg8[%get3A_1923, %get3A_1924] {strides = array<i32>} : memref<2400x16xf32, #tpu.memory_space<vmem>>, vector<16xf32>,
        %mul3A_1926 = arith.constant 1.000000e+09 : f32
        %mul3A_1927 = vector.broadcast %mul3A_1926 : f32 to vector<16xf32>
        %mul3A_1928 = arith.mulf %get3A_1925, %mul3A_1927 : vector<16xf32>
        %add3A_1929 = arith.addf %mul3A_1920, %mul3A_1928 : vector<16xf32>
        %min3A_1930 = arith.minimumf %min3A_1895, %add3A_1929 : vector<16xf32>
        %add3A_1931 = arith.constant 784 : i32
        %add3A_1932 = arith.addi %add3A_1355, %add3A_1931 : i32
        %get3A_1933 = arith.index_cast %add3A_1932 : i32 to index
        %get3A_1934 = arith.constant 0 : index
        %get3A_1935 = tpu.vector_load %arg8[%get3A_1933, %get3A_1934] {strides = array<i32>} : memref<2400x16xf32, #tpu.memory_space<vmem>>, vector<16xf32>,
        %mul3A_1936 = arith.constant 1.000000e+09 : f32
        %mul3A_1937 = vector.broadcast %mul3A_1936 : f32 to vector<16xf32>
        %mul3A_1938 = arith.mulf %get3A_1935, %mul3A_1937 : vector<16xf32>
        %add3A_1939 = arith.addf %mul3A_1920, %mul3A_1938 : vector<16xf32>
        %min3A_1940 = arith.minimumf %min3A_1905, %add3A_1939 : vector<16xf32>
        %add3A_1941 = arith.constant 800 : i32
        %add3A_1942 = arith.addi %add3A_1355, %add3A_1941 : i32
        %get3A_1943 = arith.index_cast %add3A_1942 : i32 to index
        %get3A_1944 = arith.constant 0 : index
        %get3A_1945 = tpu.vector_load %arg8[%get3A_1943, %get3A_1944] {strides = array<i32>} : memref<2400x16xf32, #tpu.memory_space<vmem>>, vector<16xf32>,
        %mul3A_1946 = arith.constant 1.000000e+09 : f32
        %mul3A_1947 = vector.broadcast %mul3A_1946 : f32 to vector<16xf32>
        %mul3A_1948 = arith.mulf %get3A_1945, %mul3A_1947 : vector<16xf32>
        %add3A_1949 = arith.addf %mul3A_1920, %mul3A_1948 : vector<16xf32>
        %min3A_1950 = arith.minimumf %min3A_1915, %add3A_1949 : vector<16xf32>
        %mul3A_1951 = arith.constant 1.700000e+01 : f32
        %mul3A_1952 = vector.broadcast %mul3A_1951 : f32 to vector<16xf32>
        %mul3A_1953 = arith.mulf %mul3A_1952, %get3A_29 : vector<16xf32>
        %sub3A_1954 = arith.subf %gather3A_1330, %mul3A_1953 : vector<16xf32>
        %mul3A_1955 = arith.mulf %sub3A_1954, %sub3A_1954 : vector<16xf32>
        %add3A_1956 = arith.constant 816 : i32
        %add3A_1957 = arith.addi %add3A_1355, %add3A_1956 : i32
        %get3A_1958 = arith.index_cast %add3A_1957 : i32 to index
        %get3A_1959 = arith.constant 0 : index
        %get3A_1960 = tpu.vector_load %arg8[%get3A_1958, %get3A_1959] {strides = array<i32>} : memref<2400x16xf32, #tpu.memory_space<vmem>>, vector<16xf32>,
        %mul3A_1961 = arith.constant 1.000000e+09 : f32
        %mul3A_1962 = vector.broadcast %mul3A_1961 : f32 to vector<16xf32>
        %mul3A_1963 = arith.mulf %get3A_1960, %mul3A_1962 : vector<16xf32>
        %add3A_1964 = arith.addf %mul3A_1955, %mul3A_1963 : vector<16xf32>
        %min3A_1965 = arith.minimumf %min3A_1930, %add3A_1964 : vector<16xf32>
        %add3A_1966 = arith.constant 832 : i32
        %add3A_1967 = arith.addi %add3A_1355, %add3A_1966 : i32
        %get3A_1968 = arith.index_cast %add3A_1967 : i32 to index
        %get3A_1969 = arith.constant 0 : index
        %get3A_1970 = tpu.vector_load %arg8[%get3A_1968, %get3A_1969] {strides = array<i32>} : memref<2400x16xf32, #tpu.memory_space<vmem>>, vector<16xf32>,
        %mul3A_1971 = arith.constant 1.000000e+09 : f32
        %mul3A_1972 = vector.broadcast %mul3A_1971 : f32 to vector<16xf32>
        %mul3A_1973 = arith.mulf %get3A_1970, %mul3A_1972 : vector<16xf32>
        %add3A_1974 = arith.addf %mul3A_1955, %mul3A_1973 : vector<16xf32>
        %min3A_1975 = arith.minimumf %min3A_1940, %add3A_1974 : vector<16xf32>
        %add3A_1976 = arith.constant 848 : i32
        %add3A_1977 = arith.addi %add3A_1355, %add3A_1976 : i32
        %get3A_1978 = arith.index_cast %add3A_1977 : i32 to index
        %get3A_1979 = arith.constant 0 : index
        %get3A_1980 = tpu.vector_load %arg8[%get3A_1978, %get3A_1979] {strides = array<i32>} : memref<2400x16xf32, #tpu.memory_space<vmem>>, vector<16xf32>,
        %mul3A_1981 = arith.constant 1.000000e+09 : f32
        %mul3A_1982 = vector.broadcast %mul3A_1981 : f32 to vector<16xf32>
        %mul3A_1983 = arith.mulf %get3A_1980, %mul3A_1982 : vector<16xf32>
        %add3A_1984 = arith.addf %mul3A_1955, %mul3A_1983 : vector<16xf32>
        %min3A_1985 = arith.minimumf %min3A_1950, %add3A_1984 : vector<16xf32>
        %mul3A_1986 = arith.constant 1.800000e+01 : f32
        %mul3A_1987 = vector.broadcast %mul3A_1986 : f32 to vector<16xf32>
        %mul3A_1988 = arith.mulf %mul3A_1987, %get3A_29 : vector<16xf32>
        %sub3A_1989 = arith.subf %gather3A_1330, %mul3A_1988 : vector<16xf32>
        %mul3A_1990 = arith.mulf %sub3A_1989, %sub3A_1989 : vector<16xf32>
        %add3A_1991 = arith.constant 864 : i32
        %add3A_1992 = arith.addi %add3A_1355, %add3A_1991 : i32
        %get3A_1993 = arith.index_cast %add3A_1992 : i32 to index
        %get3A_1994 = arith.constant 0 : index
        %get3A_1995 = tpu.vector_load %arg8[%get3A_1993, %get3A_1994] {strides = array<i32>} : memref<2400x16xf32, #tpu.memory_space<vmem>>, vector<16xf32>,
        %mul3A_1996 = arith.constant 1.000000e+09 : f32
        %mul3A_1997 = vector.broadcast %mul3A_1996 : f32 to vector<16xf32>
        %mul3A_1998 = arith.mulf %get3A_1995, %mul3A_1997 : vector<16xf32>
        %add3A_1999 = arith.addf %mul3A_1990, %mul3A_1998 : vector<16xf32>
        %min3A_2000 = arith.minimumf %min3A_1965, %add3A_1999 : vector<16xf32>
        %add3A_2001 = arith.constant 880 : i32
        %add3A_2002 = arith.addi %add3A_1355, %add3A_2001 : i32
        %get3A_2003 = arith.index_cast %add3A_2002 : i32 to index
        %get3A_2004 = arith.constant 0 : index
        %get3A_2005 = tpu.vector_load %arg8[%get3A_2003, %get3A_2004] {strides = array<i32>} : memref<2400x16xf32, #tpu.memory_space<vmem>>, vector<16xf32>,
        %mul3A_2006 = arith.constant 1.000000e+09 : f32
        %mul3A_2007 = vector.broadcast %mul3A_2006 : f32 to vector<16xf32>
        %mul3A_2008 = arith.mulf %get3A_2005, %mul3A_2007 : vector<16xf32>
        %add3A_2009 = arith.addf %mul3A_1990, %mul3A_2008 : vector<16xf32>
        %min3A_2010 = arith.minimumf %min3A_1975, %add3A_2009 : vector<16xf32>
        %add3A_2011 = arith.constant 896 : i32
        %add3A_2012 = arith.addi %add3A_1355, %add3A_2011 : i32
        %get3A_2013 = arith.index_cast %add3A_2012 : i32 to index
        %get3A_2014 = arith.constant 0 : index
        %get3A_2015 = tpu.vector_load %arg8[%get3A_2013, %get3A_2014] {strides = array<i32>} : memref<2400x16xf32, #tpu.memory_space<vmem>>, vector<16xf32>,
        %mul3A_2016 = arith.constant 1.000000e+09 : f32
        %mul3A_2017 = vector.broadcast %mul3A_2016 : f32 to vector<16xf32>
        %mul3A_2018 = arith.mulf %get3A_2015, %mul3A_2017 : vector<16xf32>
        %add3A_2019 = arith.addf %mul3A_1990, %mul3A_2018 : vector<16xf32>
        %min3A_2020 = arith.minimumf %min3A_1985, %add3A_2019 : vector<16xf32>
        %mul3A_2021 = arith.constant 1.900000e+01 : f32
        %mul3A_2022 = vector.broadcast %mul3A_2021 : f32 to vector<16xf32>
        %mul3A_2023 = arith.mulf %mul3A_2022, %get3A_29 : vector<16xf32>
        %sub3A_2024 = arith.subf %gather3A_1330, %mul3A_2023 : vector<16xf32>
        %mul3A_2025 = arith.mulf %sub3A_2024, %sub3A_2024 : vector<16xf32>
        %add3A_2026 = arith.constant 912 : i32
        %add3A_2027 = arith.addi %add3A_1355, %add3A_2026 : i32
        %get3A_2028 = arith.index_cast %add3A_2027 : i32 to index
        %get3A_2029 = arith.constant 0 : index
        %get3A_2030 = tpu.vector_load %arg8[%get3A_2028, %get3A_2029] {strides = array<i32>} : memref<2400x16xf32, #tpu.memory_space<vmem>>, vector<16xf32>,
        %mul3A_2031 = arith.constant 1.000000e+09 : f32
        %mul3A_2032 = vector.broadcast %mul3A_2031 : f32 to vector<16xf32>
        %mul3A_2033 = arith.mulf %get3A_2030, %mul3A_2032 : vector<16xf32>
        %add3A_2034 = arith.addf %mul3A_2025, %mul3A_2033 : vector<16xf32>
        %min3A_2035 = arith.minimumf %min3A_2000, %add3A_2034 : vector<16xf32>
        %add3A_2036 = arith.constant 928 : i32
        %add3A_2037 = arith.addi %add3A_1355, %add3A_2036 : i32
        %get3A_2038 = arith.index_cast %add3A_2037 : i32 to index
        %get3A_2039 = arith.constant 0 : index
        %get3A_2040 = tpu.vector_load %arg8[%get3A_2038, %get3A_2039] {strides = array<i32>} : memref<2400x16xf32, #tpu.memory_space<vmem>>, vector<16xf32>,
        %mul3A_2041 = arith.constant 1.000000e+09 : f32
        %mul3A_2042 = vector.broadcast %mul3A_2041 : f32 to vector<16xf32>
        %mul3A_2043 = arith.mulf %get3A_2040, %mul3A_2042 : vector<16xf32>
        %add3A_2044 = arith.addf %mul3A_2025, %mul3A_2043 : vector<16xf32>
        %min3A_2045 = arith.minimumf %min3A_2010, %add3A_2044 : vector<16xf32>
        %add3A_2046 = arith.constant 944 : i32
        %add3A_2047 = arith.addi %add3A_1355, %add3A_2046 : i32
        %get3A_2048 = arith.index_cast %add3A_2047 : i32 to index
        %get3A_2049 = arith.constant 0 : index
        %get3A_2050 = tpu.vector_load %arg8[%get3A_2048, %get3A_2049] {strides = array<i32>} : memref<2400x16xf32, #tpu.memory_space<vmem>>, vector<16xf32>,
        %mul3A_2051 = arith.constant 1.000000e+09 : f32
        %mul3A_2052 = vector.broadcast %mul3A_2051 : f32 to vector<16xf32>
        %mul3A_2053 = arith.mulf %get3A_2050, %mul3A_2052 : vector<16xf32>
        %add3A_2054 = arith.addf %mul3A_2025, %mul3A_2053 : vector<16xf32>
        %min3A_2055 = arith.minimumf %min3A_2020, %add3A_2054 : vector<16xf32>
        %mul3A_2056 = arith.constant 2.000000e+01 : f32
        %mul3A_2057 = vector.broadcast %mul3A_2056 : f32 to vector<16xf32>
        %mul3A_2058 = arith.mulf %mul3A_2057, %get3A_29 : vector<16xf32>
        %sub3A_2059 = arith.subf %gather3A_1330, %mul3A_2058 : vector<16xf32>
        %mul3A_2060 = arith.mulf %sub3A_2059, %sub3A_2059 : vector<16xf32>
        %add3A_2061 = arith.constant 960 : i32
        %add3A_2062 = arith.addi %add3A_1355, %add3A_2061 : i32
        %get3A_2063 = arith.index_cast %add3A_2062 : i32 to index
        %get3A_2064 = arith.constant 0 : index
        %get3A_2065 = tpu.vector_load %arg8[%get3A_2063, %get3A_2064] {strides = array<i32>} : memref<2400x16xf32, #tpu.memory_space<vmem>>, vector<16xf32>,
        %mul3A_2066 = arith.constant 1.000000e+09 : f32
        %mul3A_2067 = vector.broadcast %mul3A_2066 : f32 to vector<16xf32>
        %mul3A_2068 = arith.mulf %get3A_2065, %mul3A_2067 : vector<16xf32>
        %add3A_2069 = arith.addf %mul3A_2060, %mul3A_2068 : vector<16xf32>
        %min3A_2070 = arith.minimumf %min3A_2035, %add3A_2069 : vector<16xf32>
        %add3A_2071 = arith.constant 976 : i32
        %add3A_2072 = arith.addi %add3A_1355, %add3A_2071 : i32
        %get3A_2073 = arith.index_cast %add3A_2072 : i32 to index
        %get3A_2074 = arith.constant 0 : index
        %get3A_2075 = tpu.vector_load %arg8[%get3A_2073, %get3A_2074] {strides = array<i32>} : memref<2400x16xf32, #tpu.memory_space<vmem>>, vector<16xf32>,
        %mul3A_2076 = arith.constant 1.000000e+09 : f32
        %mul3A_2077 = vector.broadcast %mul3A_2076 : f32 to vector<16xf32>
        %mul3A_2078 = arith.mulf %get3A_2075, %mul3A_2077 : vector<16xf32>
        %add3A_2079 = arith.addf %mul3A_2060, %mul3A_2078 : vector<16xf32>
        %min3A_2080 = arith.minimumf %min3A_2045, %add3A_2079 : vector<16xf32>
        %add3A_2081 = arith.constant 992 : i32
        %add3A_2082 = arith.addi %add3A_1355, %add3A_2081 : i32
        %get3A_2083 = arith.index_cast %add3A_2082 : i32 to index
        %get3A_2084 = arith.constant 0 : index
        %get3A_2085 = tpu.vector_load %arg8[%get3A_2083, %get3A_2084] {strides = array<i32>} : memref<2400x16xf32, #tpu.memory_space<vmem>>, vector<16xf32>,
        %mul3A_2086 = arith.constant 1.000000e+09 : f32
        %mul3A_2087 = vector.broadcast %mul3A_2086 : f32 to vector<16xf32>
        %mul3A_2088 = arith.mulf %get3A_2085, %mul3A_2087 : vector<16xf32>
        %add3A_2089 = arith.addf %mul3A_2060, %mul3A_2088 : vector<16xf32>
        %min3A_2090 = arith.minimumf %min3A_2055, %add3A_2089 : vector<16xf32>
        %mul3A_2091 = arith.constant 2.100000e+01 : f32
        %mul3A_2092 = vector.broadcast %mul3A_2091 : f32 to vector<16xf32>
        %mul3A_2093 = arith.mulf %mul3A_2092, %get3A_29 : vector<16xf32>
        %sub3A_2094 = arith.subf %gather3A_1330, %mul3A_2093 : vector<16xf32>
        %mul3A_2095 = arith.mulf %sub3A_2094, %sub3A_2094 : vector<16xf32>
        %add3A_2096 = arith.constant 1008 : i32
        %add3A_2097 = arith.addi %add3A_1355, %add3A_2096 : i32
        %get3A_2098 = arith.index_cast %add3A_2097 : i32 to index
        %get3A_2099 = arith.constant 0 : index
        %get3A_2100 = tpu.vector_load %arg8[%get3A_2098, %get3A_2099] {strides = array<i32>} : memref<2400x16xf32, #tpu.memory_space<vmem>>, vector<16xf32>,
        %mul3A_2101 = arith.constant 1.000000e+09 : f32
        %mul3A_2102 = vector.broadcast %mul3A_2101 : f32 to vector<16xf32>
        %mul3A_2103 = arith.mulf %get3A_2100, %mul3A_2102 : vector<16xf32>
        %add3A_2104 = arith.addf %mul3A_2095, %mul3A_2103 : vector<16xf32>
        %min3A_2105 = arith.minimumf %min3A_2070, %add3A_2104 : vector<16xf32>
        %add3A_2106 = arith.constant 1024 : i32
        %add3A_2107 = arith.addi %add3A_1355, %add3A_2106 : i32
        %get3A_2108 = arith.index_cast %add3A_2107 : i32 to index
        %get3A_2109 = arith.constant 0 : index
        %get3A_2110 = tpu.vector_load %arg8[%get3A_2108, %get3A_2109] {strides = array<i32>} : memref<2400x16xf32, #tpu.memory_space<vmem>>, vector<16xf32>,
        %mul3A_2111 = arith.constant 1.000000e+09 : f32
        %mul3A_2112 = vector.broadcast %mul3A_2111 : f32 to vector<16xf32>
        %mul3A_2113 = arith.mulf %get3A_2110, %mul3A_2112 : vector<16xf32>
        %add3A_2114 = arith.addf %mul3A_2095, %mul3A_2113 : vector<16xf32>
        %min3A_2115 = arith.minimumf %min3A_2080, %add3A_2114 : vector<16xf32>
        %add3A_2116 = arith.constant 1040 : i32
        %add3A_2117 = arith.addi %add3A_1355, %add3A_2116 : i32
        %get3A_2118 = arith.index_cast %add3A_2117 : i32 to index
        %get3A_2119 = arith.constant 0 : index
        %get3A_2120 = tpu.vector_load %arg8[%get3A_2118, %get3A_2119] {strides = array<i32>} : memref<2400x16xf32, #tpu.memory_space<vmem>>, vector<16xf32>,
        %mul3A_2121 = arith.constant 1.000000e+09 : f32
        %mul3A_2122 = vector.broadcast %mul3A_2121 : f32 to vector<16xf32>
        %mul3A_2123 = arith.mulf %get3A_2120, %mul3A_2122 : vector<16xf32>
        %add3A_2124 = arith.addf %mul3A_2095, %mul3A_2123 : vector<16xf32>
        %min3A_2125 = arith.minimumf %min3A_2090, %add3A_2124 : vector<16xf32>
        %mul3A_2126 = arith.constant 2.200000e+01 : f32
        %mul3A_2127 = vector.broadcast %mul3A_2126 : f32 to vector<16xf32>
        %mul3A_2128 = arith.mulf %mul3A_2127, %get3A_29 : vector<16xf32>
        %sub3A_2129 = arith.subf %gather3A_1330, %mul3A_2128 : vector<16xf32>
        %mul3A_2130 = arith.mulf %sub3A_2129, %sub3A_2129 : vector<16xf32>
        %add3A_2131 = arith.constant 1056 : i32
        %add3A_2132 = arith.addi %add3A_1355, %add3A_2131 : i32
        %get3A_2133 = arith.index_cast %add3A_2132 : i32 to index
        %get3A_2134 = arith.constant 0 : index
        %get3A_2135 = tpu.vector_load %arg8[%get3A_2133, %get3A_2134] {strides = array<i32>} : memref<2400x16xf32, #tpu.memory_space<vmem>>, vector<16xf32>,
        %mul3A_2136 = arith.constant 1.000000e+09 : f32
        %mul3A_2137 = vector.broadcast %mul3A_2136 : f32 to vector<16xf32>
        %mul3A_2138 = arith.mulf %get3A_2135, %mul3A_2137 : vector<16xf32>
        %add3A_2139 = arith.addf %mul3A_2130, %mul3A_2138 : vector<16xf32>
        %min3A_2140 = arith.minimumf %min3A_2105, %add3A_2139 : vector<16xf32>
        %add3A_2141 = arith.constant 1072 : i32
        %add3A_2142 = arith.addi %add3A_1355, %add3A_2141 : i32
        %get3A_2143 = arith.index_cast %add3A_2142 : i32 to index
        %get3A_2144 = arith.constant 0 : index
        %get3A_2145 = tpu.vector_load %arg8[%get3A_2143, %get3A_2144] {strides = array<i32>} : memref<2400x16xf32, #tpu.memory_space<vmem>>, vector<16xf32>,
        %mul3A_2146 = arith.constant 1.000000e+09 : f32
        %mul3A_2147 = vector.broadcast %mul3A_2146 : f32 to vector<16xf32>
        %mul3A_2148 = arith.mulf %get3A_2145, %mul3A_2147 : vector<16xf32>
        %add3A_2149 = arith.addf %mul3A_2130, %mul3A_2148 : vector<16xf32>
        %min3A_2150 = arith.minimumf %min3A_2115, %add3A_2149 : vector<16xf32>
        %add3A_2151 = arith.constant 1088 : i32
        %add3A_2152 = arith.addi %add3A_1355, %add3A_2151 : i32
        %get3A_2153 = arith.index_cast %add3A_2152 : i32 to index
        %get3A_2154 = arith.constant 0 : index
        %get3A_2155 = tpu.vector_load %arg8[%get3A_2153, %get3A_2154] {strides = array<i32>} : memref<2400x16xf32, #tpu.memory_space<vmem>>, vector<16xf32>,
        %mul3A_2156 = arith.constant 1.000000e+09 : f32
        %mul3A_2157 = vector.broadcast %mul3A_2156 : f32 to vector<16xf32>
        %mul3A_2158 = arith.mulf %get3A_2155, %mul3A_2157 : vector<16xf32>
        %add3A_2159 = arith.addf %mul3A_2130, %mul3A_2158 : vector<16xf32>
        %min3A_2160 = arith.minimumf %min3A_2125, %add3A_2159 : vector<16xf32>
        %mul3A_2161 = arith.constant 2.300000e+01 : f32
        %mul3A_2162 = vector.broadcast %mul3A_2161 : f32 to vector<16xf32>
        %mul3A_2163 = arith.mulf %mul3A_2162, %get3A_29 : vector<16xf32>
        %sub3A_2164 = arith.subf %gather3A_1330, %mul3A_2163 : vector<16xf32>
        %mul3A_2165 = arith.mulf %sub3A_2164, %sub3A_2164 : vector<16xf32>
        %add3A_2166 = arith.constant 1104 : i32
        %add3A_2167 = arith.addi %add3A_1355, %add3A_2166 : i32
        %get3A_2168 = arith.index_cast %add3A_2167 : i32 to index
        %get3A_2169 = arith.constant 0 : index
        %get3A_2170 = tpu.vector_load %arg8[%get3A_2168, %get3A_2169] {strides = array<i32>} : memref<2400x16xf32, #tpu.memory_space<vmem>>, vector<16xf32>,
        %mul3A_2171 = arith.constant 1.000000e+09 : f32
        %mul3A_2172 = vector.broadcast %mul3A_2171 : f32 to vector<16xf32>
        %mul3A_2173 = arith.mulf %get3A_2170, %mul3A_2172 : vector<16xf32>
        %add3A_2174 = arith.addf %mul3A_2165, %mul3A_2173 : vector<16xf32>
        %min3A_2175 = arith.minimumf %min3A_2140, %add3A_2174 : vector<16xf32>
        %add3A_2176 = arith.constant 1120 : i32
        %add3A_2177 = arith.addi %add3A_1355, %add3A_2176 : i32
        %get3A_2178 = arith.index_cast %add3A_2177 : i32 to index
        %get3A_2179 = arith.constant 0 : index
        %get3A_2180 = tpu.vector_load %arg8[%get3A_2178, %get3A_2179] {strides = array<i32>} : memref<2400x16xf32, #tpu.memory_space<vmem>>, vector<16xf32>,
        %mul3A_2181 = arith.constant 1.000000e+09 : f32
        %mul3A_2182 = vector.broadcast %mul3A_2181 : f32 to vector<16xf32>
        %mul3A_2183 = arith.mulf %get3A_2180, %mul3A_2182 : vector<16xf32>
        %add3A_2184 = arith.addf %mul3A_2165, %mul3A_2183 : vector<16xf32>
        %min3A_2185 = arith.minimumf %min3A_2150, %add3A_2184 : vector<16xf32>
        %add3A_2186 = arith.constant 1136 : i32
        %add3A_2187 = arith.addi %add3A_1355, %add3A_2186 : i32
        %get3A_2188 = arith.index_cast %add3A_2187 : i32 to index
        %get3A_2189 = arith.constant 0 : index
        %get3A_2190 = tpu.vector_load %arg8[%get3A_2188, %get3A_2189] {strides = array<i32>} : memref<2400x16xf32, #tpu.memory_space<vmem>>, vector<16xf32>,
        %mul3A_2191 = arith.constant 1.000000e+09 : f32
        %mul3A_2192 = vector.broadcast %mul3A_2191 : f32 to vector<16xf32>
        %mul3A_2193 = arith.mulf %get3A_2190, %mul3A_2192 : vector<16xf32>
        %add3A_2194 = arith.addf %mul3A_2165, %mul3A_2193 : vector<16xf32>
        %min3A_2195 = arith.minimumf %min3A_2160, %add3A_2194 : vector<16xf32>
        %mul3A_2196 = arith.constant 2.400000e+01 : f32
        %mul3A_2197 = vector.broadcast %mul3A_2196 : f32 to vector<16xf32>
        %mul3A_2198 = arith.mulf %mul3A_2197, %get3A_29 : vector<16xf32>
        %sub3A_2199 = arith.subf %gather3A_1330, %mul3A_2198 : vector<16xf32>
        %mul3A_2200 = arith.mulf %sub3A_2199, %sub3A_2199 : vector<16xf32>
        %add3A_2201 = arith.constant 1152 : i32
        %add3A_2202 = arith.addi %add3A_1355, %add3A_2201 : i32
        %get3A_2203 = arith.index_cast %add3A_2202 : i32 to index
        %get3A_2204 = arith.constant 0 : index
        %get3A_2205 = tpu.vector_load %arg8[%get3A_2203, %get3A_2204] {strides = array<i32>} : memref<2400x16xf32, #tpu.memory_space<vmem>>, vector<16xf32>,
        %mul3A_2206 = arith.constant 1.000000e+09 : f32
        %mul3A_2207 = vector.broadcast %mul3A_2206 : f32 to vector<16xf32>
        %mul3A_2208 = arith.mulf %get3A_2205, %mul3A_2207 : vector<16xf32>
        %add3A_2209 = arith.addf %mul3A_2200, %mul3A_2208 : vector<16xf32>
        %min3A_2210 = arith.minimumf %min3A_2175, %add3A_2209 : vector<16xf32>
        %add3A_2211 = arith.constant 1168 : i32
        %add3A_2212 = arith.addi %add3A_1355, %add3A_2211 : i32
        %get3A_2213 = arith.index_cast %add3A_2212 : i32 to index
        %get3A_2214 = arith.constant 0 : index
        %get3A_2215 = tpu.vector_load %arg8[%get3A_2213, %get3A_2214] {strides = array<i32>} : memref<2400x16xf32, #tpu.memory_space<vmem>>, vector<16xf32>,
        %mul3A_2216 = arith.constant 1.000000e+09 : f32
        %mul3A_2217 = vector.broadcast %mul3A_2216 : f32 to vector<16xf32>
        %mul3A_2218 = arith.mulf %get3A_2215, %mul3A_2217 : vector<16xf32>
        %add3A_2219 = arith.addf %mul3A_2200, %mul3A_2218 : vector<16xf32>
        %min3A_2220 = arith.minimumf %min3A_2185, %add3A_2219 : vector<16xf32>
        %add3A_2221 = arith.constant 1184 : i32
        %add3A_2222 = arith.addi %add3A_1355, %add3A_2221 : i32
        %get3A_2223 = arith.index_cast %add3A_2222 : i32 to index
        %get3A_2224 = arith.constant 0 : index
        %get3A_2225 = tpu.vector_load %arg8[%get3A_2223, %get3A_2224] {strides = array<i32>} : memref<2400x16xf32, #tpu.memory_space<vmem>>, vector<16xf32>,
        %mul3A_2226 = arith.constant 1.000000e+09 : f32
        %mul3A_2227 = vector.broadcast %mul3A_2226 : f32 to vector<16xf32>
        %mul3A_2228 = arith.mulf %get3A_2225, %mul3A_2227 : vector<16xf32>
        %add3A_2229 = arith.addf %mul3A_2200, %mul3A_2228 : vector<16xf32>
        %min3A_2230 = arith.minimumf %min3A_2195, %add3A_2229 : vector<16xf32>
        %add3A_2231 = arith.addf %mul3A_1336, %min3A_2210 : vector<16xf32>
        %add3A_2232 = arith.addf %mul3A_1342, %min3A_2220 : vector<16xf32>
        %min3A_2233 = arith.minimumf %add3A_2231, %add3A_2232 : vector<16xf32>
        %add3A_2234 = arith.addf %mul3A_1348, %min3A_2230 : vector<16xf32>
        %min3A_2235 = arith.minimumf %min3A_2233, %add3A_2234 : vector<16xf32>
        %reduce_min3A_2236 = arith.constant true
        %reduce_min3A_2237 = vector.broadcast %reduce_min3A_2236 : i1 to vector<16xi1>
        %reduce_min3A_2238 = tpu.scan <min>, %min3A_2235 masked %reduce_min3A_2237 : vector<16xf32>, vector<16xi1> -> vector<16xf32>
        %reduce_min3A_2239 = vector.extract %reduce_min3A_2238[15] : f32 from vector<16xf32>
        %eq3A_2240 = arith.cmpi eq, %iota3A, %broadcast_in_dim3A_1325 : vector<16xi32>
        %broadcast_in_dim3A_2241 = vector.broadcast %reduce_min3A_2239 : f32 to vector<16xf32>
        %select_n3A_2242 = arith.select %eq3A_2240, %broadcast_in_dim3A_2241, %select_n3A_1322 : vector<16xi1>, vector<16xf32>
        %scan3A_2243 = arith.constant 2 : i32
        %scan3A_2244 = arith.addi %scan3A_405, %scan3A_2243 : i32
        %broadcast_in_dim3A_2245 = vector.broadcast %scan3A_2244 : i32 to vector<16xi32>
        %gather3A_2246 = tpu.vector_load_idx %arg14[%broadcast_in_dim3A_2245] : memref<32xf32, #tpu.memory_space<vmem>>[vector<16xi32>], vector<16xf32>,
        %add3A_2247 = arith.constant 16 : i32
        %add3A_2248 = vector.broadcast %add3A_2247 : i32 to vector<16xi32>
        %add3A_2249 = arith.addi %broadcast_in_dim3A_2245, %add3A_2248 : vector<16xi32>
        %gather3A_2250 = tpu.vector_load_idx %arg14[%add3A_2249] : memref<32xf32, #tpu.memory_space<vmem>>[vector<16xi32>], vector<16xf32>,
        %add3A_2251 = arith.constant 0.000000e+00 : f32
        %add3A_2252 = vector.broadcast %add3A_2251 : f32 to vector<16xf32>
        %add3A_2253 = arith.addf %convert_element_type3A_352, %add3A_2252 : vector<16xf32>
        %mul3A_2254 = arith.mulf %add3A_2253, %get3A_29 : vector<16xf32>
        %sub3A_2255 = arith.subf %gather3A_2246, %mul3A_2254 : vector<16xf32>
        %mul3A_2256 = arith.mulf %sub3A_2255, %sub3A_2255 : vector<16xf32>
        %add3A_2257 = arith.constant 1.600000e+01 : f32
        %add3A_2258 = vector.broadcast %add3A_2257 : f32 to vector<16xf32>
        %add3A_2259 = arith.addf %convert_element_type3A_352, %add3A_2258 : vector<16xf32>
        %mul3A_2260 = arith.mulf %add3A_2259, %get3A_29 : vector<16xf32>
        %sub3A_2261 = arith.subf %gather3A_2246, %mul3A_2260 : vector<16xf32>
        %mul3A_2262 = arith.mulf %sub3A_2261, %sub3A_2261 : vector<16xf32>
        %add3A_2263 = arith.constant 3.200000e+01 : f32
        %add3A_2264 = vector.broadcast %add3A_2263 : f32 to vector<16xf32>
        %add3A_2265 = arith.addf %convert_element_type3A_352, %add3A_2264 : vector<16xf32>
        %mul3A_2266 = arith.mulf %add3A_2265, %get3A_29 : vector<16xf32>
        %sub3A_2267 = arith.subf %gather3A_2246, %mul3A_2266 : vector<16xf32>
        %mul3A_2268 = arith.mulf %sub3A_2267, %sub3A_2267 : vector<16xf32>
        %broadcast_in_dim3A_2269 = arith.constant 9.99999995E+11 : f32
        %broadcast_in_dim3A_2270 = vector.broadcast %broadcast_in_dim3A_2269 : f32 to vector<16xf32>
        %broadcast_in_dim3A_2271 = arith.constant 9.99999995E+11 : f32
        %broadcast_in_dim3A_2272 = vector.broadcast %broadcast_in_dim3A_2271 : f32 to vector<16xf32>
        %broadcast_in_dim3A_2273 = arith.constant 9.99999995E+11 : f32
        %broadcast_in_dim3A_2274 = vector.broadcast %broadcast_in_dim3A_2273 : f32 to vector<16xf32>
        %add3A_2275 = arith.addi %mul3A_351, %scan3A_2244 : i32
        %mul3A_2276 = arith.constant 0.000000e+00 : f32
        %mul3A_2277 = vector.broadcast %mul3A_2276 : f32 to vector<16xf32>
        %mul3A_2278 = arith.mulf %mul3A_2277, %get3A_29 : vector<16xf32>
        %sub3A_2279 = arith.subf %gather3A_2250, %mul3A_2278 : vector<16xf32>
        %mul3A_2280 = arith.mulf %sub3A_2279, %sub3A_2279 : vector<16xf32>
        %add3A_2281 = arith.constant 0 : i32
        %add3A_2282 = arith.addi %add3A_2275, %add3A_2281 : i32
        %get3A_2283 = arith.index_cast %add3A_2282 : i32 to index
        %get3A_2284 = arith.constant 0 : index
        %get3A_2285 = tpu.vector_load %arg8[%get3A_2283, %get3A_2284] {strides = array<i32>} : memref<2400x16xf32, #tpu.memory_space<vmem>>, vector<16xf32>,
        %mul3A_2286 = arith.constant 1.000000e+09 : f32
        %mul3A_2287 = vector.broadcast %mul3A_2286 : f32 to vector<16xf32>
        %mul3A_2288 = arith.mulf %get3A_2285, %mul3A_2287 : vector<16xf32>
        %add3A_2289 = arith.addf %mul3A_2280, %mul3A_2288 : vector<16xf32>
        %min3A_2290 = arith.minimumf %broadcast_in_dim3A_2270, %add3A_2289 : vector<16xf32>
        %add3A_2291 = arith.constant 16 : i32
        %add3A_2292 = arith.addi %add3A_2275, %add3A_2291 : i32
        %get3A_2293 = arith.index_cast %add3A_2292 : i32 to index
        %get3A_2294 = arith.constant 0 : index
        %get3A_2295 = tpu.vector_load %arg8[%get3A_2293, %get3A_2294] {strides = array<i32>} : memref<2400x16xf32, #tpu.memory_space<vmem>>, vector<16xf32>,
        %mul3A_2296 = arith.constant 1.000000e+09 : f32
        %mul3A_2297 = vector.broadcast %mul3A_2296 : f32 to vector<16xf32>
        %mul3A_2298 = arith.mulf %get3A_2295, %mul3A_2297 : vector<16xf32>
        %add3A_2299 = arith.addf %mul3A_2280, %mul3A_2298 : vector<16xf32>
        %min3A_2300 = arith.minimumf %broadcast_in_dim3A_2272, %add3A_2299 : vector<16xf32>
        %add3A_2301 = arith.constant 32 : i32
        %add3A_2302 = arith.addi %add3A_2275, %add3A_2301 : i32
        %get3A_2303 = arith.index_cast %add3A_2302 : i32 to index
        %get3A_2304 = arith.constant 0 : index
        %get3A_2305 = tpu.vector_load %arg8[%get3A_2303, %get3A_2304] {strides = array<i32>} : memref<2400x16xf32, #tpu.memory_space<vmem>>, vector<16xf32>,
        %mul3A_2306 = arith.constant 1.000000e+09 : f32
        %mul3A_2307 = vector.broadcast %mul3A_2306 : f32 to vector<16xf32>
        %mul3A_2308 = arith.mulf %get3A_2305, %mul3A_2307 : vector<16xf32>
        %add3A_2309 = arith.addf %mul3A_2280, %mul3A_2308 : vector<16xf32>
        %min3A_2310 = arith.minimumf %broadcast_in_dim3A_2274, %add3A_2309 : vector<16xf32>
        %mul3A_2311 = arith.constant 1.000000e+00 : f32
        %mul3A_2312 = vector.broadcast %mul3A_2311 : f32 to vector<16xf32>
        %mul3A_2313 = arith.mulf %mul3A_2312, %get3A_29 : vector<16xf32>
        %sub3A_2314 = arith.subf %gather3A_2250, %mul3A_2313 : vector<16xf32>
        %mul3A_2315 = arith.mulf %sub3A_2314, %sub3A_2314 : vector<16xf32>
        %add3A_2316 = arith.constant 48 : i32
        %add3A_2317 = arith.addi %add3A_2275, %add3A_2316 : i32
        %get3A_2318 = arith.index_cast %add3A_2317 : i32 to index
        %get3A_2319 = arith.constant 0 : index
        %get3A_2320 = tpu.vector_load %arg8[%get3A_2318, %get3A_2319] {strides = array<i32>} : memref<2400x16xf32, #tpu.memory_space<vmem>>, vector<16xf32>,
        %mul3A_2321 = arith.constant 1.000000e+09 : f32
        %mul3A_2322 = vector.broadcast %mul3A_2321 : f32 to vector<16xf32>
        %mul3A_2323 = arith.mulf %get3A_2320, %mul3A_2322 : vector<16xf32>
        %add3A_2324 = arith.addf %mul3A_2315, %mul3A_2323 : vector<16xf32>
        %min3A_2325 = arith.minimumf %min3A_2290, %add3A_2324 : vector<16xf32>
        %add3A_2326 = arith.constant 64 : i32
        %add3A_2327 = arith.addi %add3A_2275, %add3A_2326 : i32
        %get3A_2328 = arith.index_cast %add3A_2327 : i32 to index
        %get3A_2329 = arith.constant 0 : index
        %get3A_2330 = tpu.vector_load %arg8[%get3A_2328, %get3A_2329] {strides = array<i32>} : memref<2400x16xf32, #tpu.memory_space<vmem>>, vector<16xf32>,
        %mul3A_2331 = arith.constant 1.000000e+09 : f32
        %mul3A_2332 = vector.broadcast %mul3A_2331 : f32 to vector<16xf32>
        %mul3A_2333 = arith.mulf %get3A_2330, %mul3A_2332 : vector<16xf32>
        %add3A_2334 = arith.addf %mul3A_2315, %mul3A_2333 : vector<16xf32>
        %min3A_2335 = arith.minimumf %min3A_2300, %add3A_2334 : vector<16xf32>
        %add3A_2336 = arith.constant 80 : i32
        %add3A_2337 = arith.addi %add3A_2275, %add3A_2336 : i32
        %get3A_2338 = arith.index_cast %add3A_2337 : i32 to index
        %get3A_2339 = arith.constant 0 : index
        %get3A_2340 = tpu.vector_load %arg8[%get3A_2338, %get3A_2339] {strides = array<i32>} : memref<2400x16xf32, #tpu.memory_space<vmem>>, vector<16xf32>,
        %mul3A_2341 = arith.constant 1.000000e+09 : f32
        %mul3A_2342 = vector.broadcast %mul3A_2341 : f32 to vector<16xf32>
        %mul3A_2343 = arith.mulf %get3A_2340, %mul3A_2342 : vector<16xf32>
        %add3A_2344 = arith.addf %mul3A_2315, %mul3A_2343 : vector<16xf32>
        %min3A_2345 = arith.minimumf %min3A_2310, %add3A_2344 : vector<16xf32>
        %mul3A_2346 = arith.constant 2.000000e+00 : f32
        %mul3A_2347 = vector.broadcast %mul3A_2346 : f32 to vector<16xf32>
        %mul3A_2348 = arith.mulf %mul3A_2347, %get3A_29 : vector<16xf32>
        %sub3A_2349 = arith.subf %gather3A_2250, %mul3A_2348 : vector<16xf32>
        %mul3A_2350 = arith.mulf %sub3A_2349, %sub3A_2349 : vector<16xf32>
        %add3A_2351 = arith.constant 96 : i32
        %add3A_2352 = arith.addi %add3A_2275, %add3A_2351 : i32
        %get3A_2353 = arith.index_cast %add3A_2352 : i32 to index
        %get3A_2354 = arith.constant 0 : index
        %get3A_2355 = tpu.vector_load %arg8[%get3A_2353, %get3A_2354] {strides = array<i32>} : memref<2400x16xf32, #tpu.memory_space<vmem>>, vector<16xf32>,
        %mul3A_2356 = arith.constant 1.000000e+09 : f32
        %mul3A_2357 = vector.broadcast %mul3A_2356 : f32 to vector<16xf32>
        %mul3A_2358 = arith.mulf %get3A_2355, %mul3A_2357 : vector<16xf32>
        %add3A_2359 = arith.addf %mul3A_2350, %mul3A_2358 : vector<16xf32>
        %min3A_2360 = arith.minimumf %min3A_2325, %add3A_2359 : vector<16xf32>
        %add3A_2361 = arith.constant 112 : i32
        %add3A_2362 = arith.addi %add3A_2275, %add3A_2361 : i32
        %get3A_2363 = arith.index_cast %add3A_2362 : i32 to index
        %get3A_2364 = arith.constant 0 : index
        %get3A_2365 = tpu.vector_load %arg8[%get3A_2363, %get3A_2364] {strides = array<i32>} : memref<2400x16xf32, #tpu.memory_space<vmem>>, vector<16xf32>,
        %mul3A_2366 = arith.constant 1.000000e+09 : f32
        %mul3A_2367 = vector.broadcast %mul3A_2366 : f32 to vector<16xf32>
        %mul3A_2368 = arith.mulf %get3A_2365, %mul3A_2367 : vector<16xf32>
        %add3A_2369 = arith.addf %mul3A_2350, %mul3A_2368 : vector<16xf32>
        %min3A_2370 = arith.minimumf %min3A_2335, %add3A_2369 : vector<16xf32>
        %add3A_2371 = arith.constant 128 : i32
        %add3A_2372 = arith.addi %add3A_2275, %add3A_2371 : i32
        %get3A_2373 = arith.index_cast %add3A_2372 : i32 to index
        %get3A_2374 = arith.constant 0 : index
        %get3A_2375 = tpu.vector_load %arg8[%get3A_2373, %get3A_2374] {strides = array<i32>} : memref<2400x16xf32, #tpu.memory_space<vmem>>, vector<16xf32>,
        %mul3A_2376 = arith.constant 1.000000e+09 : f32
        %mul3A_2377 = vector.broadcast %mul3A_2376 : f32 to vector<16xf32>
        %mul3A_2378 = arith.mulf %get3A_2375, %mul3A_2377 : vector<16xf32>
        %add3A_2379 = arith.addf %mul3A_2350, %mul3A_2378 : vector<16xf32>
        %min3A_2380 = arith.minimumf %min3A_2345, %add3A_2379 : vector<16xf32>
        %mul3A_2381 = arith.constant 3.000000e+00 : f32
        %mul3A_2382 = vector.broadcast %mul3A_2381 : f32 to vector<16xf32>
        %mul3A_2383 = arith.mulf %mul3A_2382, %get3A_29 : vector<16xf32>
        %sub3A_2384 = arith.subf %gather3A_2250, %mul3A_2383 : vector<16xf32>
        %mul3A_2385 = arith.mulf %sub3A_2384, %sub3A_2384 : vector<16xf32>
        %add3A_2386 = arith.constant 144 : i32
        %add3A_2387 = arith.addi %add3A_2275, %add3A_2386 : i32
        %get3A_2388 = arith.index_cast %add3A_2387 : i32 to index
        %get3A_2389 = arith.constant 0 : index
        %get3A_2390 = tpu.vector_load %arg8[%get3A_2388, %get3A_2389] {strides = array<i32>} : memref<2400x16xf32, #tpu.memory_space<vmem>>, vector<16xf32>,
        %mul3A_2391 = arith.constant 1.000000e+09 : f32
        %mul3A_2392 = vector.broadcast %mul3A_2391 : f32 to vector<16xf32>
        %mul3A_2393 = arith.mulf %get3A_2390, %mul3A_2392 : vector<16xf32>
        %add3A_2394 = arith.addf %mul3A_2385, %mul3A_2393 : vector<16xf32>
        %min3A_2395 = arith.minimumf %min3A_2360, %add3A_2394 : vector<16xf32>
        %add3A_2396 = arith.constant 160 : i32
        %add3A_2397 = arith.addi %add3A_2275, %add3A_2396 : i32
        %get3A_2398 = arith.index_cast %add3A_2397 : i32 to index
        %get3A_2399 = arith.constant 0 : index
        %get3A_2400 = tpu.vector_load %arg8[%get3A_2398, %get3A_2399] {strides = array<i32>} : memref<2400x16xf32, #tpu.memory_space<vmem>>, vector<16xf32>,
        %mul3A_2401 = arith.constant 1.000000e+09 : f32
        %mul3A_2402 = vector.broadcast %mul3A_2401 : f32 to vector<16xf32>
        %mul3A_2403 = arith.mulf %get3A_2400, %mul3A_2402 : vector<16xf32>
        %add3A_2404 = arith.addf %mul3A_2385, %mul3A_2403 : vector<16xf32>
        %min3A_2405 = arith.minimumf %min3A_2370, %add3A_2404 : vector<16xf32>
        %add3A_2406 = arith.constant 176 : i32
        %add3A_2407 = arith.addi %add3A_2275, %add3A_2406 : i32
        %get3A_2408 = arith.index_cast %add3A_2407 : i32 to index
        %get3A_2409 = arith.constant 0 : index
        %get3A_2410 = tpu.vector_load %arg8[%get3A_2408, %get3A_2409] {strides = array<i32>} : memref<2400x16xf32, #tpu.memory_space<vmem>>, vector<16xf32>,
        %mul3A_2411 = arith.constant 1.000000e+09 : f32
        %mul3A_2412 = vector.broadcast %mul3A_2411 : f32 to vector<16xf32>
        %mul3A_2413 = arith.mulf %get3A_2410, %mul3A_2412 : vector<16xf32>
        %add3A_2414 = arith.addf %mul3A_2385, %mul3A_2413 : vector<16xf32>
        %min3A_2415 = arith.minimumf %min3A_2380, %add3A_2414 : vector<16xf32>
        %mul3A_2416 = arith.constant 4.000000e+00 : f32
        %mul3A_2417 = vector.broadcast %mul3A_2416 : f32 to vector<16xf32>
        %mul3A_2418 = arith.mulf %mul3A_2417, %get3A_29 : vector<16xf32>
        %sub3A_2419 = arith.subf %gather3A_2250, %mul3A_2418 : vector<16xf32>
        %mul3A_2420 = arith.mulf %sub3A_2419, %sub3A_2419 : vector<16xf32>
        %add3A_2421 = arith.constant 192 : i32
        %add3A_2422 = arith.addi %add3A_2275, %add3A_2421 : i32
        %get3A_2423 = arith.index_cast %add3A_2422 : i32 to index
        %get3A_2424 = arith.constant 0 : index
        %get3A_2425 = tpu.vector_load %arg8[%get3A_2423, %get3A_2424] {strides = array<i32>} : memref<2400x16xf32, #tpu.memory_space<vmem>>, vector<16xf32>,
        %mul3A_2426 = arith.constant 1.000000e+09 : f32
        %mul3A_2427 = vector.broadcast %mul3A_2426 : f32 to vector<16xf32>
        %mul3A_2428 = arith.mulf %get3A_2425, %mul3A_2427 : vector<16xf32>
        %add3A_2429 = arith.addf %mul3A_2420, %mul3A_2428 : vector<16xf32>
        %min3A_2430 = arith.minimumf %min3A_2395, %add3A_2429 : vector<16xf32>
        %add3A_2431 = arith.constant 208 : i32
        %add3A_2432 = arith.addi %add3A_2275, %add3A_2431 : i32
        %get3A_2433 = arith.index_cast %add3A_2432 : i32 to index
        %get3A_2434 = arith.constant 0 : index
        %get3A_2435 = tpu.vector_load %arg8[%get3A_2433, %get3A_2434] {strides = array<i32>} : memref<2400x16xf32, #tpu.memory_space<vmem>>, vector<16xf32>,
        %mul3A_2436 = arith.constant 1.000000e+09 : f32
        %mul3A_2437 = vector.broadcast %mul3A_2436 : f32 to vector<16xf32>
        %mul3A_2438 = arith.mulf %get3A_2435, %mul3A_2437 : vector<16xf32>
        %add3A_2439 = arith.addf %mul3A_2420, %mul3A_2438 : vector<16xf32>
        %min3A_2440 = arith.minimumf %min3A_2405, %add3A_2439 : vector<16xf32>
        %add3A_2441 = arith.constant 224 : i32
        %add3A_2442 = arith.addi %add3A_2275, %add3A_2441 : i32
        %get3A_2443 = arith.index_cast %add3A_2442 : i32 to index
        %get3A_2444 = arith.constant 0 : index
        %get3A_2445 = tpu.vector_load %arg8[%get3A_2443, %get3A_2444] {strides = array<i32>} : memref<2400x16xf32, #tpu.memory_space<vmem>>, vector<16xf32>,
        %mul3A_2446 = arith.constant 1.000000e+09 : f32
        %mul3A_2447 = vector.broadcast %mul3A_2446 : f32 to vector<16xf32>
        %mul3A_2448 = arith.mulf %get3A_2445, %mul3A_2447 : vector<16xf32>
        %add3A_2449 = arith.addf %mul3A_2420, %mul3A_2448 : vector<16xf32>
        %min3A_2450 = arith.minimumf %min3A_2415, %add3A_2449 : vector<16xf32>
        %mul3A_2451 = arith.constant 5.000000e+00 : f32
        %mul3A_2452 = vector.broadcast %mul3A_2451 : f32 to vector<16xf32>
        %mul3A_2453 = arith.mulf %mul3A_2452, %get3A_29 : vector<16xf32>
        %sub3A_2454 = arith.subf %gather3A_2250, %mul3A_2453 : vector<16xf32>
        %mul3A_2455 = arith.mulf %sub3A_2454, %sub3A_2454 : vector<16xf32>
        %add3A_2456 = arith.constant 240 : i32
        %add3A_2457 = arith.addi %add3A_2275, %add3A_2456 : i32
        %get3A_2458 = arith.index_cast %add3A_2457 : i32 to index
        %get3A_2459 = arith.constant 0 : index
        %get3A_2460 = tpu.vector_load %arg8[%get3A_2458, %get3A_2459] {strides = array<i32>} : memref<2400x16xf32, #tpu.memory_space<vmem>>, vector<16xf32>,
        %mul3A_2461 = arith.constant 1.000000e+09 : f32
        %mul3A_2462 = vector.broadcast %mul3A_2461 : f32 to vector<16xf32>
        %mul3A_2463 = arith.mulf %get3A_2460, %mul3A_2462 : vector<16xf32>
        %add3A_2464 = arith.addf %mul3A_2455, %mul3A_2463 : vector<16xf32>
        %min3A_2465 = arith.minimumf %min3A_2430, %add3A_2464 : vector<16xf32>
        %add3A_2466 = arith.constant 256 : i32
        %add3A_2467 = arith.addi %add3A_2275, %add3A_2466 : i32
        %get3A_2468 = arith.index_cast %add3A_2467 : i32 to index
        %get3A_2469 = arith.constant 0 : index
        %get3A_2470 = tpu.vector_load %arg8[%get3A_2468, %get3A_2469] {strides = array<i32>} : memref<2400x16xf32, #tpu.memory_space<vmem>>, vector<16xf32>,
        %mul3A_2471 = arith.constant 1.000000e+09 : f32
        %mul3A_2472 = vector.broadcast %mul3A_2471 : f32 to vector<16xf32>
        %mul3A_2473 = arith.mulf %get3A_2470, %mul3A_2472 : vector<16xf32>
        %add3A_2474 = arith.addf %mul3A_2455, %mul3A_2473 : vector<16xf32>
        %min3A_2475 = arith.minimumf %min3A_2440, %add3A_2474 : vector<16xf32>
        %add3A_2476 = arith.constant 272 : i32
        %add3A_2477 = arith.addi %add3A_2275, %add3A_2476 : i32
        %get3A_2478 = arith.index_cast %add3A_2477 : i32 to index
        %get3A_2479 = arith.constant 0 : index
        %get3A_2480 = tpu.vector_load %arg8[%get3A_2478, %get3A_2479] {strides = array<i32>} : memref<2400x16xf32, #tpu.memory_space<vmem>>, vector<16xf32>,
        %mul3A_2481 = arith.constant 1.000000e+09 : f32
        %mul3A_2482 = vector.broadcast %mul3A_2481 : f32 to vector<16xf32>
        %mul3A_2483 = arith.mulf %get3A_2480, %mul3A_2482 : vector<16xf32>
        %add3A_2484 = arith.addf %mul3A_2455, %mul3A_2483 : vector<16xf32>
        %min3A_2485 = arith.minimumf %min3A_2450, %add3A_2484 : vector<16xf32>
        %mul3A_2486 = arith.constant 6.000000e+00 : f32
        %mul3A_2487 = vector.broadcast %mul3A_2486 : f32 to vector<16xf32>
        %mul3A_2488 = arith.mulf %mul3A_2487, %get3A_29 : vector<16xf32>
        %sub3A_2489 = arith.subf %gather3A_2250, %mul3A_2488 : vector<16xf32>
        %mul3A_2490 = arith.mulf %sub3A_2489, %sub3A_2489 : vector<16xf32>
        %add3A_2491 = arith.constant 288 : i32
        %add3A_2492 = arith.addi %add3A_2275, %add3A_2491 : i32
        %get3A_2493 = arith.index_cast %add3A_2492 : i32 to index
        %get3A_2494 = arith.constant 0 : index
        %get3A_2495 = tpu.vector_load %arg8[%get3A_2493, %get3A_2494] {strides = array<i32>} : memref<2400x16xf32, #tpu.memory_space<vmem>>, vector<16xf32>,
        %mul3A_2496 = arith.constant 1.000000e+09 : f32
        %mul3A_2497 = vector.broadcast %mul3A_2496 : f32 to vector<16xf32>
        %mul3A_2498 = arith.mulf %get3A_2495, %mul3A_2497 : vector<16xf32>
        %add3A_2499 = arith.addf %mul3A_2490, %mul3A_2498 : vector<16xf32>
        %min3A_2500 = arith.minimumf %min3A_2465, %add3A_2499 : vector<16xf32>
        %add3A_2501 = arith.constant 304 : i32
        %add3A_2502 = arith.addi %add3A_2275, %add3A_2501 : i32
        %get3A_2503 = arith.index_cast %add3A_2502 : i32 to index
        %get3A_2504 = arith.constant 0 : index
        %get3A_2505 = tpu.vector_load %arg8[%get3A_2503, %get3A_2504] {strides = array<i32>} : memref<2400x16xf32, #tpu.memory_space<vmem>>, vector<16xf32>,
        %mul3A_2506 = arith.constant 1.000000e+09 : f32
        %mul3A_2507 = vector.broadcast %mul3A_2506 : f32 to vector<16xf32>
        %mul3A_2508 = arith.mulf %get3A_2505, %mul3A_2507 : vector<16xf32>
        %add3A_2509 = arith.addf %mul3A_2490, %mul3A_2508 : vector<16xf32>
        %min3A_2510 = arith.minimumf %min3A_2475, %add3A_2509 : vector<16xf32>
        %add3A_2511 = arith.constant 320 : i32
        %add3A_2512 = arith.addi %add3A_2275, %add3A_2511 : i32
        %get3A_2513 = arith.index_cast %add3A_2512 : i32 to index
        %get3A_2514 = arith.constant 0 : index
        %get3A_2515 = tpu.vector_load %arg8[%get3A_2513, %get3A_2514] {strides = array<i32>} : memref<2400x16xf32, #tpu.memory_space<vmem>>, vector<16xf32>,
        %mul3A_2516 = arith.constant 1.000000e+09 : f32
        %mul3A_2517 = vector.broadcast %mul3A_2516 : f32 to vector<16xf32>
        %mul3A_2518 = arith.mulf %get3A_2515, %mul3A_2517 : vector<16xf32>
        %add3A_2519 = arith.addf %mul3A_2490, %mul3A_2518 : vector<16xf32>
        %min3A_2520 = arith.minimumf %min3A_2485, %add3A_2519 : vector<16xf32>
        %mul3A_2521 = arith.constant 7.000000e+00 : f32
        %mul3A_2522 = vector.broadcast %mul3A_2521 : f32 to vector<16xf32>
        %mul3A_2523 = arith.mulf %mul3A_2522, %get3A_29 : vector<16xf32>
        %sub3A_2524 = arith.subf %gather3A_2250, %mul3A_2523 : vector<16xf32>
        %mul3A_2525 = arith.mulf %sub3A_2524, %sub3A_2524 : vector<16xf32>
        %add3A_2526 = arith.constant 336 : i32
        %add3A_2527 = arith.addi %add3A_2275, %add3A_2526 : i32
        %get3A_2528 = arith.index_cast %add3A_2527 : i32 to index
        %get3A_2529 = arith.constant 0 : index
        %get3A_2530 = tpu.vector_load %arg8[%get3A_2528, %get3A_2529] {strides = array<i32>} : memref<2400x16xf32, #tpu.memory_space<vmem>>, vector<16xf32>,
        %mul3A_2531 = arith.constant 1.000000e+09 : f32
        %mul3A_2532 = vector.broadcast %mul3A_2531 : f32 to vector<16xf32>
        %mul3A_2533 = arith.mulf %get3A_2530, %mul3A_2532 : vector<16xf32>
        %add3A_2534 = arith.addf %mul3A_2525, %mul3A_2533 : vector<16xf32>
        %min3A_2535 = arith.minimumf %min3A_2500, %add3A_2534 : vector<16xf32>
        %add3A_2536 = arith.constant 352 : i32
        %add3A_2537 = arith.addi %add3A_2275, %add3A_2536 : i32
        %get3A_2538 = arith.index_cast %add3A_2537 : i32 to index
        %get3A_2539 = arith.constant 0 : index
        %get3A_2540 = tpu.vector_load %arg8[%get3A_2538, %get3A_2539] {strides = array<i32>} : memref<2400x16xf32, #tpu.memory_space<vmem>>, vector<16xf32>,
        %mul3A_2541 = arith.constant 1.000000e+09 : f32
        %mul3A_2542 = vector.broadcast %mul3A_2541 : f32 to vector<16xf32>
        %mul3A_2543 = arith.mulf %get3A_2540, %mul3A_2542 : vector<16xf32>
        %add3A_2544 = arith.addf %mul3A_2525, %mul3A_2543 : vector<16xf32>
        %min3A_2545 = arith.minimumf %min3A_2510, %add3A_2544 : vector<16xf32>
        %add3A_2546 = arith.constant 368 : i32
        %add3A_2547 = arith.addi %add3A_2275, %add3A_2546 : i32
        %get3A_2548 = arith.index_cast %add3A_2547 : i32 to index
        %get3A_2549 = arith.constant 0 : index
        %get3A_2550 = tpu.vector_load %arg8[%get3A_2548, %get3A_2549] {strides = array<i32>} : memref<2400x16xf32, #tpu.memory_space<vmem>>, vector<16xf32>,
        %mul3A_2551 = arith.constant 1.000000e+09 : f32
        %mul3A_2552 = vector.broadcast %mul3A_2551 : f32 to vector<16xf32>
        %mul3A_2553 = arith.mulf %get3A_2550, %mul3A_2552 : vector<16xf32>
        %add3A_2554 = arith.addf %mul3A_2525, %mul3A_2553 : vector<16xf32>
        %min3A_2555 = arith.minimumf %min3A_2520, %add3A_2554 : vector<16xf32>
        %mul3A_2556 = arith.constant 8.000000e+00 : f32
        %mul3A_2557 = vector.broadcast %mul3A_2556 : f32 to vector<16xf32>
        %mul3A_2558 = arith.mulf %mul3A_2557, %get3A_29 : vector<16xf32>
        %sub3A_2559 = arith.subf %gather3A_2250, %mul3A_2558 : vector<16xf32>
        %mul3A_2560 = arith.mulf %sub3A_2559, %sub3A_2559 : vector<16xf32>
        %add3A_2561 = arith.constant 384 : i32
        %add3A_2562 = arith.addi %add3A_2275, %add3A_2561 : i32
        %get3A_2563 = arith.index_cast %add3A_2562 : i32 to index
        %get3A_2564 = arith.constant 0 : index
        %get3A_2565 = tpu.vector_load %arg8[%get3A_2563, %get3A_2564] {strides = array<i32>} : memref<2400x16xf32, #tpu.memory_space<vmem>>, vector<16xf32>,
        %mul3A_2566 = arith.constant 1.000000e+09 : f32
        %mul3A_2567 = vector.broadcast %mul3A_2566 : f32 to vector<16xf32>
        %mul3A_2568 = arith.mulf %get3A_2565, %mul3A_2567 : vector<16xf32>
        %add3A_2569 = arith.addf %mul3A_2560, %mul3A_2568 : vector<16xf32>
        %min3A_2570 = arith.minimumf %min3A_2535, %add3A_2569 : vector<16xf32>
        %add3A_2571 = arith.constant 400 : i32
        %add3A_2572 = arith.addi %add3A_2275, %add3A_2571 : i32
        %get3A_2573 = arith.index_cast %add3A_2572 : i32 to index
        %get3A_2574 = arith.constant 0 : index
        %get3A_2575 = tpu.vector_load %arg8[%get3A_2573, %get3A_2574] {strides = array<i32>} : memref<2400x16xf32, #tpu.memory_space<vmem>>, vector<16xf32>,
        %mul3A_2576 = arith.constant 1.000000e+09 : f32
        %mul3A_2577 = vector.broadcast %mul3A_2576 : f32 to vector<16xf32>
        %mul3A_2578 = arith.mulf %get3A_2575, %mul3A_2577 : vector<16xf32>
        %add3A_2579 = arith.addf %mul3A_2560, %mul3A_2578 : vector<16xf32>
        %min3A_2580 = arith.minimumf %min3A_2545, %add3A_2579 : vector<16xf32>
        %add3A_2581 = arith.constant 416 : i32
        %add3A_2582 = arith.addi %add3A_2275, %add3A_2581 : i32
        %get3A_2583 = arith.index_cast %add3A_2582 : i32 to index
        %get3A_2584 = arith.constant 0 : index
        %get3A_2585 = tpu.vector_load %arg8[%get3A_2583, %get3A_2584] {strides = array<i32>} : memref<2400x16xf32, #tpu.memory_space<vmem>>, vector<16xf32>,
        %mul3A_2586 = arith.constant 1.000000e+09 : f32
        %mul3A_2587 = vector.broadcast %mul3A_2586 : f32 to vector<16xf32>
        %mul3A_2588 = arith.mulf %get3A_2585, %mul3A_2587 : vector<16xf32>
        %add3A_2589 = arith.addf %mul3A_2560, %mul3A_2588 : vector<16xf32>
        %min3A_2590 = arith.minimumf %min3A_2555, %add3A_2589 : vector<16xf32>
        %mul3A_2591 = arith.constant 9.000000e+00 : f32
        %mul3A_2592 = vector.broadcast %mul3A_2591 : f32 to vector<16xf32>
        %mul3A_2593 = arith.mulf %mul3A_2592, %get3A_29 : vector<16xf32>
        %sub3A_2594 = arith.subf %gather3A_2250, %mul3A_2593 : vector<16xf32>
        %mul3A_2595 = arith.mulf %sub3A_2594, %sub3A_2594 : vector<16xf32>
        %add3A_2596 = arith.constant 432 : i32
        %add3A_2597 = arith.addi %add3A_2275, %add3A_2596 : i32
        %get3A_2598 = arith.index_cast %add3A_2597 : i32 to index
        %get3A_2599 = arith.constant 0 : index
        %get3A_2600 = tpu.vector_load %arg8[%get3A_2598, %get3A_2599] {strides = array<i32>} : memref<2400x16xf32, #tpu.memory_space<vmem>>, vector<16xf32>,
        %mul3A_2601 = arith.constant 1.000000e+09 : f32
        %mul3A_2602 = vector.broadcast %mul3A_2601 : f32 to vector<16xf32>
        %mul3A_2603 = arith.mulf %get3A_2600, %mul3A_2602 : vector<16xf32>
        %add3A_2604 = arith.addf %mul3A_2595, %mul3A_2603 : vector<16xf32>
        %min3A_2605 = arith.minimumf %min3A_2570, %add3A_2604 : vector<16xf32>
        %add3A_2606 = arith.constant 448 : i32
        %add3A_2607 = arith.addi %add3A_2275, %add3A_2606 : i32
        %get3A_2608 = arith.index_cast %add3A_2607 : i32 to index
        %get3A_2609 = arith.constant 0 : index
        %get3A_2610 = tpu.vector_load %arg8[%get3A_2608, %get3A_2609] {strides = array<i32>} : memref<2400x16xf32, #tpu.memory_space<vmem>>, vector<16xf32>,
        %mul3A_2611 = arith.constant 1.000000e+09 : f32
        %mul3A_2612 = vector.broadcast %mul3A_2611 : f32 to vector<16xf32>
        %mul3A_2613 = arith.mulf %get3A_2610, %mul3A_2612 : vector<16xf32>
        %add3A_2614 = arith.addf %mul3A_2595, %mul3A_2613 : vector<16xf32>
        %min3A_2615 = arith.minimumf %min3A_2580, %add3A_2614 : vector<16xf32>
        %add3A_2616 = arith.constant 464 : i32
        %add3A_2617 = arith.addi %add3A_2275, %add3A_2616 : i32
        %get3A_2618 = arith.index_cast %add3A_2617 : i32 to index
        %get3A_2619 = arith.constant 0 : index
        %get3A_2620 = tpu.vector_load %arg8[%get3A_2618, %get3A_2619] {strides = array<i32>} : memref<2400x16xf32, #tpu.memory_space<vmem>>, vector<16xf32>,
        %mul3A_2621 = arith.constant 1.000000e+09 : f32
        %mul3A_2622 = vector.broadcast %mul3A_2621 : f32 to vector<16xf32>
        %mul3A_2623 = arith.mulf %get3A_2620, %mul3A_2622 : vector<16xf32>
        %add3A_2624 = arith.addf %mul3A_2595, %mul3A_2623 : vector<16xf32>
        %min3A_2625 = arith.minimumf %min3A_2590, %add3A_2624 : vector<16xf32>
        %mul3A_2626 = arith.constant 1.000000e+01 : f32
        %mul3A_2627 = vector.broadcast %mul3A_2626 : f32 to vector<16xf32>
        %mul3A_2628 = arith.mulf %mul3A_2627, %get3A_29 : vector<16xf32>
        %sub3A_2629 = arith.subf %gather3A_2250, %mul3A_2628 : vector<16xf32>
        %mul3A_2630 = arith.mulf %sub3A_2629, %sub3A_2629 : vector<16xf32>
        %add3A_2631 = arith.constant 480 : i32
        %add3A_2632 = arith.addi %add3A_2275, %add3A_2631 : i32
        %get3A_2633 = arith.index_cast %add3A_2632 : i32 to index
        %get3A_2634 = arith.constant 0 : index
        %get3A_2635 = tpu.vector_load %arg8[%get3A_2633, %get3A_2634] {strides = array<i32>} : memref<2400x16xf32, #tpu.memory_space<vmem>>, vector<16xf32>,
        %mul3A_2636 = arith.constant 1.000000e+09 : f32
        %mul3A_2637 = vector.broadcast %mul3A_2636 : f32 to vector<16xf32>
        %mul3A_2638 = arith.mulf %get3A_2635, %mul3A_2637 : vector<16xf32>
        %add3A_2639 = arith.addf %mul3A_2630, %mul3A_2638 : vector<16xf32>
        %min3A_2640 = arith.minimumf %min3A_2605, %add3A_2639 : vector<16xf32>
        %add3A_2641 = arith.constant 496 : i32
        %add3A_2642 = arith.addi %add3A_2275, %add3A_2641 : i32
        %get3A_2643 = arith.index_cast %add3A_2642 : i32 to index
        %get3A_2644 = arith.constant 0 : index
        %get3A_2645 = tpu.vector_load %arg8[%get3A_2643, %get3A_2644] {strides = array<i32>} : memref<2400x16xf32, #tpu.memory_space<vmem>>, vector<16xf32>,
        %mul3A_2646 = arith.constant 1.000000e+09 : f32
        %mul3A_2647 = vector.broadcast %mul3A_2646 : f32 to vector<16xf32>
        %mul3A_2648 = arith.mulf %get3A_2645, %mul3A_2647 : vector<16xf32>
        %add3A_2649 = arith.addf %mul3A_2630, %mul3A_2648 : vector<16xf32>
        %min3A_2650 = arith.minimumf %min3A_2615, %add3A_2649 : vector<16xf32>
        %add3A_2651 = arith.constant 512 : i32
        %add3A_2652 = arith.addi %add3A_2275, %add3A_2651 : i32
        %get3A_2653 = arith.index_cast %add3A_2652 : i32 to index
        %get3A_2654 = arith.constant 0 : index
        %get3A_2655 = tpu.vector_load %arg8[%get3A_2653, %get3A_2654] {strides = array<i32>} : memref<2400x16xf32, #tpu.memory_space<vmem>>, vector<16xf32>,
        %mul3A_2656 = arith.constant 1.000000e+09 : f32
        %mul3A_2657 = vector.broadcast %mul3A_2656 : f32 to vector<16xf32>
        %mul3A_2658 = arith.mulf %get3A_2655, %mul3A_2657 : vector<16xf32>
        %add3A_2659 = arith.addf %mul3A_2630, %mul3A_2658 : vector<16xf32>
        %min3A_2660 = arith.minimumf %min3A_2625, %add3A_2659 : vector<16xf32>
        %mul3A_2661 = arith.constant 1.100000e+01 : f32
        %mul3A_2662 = vector.broadcast %mul3A_2661 : f32 to vector<16xf32>
        %mul3A_2663 = arith.mulf %mul3A_2662, %get3A_29 : vector<16xf32>
        %sub3A_2664 = arith.subf %gather3A_2250, %mul3A_2663 : vector<16xf32>
        %mul3A_2665 = arith.mulf %sub3A_2664, %sub3A_2664 : vector<16xf32>
        %add3A_2666 = arith.constant 528 : i32
        %add3A_2667 = arith.addi %add3A_2275, %add3A_2666 : i32
        %get3A_2668 = arith.index_cast %add3A_2667 : i32 to index
        %get3A_2669 = arith.constant 0 : index
        %get3A_2670 = tpu.vector_load %arg8[%get3A_2668, %get3A_2669] {strides = array<i32>} : memref<2400x16xf32, #tpu.memory_space<vmem>>, vector<16xf32>,
        %mul3A_2671 = arith.constant 1.000000e+09 : f32
        %mul3A_2672 = vector.broadcast %mul3A_2671 : f32 to vector<16xf32>
        %mul3A_2673 = arith.mulf %get3A_2670, %mul3A_2672 : vector<16xf32>
        %add3A_2674 = arith.addf %mul3A_2665, %mul3A_2673 : vector<16xf32>
        %min3A_2675 = arith.minimumf %min3A_2640, %add3A_2674 : vector<16xf32>
        %add3A_2676 = arith.constant 544 : i32
        %add3A_2677 = arith.addi %add3A_2275, %add3A_2676 : i32
        %get3A_2678 = arith.index_cast %add3A_2677 : i32 to index
        %get3A_2679 = arith.constant 0 : index
        %get3A_2680 = tpu.vector_load %arg8[%get3A_2678, %get3A_2679] {strides = array<i32>} : memref<2400x16xf32, #tpu.memory_space<vmem>>, vector<16xf32>,
        %mul3A_2681 = arith.constant 1.000000e+09 : f32
        %mul3A_2682 = vector.broadcast %mul3A_2681 : f32 to vector<16xf32>
        %mul3A_2683 = arith.mulf %get3A_2680, %mul3A_2682 : vector<16xf32>
        %add3A_2684 = arith.addf %mul3A_2665, %mul3A_2683 : vector<16xf32>
        %min3A_2685 = arith.minimumf %min3A_2650, %add3A_2684 : vector<16xf32>
        %add3A_2686 = arith.constant 560 : i32
        %add3A_2687 = arith.addi %add3A_2275, %add3A_2686 : i32
        %get3A_2688 = arith.index_cast %add3A_2687 : i32 to index
        %get3A_2689 = arith.constant 0 : index
        %get3A_2690 = tpu.vector_load %arg8[%get3A_2688, %get3A_2689] {strides = array<i32>} : memref<2400x16xf32, #tpu.memory_space<vmem>>, vector<16xf32>,
        %mul3A_2691 = arith.constant 1.000000e+09 : f32
        %mul3A_2692 = vector.broadcast %mul3A_2691 : f32 to vector<16xf32>
        %mul3A_2693 = arith.mulf %get3A_2690, %mul3A_2692 : vector<16xf32>
        %add3A_2694 = arith.addf %mul3A_2665, %mul3A_2693 : vector<16xf32>
        %min3A_2695 = arith.minimumf %min3A_2660, %add3A_2694 : vector<16xf32>
        %mul3A_2696 = arith.constant 1.200000e+01 : f32
        %mul3A_2697 = vector.broadcast %mul3A_2696 : f32 to vector<16xf32>
        %mul3A_2698 = arith.mulf %mul3A_2697, %get3A_29 : vector<16xf32>
        %sub3A_2699 = arith.subf %gather3A_2250, %mul3A_2698 : vector<16xf32>
        %mul3A_2700 = arith.mulf %sub3A_2699, %sub3A_2699 : vector<16xf32>
        %add3A_2701 = arith.constant 576 : i32
        %add3A_2702 = arith.addi %add3A_2275, %add3A_2701 : i32
        %get3A_2703 = arith.index_cast %add3A_2702 : i32 to index
        %get3A_2704 = arith.constant 0 : index
        %get3A_2705 = tpu.vector_load %arg8[%get3A_2703, %get3A_2704] {strides = array<i32>} : memref<2400x16xf32, #tpu.memory_space<vmem>>, vector<16xf32>,
        %mul3A_2706 = arith.constant 1.000000e+09 : f32
        %mul3A_2707 = vector.broadcast %mul3A_2706 : f32 to vector<16xf32>
        %mul3A_2708 = arith.mulf %get3A_2705, %mul3A_2707 : vector<16xf32>
        %add3A_2709 = arith.addf %mul3A_2700, %mul3A_2708 : vector<16xf32>
        %min3A_2710 = arith.minimumf %min3A_2675, %add3A_2709 : vector<16xf32>
        %add3A_2711 = arith.constant 592 : i32
        %add3A_2712 = arith.addi %add3A_2275, %add3A_2711 : i32
        %get3A_2713 = arith.index_cast %add3A_2712 : i32 to index
        %get3A_2714 = arith.constant 0 : index
        %get3A_2715 = tpu.vector_load %arg8[%get3A_2713, %get3A_2714] {strides = array<i32>} : memref<2400x16xf32, #tpu.memory_space<vmem>>, vector<16xf32>,
        %mul3A_2716 = arith.constant 1.000000e+09 : f32
        %mul3A_2717 = vector.broadcast %mul3A_2716 : f32 to vector<16xf32>
        %mul3A_2718 = arith.mulf %get3A_2715, %mul3A_2717 : vector<16xf32>
        %add3A_2719 = arith.addf %mul3A_2700, %mul3A_2718 : vector<16xf32>
        %min3A_2720 = arith.minimumf %min3A_2685, %add3A_2719 : vector<16xf32>
        %add3A_2721 = arith.constant 608 : i32
        %add3A_2722 = arith.addi %add3A_2275, %add3A_2721 : i32
        %get3A_2723 = arith.index_cast %add3A_2722 : i32 to index
        %get3A_2724 = arith.constant 0 : index
        %get3A_2725 = tpu.vector_load %arg8[%get3A_2723, %get3A_2724] {strides = array<i32>} : memref<2400x16xf32, #tpu.memory_space<vmem>>, vector<16xf32>,
        %mul3A_2726 = arith.constant 1.000000e+09 : f32
        %mul3A_2727 = vector.broadcast %mul3A_2726 : f32 to vector<16xf32>
        %mul3A_2728 = arith.mulf %get3A_2725, %mul3A_2727 : vector<16xf32>
        %add3A_2729 = arith.addf %mul3A_2700, %mul3A_2728 : vector<16xf32>
        %min3A_2730 = arith.minimumf %min3A_2695, %add3A_2729 : vector<16xf32>
        %mul3A_2731 = arith.constant 1.300000e+01 : f32
        %mul3A_2732 = vector.broadcast %mul3A_2731 : f32 to vector<16xf32>
        %mul3A_2733 = arith.mulf %mul3A_2732, %get3A_29 : vector<16xf32>
        %sub3A_2734 = arith.subf %gather3A_2250, %mul3A_2733 : vector<16xf32>
        %mul3A_2735 = arith.mulf %sub3A_2734, %sub3A_2734 : vector<16xf32>
        %add3A_2736 = arith.constant 624 : i32
        %add3A_2737 = arith.addi %add3A_2275, %add3A_2736 : i32
        %get3A_2738 = arith.index_cast %add3A_2737 : i32 to index
        %get3A_2739 = arith.constant 0 : index
        %get3A_2740 = tpu.vector_load %arg8[%get3A_2738, %get3A_2739] {strides = array<i32>} : memref<2400x16xf32, #tpu.memory_space<vmem>>, vector<16xf32>,
        %mul3A_2741 = arith.constant 1.000000e+09 : f32
        %mul3A_2742 = vector.broadcast %mul3A_2741 : f32 to vector<16xf32>
        %mul3A_2743 = arith.mulf %get3A_2740, %mul3A_2742 : vector<16xf32>
        %add3A_2744 = arith.addf %mul3A_2735, %mul3A_2743 : vector<16xf32>
        %min3A_2745 = arith.minimumf %min3A_2710, %add3A_2744 : vector<16xf32>
        %add3A_2746 = arith.constant 640 : i32
        %add3A_2747 = arith.addi %add3A_2275, %add3A_2746 : i32
        %get3A_2748 = arith.index_cast %add3A_2747 : i32 to index
        %get3A_2749 = arith.constant 0 : index
        %get3A_2750 = tpu.vector_load %arg8[%get3A_2748, %get3A_2749] {strides = array<i32>} : memref<2400x16xf32, #tpu.memory_space<vmem>>, vector<16xf32>,
        %mul3A_2751 = arith.constant 1.000000e+09 : f32
        %mul3A_2752 = vector.broadcast %mul3A_2751 : f32 to vector<16xf32>
        %mul3A_2753 = arith.mulf %get3A_2750, %mul3A_2752 : vector<16xf32>
        %add3A_2754 = arith.addf %mul3A_2735, %mul3A_2753 : vector<16xf32>
        %min3A_2755 = arith.minimumf %min3A_2720, %add3A_2754 : vector<16xf32>
        %add3A_2756 = arith.constant 656 : i32
        %add3A_2757 = arith.addi %add3A_2275, %add3A_2756 : i32
        %get3A_2758 = arith.index_cast %add3A_2757 : i32 to index
        %get3A_2759 = arith.constant 0 : index
        %get3A_2760 = tpu.vector_load %arg8[%get3A_2758, %get3A_2759] {strides = array<i32>} : memref<2400x16xf32, #tpu.memory_space<vmem>>, vector<16xf32>,
        %mul3A_2761 = arith.constant 1.000000e+09 : f32
        %mul3A_2762 = vector.broadcast %mul3A_2761 : f32 to vector<16xf32>
        %mul3A_2763 = arith.mulf %get3A_2760, %mul3A_2762 : vector<16xf32>
        %add3A_2764 = arith.addf %mul3A_2735, %mul3A_2763 : vector<16xf32>
        %min3A_2765 = arith.minimumf %min3A_2730, %add3A_2764 : vector<16xf32>
        %mul3A_2766 = arith.constant 1.400000e+01 : f32
        %mul3A_2767 = vector.broadcast %mul3A_2766 : f32 to vector<16xf32>
        %mul3A_2768 = arith.mulf %mul3A_2767, %get3A_29 : vector<16xf32>
        %sub3A_2769 = arith.subf %gather3A_2250, %mul3A_2768 : vector<16xf32>
        %mul3A_2770 = arith.mulf %sub3A_2769, %sub3A_2769 : vector<16xf32>
        %add3A_2771 = arith.constant 672 : i32
        %add3A_2772 = arith.addi %add3A_2275, %add3A_2771 : i32
        %get3A_2773 = arith.index_cast %add3A_2772 : i32 to index
        %get3A_2774 = arith.constant 0 : index
        %get3A_2775 = tpu.vector_load %arg8[%get3A_2773, %get3A_2774] {strides = array<i32>} : memref<2400x16xf32, #tpu.memory_space<vmem>>, vector<16xf32>,
        %mul3A_2776 = arith.constant 1.000000e+09 : f32
        %mul3A_2777 = vector.broadcast %mul3A_2776 : f32 to vector<16xf32>
        %mul3A_2778 = arith.mulf %get3A_2775, %mul3A_2777 : vector<16xf32>
        %add3A_2779 = arith.addf %mul3A_2770, %mul3A_2778 : vector<16xf32>
        %min3A_2780 = arith.minimumf %min3A_2745, %add3A_2779 : vector<16xf32>
        %add3A_2781 = arith.constant 688 : i32
        %add3A_2782 = arith.addi %add3A_2275, %add3A_2781 : i32
        %get3A_2783 = arith.index_cast %add3A_2782 : i32 to index
        %get3A_2784 = arith.constant 0 : index
        %get3A_2785 = tpu.vector_load %arg8[%get3A_2783, %get3A_2784] {strides = array<i32>} : memref<2400x16xf32, #tpu.memory_space<vmem>>, vector<16xf32>,
        %mul3A_2786 = arith.constant 1.000000e+09 : f32
        %mul3A_2787 = vector.broadcast %mul3A_2786 : f32 to vector<16xf32>
        %mul3A_2788 = arith.mulf %get3A_2785, %mul3A_2787 : vector<16xf32>
        %add3A_2789 = arith.addf %mul3A_2770, %mul3A_2788 : vector<16xf32>
        %min3A_2790 = arith.minimumf %min3A_2755, %add3A_2789 : vector<16xf32>
        %add3A_2791 = arith.constant 704 : i32
        %add3A_2792 = arith.addi %add3A_2275, %add3A_2791 : i32
        %get3A_2793 = arith.index_cast %add3A_2792 : i32 to index
        %get3A_2794 = arith.constant 0 : index
        %get3A_2795 = tpu.vector_load %arg8[%get3A_2793, %get3A_2794] {strides = array<i32>} : memref<2400x16xf32, #tpu.memory_space<vmem>>, vector<16xf32>,
        %mul3A_2796 = arith.constant 1.000000e+09 : f32
        %mul3A_2797 = vector.broadcast %mul3A_2796 : f32 to vector<16xf32>
        %mul3A_2798 = arith.mulf %get3A_2795, %mul3A_2797 : vector<16xf32>
        %add3A_2799 = arith.addf %mul3A_2770, %mul3A_2798 : vector<16xf32>
        %min3A_2800 = arith.minimumf %min3A_2765, %add3A_2799 : vector<16xf32>
        %mul3A_2801 = arith.constant 1.500000e+01 : f32
        %mul3A_2802 = vector.broadcast %mul3A_2801 : f32 to vector<16xf32>
        %mul3A_2803 = arith.mulf %mul3A_2802, %get3A_29 : vector<16xf32>
        %sub3A_2804 = arith.subf %gather3A_2250, %mul3A_2803 : vector<16xf32>
        %mul3A_2805 = arith.mulf %sub3A_2804, %sub3A_2804 : vector<16xf32>
        %add3A_2806 = arith.constant 720 : i32
        %add3A_2807 = arith.addi %add3A_2275, %add3A_2806 : i32
        %get3A_2808 = arith.index_cast %add3A_2807 : i32 to index
        %get3A_2809 = arith.constant 0 : index
        %get3A_2810 = tpu.vector_load %arg8[%get3A_2808, %get3A_2809] {strides = array<i32>} : memref<2400x16xf32, #tpu.memory_space<vmem>>, vector<16xf32>,
        %mul3A_2811 = arith.constant 1.000000e+09 : f32
        %mul3A_2812 = vector.broadcast %mul3A_2811 : f32 to vector<16xf32>
        %mul3A_2813 = arith.mulf %get3A_2810, %mul3A_2812 : vector<16xf32>
        %add3A_2814 = arith.addf %mul3A_2805, %mul3A_2813 : vector<16xf32>
        %min3A_2815 = arith.minimumf %min3A_2780, %add3A_2814 : vector<16xf32>
        %add3A_2816 = arith.constant 736 : i32
        %add3A_2817 = arith.addi %add3A_2275, %add3A_2816 : i32
        %get3A_2818 = arith.index_cast %add3A_2817 : i32 to index
        %get3A_2819 = arith.constant 0 : index
        %get3A_2820 = tpu.vector_load %arg8[%get3A_2818, %get3A_2819] {strides = array<i32>} : memref<2400x16xf32, #tpu.memory_space<vmem>>, vector<16xf32>,
        %mul3A_2821 = arith.constant 1.000000e+09 : f32
        %mul3A_2822 = vector.broadcast %mul3A_2821 : f32 to vector<16xf32>
        %mul3A_2823 = arith.mulf %get3A_2820, %mul3A_2822 : vector<16xf32>
        %add3A_2824 = arith.addf %mul3A_2805, %mul3A_2823 : vector<16xf32>
        %min3A_2825 = arith.minimumf %min3A_2790, %add3A_2824 : vector<16xf32>
        %add3A_2826 = arith.constant 752 : i32
        %add3A_2827 = arith.addi %add3A_2275, %add3A_2826 : i32
        %get3A_2828 = arith.index_cast %add3A_2827 : i32 to index
        %get3A_2829 = arith.constant 0 : index
        %get3A_2830 = tpu.vector_load %arg8[%get3A_2828, %get3A_2829] {strides = array<i32>} : memref<2400x16xf32, #tpu.memory_space<vmem>>, vector<16xf32>,
        %mul3A_2831 = arith.constant 1.000000e+09 : f32
        %mul3A_2832 = vector.broadcast %mul3A_2831 : f32 to vector<16xf32>
        %mul3A_2833 = arith.mulf %get3A_2830, %mul3A_2832 : vector<16xf32>
        %add3A_2834 = arith.addf %mul3A_2805, %mul3A_2833 : vector<16xf32>
        %min3A_2835 = arith.minimumf %min3A_2800, %add3A_2834 : vector<16xf32>
        %mul3A_2836 = arith.constant 1.600000e+01 : f32
        %mul3A_2837 = vector.broadcast %mul3A_2836 : f32 to vector<16xf32>
        %mul3A_2838 = arith.mulf %mul3A_2837, %get3A_29 : vector<16xf32>
        %sub3A_2839 = arith.subf %gather3A_2250, %mul3A_2838 : vector<16xf32>
        %mul3A_2840 = arith.mulf %sub3A_2839, %sub3A_2839 : vector<16xf32>
        %add3A_2841 = arith.constant 768 : i32
        %add3A_2842 = arith.addi %add3A_2275, %add3A_2841 : i32
        %get3A_2843 = arith.index_cast %add3A_2842 : i32 to index
        %get3A_2844 = arith.constant 0 : index
        %get3A_2845 = tpu.vector_load %arg8[%get3A_2843, %get3A_2844] {strides = array<i32>} : memref<2400x16xf32, #tpu.memory_space<vmem>>, vector<16xf32>,
        %mul3A_2846 = arith.constant 1.000000e+09 : f32
        %mul3A_2847 = vector.broadcast %mul3A_2846 : f32 to vector<16xf32>
        %mul3A_2848 = arith.mulf %get3A_2845, %mul3A_2847 : vector<16xf32>
        %add3A_2849 = arith.addf %mul3A_2840, %mul3A_2848 : vector<16xf32>
        %min3A_2850 = arith.minimumf %min3A_2815, %add3A_2849 : vector<16xf32>
        %add3A_2851 = arith.constant 784 : i32
        %add3A_2852 = arith.addi %add3A_2275, %add3A_2851 : i32
        %get3A_2853 = arith.index_cast %add3A_2852 : i32 to index
        %get3A_2854 = arith.constant 0 : index
        %get3A_2855 = tpu.vector_load %arg8[%get3A_2853, %get3A_2854] {strides = array<i32>} : memref<2400x16xf32, #tpu.memory_space<vmem>>, vector<16xf32>,
        %mul3A_2856 = arith.constant 1.000000e+09 : f32
        %mul3A_2857 = vector.broadcast %mul3A_2856 : f32 to vector<16xf32>
        %mul3A_2858 = arith.mulf %get3A_2855, %mul3A_2857 : vector<16xf32>
        %add3A_2859 = arith.addf %mul3A_2840, %mul3A_2858 : vector<16xf32>
        %min3A_2860 = arith.minimumf %min3A_2825, %add3A_2859 : vector<16xf32>
        %add3A_2861 = arith.constant 800 : i32
        %add3A_2862 = arith.addi %add3A_2275, %add3A_2861 : i32
        %get3A_2863 = arith.index_cast %add3A_2862 : i32 to index
        %get3A_2864 = arith.constant 0 : index
        %get3A_2865 = tpu.vector_load %arg8[%get3A_2863, %get3A_2864] {strides = array<i32>} : memref<2400x16xf32, #tpu.memory_space<vmem>>, vector<16xf32>,
        %mul3A_2866 = arith.constant 1.000000e+09 : f32
        %mul3A_2867 = vector.broadcast %mul3A_2866 : f32 to vector<16xf32>
        %mul3A_2868 = arith.mulf %get3A_2865, %mul3A_2867 : vector<16xf32>
        %add3A_2869 = arith.addf %mul3A_2840, %mul3A_2868 : vector<16xf32>
        %min3A_2870 = arith.minimumf %min3A_2835, %add3A_2869 : vector<16xf32>
        %mul3A_2871 = arith.constant 1.700000e+01 : f32
        %mul3A_2872 = vector.broadcast %mul3A_2871 : f32 to vector<16xf32>
        %mul3A_2873 = arith.mulf %mul3A_2872, %get3A_29 : vector<16xf32>
        %sub3A_2874 = arith.subf %gather3A_2250, %mul3A_2873 : vector<16xf32>
        %mul3A_2875 = arith.mulf %sub3A_2874, %sub3A_2874 : vector<16xf32>
        %add3A_2876 = arith.constant 816 : i32
        %add3A_2877 = arith.addi %add3A_2275, %add3A_2876 : i32
        %get3A_2878 = arith.index_cast %add3A_2877 : i32 to index
        %get3A_2879 = arith.constant 0 : index
        %get3A_2880 = tpu.vector_load %arg8[%get3A_2878, %get3A_2879] {strides = array<i32>} : memref<2400x16xf32, #tpu.memory_space<vmem>>, vector<16xf32>,
        %mul3A_2881 = arith.constant 1.000000e+09 : f32
        %mul3A_2882 = vector.broadcast %mul3A_2881 : f32 to vector<16xf32>
        %mul3A_2883 = arith.mulf %get3A_2880, %mul3A_2882 : vector<16xf32>
        %add3A_2884 = arith.addf %mul3A_2875, %mul3A_2883 : vector<16xf32>
        %min3A_2885 = arith.minimumf %min3A_2850, %add3A_2884 : vector<16xf32>
        %add3A_2886 = arith.constant 832 : i32
        %add3A_2887 = arith.addi %add3A_2275, %add3A_2886 : i32
        %get3A_2888 = arith.index_cast %add3A_2887 : i32 to index
        %get3A_2889 = arith.constant 0 : index
        %get3A_2890 = tpu.vector_load %arg8[%get3A_2888, %get3A_2889] {strides = array<i32>} : memref<2400x16xf32, #tpu.memory_space<vmem>>, vector<16xf32>,
        %mul3A_2891 = arith.constant 1.000000e+09 : f32
        %mul3A_2892 = vector.broadcast %mul3A_2891 : f32 to vector<16xf32>
        %mul3A_2893 = arith.mulf %get3A_2890, %mul3A_2892 : vector<16xf32>
        %add3A_2894 = arith.addf %mul3A_2875, %mul3A_2893 : vector<16xf32>
        %min3A_2895 = arith.minimumf %min3A_2860, %add3A_2894 : vector<16xf32>
        %add3A_2896 = arith.constant 848 : i32
        %add3A_2897 = arith.addi %add3A_2275, %add3A_2896 : i32
        %get3A_2898 = arith.index_cast %add3A_2897 : i32 to index
        %get3A_2899 = arith.constant 0 : index
        %get3A_2900 = tpu.vector_load %arg8[%get3A_2898, %get3A_2899] {strides = array<i32>} : memref<2400x16xf32, #tpu.memory_space<vmem>>, vector<16xf32>,
        %mul3A_2901 = arith.constant 1.000000e+09 : f32
        %mul3A_2902 = vector.broadcast %mul3A_2901 : f32 to vector<16xf32>
        %mul3A_2903 = arith.mulf %get3A_2900, %mul3A_2902 : vector<16xf32>
        %add3A_2904 = arith.addf %mul3A_2875, %mul3A_2903 : vector<16xf32>
        %min3A_2905 = arith.minimumf %min3A_2870, %add3A_2904 : vector<16xf32>
        %mul3A_2906 = arith.constant 1.800000e+01 : f32
        %mul3A_2907 = vector.broadcast %mul3A_2906 : f32 to vector<16xf32>
        %mul3A_2908 = arith.mulf %mul3A_2907, %get3A_29 : vector<16xf32>
        %sub3A_2909 = arith.subf %gather3A_2250, %mul3A_2908 : vector<16xf32>
        %mul3A_2910 = arith.mulf %sub3A_2909, %sub3A_2909 : vector<16xf32>
        %add3A_2911 = arith.constant 864 : i32
        %add3A_2912 = arith.addi %add3A_2275, %add3A_2911 : i32
        %get3A_2913 = arith.index_cast %add3A_2912 : i32 to index
        %get3A_2914 = arith.constant 0 : index
        %get3A_2915 = tpu.vector_load %arg8[%get3A_2913, %get3A_2914] {strides = array<i32>} : memref<2400x16xf32, #tpu.memory_space<vmem>>, vector<16xf32>,
        %mul3A_2916 = arith.constant 1.000000e+09 : f32
        %mul3A_2917 = vector.broadcast %mul3A_2916 : f32 to vector<16xf32>
        %mul3A_2918 = arith.mulf %get3A_2915, %mul3A_2917 : vector<16xf32>
        %add3A_2919 = arith.addf %mul3A_2910, %mul3A_2918 : vector<16xf32>
        %min3A_2920 = arith.minimumf %min3A_2885, %add3A_2919 : vector<16xf32>
        %add3A_2921 = arith.constant 880 : i32
        %add3A_2922 = arith.addi %add3A_2275, %add3A_2921 : i32
        %get3A_2923 = arith.index_cast %add3A_2922 : i32 to index
        %get3A_2924 = arith.constant 0 : index
        %get3A_2925 = tpu.vector_load %arg8[%get3A_2923, %get3A_2924] {strides = array<i32>} : memref<2400x16xf32, #tpu.memory_space<vmem>>, vector<16xf32>,
        %mul3A_2926 = arith.constant 1.000000e+09 : f32
        %mul3A_2927 = vector.broadcast %mul3A_2926 : f32 to vector<16xf32>
        %mul3A_2928 = arith.mulf %get3A_2925, %mul3A_2927 : vector<16xf32>
        %add3A_2929 = arith.addf %mul3A_2910, %mul3A_2928 : vector<16xf32>
        %min3A_2930 = arith.minimumf %min3A_2895, %add3A_2929 : vector<16xf32>
        %add3A_2931 = arith.constant 896 : i32
        %add3A_2932 = arith.addi %add3A_2275, %add3A_2931 : i32
        %get3A_2933 = arith.index_cast %add3A_2932 : i32 to index
        %get3A_2934 = arith.constant 0 : index
        %get3A_2935 = tpu.vector_load %arg8[%get3A_2933, %get3A_2934] {strides = array<i32>} : memref<2400x16xf32, #tpu.memory_space<vmem>>, vector<16xf32>,
        %mul3A_2936 = arith.constant 1.000000e+09 : f32
        %mul3A_2937 = vector.broadcast %mul3A_2936 : f32 to vector<16xf32>
        %mul3A_2938 = arith.mulf %get3A_2935, %mul3A_2937 : vector<16xf32>
        %add3A_2939 = arith.addf %mul3A_2910, %mul3A_2938 : vector<16xf32>
        %min3A_2940 = arith.minimumf %min3A_2905, %add3A_2939 : vector<16xf32>
        %mul3A_2941 = arith.constant 1.900000e+01 : f32
        %mul3A_2942 = vector.broadcast %mul3A_2941 : f32 to vector<16xf32>
        %mul3A_2943 = arith.mulf %mul3A_2942, %get3A_29 : vector<16xf32>
        %sub3A_2944 = arith.subf %gather3A_2250, %mul3A_2943 : vector<16xf32>
        %mul3A_2945 = arith.mulf %sub3A_2944, %sub3A_2944 : vector<16xf32>
        %add3A_2946 = arith.constant 912 : i32
        %add3A_2947 = arith.addi %add3A_2275, %add3A_2946 : i32
        %get3A_2948 = arith.index_cast %add3A_2947 : i32 to index
        %get3A_2949 = arith.constant 0 : index
        %get3A_2950 = tpu.vector_load %arg8[%get3A_2948, %get3A_2949] {strides = array<i32>} : memref<2400x16xf32, #tpu.memory_space<vmem>>, vector<16xf32>,
        %mul3A_2951 = arith.constant 1.000000e+09 : f32
        %mul3A_2952 = vector.broadcast %mul3A_2951 : f32 to vector<16xf32>
        %mul3A_2953 = arith.mulf %get3A_2950, %mul3A_2952 : vector<16xf32>
        %add3A_2954 = arith.addf %mul3A_2945, %mul3A_2953 : vector<16xf32>
        %min3A_2955 = arith.minimumf %min3A_2920, %add3A_2954 : vector<16xf32>
        %add3A_2956 = arith.constant 928 : i32
        %add3A_2957 = arith.addi %add3A_2275, %add3A_2956 : i32
        %get3A_2958 = arith.index_cast %add3A_2957 : i32 to index
        %get3A_2959 = arith.constant 0 : index
        %get3A_2960 = tpu.vector_load %arg8[%get3A_2958, %get3A_2959] {strides = array<i32>} : memref<2400x16xf32, #tpu.memory_space<vmem>>, vector<16xf32>,
        %mul3A_2961 = arith.constant 1.000000e+09 : f32
        %mul3A_2962 = vector.broadcast %mul3A_2961 : f32 to vector<16xf32>
        %mul3A_2963 = arith.mulf %get3A_2960, %mul3A_2962 : vector<16xf32>
        %add3A_2964 = arith.addf %mul3A_2945, %mul3A_2963 : vector<16xf32>
        %min3A_2965 = arith.minimumf %min3A_2930, %add3A_2964 : vector<16xf32>
        %add3A_2966 = arith.constant 944 : i32
        %add3A_2967 = arith.addi %add3A_2275, %add3A_2966 : i32
        %get3A_2968 = arith.index_cast %add3A_2967 : i32 to index
        %get3A_2969 = arith.constant 0 : index
        %get3A_2970 = tpu.vector_load %arg8[%get3A_2968, %get3A_2969] {strides = array<i32>} : memref<2400x16xf32, #tpu.memory_space<vmem>>, vector<16xf32>,
        %mul3A_2971 = arith.constant 1.000000e+09 : f32
        %mul3A_2972 = vector.broadcast %mul3A_2971 : f32 to vector<16xf32>
        %mul3A_2973 = arith.mulf %get3A_2970, %mul3A_2972 : vector<16xf32>
        %add3A_2974 = arith.addf %mul3A_2945, %mul3A_2973 : vector<16xf32>
        %min3A_2975 = arith.minimumf %min3A_2940, %add3A_2974 : vector<16xf32>
        %mul3A_2976 = arith.constant 2.000000e+01 : f32
        %mul3A_2977 = vector.broadcast %mul3A_2976 : f32 to vector<16xf32>
        %mul3A_2978 = arith.mulf %mul3A_2977, %get3A_29 : vector<16xf32>
        %sub3A_2979 = arith.subf %gather3A_2250, %mul3A_2978 : vector<16xf32>
        %mul3A_2980 = arith.mulf %sub3A_2979, %sub3A_2979 : vector<16xf32>
        %add3A_2981 = arith.constant 960 : i32
        %add3A_2982 = arith.addi %add3A_2275, %add3A_2981 : i32
        %get3A_2983 = arith.index_cast %add3A_2982 : i32 to index
        %get3A_2984 = arith.constant 0 : index
        %get3A_2985 = tpu.vector_load %arg8[%get3A_2983, %get3A_2984] {strides = array<i32>} : memref<2400x16xf32, #tpu.memory_space<vmem>>, vector<16xf32>,
        %mul3A_2986 = arith.constant 1.000000e+09 : f32
        %mul3A_2987 = vector.broadcast %mul3A_2986 : f32 to vector<16xf32>
        %mul3A_2988 = arith.mulf %get3A_2985, %mul3A_2987 : vector<16xf32>
        %add3A_2989 = arith.addf %mul3A_2980, %mul3A_2988 : vector<16xf32>
        %min3A_2990 = arith.minimumf %min3A_2955, %add3A_2989 : vector<16xf32>
        %add3A_2991 = arith.constant 976 : i32
        %add3A_2992 = arith.addi %add3A_2275, %add3A_2991 : i32
        %get3A_2993 = arith.index_cast %add3A_2992 : i32 to index
        %get3A_2994 = arith.constant 0 : index
        %get3A_2995 = tpu.vector_load %arg8[%get3A_2993, %get3A_2994] {strides = array<i32>} : memref<2400x16xf32, #tpu.memory_space<vmem>>, vector<16xf32>,
        %mul3A_2996 = arith.constant 1.000000e+09 : f32
        %mul3A_2997 = vector.broadcast %mul3A_2996 : f32 to vector<16xf32>
        %mul3A_2998 = arith.mulf %get3A_2995, %mul3A_2997 : vector<16xf32>
        %add3A_2999 = arith.addf %mul3A_2980, %mul3A_2998 : vector<16xf32>
        %min3A_3000 = arith.minimumf %min3A_2965, %add3A_2999 : vector<16xf32>
        %add3A_3001 = arith.constant 992 : i32
        %add3A_3002 = arith.addi %add3A_2275, %add3A_3001 : i32
        %get3A_3003 = arith.index_cast %add3A_3002 : i32 to index
        %get3A_3004 = arith.constant 0 : index
        %get3A_3005 = tpu.vector_load %arg8[%get3A_3003, %get3A_3004] {strides = array<i32>} : memref<2400x16xf32, #tpu.memory_space<vmem>>, vector<16xf32>,
        %mul3A_3006 = arith.constant 1.000000e+09 : f32
        %mul3A_3007 = vector.broadcast %mul3A_3006 : f32 to vector<16xf32>
        %mul3A_3008 = arith.mulf %get3A_3005, %mul3A_3007 : vector<16xf32>
        %add3A_3009 = arith.addf %mul3A_2980, %mul3A_3008 : vector<16xf32>
        %min3A_3010 = arith.minimumf %min3A_2975, %add3A_3009 : vector<16xf32>
        %mul3A_3011 = arith.constant 2.100000e+01 : f32
        %mul3A_3012 = vector.broadcast %mul3A_3011 : f32 to vector<16xf32>
        %mul3A_3013 = arith.mulf %mul3A_3012, %get3A_29 : vector<16xf32>
        %sub3A_3014 = arith.subf %gather3A_2250, %mul3A_3013 : vector<16xf32>
        %mul3A_3015 = arith.mulf %sub3A_3014, %sub3A_3014 : vector<16xf32>
        %add3A_3016 = arith.constant 1008 : i32
        %add3A_3017 = arith.addi %add3A_2275, %add3A_3016 : i32
        %get3A_3018 = arith.index_cast %add3A_3017 : i32 to index
        %get3A_3019 = arith.constant 0 : index
        %get3A_3020 = tpu.vector_load %arg8[%get3A_3018, %get3A_3019] {strides = array<i32>} : memref<2400x16xf32, #tpu.memory_space<vmem>>, vector<16xf32>,
        %mul3A_3021 = arith.constant 1.000000e+09 : f32
        %mul3A_3022 = vector.broadcast %mul3A_3021 : f32 to vector<16xf32>
        %mul3A_3023 = arith.mulf %get3A_3020, %mul3A_3022 : vector<16xf32>
        %add3A_3024 = arith.addf %mul3A_3015, %mul3A_3023 : vector<16xf32>
        %min3A_3025 = arith.minimumf %min3A_2990, %add3A_3024 : vector<16xf32>
        %add3A_3026 = arith.constant 1024 : i32
        %add3A_3027 = arith.addi %add3A_2275, %add3A_3026 : i32
        %get3A_3028 = arith.index_cast %add3A_3027 : i32 to index
        %get3A_3029 = arith.constant 0 : index
        %get3A_3030 = tpu.vector_load %arg8[%get3A_3028, %get3A_3029] {strides = array<i32>} : memref<2400x16xf32, #tpu.memory_space<vmem>>, vector<16xf32>,
        %mul3A_3031 = arith.constant 1.000000e+09 : f32
        %mul3A_3032 = vector.broadcast %mul3A_3031 : f32 to vector<16xf32>
        %mul3A_3033 = arith.mulf %get3A_3030, %mul3A_3032 : vector<16xf32>
        %add3A_3034 = arith.addf %mul3A_3015, %mul3A_3033 : vector<16xf32>
        %min3A_3035 = arith.minimumf %min3A_3000, %add3A_3034 : vector<16xf32>
        %add3A_3036 = arith.constant 1040 : i32
        %add3A_3037 = arith.addi %add3A_2275, %add3A_3036 : i32
        %get3A_3038 = arith.index_cast %add3A_3037 : i32 to index
        %get3A_3039 = arith.constant 0 : index
        %get3A_3040 = tpu.vector_load %arg8[%get3A_3038, %get3A_3039] {strides = array<i32>} : memref<2400x16xf32, #tpu.memory_space<vmem>>, vector<16xf32>,
        %mul3A_3041 = arith.constant 1.000000e+09 : f32
        %mul3A_3042 = vector.broadcast %mul3A_3041 : f32 to vector<16xf32>
        %mul3A_3043 = arith.mulf %get3A_3040, %mul3A_3042 : vector<16xf32>
        %add3A_3044 = arith.addf %mul3A_3015, %mul3A_3043 : vector<16xf32>
        %min3A_3045 = arith.minimumf %min3A_3010, %add3A_3044 : vector<16xf32>
        %mul3A_3046 = arith.constant 2.200000e+01 : f32
        %mul3A_3047 = vector.broadcast %mul3A_3046 : f32 to vector<16xf32>
        %mul3A_3048 = arith.mulf %mul3A_3047, %get3A_29 : vector<16xf32>
        %sub3A_3049 = arith.subf %gather3A_2250, %mul3A_3048 : vector<16xf32>
        %mul3A_3050 = arith.mulf %sub3A_3049, %sub3A_3049 : vector<16xf32>
        %add3A_3051 = arith.constant 1056 : i32
        %add3A_3052 = arith.addi %add3A_2275, %add3A_3051 : i32
        %get3A_3053 = arith.index_cast %add3A_3052 : i32 to index
        %get3A_3054 = arith.constant 0 : index
        %get3A_3055 = tpu.vector_load %arg8[%get3A_3053, %get3A_3054] {strides = array<i32>} : memref<2400x16xf32, #tpu.memory_space<vmem>>, vector<16xf32>,
        %mul3A_3056 = arith.constant 1.000000e+09 : f32
        %mul3A_3057 = vector.broadcast %mul3A_3056 : f32 to vector<16xf32>
        %mul3A_3058 = arith.mulf %get3A_3055, %mul3A_3057 : vector<16xf32>
        %add3A_3059 = arith.addf %mul3A_3050, %mul3A_3058 : vector<16xf32>
        %min3A_3060 = arith.minimumf %min3A_3025, %add3A_3059 : vector<16xf32>
        %add3A_3061 = arith.constant 1072 : i32
        %add3A_3062 = arith.addi %add3A_2275, %add3A_3061 : i32
        %get3A_3063 = arith.index_cast %add3A_3062 : i32 to index
        %get3A_3064 = arith.constant 0 : index
        %get3A_3065 = tpu.vector_load %arg8[%get3A_3063, %get3A_3064] {strides = array<i32>} : memref<2400x16xf32, #tpu.memory_space<vmem>>, vector<16xf32>,
        %mul3A_3066 = arith.constant 1.000000e+09 : f32
        %mul3A_3067 = vector.broadcast %mul3A_3066 : f32 to vector<16xf32>
        %mul3A_3068 = arith.mulf %get3A_3065, %mul3A_3067 : vector<16xf32>
        %add3A_3069 = arith.addf %mul3A_3050, %mul3A_3068 : vector<16xf32>
        %min3A_3070 = arith.minimumf %min3A_3035, %add3A_3069 : vector<16xf32>
        %add3A_3071 = arith.constant 1088 : i32
        %add3A_3072 = arith.addi %add3A_2275, %add3A_3071 : i32
        %get3A_3073 = arith.index_cast %add3A_3072 : i32 to index
        %get3A_3074 = arith.constant 0 : index
        %get3A_3075 = tpu.vector_load %arg8[%get3A_3073, %get3A_3074] {strides = array<i32>} : memref<2400x16xf32, #tpu.memory_space<vmem>>, vector<16xf32>,
        %mul3A_3076 = arith.constant 1.000000e+09 : f32
        %mul3A_3077 = vector.broadcast %mul3A_3076 : f32 to vector<16xf32>
        %mul3A_3078 = arith.mulf %get3A_3075, %mul3A_3077 : vector<16xf32>
        %add3A_3079 = arith.addf %mul3A_3050, %mul3A_3078 : vector<16xf32>
        %min3A_3080 = arith.minimumf %min3A_3045, %add3A_3079 : vector<16xf32>
        %mul3A_3081 = arith.constant 2.300000e+01 : f32
        %mul3A_3082 = vector.broadcast %mul3A_3081 : f32 to vector<16xf32>
        %mul3A_3083 = arith.mulf %mul3A_3082, %get3A_29 : vector<16xf32>
        %sub3A_3084 = arith.subf %gather3A_2250, %mul3A_3083 : vector<16xf32>
        %mul3A_3085 = arith.mulf %sub3A_3084, %sub3A_3084 : vector<16xf32>
        %add3A_3086 = arith.constant 1104 : i32
        %add3A_3087 = arith.addi %add3A_2275, %add3A_3086 : i32
        %get3A_3088 = arith.index_cast %add3A_3087 : i32 to index
        %get3A_3089 = arith.constant 0 : index
        %get3A_3090 = tpu.vector_load %arg8[%get3A_3088, %get3A_3089] {strides = array<i32>} : memref<2400x16xf32, #tpu.memory_space<vmem>>, vector<16xf32>,
        %mul3A_3091 = arith.constant 1.000000e+09 : f32
        %mul3A_3092 = vector.broadcast %mul3A_3091 : f32 to vector<16xf32>
        %mul3A_3093 = arith.mulf %get3A_3090, %mul3A_3092 : vector<16xf32>
        %add3A_3094 = arith.addf %mul3A_3085, %mul3A_3093 : vector<16xf32>
        %min3A_3095 = arith.minimumf %min3A_3060, %add3A_3094 : vector<16xf32>
        %add3A_3096 = arith.constant 1120 : i32
        %add3A_3097 = arith.addi %add3A_2275, %add3A_3096 : i32
        %get3A_3098 = arith.index_cast %add3A_3097 : i32 to index
        %get3A_3099 = arith.constant 0 : index
        %get3A_3100 = tpu.vector_load %arg8[%get3A_3098, %get3A_3099] {strides = array<i32>} : memref<2400x16xf32, #tpu.memory_space<vmem>>, vector<16xf32>,
        %mul3A_3101 = arith.constant 1.000000e+09 : f32
        %mul3A_3102 = vector.broadcast %mul3A_3101 : f32 to vector<16xf32>
        %mul3A_3103 = arith.mulf %get3A_3100, %mul3A_3102 : vector<16xf32>
        %add3A_3104 = arith.addf %mul3A_3085, %mul3A_3103 : vector<16xf32>
        %min3A_3105 = arith.minimumf %min3A_3070, %add3A_3104 : vector<16xf32>
        %add3A_3106 = arith.constant 1136 : i32
        %add3A_3107 = arith.addi %add3A_2275, %add3A_3106 : i32
        %get3A_3108 = arith.index_cast %add3A_3107 : i32 to index
        %get3A_3109 = arith.constant 0 : index
        %get3A_3110 = tpu.vector_load %arg8[%get3A_3108, %get3A_3109] {strides = array<i32>} : memref<2400x16xf32, #tpu.memory_space<vmem>>, vector<16xf32>,
        %mul3A_3111 = arith.constant 1.000000e+09 : f32
        %mul3A_3112 = vector.broadcast %mul3A_3111 : f32 to vector<16xf32>
        %mul3A_3113 = arith.mulf %get3A_3110, %mul3A_3112 : vector<16xf32>
        %add3A_3114 = arith.addf %mul3A_3085, %mul3A_3113 : vector<16xf32>
        %min3A_3115 = arith.minimumf %min3A_3080, %add3A_3114 : vector<16xf32>
        %mul3A_3116 = arith.constant 2.400000e+01 : f32
        %mul3A_3117 = vector.broadcast %mul3A_3116 : f32 to vector<16xf32>
        %mul3A_3118 = arith.mulf %mul3A_3117, %get3A_29 : vector<16xf32>
        %sub3A_3119 = arith.subf %gather3A_2250, %mul3A_3118 : vector<16xf32>
        %mul3A_3120 = arith.mulf %sub3A_3119, %sub3A_3119 : vector<16xf32>
        %add3A_3121 = arith.constant 1152 : i32
        %add3A_3122 = arith.addi %add3A_2275, %add3A_3121 : i32
        %get3A_3123 = arith.index_cast %add3A_3122 : i32 to index
        %get3A_3124 = arith.constant 0 : index
        %get3A_3125 = tpu.vector_load %arg8[%get3A_3123, %get3A_3124] {strides = array<i32>} : memref<2400x16xf32, #tpu.memory_space<vmem>>, vector<16xf32>,
        %mul3A_3126 = arith.constant 1.000000e+09 : f32
        %mul3A_3127 = vector.broadcast %mul3A_3126 : f32 to vector<16xf32>
        %mul3A_3128 = arith.mulf %get3A_3125, %mul3A_3127 : vector<16xf32>
        %add3A_3129 = arith.addf %mul3A_3120, %mul3A_3128 : vector<16xf32>
        %min3A_3130 = arith.minimumf %min3A_3095, %add3A_3129 : vector<16xf32>
        %add3A_3131 = arith.constant 1168 : i32
        %add3A_3132 = arith.addi %add3A_2275, %add3A_3131 : i32
        %get3A_3133 = arith.index_cast %add3A_3132 : i32 to index
        %get3A_3134 = arith.constant 0 : index
        %get3A_3135 = tpu.vector_load %arg8[%get3A_3133, %get3A_3134] {strides = array<i32>} : memref<2400x16xf32, #tpu.memory_space<vmem>>, vector<16xf32>,
        %mul3A_3136 = arith.constant 1.000000e+09 : f32
        %mul3A_3137 = vector.broadcast %mul3A_3136 : f32 to vector<16xf32>
        %mul3A_3138 = arith.mulf %get3A_3135, %mul3A_3137 : vector<16xf32>
        %add3A_3139 = arith.addf %mul3A_3120, %mul3A_3138 : vector<16xf32>
        %min3A_3140 = arith.minimumf %min3A_3105, %add3A_3139 : vector<16xf32>
        %add3A_3141 = arith.constant 1184 : i32
        %add3A_3142 = arith.addi %add3A_2275, %add3A_3141 : i32
        %get3A_3143 = arith.index_cast %add3A_3142 : i32 to index
        %get3A_3144 = arith.constant 0 : index
        %get3A_3145 = tpu.vector_load %arg8[%get3A_3143, %get3A_3144] {strides = array<i32>} : memref<2400x16xf32, #tpu.memory_space<vmem>>, vector<16xf32>,
        %mul3A_3146 = arith.constant 1.000000e+09 : f32
        %mul3A_3147 = vector.broadcast %mul3A_3146 : f32 to vector<16xf32>
        %mul3A_3148 = arith.mulf %get3A_3145, %mul3A_3147 : vector<16xf32>
        %add3A_3149 = arith.addf %mul3A_3120, %mul3A_3148 : vector<16xf32>
        %min3A_3150 = arith.minimumf %min3A_3115, %add3A_3149 : vector<16xf32>
        %add3A_3151 = arith.addf %mul3A_2256, %min3A_3130 : vector<16xf32>
        %add3A_3152 = arith.addf %mul3A_2262, %min3A_3140 : vector<16xf32>
        %min3A_3153 = arith.minimumf %add3A_3151, %add3A_3152 : vector<16xf32>
        %add3A_3154 = arith.addf %mul3A_2268, %min3A_3150 : vector<16xf32>
        %min3A_3155 = arith.minimumf %min3A_3153, %add3A_3154 : vector<16xf32>
        %reduce_min3A_3156 = arith.constant true
        %reduce_min3A_3157 = vector.broadcast %reduce_min3A_3156 : i1 to vector<16xi1>
        %reduce_min3A_3158 = tpu.scan <min>, %min3A_3155 masked %reduce_min3A_3157 : vector<16xf32>, vector<16xi1> -> vector<16xf32>
        %reduce_min3A_3159 = vector.extract %reduce_min3A_3158[15] : f32 from vector<16xf32>
        %eq3A_3160 = arith.cmpi eq, %iota3A, %broadcast_in_dim3A_2245 : vector<16xi32>
        %broadcast_in_dim3A_3161 = vector.broadcast %reduce_min3A_3159 : f32 to vector<16xf32>
        %select_n3A_3162 = arith.select %eq3A_3160, %broadcast_in_dim3A_3161, %select_n3A_2242 : vector<16xi1>, vector<16xf32>
        %scan3A_3163 = arith.constant 3 : i32
        %scan3A_3164 = arith.addi %scan3A_405, %scan3A_3163 : i32
        %broadcast_in_dim3A_3165 = vector.broadcast %scan3A_3164 : i32 to vector<16xi32>
        %gather3A_3166 = tpu.vector_load_idx %arg14[%broadcast_in_dim3A_3165] : memref<32xf32, #tpu.memory_space<vmem>>[vector<16xi32>], vector<16xf32>,
        %add3A_3167 = arith.constant 16 : i32
        %add3A_3168 = vector.broadcast %add3A_3167 : i32 to vector<16xi32>
        %add3A_3169 = arith.addi %broadcast_in_dim3A_3165, %add3A_3168 : vector<16xi32>
        %gather3A_3170 = tpu.vector_load_idx %arg14[%add3A_3169] : memref<32xf32, #tpu.memory_space<vmem>>[vector<16xi32>], vector<16xf32>,
        %add3A_3171 = arith.constant 0.000000e+00 : f32
        %add3A_3172 = vector.broadcast %add3A_3171 : f32 to vector<16xf32>
        %add3A_3173 = arith.addf %convert_element_type3A_352, %add3A_3172 : vector<16xf32>
        %mul3A_3174 = arith.mulf %add3A_3173, %get3A_29 : vector<16xf32>
        %sub3A_3175 = arith.subf %gather3A_3166, %mul3A_3174 : vector<16xf32>
        %mul3A_3176 = arith.mulf %sub3A_3175, %sub3A_3175 : vector<16xf32>
        %add3A_3177 = arith.constant 1.600000e+01 : f32
        %add3A_3178 = vector.broadcast %add3A_3177 : f32 to vector<16xf32>
        %add3A_3179 = arith.addf %convert_element_type3A_352, %add3A_3178 : vector<16xf32>
        %mul3A_3180 = arith.mulf %add3A_3179, %get3A_29 : vector<16xf32>
        %sub3A_3181 = arith.subf %gather3A_3166, %mul3A_3180 : vector<16xf32>
        %mul3A_3182 = arith.mulf %sub3A_3181, %sub3A_3181 : vector<16xf32>
        %add3A_3183 = arith.constant 3.200000e+01 : f32
        %add3A_3184 = vector.broadcast %add3A_3183 : f32 to vector<16xf32>
        %add3A_3185 = arith.addf %convert_element_type3A_352, %add3A_3184 : vector<16xf32>
        %mul3A_3186 = arith.mulf %add3A_3185, %get3A_29 : vector<16xf32>
        %sub3A_3187 = arith.subf %gather3A_3166, %mul3A_3186 : vector<16xf32>
        %mul3A_3188 = arith.mulf %sub3A_3187, %sub3A_3187 : vector<16xf32>
        %broadcast_in_dim3A_3189 = arith.constant 9.99999995E+11 : f32
        %broadcast_in_dim3A_3190 = vector.broadcast %broadcast_in_dim3A_3189 : f32 to vector<16xf32>
        %broadcast_in_dim3A_3191 = arith.constant 9.99999995E+11 : f32
        %broadcast_in_dim3A_3192 = vector.broadcast %broadcast_in_dim3A_3191 : f32 to vector<16xf32>
        %broadcast_in_dim3A_3193 = arith.constant 9.99999995E+11 : f32
        %broadcast_in_dim3A_3194 = vector.broadcast %broadcast_in_dim3A_3193 : f32 to vector<16xf32>
        %add3A_3195 = arith.addi %mul3A_351, %scan3A_3164 : i32
        %mul3A_3196 = arith.constant 0.000000e+00 : f32
        %mul3A_3197 = vector.broadcast %mul3A_3196 : f32 to vector<16xf32>
        %mul3A_3198 = arith.mulf %mul3A_3197, %get3A_29 : vector<16xf32>
        %sub3A_3199 = arith.subf %gather3A_3170, %mul3A_3198 : vector<16xf32>
        %mul3A_3200 = arith.mulf %sub3A_3199, %sub3A_3199 : vector<16xf32>
        %add3A_3201 = arith.constant 0 : i32
        %add3A_3202 = arith.addi %add3A_3195, %add3A_3201 : i32
        %get3A_3203 = arith.index_cast %add3A_3202 : i32 to index
        %get3A_3204 = arith.constant 0 : index
        %get3A_3205 = tpu.vector_load %arg8[%get3A_3203, %get3A_3204] {strides = array<i32>} : memref<2400x16xf32, #tpu.memory_space<vmem>>, vector<16xf32>,
        %mul3A_3206 = arith.constant 1.000000e+09 : f32
        %mul3A_3207 = vector.broadcast %mul3A_3206 : f32 to vector<16xf32>
        %mul3A_3208 = arith.mulf %get3A_3205, %mul3A_3207 : vector<16xf32>
        %add3A_3209 = arith.addf %mul3A_3200, %mul3A_3208 : vector<16xf32>
        %min3A_3210 = arith.minimumf %broadcast_in_dim3A_3190, %add3A_3209 : vector<16xf32>
        %add3A_3211 = arith.constant 16 : i32
        %add3A_3212 = arith.addi %add3A_3195, %add3A_3211 : i32
        %get3A_3213 = arith.index_cast %add3A_3212 : i32 to index
        %get3A_3214 = arith.constant 0 : index
        %get3A_3215 = tpu.vector_load %arg8[%get3A_3213, %get3A_3214] {strides = array<i32>} : memref<2400x16xf32, #tpu.memory_space<vmem>>, vector<16xf32>,
        %mul3A_3216 = arith.constant 1.000000e+09 : f32
        %mul3A_3217 = vector.broadcast %mul3A_3216 : f32 to vector<16xf32>
        %mul3A_3218 = arith.mulf %get3A_3215, %mul3A_3217 : vector<16xf32>
        %add3A_3219 = arith.addf %mul3A_3200, %mul3A_3218 : vector<16xf32>
        %min3A_3220 = arith.minimumf %broadcast_in_dim3A_3192, %add3A_3219 : vector<16xf32>
        %add3A_3221 = arith.constant 32 : i32
        %add3A_3222 = arith.addi %add3A_3195, %add3A_3221 : i32
        %get3A_3223 = arith.index_cast %add3A_3222 : i32 to index
        %get3A_3224 = arith.constant 0 : index
        %get3A_3225 = tpu.vector_load %arg8[%get3A_3223, %get3A_3224] {strides = array<i32>} : memref<2400x16xf32, #tpu.memory_space<vmem>>, vector<16xf32>,
        %mul3A_3226 = arith.constant 1.000000e+09 : f32
        %mul3A_3227 = vector.broadcast %mul3A_3226 : f32 to vector<16xf32>
        %mul3A_3228 = arith.mulf %get3A_3225, %mul3A_3227 : vector<16xf32>
        %add3A_3229 = arith.addf %mul3A_3200, %mul3A_3228 : vector<16xf32>
        %min3A_3230 = arith.minimumf %broadcast_in_dim3A_3194, %add3A_3229 : vector<16xf32>
        %mul3A_3231 = arith.constant 1.000000e+00 : f32
        %mul3A_3232 = vector.broadcast %mul3A_3231 : f32 to vector<16xf32>
        %mul3A_3233 = arith.mulf %mul3A_3232, %get3A_29 : vector<16xf32>
        %sub3A_3234 = arith.subf %gather3A_3170, %mul3A_3233 : vector<16xf32>
        %mul3A_3235 = arith.mulf %sub3A_3234, %sub3A_3234 : vector<16xf32>
        %add3A_3236 = arith.constant 48 : i32
        %add3A_3237 = arith.addi %add3A_3195, %add3A_3236 : i32
        %get3A_3238 = arith.index_cast %add3A_3237 : i32 to index
        %get3A_3239 = arith.constant 0 : index
        %get3A_3240 = tpu.vector_load %arg8[%get3A_3238, %get3A_3239] {strides = array<i32>} : memref<2400x16xf32, #tpu.memory_space<vmem>>, vector<16xf32>,
        %mul3A_3241 = arith.constant 1.000000e+09 : f32
        %mul3A_3242 = vector.broadcast %mul3A_3241 : f32 to vector<16xf32>
        %mul3A_3243 = arith.mulf %get3A_3240, %mul3A_3242 : vector<16xf32>
        %add3A_3244 = arith.addf %mul3A_3235, %mul3A_3243 : vector<16xf32>
        %min3A_3245 = arith.minimumf %min3A_3210, %add3A_3244 : vector<16xf32>
        %add3A_3246 = arith.constant 64 : i32
        %add3A_3247 = arith.addi %add3A_3195, %add3A_3246 : i32
        %get3A_3248 = arith.index_cast %add3A_3247 : i32 to index
        %get3A_3249 = arith.constant 0 : index
        %get3A_3250 = tpu.vector_load %arg8[%get3A_3248, %get3A_3249] {strides = array<i32>} : memref<2400x16xf32, #tpu.memory_space<vmem>>, vector<16xf32>,
        %mul3A_3251 = arith.constant 1.000000e+09 : f32
        %mul3A_3252 = vector.broadcast %mul3A_3251 : f32 to vector<16xf32>
        %mul3A_3253 = arith.mulf %get3A_3250, %mul3A_3252 : vector<16xf32>
        %add3A_3254 = arith.addf %mul3A_3235, %mul3A_3253 : vector<16xf32>
        %min3A_3255 = arith.minimumf %min3A_3220, %add3A_3254 : vector<16xf32>
        %add3A_3256 = arith.constant 80 : i32
        %add3A_3257 = arith.addi %add3A_3195, %add3A_3256 : i32
        %get3A_3258 = arith.index_cast %add3A_3257 : i32 to index
        %get3A_3259 = arith.constant 0 : index
        %get3A_3260 = tpu.vector_load %arg8[%get3A_3258, %get3A_3259] {strides = array<i32>} : memref<2400x16xf32, #tpu.memory_space<vmem>>, vector<16xf32>,
        %mul3A_3261 = arith.constant 1.000000e+09 : f32
        %mul3A_3262 = vector.broadcast %mul3A_3261 : f32 to vector<16xf32>
        %mul3A_3263 = arith.mulf %get3A_3260, %mul3A_3262 : vector<16xf32>
        %add3A_3264 = arith.addf %mul3A_3235, %mul3A_3263 : vector<16xf32>
        %min3A_3265 = arith.minimumf %min3A_3230, %add3A_3264 : vector<16xf32>
        %mul3A_3266 = arith.constant 2.000000e+00 : f32
        %mul3A_3267 = vector.broadcast %mul3A_3266 : f32 to vector<16xf32>
        %mul3A_3268 = arith.mulf %mul3A_3267, %get3A_29 : vector<16xf32>
        %sub3A_3269 = arith.subf %gather3A_3170, %mul3A_3268 : vector<16xf32>
        %mul3A_3270 = arith.mulf %sub3A_3269, %sub3A_3269 : vector<16xf32>
        %add3A_3271 = arith.constant 96 : i32
        %add3A_3272 = arith.addi %add3A_3195, %add3A_3271 : i32
        %get3A_3273 = arith.index_cast %add3A_3272 : i32 to index
        %get3A_3274 = arith.constant 0 : index
        %get3A_3275 = tpu.vector_load %arg8[%get3A_3273, %get3A_3274] {strides = array<i32>} : memref<2400x16xf32, #tpu.memory_space<vmem>>, vector<16xf32>,
        %mul3A_3276 = arith.constant 1.000000e+09 : f32
        %mul3A_3277 = vector.broadcast %mul3A_3276 : f32 to vector<16xf32>
        %mul3A_3278 = arith.mulf %get3A_3275, %mul3A_3277 : vector<16xf32>
        %add3A_3279 = arith.addf %mul3A_3270, %mul3A_3278 : vector<16xf32>
        %min3A_3280 = arith.minimumf %min3A_3245, %add3A_3279 : vector<16xf32>
        %add3A_3281 = arith.constant 112 : i32
        %add3A_3282 = arith.addi %add3A_3195, %add3A_3281 : i32
        %get3A_3283 = arith.index_cast %add3A_3282 : i32 to index
        %get3A_3284 = arith.constant 0 : index
        %get3A_3285 = tpu.vector_load %arg8[%get3A_3283, %get3A_3284] {strides = array<i32>} : memref<2400x16xf32, #tpu.memory_space<vmem>>, vector<16xf32>,
        %mul3A_3286 = arith.constant 1.000000e+09 : f32
        %mul3A_3287 = vector.broadcast %mul3A_3286 : f32 to vector<16xf32>
        %mul3A_3288 = arith.mulf %get3A_3285, %mul3A_3287 : vector<16xf32>
        %add3A_3289 = arith.addf %mul3A_3270, %mul3A_3288 : vector<16xf32>
        %min3A_3290 = arith.minimumf %min3A_3255, %add3A_3289 : vector<16xf32>
        %add3A_3291 = arith.constant 128 : i32
        %add3A_3292 = arith.addi %add3A_3195, %add3A_3291 : i32
        %get3A_3293 = arith.index_cast %add3A_3292 : i32 to index
        %get3A_3294 = arith.constant 0 : index
        %get3A_3295 = tpu.vector_load %arg8[%get3A_3293, %get3A_3294] {strides = array<i32>} : memref<2400x16xf32, #tpu.memory_space<vmem>>, vector<16xf32>,
        %mul3A_3296 = arith.constant 1.000000e+09 : f32
        %mul3A_3297 = vector.broadcast %mul3A_3296 : f32 to vector<16xf32>
        %mul3A_3298 = arith.mulf %get3A_3295, %mul3A_3297 : vector<16xf32>
        %add3A_3299 = arith.addf %mul3A_3270, %mul3A_3298 : vector<16xf32>
        %min3A_3300 = arith.minimumf %min3A_3265, %add3A_3299 : vector<16xf32>
        %mul3A_3301 = arith.constant 3.000000e+00 : f32
        %mul3A_3302 = vector.broadcast %mul3A_3301 : f32 to vector<16xf32>
        %mul3A_3303 = arith.mulf %mul3A_3302, %get3A_29 : vector<16xf32>
        %sub3A_3304 = arith.subf %gather3A_3170, %mul3A_3303 : vector<16xf32>
        %mul3A_3305 = arith.mulf %sub3A_3304, %sub3A_3304 : vector<16xf32>
        %add3A_3306 = arith.constant 144 : i32
        %add3A_3307 = arith.addi %add3A_3195, %add3A_3306 : i32
        %get3A_3308 = arith.index_cast %add3A_3307 : i32 to index
        %get3A_3309 = arith.constant 0 : index
        %get3A_3310 = tpu.vector_load %arg8[%get3A_3308, %get3A_3309] {strides = array<i32>} : memref<2400x16xf32, #tpu.memory_space<vmem>>, vector<16xf32>,
        %mul3A_3311 = arith.constant 1.000000e+09 : f32
        %mul3A_3312 = vector.broadcast %mul3A_3311 : f32 to vector<16xf32>
        %mul3A_3313 = arith.mulf %get3A_3310, %mul3A_3312 : vector<16xf32>
        %add3A_3314 = arith.addf %mul3A_3305, %mul3A_3313 : vector<16xf32>
        %min3A_3315 = arith.minimumf %min3A_3280, %add3A_3314 : vector<16xf32>
        %add3A_3316 = arith.constant 160 : i32
        %add3A_3317 = arith.addi %add3A_3195, %add3A_3316 : i32
        %get3A_3318 = arith.index_cast %add3A_3317 : i32 to index
        %get3A_3319 = arith.constant 0 : index
        %get3A_3320 = tpu.vector_load %arg8[%get3A_3318, %get3A_3319] {strides = array<i32>} : memref<2400x16xf32, #tpu.memory_space<vmem>>, vector<16xf32>,
        %mul3A_3321 = arith.constant 1.000000e+09 : f32
        %mul3A_3322 = vector.broadcast %mul3A_3321 : f32 to vector<16xf32>
        %mul3A_3323 = arith.mulf %get3A_3320, %mul3A_3322 : vector<16xf32>
        %add3A_3324 = arith.addf %mul3A_3305, %mul3A_3323 : vector<16xf32>
        %min3A_3325 = arith.minimumf %min3A_3290, %add3A_3324 : vector<16xf32>
        %add3A_3326 = arith.constant 176 : i32
        %add3A_3327 = arith.addi %add3A_3195, %add3A_3326 : i32
        %get3A_3328 = arith.index_cast %add3A_3327 : i32 to index
        %get3A_3329 = arith.constant 0 : index
        %get3A_3330 = tpu.vector_load %arg8[%get3A_3328, %get3A_3329] {strides = array<i32>} : memref<2400x16xf32, #tpu.memory_space<vmem>>, vector<16xf32>,
        %mul3A_3331 = arith.constant 1.000000e+09 : f32
        %mul3A_3332 = vector.broadcast %mul3A_3331 : f32 to vector<16xf32>
        %mul3A_3333 = arith.mulf %get3A_3330, %mul3A_3332 : vector<16xf32>
        %add3A_3334 = arith.addf %mul3A_3305, %mul3A_3333 : vector<16xf32>
        %min3A_3335 = arith.minimumf %min3A_3300, %add3A_3334 : vector<16xf32>
        %mul3A_3336 = arith.constant 4.000000e+00 : f32
        %mul3A_3337 = vector.broadcast %mul3A_3336 : f32 to vector<16xf32>
        %mul3A_3338 = arith.mulf %mul3A_3337, %get3A_29 : vector<16xf32>
        %sub3A_3339 = arith.subf %gather3A_3170, %mul3A_3338 : vector<16xf32>
        %mul3A_3340 = arith.mulf %sub3A_3339, %sub3A_3339 : vector<16xf32>
        %add3A_3341 = arith.constant 192 : i32
        %add3A_3342 = arith.addi %add3A_3195, %add3A_3341 : i32
        %get3A_3343 = arith.index_cast %add3A_3342 : i32 to index
        %get3A_3344 = arith.constant 0 : index
        %get3A_3345 = tpu.vector_load %arg8[%get3A_3343, %get3A_3344] {strides = array<i32>} : memref<2400x16xf32, #tpu.memory_space<vmem>>, vector<16xf32>,
        %mul3A_3346 = arith.constant 1.000000e+09 : f32
        %mul3A_3347 = vector.broadcast %mul3A_3346 : f32 to vector<16xf32>
        %mul3A_3348 = arith.mulf %get3A_3345, %mul3A_3347 : vector<16xf32>
        %add3A_3349 = arith.addf %mul3A_3340, %mul3A_3348 : vector<16xf32>
        %min3A_3350 = arith.minimumf %min3A_3315, %add3A_3349 : vector<16xf32>
        %add3A_3351 = arith.constant 208 : i32
        %add3A_3352 = arith.addi %add3A_3195, %add3A_3351 : i32
        %get3A_3353 = arith.index_cast %add3A_3352 : i32 to index
        %get3A_3354 = arith.constant 0 : index
        %get3A_3355 = tpu.vector_load %arg8[%get3A_3353, %get3A_3354] {strides = array<i32>} : memref<2400x16xf32, #tpu.memory_space<vmem>>, vector<16xf32>,
        %mul3A_3356 = arith.constant 1.000000e+09 : f32
        %mul3A_3357 = vector.broadcast %mul3A_3356 : f32 to vector<16xf32>
        %mul3A_3358 = arith.mulf %get3A_3355, %mul3A_3357 : vector<16xf32>
        %add3A_3359 = arith.addf %mul3A_3340, %mul3A_3358 : vector<16xf32>
        %min3A_3360 = arith.minimumf %min3A_3325, %add3A_3359 : vector<16xf32>
        %add3A_3361 = arith.constant 224 : i32
        %add3A_3362 = arith.addi %add3A_3195, %add3A_3361 : i32
        %get3A_3363 = arith.index_cast %add3A_3362 : i32 to index
        %get3A_3364 = arith.constant 0 : index
        %get3A_3365 = tpu.vector_load %arg8[%get3A_3363, %get3A_3364] {strides = array<i32>} : memref<2400x16xf32, #tpu.memory_space<vmem>>, vector<16xf32>,
        %mul3A_3366 = arith.constant 1.000000e+09 : f32
        %mul3A_3367 = vector.broadcast %mul3A_3366 : f32 to vector<16xf32>
        %mul3A_3368 = arith.mulf %get3A_3365, %mul3A_3367 : vector<16xf32>
        %add3A_3369 = arith.addf %mul3A_3340, %mul3A_3368 : vector<16xf32>
        %min3A_3370 = arith.minimumf %min3A_3335, %add3A_3369 : vector<16xf32>
        %mul3A_3371 = arith.constant 5.000000e+00 : f32
        %mul3A_3372 = vector.broadcast %mul3A_3371 : f32 to vector<16xf32>
        %mul3A_3373 = arith.mulf %mul3A_3372, %get3A_29 : vector<16xf32>
        %sub3A_3374 = arith.subf %gather3A_3170, %mul3A_3373 : vector<16xf32>
        %mul3A_3375 = arith.mulf %sub3A_3374, %sub3A_3374 : vector<16xf32>
        %add3A_3376 = arith.constant 240 : i32
        %add3A_3377 = arith.addi %add3A_3195, %add3A_3376 : i32
        %get3A_3378 = arith.index_cast %add3A_3377 : i32 to index
        %get3A_3379 = arith.constant 0 : index
        %get3A_3380 = tpu.vector_load %arg8[%get3A_3378, %get3A_3379] {strides = array<i32>} : memref<2400x16xf32, #tpu.memory_space<vmem>>, vector<16xf32>,
        %mul3A_3381 = arith.constant 1.000000e+09 : f32
        %mul3A_3382 = vector.broadcast %mul3A_3381 : f32 to vector<16xf32>
        %mul3A_3383 = arith.mulf %get3A_3380, %mul3A_3382 : vector<16xf32>
        %add3A_3384 = arith.addf %mul3A_3375, %mul3A_3383 : vector<16xf32>
        %min3A_3385 = arith.minimumf %min3A_3350, %add3A_3384 : vector<16xf32>
        %add3A_3386 = arith.constant 256 : i32
        %add3A_3387 = arith.addi %add3A_3195, %add3A_3386 : i32
        %get3A_3388 = arith.index_cast %add3A_3387 : i32 to index
        %get3A_3389 = arith.constant 0 : index
        %get3A_3390 = tpu.vector_load %arg8[%get3A_3388, %get3A_3389] {strides = array<i32>} : memref<2400x16xf32, #tpu.memory_space<vmem>>, vector<16xf32>,
        %mul3A_3391 = arith.constant 1.000000e+09 : f32
        %mul3A_3392 = vector.broadcast %mul3A_3391 : f32 to vector<16xf32>
        %mul3A_3393 = arith.mulf %get3A_3390, %mul3A_3392 : vector<16xf32>
        %add3A_3394 = arith.addf %mul3A_3375, %mul3A_3393 : vector<16xf32>
        %min3A_3395 = arith.minimumf %min3A_3360, %add3A_3394 : vector<16xf32>
        %add3A_3396 = arith.constant 272 : i32
        %add3A_3397 = arith.addi %add3A_3195, %add3A_3396 : i32
        %get3A_3398 = arith.index_cast %add3A_3397 : i32 to index
        %get3A_3399 = arith.constant 0 : index
        %get3A_3400 = tpu.vector_load %arg8[%get3A_3398, %get3A_3399] {strides = array<i32>} : memref<2400x16xf32, #tpu.memory_space<vmem>>, vector<16xf32>,
        %mul3A_3401 = arith.constant 1.000000e+09 : f32
        %mul3A_3402 = vector.broadcast %mul3A_3401 : f32 to vector<16xf32>
        %mul3A_3403 = arith.mulf %get3A_3400, %mul3A_3402 : vector<16xf32>
        %add3A_3404 = arith.addf %mul3A_3375, %mul3A_3403 : vector<16xf32>
        %min3A_3405 = arith.minimumf %min3A_3370, %add3A_3404 : vector<16xf32>
        %mul3A_3406 = arith.constant 6.000000e+00 : f32
        %mul3A_3407 = vector.broadcast %mul3A_3406 : f32 to vector<16xf32>
        %mul3A_3408 = arith.mulf %mul3A_3407, %get3A_29 : vector<16xf32>
        %sub3A_3409 = arith.subf %gather3A_3170, %mul3A_3408 : vector<16xf32>
        %mul3A_3410 = arith.mulf %sub3A_3409, %sub3A_3409 : vector<16xf32>
        %add3A_3411 = arith.constant 288 : i32
        %add3A_3412 = arith.addi %add3A_3195, %add3A_3411 : i32
        %get3A_3413 = arith.index_cast %add3A_3412 : i32 to index
        %get3A_3414 = arith.constant 0 : index
        %get3A_3415 = tpu.vector_load %arg8[%get3A_3413, %get3A_3414] {strides = array<i32>} : memref<2400x16xf32, #tpu.memory_space<vmem>>, vector<16xf32>,
        %mul3A_3416 = arith.constant 1.000000e+09 : f32
        %mul3A_3417 = vector.broadcast %mul3A_3416 : f32 to vector<16xf32>
        %mul3A_3418 = arith.mulf %get3A_3415, %mul3A_3417 : vector<16xf32>
        %add3A_3419 = arith.addf %mul3A_3410, %mul3A_3418 : vector<16xf32>
        %min3A_3420 = arith.minimumf %min3A_3385, %add3A_3419 : vector<16xf32>
        %add3A_3421 = arith.constant 304 : i32
        %add3A_3422 = arith.addi %add3A_3195, %add3A_3421 : i32
        %get3A_3423 = arith.index_cast %add3A_3422 : i32 to index
        %get3A_3424 = arith.constant 0 : index
        %get3A_3425 = tpu.vector_load %arg8[%get3A_3423, %get3A_3424] {strides = array<i32>} : memref<2400x16xf32, #tpu.memory_space<vmem>>, vector<16xf32>,
        %mul3A_3426 = arith.constant 1.000000e+09 : f32
        %mul3A_3427 = vector.broadcast %mul3A_3426 : f32 to vector<16xf32>
        %mul3A_3428 = arith.mulf %get3A_3425, %mul3A_3427 : vector<16xf32>
        %add3A_3429 = arith.addf %mul3A_3410, %mul3A_3428 : vector<16xf32>
        %min3A_3430 = arith.minimumf %min3A_3395, %add3A_3429 : vector<16xf32>
        %add3A_3431 = arith.constant 320 : i32
        %add3A_3432 = arith.addi %add3A_3195, %add3A_3431 : i32
        %get3A_3433 = arith.index_cast %add3A_3432 : i32 to index
        %get3A_3434 = arith.constant 0 : index
        %get3A_3435 = tpu.vector_load %arg8[%get3A_3433, %get3A_3434] {strides = array<i32>} : memref<2400x16xf32, #tpu.memory_space<vmem>>, vector<16xf32>,
        %mul3A_3436 = arith.constant 1.000000e+09 : f32
        %mul3A_3437 = vector.broadcast %mul3A_3436 : f32 to vector<16xf32>
        %mul3A_3438 = arith.mulf %get3A_3435, %mul3A_3437 : vector<16xf32>
        %add3A_3439 = arith.addf %mul3A_3410, %mul3A_3438 : vector<16xf32>
        %min3A_3440 = arith.minimumf %min3A_3405, %add3A_3439 : vector<16xf32>
        %mul3A_3441 = arith.constant 7.000000e+00 : f32
        %mul3A_3442 = vector.broadcast %mul3A_3441 : f32 to vector<16xf32>
        %mul3A_3443 = arith.mulf %mul3A_3442, %get3A_29 : vector<16xf32>
        %sub3A_3444 = arith.subf %gather3A_3170, %mul3A_3443 : vector<16xf32>
        %mul3A_3445 = arith.mulf %sub3A_3444, %sub3A_3444 : vector<16xf32>
        %add3A_3446 = arith.constant 336 : i32
        %add3A_3447 = arith.addi %add3A_3195, %add3A_3446 : i32
        %get3A_3448 = arith.index_cast %add3A_3447 : i32 to index
        %get3A_3449 = arith.constant 0 : index
        %get3A_3450 = tpu.vector_load %arg8[%get3A_3448, %get3A_3449] {strides = array<i32>} : memref<2400x16xf32, #tpu.memory_space<vmem>>, vector<16xf32>,
        %mul3A_3451 = arith.constant 1.000000e+09 : f32
        %mul3A_3452 = vector.broadcast %mul3A_3451 : f32 to vector<16xf32>
        %mul3A_3453 = arith.mulf %get3A_3450, %mul3A_3452 : vector<16xf32>
        %add3A_3454 = arith.addf %mul3A_3445, %mul3A_3453 : vector<16xf32>
        %min3A_3455 = arith.minimumf %min3A_3420, %add3A_3454 : vector<16xf32>
        %add3A_3456 = arith.constant 352 : i32
        %add3A_3457 = arith.addi %add3A_3195, %add3A_3456 : i32
        %get3A_3458 = arith.index_cast %add3A_3457 : i32 to index
        %get3A_3459 = arith.constant 0 : index
        %get3A_3460 = tpu.vector_load %arg8[%get3A_3458, %get3A_3459] {strides = array<i32>} : memref<2400x16xf32, #tpu.memory_space<vmem>>, vector<16xf32>,
        %mul3A_3461 = arith.constant 1.000000e+09 : f32
        %mul3A_3462 = vector.broadcast %mul3A_3461 : f32 to vector<16xf32>
        %mul3A_3463 = arith.mulf %get3A_3460, %mul3A_3462 : vector<16xf32>
        %add3A_3464 = arith.addf %mul3A_3445, %mul3A_3463 : vector<16xf32>
        %min3A_3465 = arith.minimumf %min3A_3430, %add3A_3464 : vector<16xf32>
        %add3A_3466 = arith.constant 368 : i32
        %add3A_3467 = arith.addi %add3A_3195, %add3A_3466 : i32
        %get3A_3468 = arith.index_cast %add3A_3467 : i32 to index
        %get3A_3469 = arith.constant 0 : index
        %get3A_3470 = tpu.vector_load %arg8[%get3A_3468, %get3A_3469] {strides = array<i32>} : memref<2400x16xf32, #tpu.memory_space<vmem>>, vector<16xf32>,
        %mul3A_3471 = arith.constant 1.000000e+09 : f32
        %mul3A_3472 = vector.broadcast %mul3A_3471 : f32 to vector<16xf32>
        %mul3A_3473 = arith.mulf %get3A_3470, %mul3A_3472 : vector<16xf32>
        %add3A_3474 = arith.addf %mul3A_3445, %mul3A_3473 : vector<16xf32>
        %min3A_3475 = arith.minimumf %min3A_3440, %add3A_3474 : vector<16xf32>
        %mul3A_3476 = arith.constant 8.000000e+00 : f32
        %mul3A_3477 = vector.broadcast %mul3A_3476 : f32 to vector<16xf32>
        %mul3A_3478 = arith.mulf %mul3A_3477, %get3A_29 : vector<16xf32>
        %sub3A_3479 = arith.subf %gather3A_3170, %mul3A_3478 : vector<16xf32>
        %mul3A_3480 = arith.mulf %sub3A_3479, %sub3A_3479 : vector<16xf32>
        %add3A_3481 = arith.constant 384 : i32
        %add3A_3482 = arith.addi %add3A_3195, %add3A_3481 : i32
        %get3A_3483 = arith.index_cast %add3A_3482 : i32 to index
        %get3A_3484 = arith.constant 0 : index
        %get3A_3485 = tpu.vector_load %arg8[%get3A_3483, %get3A_3484] {strides = array<i32>} : memref<2400x16xf32, #tpu.memory_space<vmem>>, vector<16xf32>,
        %mul3A_3486 = arith.constant 1.000000e+09 : f32
        %mul3A_3487 = vector.broadcast %mul3A_3486 : f32 to vector<16xf32>
        %mul3A_3488 = arith.mulf %get3A_3485, %mul3A_3487 : vector<16xf32>
        %add3A_3489 = arith.addf %mul3A_3480, %mul3A_3488 : vector<16xf32>
        %min3A_3490 = arith.minimumf %min3A_3455, %add3A_3489 : vector<16xf32>
        %add3A_3491 = arith.constant 400 : i32
        %add3A_3492 = arith.addi %add3A_3195, %add3A_3491 : i32
        %get3A_3493 = arith.index_cast %add3A_3492 : i32 to index
        %get3A_3494 = arith.constant 0 : index
        %get3A_3495 = tpu.vector_load %arg8[%get3A_3493, %get3A_3494] {strides = array<i32>} : memref<2400x16xf32, #tpu.memory_space<vmem>>, vector<16xf32>,
        %mul3A_3496 = arith.constant 1.000000e+09 : f32
        %mul3A_3497 = vector.broadcast %mul3A_3496 : f32 to vector<16xf32>
        %mul3A_3498 = arith.mulf %get3A_3495, %mul3A_3497 : vector<16xf32>
        %add3A_3499 = arith.addf %mul3A_3480, %mul3A_3498 : vector<16xf32>
        %min3A_3500 = arith.minimumf %min3A_3465, %add3A_3499 : vector<16xf32>
        %add3A_3501 = arith.constant 416 : i32
        %add3A_3502 = arith.addi %add3A_3195, %add3A_3501 : i32
        %get3A_3503 = arith.index_cast %add3A_3502 : i32 to index
        %get3A_3504 = arith.constant 0 : index
        %get3A_3505 = tpu.vector_load %arg8[%get3A_3503, %get3A_3504] {strides = array<i32>} : memref<2400x16xf32, #tpu.memory_space<vmem>>, vector<16xf32>,
        %mul3A_3506 = arith.constant 1.000000e+09 : f32
        %mul3A_3507 = vector.broadcast %mul3A_3506 : f32 to vector<16xf32>
        %mul3A_3508 = arith.mulf %get3A_3505, %mul3A_3507 : vector<16xf32>
        %add3A_3509 = arith.addf %mul3A_3480, %mul3A_3508 : vector<16xf32>
        %min3A_3510 = arith.minimumf %min3A_3475, %add3A_3509 : vector<16xf32>
        %mul3A_3511 = arith.constant 9.000000e+00 : f32
        %mul3A_3512 = vector.broadcast %mul3A_3511 : f32 to vector<16xf32>
        %mul3A_3513 = arith.mulf %mul3A_3512, %get3A_29 : vector<16xf32>
        %sub3A_3514 = arith.subf %gather3A_3170, %mul3A_3513 : vector<16xf32>
        %mul3A_3515 = arith.mulf %sub3A_3514, %sub3A_3514 : vector<16xf32>
        %add3A_3516 = arith.constant 432 : i32
        %add3A_3517 = arith.addi %add3A_3195, %add3A_3516 : i32
        %get3A_3518 = arith.index_cast %add3A_3517 : i32 to index
        %get3A_3519 = arith.constant 0 : index
        %get3A_3520 = tpu.vector_load %arg8[%get3A_3518, %get3A_3519] {strides = array<i32>} : memref<2400x16xf32, #tpu.memory_space<vmem>>, vector<16xf32>,
        %mul3A_3521 = arith.constant 1.000000e+09 : f32
        %mul3A_3522 = vector.broadcast %mul3A_3521 : f32 to vector<16xf32>
        %mul3A_3523 = arith.mulf %get3A_3520, %mul3A_3522 : vector<16xf32>
        %add3A_3524 = arith.addf %mul3A_3515, %mul3A_3523 : vector<16xf32>
        %min3A_3525 = arith.minimumf %min3A_3490, %add3A_3524 : vector<16xf32>
        %add3A_3526 = arith.constant 448 : i32
        %add3A_3527 = arith.addi %add3A_3195, %add3A_3526 : i32
        %get3A_3528 = arith.index_cast %add3A_3527 : i32 to index
        %get3A_3529 = arith.constant 0 : index
        %get3A_3530 = tpu.vector_load %arg8[%get3A_3528, %get3A_3529] {strides = array<i32>} : memref<2400x16xf32, #tpu.memory_space<vmem>>, vector<16xf32>,
        %mul3A_3531 = arith.constant 1.000000e+09 : f32
        %mul3A_3532 = vector.broadcast %mul3A_3531 : f32 to vector<16xf32>
        %mul3A_3533 = arith.mulf %get3A_3530, %mul3A_3532 : vector<16xf32>
        %add3A_3534 = arith.addf %mul3A_3515, %mul3A_3533 : vector<16xf32>
        %min3A_3535 = arith.minimumf %min3A_3500, %add3A_3534 : vector<16xf32>
        %add3A_3536 = arith.constant 464 : i32
        %add3A_3537 = arith.addi %add3A_3195, %add3A_3536 : i32
        %get3A_3538 = arith.index_cast %add3A_3537 : i32 to index
        %get3A_3539 = arith.constant 0 : index
        %get3A_3540 = tpu.vector_load %arg8[%get3A_3538, %get3A_3539] {strides = array<i32>} : memref<2400x16xf32, #tpu.memory_space<vmem>>, vector<16xf32>,
        %mul3A_3541 = arith.constant 1.000000e+09 : f32
        %mul3A_3542 = vector.broadcast %mul3A_3541 : f32 to vector<16xf32>
        %mul3A_3543 = arith.mulf %get3A_3540, %mul3A_3542 : vector<16xf32>
        %add3A_3544 = arith.addf %mul3A_3515, %mul3A_3543 : vector<16xf32>
        %min3A_3545 = arith.minimumf %min3A_3510, %add3A_3544 : vector<16xf32>
        %mul3A_3546 = arith.constant 1.000000e+01 : f32
        %mul3A_3547 = vector.broadcast %mul3A_3546 : f32 to vector<16xf32>
        %mul3A_3548 = arith.mulf %mul3A_3547, %get3A_29 : vector<16xf32>
        %sub3A_3549 = arith.subf %gather3A_3170, %mul3A_3548 : vector<16xf32>
        %mul3A_3550 = arith.mulf %sub3A_3549, %sub3A_3549 : vector<16xf32>
        %add3A_3551 = arith.constant 480 : i32
        %add3A_3552 = arith.addi %add3A_3195, %add3A_3551 : i32
        %get3A_3553 = arith.index_cast %add3A_3552 : i32 to index
        %get3A_3554 = arith.constant 0 : index
        %get3A_3555 = tpu.vector_load %arg8[%get3A_3553, %get3A_3554] {strides = array<i32>} : memref<2400x16xf32, #tpu.memory_space<vmem>>, vector<16xf32>,
        %mul3A_3556 = arith.constant 1.000000e+09 : f32
        %mul3A_3557 = vector.broadcast %mul3A_3556 : f32 to vector<16xf32>
        %mul3A_3558 = arith.mulf %get3A_3555, %mul3A_3557 : vector<16xf32>
        %add3A_3559 = arith.addf %mul3A_3550, %mul3A_3558 : vector<16xf32>
        %min3A_3560 = arith.minimumf %min3A_3525, %add3A_3559 : vector<16xf32>
        %add3A_3561 = arith.constant 496 : i32
        %add3A_3562 = arith.addi %add3A_3195, %add3A_3561 : i32
        %get3A_3563 = arith.index_cast %add3A_3562 : i32 to index
        %get3A_3564 = arith.constant 0 : index
        %get3A_3565 = tpu.vector_load %arg8[%get3A_3563, %get3A_3564] {strides = array<i32>} : memref<2400x16xf32, #tpu.memory_space<vmem>>, vector<16xf32>,
        %mul3A_3566 = arith.constant 1.000000e+09 : f32
        %mul3A_3567 = vector.broadcast %mul3A_3566 : f32 to vector<16xf32>
        %mul3A_3568 = arith.mulf %get3A_3565, %mul3A_3567 : vector<16xf32>
        %add3A_3569 = arith.addf %mul3A_3550, %mul3A_3568 : vector<16xf32>
        %min3A_3570 = arith.minimumf %min3A_3535, %add3A_3569 : vector<16xf32>
        %add3A_3571 = arith.constant 512 : i32
        %add3A_3572 = arith.addi %add3A_3195, %add3A_3571 : i32
        %get3A_3573 = arith.index_cast %add3A_3572 : i32 to index
        %get3A_3574 = arith.constant 0 : index
        %get3A_3575 = tpu.vector_load %arg8[%get3A_3573, %get3A_3574] {strides = array<i32>} : memref<2400x16xf32, #tpu.memory_space<vmem>>, vector<16xf32>,
        %mul3A_3576 = arith.constant 1.000000e+09 : f32
        %mul3A_3577 = vector.broadcast %mul3A_3576 : f32 to vector<16xf32>
        %mul3A_3578 = arith.mulf %get3A_3575, %mul3A_3577 : vector<16xf32>
        %add3A_3579 = arith.addf %mul3A_3550, %mul3A_3578 : vector<16xf32>
        %min3A_3580 = arith.minimumf %min3A_3545, %add3A_3579 : vector<16xf32>
        %mul3A_3581 = arith.constant 1.100000e+01 : f32
        %mul3A_3582 = vector.broadcast %mul3A_3581 : f32 to vector<16xf32>
        %mul3A_3583 = arith.mulf %mul3A_3582, %get3A_29 : vector<16xf32>
        %sub3A_3584 = arith.subf %gather3A_3170, %mul3A_3583 : vector<16xf32>
        %mul3A_3585 = arith.mulf %sub3A_3584, %sub3A_3584 : vector<16xf32>
        %add3A_3586 = arith.constant 528 : i32
        %add3A_3587 = arith.addi %add3A_3195, %add3A_3586 : i32
        %get3A_3588 = arith.index_cast %add3A_3587 : i32 to index
        %get3A_3589 = arith.constant 0 : index
        %get3A_3590 = tpu.vector_load %arg8[%get3A_3588, %get3A_3589] {strides = array<i32>} : memref<2400x16xf32, #tpu.memory_space<vmem>>, vector<16xf32>,
        %mul3A_3591 = arith.constant 1.000000e+09 : f32
        %mul3A_3592 = vector.broadcast %mul3A_3591 : f32 to vector<16xf32>
        %mul3A_3593 = arith.mulf %get3A_3590, %mul3A_3592 : vector<16xf32>
        %add3A_3594 = arith.addf %mul3A_3585, %mul3A_3593 : vector<16xf32>
        %min3A_3595 = arith.minimumf %min3A_3560, %add3A_3594 : vector<16xf32>
        %add3A_3596 = arith.constant 544 : i32
        %add3A_3597 = arith.addi %add3A_3195, %add3A_3596 : i32
        %get3A_3598 = arith.index_cast %add3A_3597 : i32 to index
        %get3A_3599 = arith.constant 0 : index
        %get3A_3600 = tpu.vector_load %arg8[%get3A_3598, %get3A_3599] {strides = array<i32>} : memref<2400x16xf32, #tpu.memory_space<vmem>>, vector<16xf32>,
        %mul3A_3601 = arith.constant 1.000000e+09 : f32
        %mul3A_3602 = vector.broadcast %mul3A_3601 : f32 to vector<16xf32>
        %mul3A_3603 = arith.mulf %get3A_3600, %mul3A_3602 : vector<16xf32>
        %add3A_3604 = arith.addf %mul3A_3585, %mul3A_3603 : vector<16xf32>
        %min3A_3605 = arith.minimumf %min3A_3570, %add3A_3604 : vector<16xf32>
        %add3A_3606 = arith.constant 560 : i32
        %add3A_3607 = arith.addi %add3A_3195, %add3A_3606 : i32
        %get3A_3608 = arith.index_cast %add3A_3607 : i32 to index
        %get3A_3609 = arith.constant 0 : index
        %get3A_3610 = tpu.vector_load %arg8[%get3A_3608, %get3A_3609] {strides = array<i32>} : memref<2400x16xf32, #tpu.memory_space<vmem>>, vector<16xf32>,
        %mul3A_3611 = arith.constant 1.000000e+09 : f32
        %mul3A_3612 = vector.broadcast %mul3A_3611 : f32 to vector<16xf32>
        %mul3A_3613 = arith.mulf %get3A_3610, %mul3A_3612 : vector<16xf32>
        %add3A_3614 = arith.addf %mul3A_3585, %mul3A_3613 : vector<16xf32>
        %min3A_3615 = arith.minimumf %min3A_3580, %add3A_3614 : vector<16xf32>
        %mul3A_3616 = arith.constant 1.200000e+01 : f32
        %mul3A_3617 = vector.broadcast %mul3A_3616 : f32 to vector<16xf32>
        %mul3A_3618 = arith.mulf %mul3A_3617, %get3A_29 : vector<16xf32>
        %sub3A_3619 = arith.subf %gather3A_3170, %mul3A_3618 : vector<16xf32>
        %mul3A_3620 = arith.mulf %sub3A_3619, %sub3A_3619 : vector<16xf32>
        %add3A_3621 = arith.constant 576 : i32
        %add3A_3622 = arith.addi %add3A_3195, %add3A_3621 : i32
        %get3A_3623 = arith.index_cast %add3A_3622 : i32 to index
        %get3A_3624 = arith.constant 0 : index
        %get3A_3625 = tpu.vector_load %arg8[%get3A_3623, %get3A_3624] {strides = array<i32>} : memref<2400x16xf32, #tpu.memory_space<vmem>>, vector<16xf32>,
        %mul3A_3626 = arith.constant 1.000000e+09 : f32
        %mul3A_3627 = vector.broadcast %mul3A_3626 : f32 to vector<16xf32>
        %mul3A_3628 = arith.mulf %get3A_3625, %mul3A_3627 : vector<16xf32>
        %add3A_3629 = arith.addf %mul3A_3620, %mul3A_3628 : vector<16xf32>
        %min3A_3630 = arith.minimumf %min3A_3595, %add3A_3629 : vector<16xf32>
        %add3A_3631 = arith.constant 592 : i32
        %add3A_3632 = arith.addi %add3A_3195, %add3A_3631 : i32
        %get3A_3633 = arith.index_cast %add3A_3632 : i32 to index
        %get3A_3634 = arith.constant 0 : index
        %get3A_3635 = tpu.vector_load %arg8[%get3A_3633, %get3A_3634] {strides = array<i32>} : memref<2400x16xf32, #tpu.memory_space<vmem>>, vector<16xf32>,
        %mul3A_3636 = arith.constant 1.000000e+09 : f32
        %mul3A_3637 = vector.broadcast %mul3A_3636 : f32 to vector<16xf32>
        %mul3A_3638 = arith.mulf %get3A_3635, %mul3A_3637 : vector<16xf32>
        %add3A_3639 = arith.addf %mul3A_3620, %mul3A_3638 : vector<16xf32>
        %min3A_3640 = arith.minimumf %min3A_3605, %add3A_3639 : vector<16xf32>
        %add3A_3641 = arith.constant 608 : i32
        %add3A_3642 = arith.addi %add3A_3195, %add3A_3641 : i32
        %get3A_3643 = arith.index_cast %add3A_3642 : i32 to index
        %get3A_3644 = arith.constant 0 : index
        %get3A_3645 = tpu.vector_load %arg8[%get3A_3643, %get3A_3644] {strides = array<i32>} : memref<2400x16xf32, #tpu.memory_space<vmem>>, vector<16xf32>,
        %mul3A_3646 = arith.constant 1.000000e+09 : f32
        %mul3A_3647 = vector.broadcast %mul3A_3646 : f32 to vector<16xf32>
        %mul3A_3648 = arith.mulf %get3A_3645, %mul3A_3647 : vector<16xf32>
        %add3A_3649 = arith.addf %mul3A_3620, %mul3A_3648 : vector<16xf32>
        %min3A_3650 = arith.minimumf %min3A_3615, %add3A_3649 : vector<16xf32>
        %mul3A_3651 = arith.constant 1.300000e+01 : f32
        %mul3A_3652 = vector.broadcast %mul3A_3651 : f32 to vector<16xf32>
        %mul3A_3653 = arith.mulf %mul3A_3652, %get3A_29 : vector<16xf32>
        %sub3A_3654 = arith.subf %gather3A_3170, %mul3A_3653 : vector<16xf32>
        %mul3A_3655 = arith.mulf %sub3A_3654, %sub3A_3654 : vector<16xf32>
        %add3A_3656 = arith.constant 624 : i32
        %add3A_3657 = arith.addi %add3A_3195, %add3A_3656 : i32
        %get3A_3658 = arith.index_cast %add3A_3657 : i32 to index
        %get3A_3659 = arith.constant 0 : index
        %get3A_3660 = tpu.vector_load %arg8[%get3A_3658, %get3A_3659] {strides = array<i32>} : memref<2400x16xf32, #tpu.memory_space<vmem>>, vector<16xf32>,
        %mul3A_3661 = arith.constant 1.000000e+09 : f32
        %mul3A_3662 = vector.broadcast %mul3A_3661 : f32 to vector<16xf32>
        %mul3A_3663 = arith.mulf %get3A_3660, %mul3A_3662 : vector<16xf32>
        %add3A_3664 = arith.addf %mul3A_3655, %mul3A_3663 : vector<16xf32>
        %min3A_3665 = arith.minimumf %min3A_3630, %add3A_3664 : vector<16xf32>
        %add3A_3666 = arith.constant 640 : i32
        %add3A_3667 = arith.addi %add3A_3195, %add3A_3666 : i32
        %get3A_3668 = arith.index_cast %add3A_3667 : i32 to index
        %get3A_3669 = arith.constant 0 : index
        %get3A_3670 = tpu.vector_load %arg8[%get3A_3668, %get3A_3669] {strides = array<i32>} : memref<2400x16xf32, #tpu.memory_space<vmem>>, vector<16xf32>,
        %mul3A_3671 = arith.constant 1.000000e+09 : f32
        %mul3A_3672 = vector.broadcast %mul3A_3671 : f32 to vector<16xf32>
        %mul3A_3673 = arith.mulf %get3A_3670, %mul3A_3672 : vector<16xf32>
        %add3A_3674 = arith.addf %mul3A_3655, %mul3A_3673 : vector<16xf32>
        %min3A_3675 = arith.minimumf %min3A_3640, %add3A_3674 : vector<16xf32>
        %add3A_3676 = arith.constant 656 : i32
        %add3A_3677 = arith.addi %add3A_3195, %add3A_3676 : i32
        %get3A_3678 = arith.index_cast %add3A_3677 : i32 to index
        %get3A_3679 = arith.constant 0 : index
        %get3A_3680 = tpu.vector_load %arg8[%get3A_3678, %get3A_3679] {strides = array<i32>} : memref<2400x16xf32, #tpu.memory_space<vmem>>, vector<16xf32>,
        %mul3A_3681 = arith.constant 1.000000e+09 : f32
        %mul3A_3682 = vector.broadcast %mul3A_3681 : f32 to vector<16xf32>
        %mul3A_3683 = arith.mulf %get3A_3680, %mul3A_3682 : vector<16xf32>
        %add3A_3684 = arith.addf %mul3A_3655, %mul3A_3683 : vector<16xf32>
        %min3A_3685 = arith.minimumf %min3A_3650, %add3A_3684 : vector<16xf32>
        %mul3A_3686 = arith.constant 1.400000e+01 : f32
        %mul3A_3687 = vector.broadcast %mul3A_3686 : f32 to vector<16xf32>
        %mul3A_3688 = arith.mulf %mul3A_3687, %get3A_29 : vector<16xf32>
        %sub3A_3689 = arith.subf %gather3A_3170, %mul3A_3688 : vector<16xf32>
        %mul3A_3690 = arith.mulf %sub3A_3689, %sub3A_3689 : vector<16xf32>
        %add3A_3691 = arith.constant 672 : i32
        %add3A_3692 = arith.addi %add3A_3195, %add3A_3691 : i32
        %get3A_3693 = arith.index_cast %add3A_3692 : i32 to index
        %get3A_3694 = arith.constant 0 : index
        %get3A_3695 = tpu.vector_load %arg8[%get3A_3693, %get3A_3694] {strides = array<i32>} : memref<2400x16xf32, #tpu.memory_space<vmem>>, vector<16xf32>,
        %mul3A_3696 = arith.constant 1.000000e+09 : f32
        %mul3A_3697 = vector.broadcast %mul3A_3696 : f32 to vector<16xf32>
        %mul3A_3698 = arith.mulf %get3A_3695, %mul3A_3697 : vector<16xf32>
        %add3A_3699 = arith.addf %mul3A_3690, %mul3A_3698 : vector<16xf32>
        %min3A_3700 = arith.minimumf %min3A_3665, %add3A_3699 : vector<16xf32>
        %add3A_3701 = arith.constant 688 : i32
        %add3A_3702 = arith.addi %add3A_3195, %add3A_3701 : i32
        %get3A_3703 = arith.index_cast %add3A_3702 : i32 to index
        %get3A_3704 = arith.constant 0 : index
        %get3A_3705 = tpu.vector_load %arg8[%get3A_3703, %get3A_3704] {strides = array<i32>} : memref<2400x16xf32, #tpu.memory_space<vmem>>, vector<16xf32>,
        %mul3A_3706 = arith.constant 1.000000e+09 : f32
        %mul3A_3707 = vector.broadcast %mul3A_3706 : f32 to vector<16xf32>
        %mul3A_3708 = arith.mulf %get3A_3705, %mul3A_3707 : vector<16xf32>
        %add3A_3709 = arith.addf %mul3A_3690, %mul3A_3708 : vector<16xf32>
        %min3A_3710 = arith.minimumf %min3A_3675, %add3A_3709 : vector<16xf32>
        %add3A_3711 = arith.constant 704 : i32
        %add3A_3712 = arith.addi %add3A_3195, %add3A_3711 : i32
        %get3A_3713 = arith.index_cast %add3A_3712 : i32 to index
        %get3A_3714 = arith.constant 0 : index
        %get3A_3715 = tpu.vector_load %arg8[%get3A_3713, %get3A_3714] {strides = array<i32>} : memref<2400x16xf32, #tpu.memory_space<vmem>>, vector<16xf32>,
        %mul3A_3716 = arith.constant 1.000000e+09 : f32
        %mul3A_3717 = vector.broadcast %mul3A_3716 : f32 to vector<16xf32>
        %mul3A_3718 = arith.mulf %get3A_3715, %mul3A_3717 : vector<16xf32>
        %add3A_3719 = arith.addf %mul3A_3690, %mul3A_3718 : vector<16xf32>
        %min3A_3720 = arith.minimumf %min3A_3685, %add3A_3719 : vector<16xf32>
        %mul3A_3721 = arith.constant 1.500000e+01 : f32
        %mul3A_3722 = vector.broadcast %mul3A_3721 : f32 to vector<16xf32>
        %mul3A_3723 = arith.mulf %mul3A_3722, %get3A_29 : vector<16xf32>
        %sub3A_3724 = arith.subf %gather3A_3170, %mul3A_3723 : vector<16xf32>
        %mul3A_3725 = arith.mulf %sub3A_3724, %sub3A_3724 : vector<16xf32>
        %add3A_3726 = arith.constant 720 : i32
        %add3A_3727 = arith.addi %add3A_3195, %add3A_3726 : i32
        %get3A_3728 = arith.index_cast %add3A_3727 : i32 to index
        %get3A_3729 = arith.constant 0 : index
        %get3A_3730 = tpu.vector_load %arg8[%get3A_3728, %get3A_3729] {strides = array<i32>} : memref<2400x16xf32, #tpu.memory_space<vmem>>, vector<16xf32>,
        %mul3A_3731 = arith.constant 1.000000e+09 : f32
        %mul3A_3732 = vector.broadcast %mul3A_3731 : f32 to vector<16xf32>
        %mul3A_3733 = arith.mulf %get3A_3730, %mul3A_3732 : vector<16xf32>
        %add3A_3734 = arith.addf %mul3A_3725, %mul3A_3733 : vector<16xf32>
        %min3A_3735 = arith.minimumf %min3A_3700, %add3A_3734 : vector<16xf32>
        %add3A_3736 = arith.constant 736 : i32
        %add3A_3737 = arith.addi %add3A_3195, %add3A_3736 : i32
        %get3A_3738 = arith.index_cast %add3A_3737 : i32 to index
        %get3A_3739 = arith.constant 0 : index
        %get3A_3740 = tpu.vector_load %arg8[%get3A_3738, %get3A_3739] {strides = array<i32>} : memref<2400x16xf32, #tpu.memory_space<vmem>>, vector<16xf32>,
        %mul3A_3741 = arith.constant 1.000000e+09 : f32
        %mul3A_3742 = vector.broadcast %mul3A_3741 : f32 to vector<16xf32>
        %mul3A_3743 = arith.mulf %get3A_3740, %mul3A_3742 : vector<16xf32>
        %add3A_3744 = arith.addf %mul3A_3725, %mul3A_3743 : vector<16xf32>
        %min3A_3745 = arith.minimumf %min3A_3710, %add3A_3744 : vector<16xf32>
        %add3A_3746 = arith.constant 752 : i32
        %add3A_3747 = arith.addi %add3A_3195, %add3A_3746 : i32
        %get3A_3748 = arith.index_cast %add3A_3747 : i32 to index
        %get3A_3749 = arith.constant 0 : index
        %get3A_3750 = tpu.vector_load %arg8[%get3A_3748, %get3A_3749] {strides = array<i32>} : memref<2400x16xf32, #tpu.memory_space<vmem>>, vector<16xf32>,
        %mul3A_3751 = arith.constant 1.000000e+09 : f32
        %mul3A_3752 = vector.broadcast %mul3A_3751 : f32 to vector<16xf32>
        %mul3A_3753 = arith.mulf %get3A_3750, %mul3A_3752 : vector<16xf32>
        %add3A_3754 = arith.addf %mul3A_3725, %mul3A_3753 : vector<16xf32>
        %min3A_3755 = arith.minimumf %min3A_3720, %add3A_3754 : vector<16xf32>
        %mul3A_3756 = arith.constant 1.600000e+01 : f32
        %mul3A_3757 = vector.broadcast %mul3A_3756 : f32 to vector<16xf32>
        %mul3A_3758 = arith.mulf %mul3A_3757, %get3A_29 : vector<16xf32>
        %sub3A_3759 = arith.subf %gather3A_3170, %mul3A_3758 : vector<16xf32>
        %mul3A_3760 = arith.mulf %sub3A_3759, %sub3A_3759 : vector<16xf32>
        %add3A_3761 = arith.constant 768 : i32
        %add3A_3762 = arith.addi %add3A_3195, %add3A_3761 : i32
        %get3A_3763 = arith.index_cast %add3A_3762 : i32 to index
        %get3A_3764 = arith.constant 0 : index
        %get3A_3765 = tpu.vector_load %arg8[%get3A_3763, %get3A_3764] {strides = array<i32>} : memref<2400x16xf32, #tpu.memory_space<vmem>>, vector<16xf32>,
        %mul3A_3766 = arith.constant 1.000000e+09 : f32
        %mul3A_3767 = vector.broadcast %mul3A_3766 : f32 to vector<16xf32>
        %mul3A_3768 = arith.mulf %get3A_3765, %mul3A_3767 : vector<16xf32>
        %add3A_3769 = arith.addf %mul3A_3760, %mul3A_3768 : vector<16xf32>
        %min3A_3770 = arith.minimumf %min3A_3735, %add3A_3769 : vector<16xf32>
        %add3A_3771 = arith.constant 784 : i32
        %add3A_3772 = arith.addi %add3A_3195, %add3A_3771 : i32
        %get3A_3773 = arith.index_cast %add3A_3772 : i32 to index
        %get3A_3774 = arith.constant 0 : index
        %get3A_3775 = tpu.vector_load %arg8[%get3A_3773, %get3A_3774] {strides = array<i32>} : memref<2400x16xf32, #tpu.memory_space<vmem>>, vector<16xf32>,
        %mul3A_3776 = arith.constant 1.000000e+09 : f32
        %mul3A_3777 = vector.broadcast %mul3A_3776 : f32 to vector<16xf32>
        %mul3A_3778 = arith.mulf %get3A_3775, %mul3A_3777 : vector<16xf32>
        %add3A_3779 = arith.addf %mul3A_3760, %mul3A_3778 : vector<16xf32>
        %min3A_3780 = arith.minimumf %min3A_3745, %add3A_3779 : vector<16xf32>
        %add3A_3781 = arith.constant 800 : i32
        %add3A_3782 = arith.addi %add3A_3195, %add3A_3781 : i32
        %get3A_3783 = arith.index_cast %add3A_3782 : i32 to index
        %get3A_3784 = arith.constant 0 : index
        %get3A_3785 = tpu.vector_load %arg8[%get3A_3783, %get3A_3784] {strides = array<i32>} : memref<2400x16xf32, #tpu.memory_space<vmem>>, vector<16xf32>,
        %mul3A_3786 = arith.constant 1.000000e+09 : f32
        %mul3A_3787 = vector.broadcast %mul3A_3786 : f32 to vector<16xf32>
        %mul3A_3788 = arith.mulf %get3A_3785, %mul3A_3787 : vector<16xf32>
        %add3A_3789 = arith.addf %mul3A_3760, %mul3A_3788 : vector<16xf32>
        %min3A_3790 = arith.minimumf %min3A_3755, %add3A_3789 : vector<16xf32>
        %mul3A_3791 = arith.constant 1.700000e+01 : f32
        %mul3A_3792 = vector.broadcast %mul3A_3791 : f32 to vector<16xf32>
        %mul3A_3793 = arith.mulf %mul3A_3792, %get3A_29 : vector<16xf32>
        %sub3A_3794 = arith.subf %gather3A_3170, %mul3A_3793 : vector<16xf32>
        %mul3A_3795 = arith.mulf %sub3A_3794, %sub3A_3794 : vector<16xf32>
        %add3A_3796 = arith.constant 816 : i32
        %add3A_3797 = arith.addi %add3A_3195, %add3A_3796 : i32
        %get3A_3798 = arith.index_cast %add3A_3797 : i32 to index
        %get3A_3799 = arith.constant 0 : index
        %get3A_3800 = tpu.vector_load %arg8[%get3A_3798, %get3A_3799] {strides = array<i32>} : memref<2400x16xf32, #tpu.memory_space<vmem>>, vector<16xf32>,
        %mul3A_3801 = arith.constant 1.000000e+09 : f32
        %mul3A_3802 = vector.broadcast %mul3A_3801 : f32 to vector<16xf32>
        %mul3A_3803 = arith.mulf %get3A_3800, %mul3A_3802 : vector<16xf32>
        %add3A_3804 = arith.addf %mul3A_3795, %mul3A_3803 : vector<16xf32>
        %min3A_3805 = arith.minimumf %min3A_3770, %add3A_3804 : vector<16xf32>
        %add3A_3806 = arith.constant 832 : i32
        %add3A_3807 = arith.addi %add3A_3195, %add3A_3806 : i32
        %get3A_3808 = arith.index_cast %add3A_3807 : i32 to index
        %get3A_3809 = arith.constant 0 : index
        %get3A_3810 = tpu.vector_load %arg8[%get3A_3808, %get3A_3809] {strides = array<i32>} : memref<2400x16xf32, #tpu.memory_space<vmem>>, vector<16xf32>,
        %mul3A_3811 = arith.constant 1.000000e+09 : f32
        %mul3A_3812 = vector.broadcast %mul3A_3811 : f32 to vector<16xf32>
        %mul3A_3813 = arith.mulf %get3A_3810, %mul3A_3812 : vector<16xf32>
        %add3A_3814 = arith.addf %mul3A_3795, %mul3A_3813 : vector<16xf32>
        %min3A_3815 = arith.minimumf %min3A_3780, %add3A_3814 : vector<16xf32>
        %add3A_3816 = arith.constant 848 : i32
        %add3A_3817 = arith.addi %add3A_3195, %add3A_3816 : i32
        %get3A_3818 = arith.index_cast %add3A_3817 : i32 to index
        %get3A_3819 = arith.constant 0 : index
        %get3A_3820 = tpu.vector_load %arg8[%get3A_3818, %get3A_3819] {strides = array<i32>} : memref<2400x16xf32, #tpu.memory_space<vmem>>, vector<16xf32>,
        %mul3A_3821 = arith.constant 1.000000e+09 : f32
        %mul3A_3822 = vector.broadcast %mul3A_3821 : f32 to vector<16xf32>
        %mul3A_3823 = arith.mulf %get3A_3820, %mul3A_3822 : vector<16xf32>
        %add3A_3824 = arith.addf %mul3A_3795, %mul3A_3823 : vector<16xf32>
        %min3A_3825 = arith.minimumf %min3A_3790, %add3A_3824 : vector<16xf32>
        %mul3A_3826 = arith.constant 1.800000e+01 : f32
        %mul3A_3827 = vector.broadcast %mul3A_3826 : f32 to vector<16xf32>
        %mul3A_3828 = arith.mulf %mul3A_3827, %get3A_29 : vector<16xf32>
        %sub3A_3829 = arith.subf %gather3A_3170, %mul3A_3828 : vector<16xf32>
        %mul3A_3830 = arith.mulf %sub3A_3829, %sub3A_3829 : vector<16xf32>
        %add3A_3831 = arith.constant 864 : i32
        %add3A_3832 = arith.addi %add3A_3195, %add3A_3831 : i32
        %get3A_3833 = arith.index_cast %add3A_3832 : i32 to index
        %get3A_3834 = arith.constant 0 : index
        %get3A_3835 = tpu.vector_load %arg8[%get3A_3833, %get3A_3834] {strides = array<i32>} : memref<2400x16xf32, #tpu.memory_space<vmem>>, vector<16xf32>,
        %mul3A_3836 = arith.constant 1.000000e+09 : f32
        %mul3A_3837 = vector.broadcast %mul3A_3836 : f32 to vector<16xf32>
        %mul3A_3838 = arith.mulf %get3A_3835, %mul3A_3837 : vector<16xf32>
        %add3A_3839 = arith.addf %mul3A_3830, %mul3A_3838 : vector<16xf32>
        %min3A_3840 = arith.minimumf %min3A_3805, %add3A_3839 : vector<16xf32>
        %add3A_3841 = arith.constant 880 : i32
        %add3A_3842 = arith.addi %add3A_3195, %add3A_3841 : i32
        %get3A_3843 = arith.index_cast %add3A_3842 : i32 to index
        %get3A_3844 = arith.constant 0 : index
        %get3A_3845 = tpu.vector_load %arg8[%get3A_3843, %get3A_3844] {strides = array<i32>} : memref<2400x16xf32, #tpu.memory_space<vmem>>, vector<16xf32>,
        %mul3A_3846 = arith.constant 1.000000e+09 : f32
        %mul3A_3847 = vector.broadcast %mul3A_3846 : f32 to vector<16xf32>
        %mul3A_3848 = arith.mulf %get3A_3845, %mul3A_3847 : vector<16xf32>
        %add3A_3849 = arith.addf %mul3A_3830, %mul3A_3848 : vector<16xf32>
        %min3A_3850 = arith.minimumf %min3A_3815, %add3A_3849 : vector<16xf32>
        %add3A_3851 = arith.constant 896 : i32
        %add3A_3852 = arith.addi %add3A_3195, %add3A_3851 : i32
        %get3A_3853 = arith.index_cast %add3A_3852 : i32 to index
        %get3A_3854 = arith.constant 0 : index
        %get3A_3855 = tpu.vector_load %arg8[%get3A_3853, %get3A_3854] {strides = array<i32>} : memref<2400x16xf32, #tpu.memory_space<vmem>>, vector<16xf32>,
        %mul3A_3856 = arith.constant 1.000000e+09 : f32
        %mul3A_3857 = vector.broadcast %mul3A_3856 : f32 to vector<16xf32>
        %mul3A_3858 = arith.mulf %get3A_3855, %mul3A_3857 : vector<16xf32>
        %add3A_3859 = arith.addf %mul3A_3830, %mul3A_3858 : vector<16xf32>
        %min3A_3860 = arith.minimumf %min3A_3825, %add3A_3859 : vector<16xf32>
        %mul3A_3861 = arith.constant 1.900000e+01 : f32
        %mul3A_3862 = vector.broadcast %mul3A_3861 : f32 to vector<16xf32>
        %mul3A_3863 = arith.mulf %mul3A_3862, %get3A_29 : vector<16xf32>
        %sub3A_3864 = arith.subf %gather3A_3170, %mul3A_3863 : vector<16xf32>
        %mul3A_3865 = arith.mulf %sub3A_3864, %sub3A_3864 : vector<16xf32>
        %add3A_3866 = arith.constant 912 : i32
        %add3A_3867 = arith.addi %add3A_3195, %add3A_3866 : i32
        %get3A_3868 = arith.index_cast %add3A_3867 : i32 to index
        %get3A_3869 = arith.constant 0 : index
        %get3A_3870 = tpu.vector_load %arg8[%get3A_3868, %get3A_3869] {strides = array<i32>} : memref<2400x16xf32, #tpu.memory_space<vmem>>, vector<16xf32>,
        %mul3A_3871 = arith.constant 1.000000e+09 : f32
        %mul3A_3872 = vector.broadcast %mul3A_3871 : f32 to vector<16xf32>
        %mul3A_3873 = arith.mulf %get3A_3870, %mul3A_3872 : vector<16xf32>
        %add3A_3874 = arith.addf %mul3A_3865, %mul3A_3873 : vector<16xf32>
        %min3A_3875 = arith.minimumf %min3A_3840, %add3A_3874 : vector<16xf32>
        %add3A_3876 = arith.constant 928 : i32
        %add3A_3877 = arith.addi %add3A_3195, %add3A_3876 : i32
        %get3A_3878 = arith.index_cast %add3A_3877 : i32 to index
        %get3A_3879 = arith.constant 0 : index
        %get3A_3880 = tpu.vector_load %arg8[%get3A_3878, %get3A_3879] {strides = array<i32>} : memref<2400x16xf32, #tpu.memory_space<vmem>>, vector<16xf32>,
        %mul3A_3881 = arith.constant 1.000000e+09 : f32
        %mul3A_3882 = vector.broadcast %mul3A_3881 : f32 to vector<16xf32>
        %mul3A_3883 = arith.mulf %get3A_3880, %mul3A_3882 : vector<16xf32>
        %add3A_3884 = arith.addf %mul3A_3865, %mul3A_3883 : vector<16xf32>
        %min3A_3885 = arith.minimumf %min3A_3850, %add3A_3884 : vector<16xf32>
        %add3A_3886 = arith.constant 944 : i32
        %add3A_3887 = arith.addi %add3A_3195, %add3A_3886 : i32
        %get3A_3888 = arith.index_cast %add3A_3887 : i32 to index
        %get3A_3889 = arith.constant 0 : index
        %get3A_3890 = tpu.vector_load %arg8[%get3A_3888, %get3A_3889] {strides = array<i32>} : memref<2400x16xf32, #tpu.memory_space<vmem>>, vector<16xf32>,
        %mul3A_3891 = arith.constant 1.000000e+09 : f32
        %mul3A_3892 = vector.broadcast %mul3A_3891 : f32 to vector<16xf32>
        %mul3A_3893 = arith.mulf %get3A_3890, %mul3A_3892 : vector<16xf32>
        %add3A_3894 = arith.addf %mul3A_3865, %mul3A_3893 : vector<16xf32>
        %min3A_3895 = arith.minimumf %min3A_3860, %add3A_3894 : vector<16xf32>
        %mul3A_3896 = arith.constant 2.000000e+01 : f32
        %mul3A_3897 = vector.broadcast %mul3A_3896 : f32 to vector<16xf32>
        %mul3A_3898 = arith.mulf %mul3A_3897, %get3A_29 : vector<16xf32>
        %sub3A_3899 = arith.subf %gather3A_3170, %mul3A_3898 : vector<16xf32>
        %mul3A_3900 = arith.mulf %sub3A_3899, %sub3A_3899 : vector<16xf32>
        %add3A_3901 = arith.constant 960 : i32
        %add3A_3902 = arith.addi %add3A_3195, %add3A_3901 : i32
        %get3A_3903 = arith.index_cast %add3A_3902 : i32 to index
        %get3A_3904 = arith.constant 0 : index
        %get3A_3905 = tpu.vector_load %arg8[%get3A_3903, %get3A_3904] {strides = array<i32>} : memref<2400x16xf32, #tpu.memory_space<vmem>>, vector<16xf32>,
        %mul3A_3906 = arith.constant 1.000000e+09 : f32
        %mul3A_3907 = vector.broadcast %mul3A_3906 : f32 to vector<16xf32>
        %mul3A_3908 = arith.mulf %get3A_3905, %mul3A_3907 : vector<16xf32>
        %add3A_3909 = arith.addf %mul3A_3900, %mul3A_3908 : vector<16xf32>
        %min3A_3910 = arith.minimumf %min3A_3875, %add3A_3909 : vector<16xf32>
        %add3A_3911 = arith.constant 976 : i32
        %add3A_3912 = arith.addi %add3A_3195, %add3A_3911 : i32
        %get3A_3913 = arith.index_cast %add3A_3912 : i32 to index
        %get3A_3914 = arith.constant 0 : index
        %get3A_3915 = tpu.vector_load %arg8[%get3A_3913, %get3A_3914] {strides = array<i32>} : memref<2400x16xf32, #tpu.memory_space<vmem>>, vector<16xf32>,
        %mul3A_3916 = arith.constant 1.000000e+09 : f32
        %mul3A_3917 = vector.broadcast %mul3A_3916 : f32 to vector<16xf32>
        %mul3A_3918 = arith.mulf %get3A_3915, %mul3A_3917 : vector<16xf32>
        %add3A_3919 = arith.addf %mul3A_3900, %mul3A_3918 : vector<16xf32>
        %min3A_3920 = arith.minimumf %min3A_3885, %add3A_3919 : vector<16xf32>
        %add3A_3921 = arith.constant 992 : i32
        %add3A_3922 = arith.addi %add3A_3195, %add3A_3921 : i32
        %get3A_3923 = arith.index_cast %add3A_3922 : i32 to index
        %get3A_3924 = arith.constant 0 : index
        %get3A_3925 = tpu.vector_load %arg8[%get3A_3923, %get3A_3924] {strides = array<i32>} : memref<2400x16xf32, #tpu.memory_space<vmem>>, vector<16xf32>,
        %mul3A_3926 = arith.constant 1.000000e+09 : f32
        %mul3A_3927 = vector.broadcast %mul3A_3926 : f32 to vector<16xf32>
        %mul3A_3928 = arith.mulf %get3A_3925, %mul3A_3927 : vector<16xf32>
        %add3A_3929 = arith.addf %mul3A_3900, %mul3A_3928 : vector<16xf32>
        %min3A_3930 = arith.minimumf %min3A_3895, %add3A_3929 : vector<16xf32>
        %mul3A_3931 = arith.constant 2.100000e+01 : f32
        %mul3A_3932 = vector.broadcast %mul3A_3931 : f32 to vector<16xf32>
        %mul3A_3933 = arith.mulf %mul3A_3932, %get3A_29 : vector<16xf32>
        %sub3A_3934 = arith.subf %gather3A_3170, %mul3A_3933 : vector<16xf32>
        %mul3A_3935 = arith.mulf %sub3A_3934, %sub3A_3934 : vector<16xf32>
        %add3A_3936 = arith.constant 1008 : i32
        %add3A_3937 = arith.addi %add3A_3195, %add3A_3936 : i32
        %get3A_3938 = arith.index_cast %add3A_3937 : i32 to index
        %get3A_3939 = arith.constant 0 : index
        %get3A_3940 = tpu.vector_load %arg8[%get3A_3938, %get3A_3939] {strides = array<i32>} : memref<2400x16xf32, #tpu.memory_space<vmem>>, vector<16xf32>,
        %mul3A_3941 = arith.constant 1.000000e+09 : f32
        %mul3A_3942 = vector.broadcast %mul3A_3941 : f32 to vector<16xf32>
        %mul3A_3943 = arith.mulf %get3A_3940, %mul3A_3942 : vector<16xf32>
        %add3A_3944 = arith.addf %mul3A_3935, %mul3A_3943 : vector<16xf32>
        %min3A_3945 = arith.minimumf %min3A_3910, %add3A_3944 : vector<16xf32>
        %add3A_3946 = arith.constant 1024 : i32
        %add3A_3947 = arith.addi %add3A_3195, %add3A_3946 : i32
        %get3A_3948 = arith.index_cast %add3A_3947 : i32 to index
        %get3A_3949 = arith.constant 0 : index
        %get3A_3950 = tpu.vector_load %arg8[%get3A_3948, %get3A_3949] {strides = array<i32>} : memref<2400x16xf32, #tpu.memory_space<vmem>>, vector<16xf32>,
        %mul3A_3951 = arith.constant 1.000000e+09 : f32
        %mul3A_3952 = vector.broadcast %mul3A_3951 : f32 to vector<16xf32>
        %mul3A_3953 = arith.mulf %get3A_3950, %mul3A_3952 : vector<16xf32>
        %add3A_3954 = arith.addf %mul3A_3935, %mul3A_3953 : vector<16xf32>
        %min3A_3955 = arith.minimumf %min3A_3920, %add3A_3954 : vector<16xf32>
        %add3A_3956 = arith.constant 1040 : i32
        %add3A_3957 = arith.addi %add3A_3195, %add3A_3956 : i32
        %get3A_3958 = arith.index_cast %add3A_3957 : i32 to index
        %get3A_3959 = arith.constant 0 : index
        %get3A_3960 = tpu.vector_load %arg8[%get3A_3958, %get3A_3959] {strides = array<i32>} : memref<2400x16xf32, #tpu.memory_space<vmem>>, vector<16xf32>,
        %mul3A_3961 = arith.constant 1.000000e+09 : f32
        %mul3A_3962 = vector.broadcast %mul3A_3961 : f32 to vector<16xf32>
        %mul3A_3963 = arith.mulf %get3A_3960, %mul3A_3962 : vector<16xf32>
        %add3A_3964 = arith.addf %mul3A_3935, %mul3A_3963 : vector<16xf32>
        %min3A_3965 = arith.minimumf %min3A_3930, %add3A_3964 : vector<16xf32>
        %mul3A_3966 = arith.constant 2.200000e+01 : f32
        %mul3A_3967 = vector.broadcast %mul3A_3966 : f32 to vector<16xf32>
        %mul3A_3968 = arith.mulf %mul3A_3967, %get3A_29 : vector<16xf32>
        %sub3A_3969 = arith.subf %gather3A_3170, %mul3A_3968 : vector<16xf32>
        %mul3A_3970 = arith.mulf %sub3A_3969, %sub3A_3969 : vector<16xf32>
        %add3A_3971 = arith.constant 1056 : i32
        %add3A_3972 = arith.addi %add3A_3195, %add3A_3971 : i32
        %get3A_3973 = arith.index_cast %add3A_3972 : i32 to index
        %get3A_3974 = arith.constant 0 : index
        %get3A_3975 = tpu.vector_load %arg8[%get3A_3973, %get3A_3974] {strides = array<i32>} : memref<2400x16xf32, #tpu.memory_space<vmem>>, vector<16xf32>,
        %mul3A_3976 = arith.constant 1.000000e+09 : f32
        %mul3A_3977 = vector.broadcast %mul3A_3976 : f32 to vector<16xf32>
        %mul3A_3978 = arith.mulf %get3A_3975, %mul3A_3977 : vector<16xf32>
        %add3A_3979 = arith.addf %mul3A_3970, %mul3A_3978 : vector<16xf32>
        %min3A_3980 = arith.minimumf %min3A_3945, %add3A_3979 : vector<16xf32>
        %add3A_3981 = arith.constant 1072 : i32
        %add3A_3982 = arith.addi %add3A_3195, %add3A_3981 : i32
        %get3A_3983 = arith.index_cast %add3A_3982 : i32 to index
        %get3A_3984 = arith.constant 0 : index
        %get3A_3985 = tpu.vector_load %arg8[%get3A_3983, %get3A_3984] {strides = array<i32>} : memref<2400x16xf32, #tpu.memory_space<vmem>>, vector<16xf32>,
        %mul3A_3986 = arith.constant 1.000000e+09 : f32
        %mul3A_3987 = vector.broadcast %mul3A_3986 : f32 to vector<16xf32>
        %mul3A_3988 = arith.mulf %get3A_3985, %mul3A_3987 : vector<16xf32>
        %add3A_3989 = arith.addf %mul3A_3970, %mul3A_3988 : vector<16xf32>
        %min3A_3990 = arith.minimumf %min3A_3955, %add3A_3989 : vector<16xf32>
        %add3A_3991 = arith.constant 1088 : i32
        %add3A_3992 = arith.addi %add3A_3195, %add3A_3991 : i32
        %get3A_3993 = arith.index_cast %add3A_3992 : i32 to index
        %get3A_3994 = arith.constant 0 : index
        %get3A_3995 = tpu.vector_load %arg8[%get3A_3993, %get3A_3994] {strides = array<i32>} : memref<2400x16xf32, #tpu.memory_space<vmem>>, vector<16xf32>,
        %mul3A_3996 = arith.constant 1.000000e+09 : f32
        %mul3A_3997 = vector.broadcast %mul3A_3996 : f32 to vector<16xf32>
        %mul3A_3998 = arith.mulf %get3A_3995, %mul3A_3997 : vector<16xf32>
        %add3A_3999 = arith.addf %mul3A_3970, %mul3A_3998 : vector<16xf32>
        %min3A_4000 = arith.minimumf %min3A_3965, %add3A_3999 : vector<16xf32>
        %mul3A_4001 = arith.constant 2.300000e+01 : f32
        %mul3A_4002 = vector.broadcast %mul3A_4001 : f32 to vector<16xf32>
        %mul3A_4003 = arith.mulf %mul3A_4002, %get3A_29 : vector<16xf32>
        %sub3A_4004 = arith.subf %gather3A_3170, %mul3A_4003 : vector<16xf32>
        %mul3A_4005 = arith.mulf %sub3A_4004, %sub3A_4004 : vector<16xf32>
        %add3A_4006 = arith.constant 1104 : i32
        %add3A_4007 = arith.addi %add3A_3195, %add3A_4006 : i32
        %get3A_4008 = arith.index_cast %add3A_4007 : i32 to index
        %get3A_4009 = arith.constant 0 : index
        %get3A_4010 = tpu.vector_load %arg8[%get3A_4008, %get3A_4009] {strides = array<i32>} : memref<2400x16xf32, #tpu.memory_space<vmem>>, vector<16xf32>,
        %mul3A_4011 = arith.constant 1.000000e+09 : f32
        %mul3A_4012 = vector.broadcast %mul3A_4011 : f32 to vector<16xf32>
        %mul3A_4013 = arith.mulf %get3A_4010, %mul3A_4012 : vector<16xf32>
        %add3A_4014 = arith.addf %mul3A_4005, %mul3A_4013 : vector<16xf32>
        %min3A_4015 = arith.minimumf %min3A_3980, %add3A_4014 : vector<16xf32>
        %add3A_4016 = arith.constant 1120 : i32
        %add3A_4017 = arith.addi %add3A_3195, %add3A_4016 : i32
        %get3A_4018 = arith.index_cast %add3A_4017 : i32 to index
        %get3A_4019 = arith.constant 0 : index
        %get3A_4020 = tpu.vector_load %arg8[%get3A_4018, %get3A_4019] {strides = array<i32>} : memref<2400x16xf32, #tpu.memory_space<vmem>>, vector<16xf32>,
        %mul3A_4021 = arith.constant 1.000000e+09 : f32
        %mul3A_4022 = vector.broadcast %mul3A_4021 : f32 to vector<16xf32>
        %mul3A_4023 = arith.mulf %get3A_4020, %mul3A_4022 : vector<16xf32>
        %add3A_4024 = arith.addf %mul3A_4005, %mul3A_4023 : vector<16xf32>
        %min3A_4025 = arith.minimumf %min3A_3990, %add3A_4024 : vector<16xf32>
        %add3A_4026 = arith.constant 1136 : i32
        %add3A_4027 = arith.addi %add3A_3195, %add3A_4026 : i32
        %get3A_4028 = arith.index_cast %add3A_4027 : i32 to index
        %get3A_4029 = arith.constant 0 : index
        %get3A_4030 = tpu.vector_load %arg8[%get3A_4028, %get3A_4029] {strides = array<i32>} : memref<2400x16xf32, #tpu.memory_space<vmem>>, vector<16xf32>,
        %mul3A_4031 = arith.constant 1.000000e+09 : f32
        %mul3A_4032 = vector.broadcast %mul3A_4031 : f32 to vector<16xf32>
        %mul3A_4033 = arith.mulf %get3A_4030, %mul3A_4032 : vector<16xf32>
        %add3A_4034 = arith.addf %mul3A_4005, %mul3A_4033 : vector<16xf32>
        %min3A_4035 = arith.minimumf %min3A_4000, %add3A_4034 : vector<16xf32>
        %mul3A_4036 = arith.constant 2.400000e+01 : f32
        %mul3A_4037 = vector.broadcast %mul3A_4036 : f32 to vector<16xf32>
        %mul3A_4038 = arith.mulf %mul3A_4037, %get3A_29 : vector<16xf32>
        %sub3A_4039 = arith.subf %gather3A_3170, %mul3A_4038 : vector<16xf32>
        %mul3A_4040 = arith.mulf %sub3A_4039, %sub3A_4039 : vector<16xf32>
        %add3A_4041 = arith.constant 1152 : i32
        %add3A_4042 = arith.addi %add3A_3195, %add3A_4041 : i32
        %get3A_4043 = arith.index_cast %add3A_4042 : i32 to index
        %get3A_4044 = arith.constant 0 : index
        %get3A_4045 = tpu.vector_load %arg8[%get3A_4043, %get3A_4044] {strides = array<i32>} : memref<2400x16xf32, #tpu.memory_space<vmem>>, vector<16xf32>,
        %mul3A_4046 = arith.constant 1.000000e+09 : f32
        %mul3A_4047 = vector.broadcast %mul3A_4046 : f32 to vector<16xf32>
        %mul3A_4048 = arith.mulf %get3A_4045, %mul3A_4047 : vector<16xf32>
        %add3A_4049 = arith.addf %mul3A_4040, %mul3A_4048 : vector<16xf32>
        %min3A_4050 = arith.minimumf %min3A_4015, %add3A_4049 : vector<16xf32>
        %add3A_4051 = arith.constant 1168 : i32
        %add3A_4052 = arith.addi %add3A_3195, %add3A_4051 : i32
        %get3A_4053 = arith.index_cast %add3A_4052 : i32 to index
        %get3A_4054 = arith.constant 0 : index
        %get3A_4055 = tpu.vector_load %arg8[%get3A_4053, %get3A_4054] {strides = array<i32>} : memref<2400x16xf32, #tpu.memory_space<vmem>>, vector<16xf32>,
        %mul3A_4056 = arith.constant 1.000000e+09 : f32
        %mul3A_4057 = vector.broadcast %mul3A_4056 : f32 to vector<16xf32>
        %mul3A_4058 = arith.mulf %get3A_4055, %mul3A_4057 : vector<16xf32>
        %add3A_4059 = arith.addf %mul3A_4040, %mul3A_4058 : vector<16xf32>
        %min3A_4060 = arith.minimumf %min3A_4025, %add3A_4059 : vector<16xf32>
        %add3A_4061 = arith.constant 1184 : i32
        %add3A_4062 = arith.addi %add3A_3195, %add3A_4061 : i32
        %get3A_4063 = arith.index_cast %add3A_4062 : i32 to index
        %get3A_4064 = arith.constant 0 : index
        %get3A_4065 = tpu.vector_load %arg8[%get3A_4063, %get3A_4064] {strides = array<i32>} : memref<2400x16xf32, #tpu.memory_space<vmem>>, vector<16xf32>,
        %mul3A_4066 = arith.constant 1.000000e+09 : f32
        %mul3A_4067 = vector.broadcast %mul3A_4066 : f32 to vector<16xf32>
        %mul3A_4068 = arith.mulf %get3A_4065, %mul3A_4067 : vector<16xf32>
        %add3A_4069 = arith.addf %mul3A_4040, %mul3A_4068 : vector<16xf32>
        %min3A_4070 = arith.minimumf %min3A_4035, %add3A_4069 : vector<16xf32>
        %add3A_4071 = arith.addf %mul3A_3176, %min3A_4050 : vector<16xf32>
        %add3A_4072 = arith.addf %mul3A_3182, %min3A_4060 : vector<16xf32>
        %min3A_4073 = arith.minimumf %add3A_4071, %add3A_4072 : vector<16xf32>
        %add3A_4074 = arith.addf %mul3A_3188, %min3A_4070 : vector<16xf32>
        %min3A_4075 = arith.minimumf %min3A_4073, %add3A_4074 : vector<16xf32>
        %reduce_min3A_4076 = arith.constant true
        %reduce_min3A_4077 = vector.broadcast %reduce_min3A_4076 : i1 to vector<16xi1>
        %reduce_min3A_4078 = tpu.scan <min>, %min3A_4075 masked %reduce_min3A_4077 : vector<16xf32>, vector<16xi1> -> vector<16xf32>
        %reduce_min3A_4079 = vector.extract %reduce_min3A_4078[15] : f32 from vector<16xf32>
        %eq3A_4080 = arith.cmpi eq, %iota3A, %broadcast_in_dim3A_3165 : vector<16xi32>
        %broadcast_in_dim3A_4081 = vector.broadcast %reduce_min3A_4079 : f32 to vector<16xf32>
        %select_n3A_4082 = arith.select %eq3A_4080, %broadcast_in_dim3A_4081, %select_n3A_3162 : vector<16xi1>, vector<16xf32>
        scf.yield %select_n3A_4082 : vector<16xf32>
      }
      %scan3A_362 = arith.constant 16 : i32
      %div3A_363 = arith.divf %scan3A_361, %mul3A_252 : vector<16xf32>
      %bitcast_convert_type3A = tpu.bitcast %div3A_363 : vector<16xf32> -> vector<16xi32>
      %shift_right_arithmetic3A_364 = arith.constant 1 : i32
      %shift_right_arithmetic3A_365 = vector.broadcast %shift_right_arithmetic3A_364 : i32 to vector<16xi32>
      %shift_right_arithmetic3A_366 = arith.shrsi %bitcast_convert_type3A, %shift_right_arithmetic3A_365 : vector<16xi32>
      %sub3A_367 = arith.constant 1597463007 : i32
      %sub3A_368 = vector.broadcast %sub3A_367 : i32 to vector<16xi32>
      %sub3A_369 = arith.subi %sub3A_368, %shift_right_arithmetic3A_366 : vector<16xi32>
      %bitcast_convert_type3A_370 = tpu.bitcast %sub3A_369 : vector<16xi32> -> vector<16xf32>
      %mul3A_371 = arith.constant 5.000000e-01 : f32
      %mul3A_372 = vector.broadcast %mul3A_371 : f32 to vector<16xf32>
      %mul3A_373 = arith.mulf %div3A_363, %mul3A_372 : vector<16xf32>
      %mul3A_374 = arith.mulf %mul3A_373, %bitcast_convert_type3A_370 : vector<16xf32>
      %mul3A_375 = arith.mulf %mul3A_374, %bitcast_convert_type3A_370 : vector<16xf32>
      %sub3A_376 = arith.constant 1.500000e+00 : f32
      %sub3A_377 = vector.broadcast %sub3A_376 : f32 to vector<16xf32>
      %sub3A_378 = arith.subf %sub3A_377, %mul3A_375 : vector<16xf32>
      %mul3A_379 = arith.mulf %bitcast_convert_type3A_370, %sub3A_378 : vector<16xf32>
      %mul3A_380 = arith.mulf %mul3A_373, %mul3A_379 : vector<16xf32>
      %mul3A_381 = arith.mulf %mul3A_380, %mul3A_379 : vector<16xf32>
      %sub3A_382 = arith.constant 1.500000e+00 : f32
      %sub3A_383 = vector.broadcast %sub3A_382 : f32 to vector<16xf32>
      %sub3A_384 = arith.subf %sub3A_383, %mul3A_381 : vector<16xf32>
      %mul3A_385 = arith.mulf %mul3A_379, %sub3A_384 : vector<16xf32>
      %mul3A_386 = arith.mulf %mul3A_373, %mul3A_385 : vector<16xf32>
      %mul3A_387 = arith.mulf %mul3A_386, %mul3A_385 : vector<16xf32>
      %sub3A_388 = arith.constant 1.500000e+00 : f32
      %sub3A_389 = vector.broadcast %sub3A_388 : f32 to vector<16xf32>
      %sub3A_390 = arith.subf %sub3A_389, %mul3A_387 : vector<16xf32>
      %mul3A_391 = arith.mulf %mul3A_385, %sub3A_390 : vector<16xf32>
      %le3A = arith.constant 1.000000e+00 : f32
      %le3A_392 = vector.broadcast %le3A : f32 to vector<16xf32>
      %le3A_393 = arith.cmpf ole, %div3A_363, %le3A_392 : vector<16xf32>
      %mul3A_394 = arith.mulf %div3A_363, %mul3A_391 : vector<16xf32>
      %sub3A_395 = arith.constant 1.000000e+00 : f32
      %sub3A_396 = vector.broadcast %sub3A_395 : f32 to vector<16xf32>
      %sub3A_397 = arith.subf %sub3A_396, %mul3A_394 : vector<16xf32>
      %jit3A_398 = arith.constant 0.000000e+00 : f32
      %broadcast_in_dim3A_399 = vector.broadcast %jit3A_398 : f32 to vector<16xf32>
      %select_n3A_400 = arith.select %le3A_393, %sub3A_397, %broadcast_in_dim3A_399 : vector<16xi1>, vector<16xf32>
      %mul3A_401 = arith.constant 16 : i32
      %mul3A_402 = arith.muli %scan3A_182, %mul3A_401 : i32
      %swap3A_403 = arith.index_cast %mul3A_402 : i32 to index
      %swap3A_404 = tpu.vector_load %arg13[%swap3A_403] {strides = array<i32>} : memref<320xf32, #tpu.memory_space<vmem>>, vector<16xf32>,
      tpu.vector_store %arg13[%swap3A_403], %select_n3A_400 {strides = array<i32>} : memref<320xf32, #tpu.memory_space<vmem>>, vector<16xf32>,
    }
    %scan3A_179 = arith.constant 20 : i32
    %mul3A_180 = arith.constant 320 : i32
    %mul3A_181 = arith.muli %add3A, %mul3A_180 : i32
    "tpu.region"() ({
      %run_scoped3A = tpu.sem_alloc : memref<!tpu.dma_semaphore, #tpu.memory_space<semaphore_mem>>
      %dma_start3A_182 = tpu.memref_slice %arg7[%mul3A_181] : memref<10240xf32, #tpu.memory_space<hbm>> -> memref<320xf32, #tpu.memory_space<hbm>>
      %dma_start3A_183 = tpu.memref_slice %arg7[%mul3A_181] : memref<10240xf32, #tpu.memory_space<hbm>> -> memref<320xf32, #tpu.memory_space<hbm>>
      tpu.enqueue_dma source(%arg13 : memref<320xf32, #tpu.memory_space<vmem>>) target(%dma_start3A_183 : memref<320xf32, #tpu.memory_space<hbm>>) target_semaphore(%run_scoped3A : memref<!tpu.dma_semaphore, #tpu.memory_space<semaphore_mem>>)
      %dma_wait3A_184 = tpu.memref_slice %arg7[%mul3A_181] : memref<10240xf32, #tpu.memory_space<hbm>> -> memref<320xf32, #tpu.memory_space<hbm>>
      %dma_wait3A_185 = tpu.memref_slice %arg7[%mul3A_181] : memref<10240xf32, #tpu.memory_space<hbm>> -> memref<320xf32, #tpu.memory_space<hbm>>
      tpu.wait_dma2 semaphore(%run_scoped3A : memref<!tpu.dma_semaphore, #tpu.memory_space<semaphore_mem>>) src(%arg13 : memref<320xf32, #tpu.memory_space<vmem>>) dst(%dma_wait3A_185 : memref<320xf32, #tpu.memory_space<hbm>>)
      tpu.yield
    }) : () -> ()
    return
  }
}

</mosaic_0001>

<sc_bundles>
// kernel: _coll_loss.3.cloned.1.call-start
scs
__scs_entry_jumppad:
0x0: {  	(pc) =	sbr.rel $0x88, $3  }
0x1: {  	(tag) =	ssettag $0x0;
	lr =	simm.s32 $0x1  }
0x2: {  	[smem:$0x3F9C] =	sst lr;
	_ =	strace $0xD0000000  }
0x3: {  	_ = 	snop  }
0x4: {  	_ = 	snop  }
0x5: {  	_ = 	snop  }
0x6: {  	_ = 	snop  }
0x7: {  	_ = 	snop  }
__scs_overlays_trampoline_lowered:
0x8: {  	[smem:$0x3FAB] =	sst s0  }
0x9: {  	[smem:$0x3FAC] =	sst s1  }
0xa: {  	[smem:$0x3FAD] =	sst s2  }
0xb: {  	[smem:$0x3FAE] =	sst s3  }
0xc: {  	[smem:$0x3FAF] =	sst s4  }
0xd: {  	[smem:$0x3FB0] =	sst s5  }
0xe: {  	[smem:$0x3FB1] =	sst s6  }
0xf: {  	[smem:$0x3FB2] =	sst s7  }
0x10: {  	[smem:$0x3FB3] =	sst s8  }
0x11: {  	[smem:$0x3FB4] =	sst s9;
	s0 =	simm.s32 @!p0 $0x0  }
0x12: {  	s1 =	sld [smem:$0x3F9A];
	s0 =	simm.s32 @p0 $0x1  }
0x13: {  	[smem:$0x3FB5] =	sst s0;
	s0 =	simm.s32 @!p1 $0x0  }
0x14: {  	s2 =	sld [smem:$0x3F99];
	s0 =	simm.s32 @p1 $0x1  }
0x15: {  	[smem:$0x3FB6] =	sst s0;
	s0 =	simm.s32 @!p2 $0x0  }
0x16: {  	s3 =	sld [smem:$0x3FDB];
	s0 =	simm.s32 @p2 $0x1  }
0x17: {  	s4 =	simm.s32 $0x1BF5;
	[smem:$0x3FB8] =	sst s0  }
0x18: {  	s0 =	sld [smem:$0x3F9B];
	_ =	swait.ge [sflag:s4], $0x0  }
0x19: {  	s7 =	sld [smem:$0x3F9C]  }
0x1a: {  	s8 =	sadd.s32 $0xFFFFE003, lr  }
0x1b: {  	s9 =	sadd.s32 $0xFFFFFEF7, lr;
	s5 =	simm.s32 $0xFFFFFFFF;
	p2 =	slt.u32 s8, $0xFFFFF086  }
0x1c: {  	p1 =	slt.u32 s9, $0xF7A;
	s5 =	simm.s32 @!p2 $0x0  }
0x1d: {  	s5 =	simm.s32 @p1 $0x1;
	p0 =	seq.s32 s7, s2  }
0x1e: {  	s7 =	smul.u32 @!p0 $0xF7A, s2;
	p2 =	seq.s32 @!p0 s5, $0x0  }
0x1f: {  	s9 =	smul.u32 $0xF7A, s1;
	s8 =	simm.s32 @!p0 $0x1BF5;
	p2 =	por !p2, p0  }
0x20: {  	[sflag:s8] =	ssyncset.s32 @!p0 $0xFFFFF086;
	s6 =	sadd.s32 @!p0 s3, s7;
	s7 =	simm.s32 @!p0 $0x108  }
0x21: {  	s3 =	sadd.s32 s3, s9;
	s6 =	sadd.s32 @!p0 $0x88, s6;
	s7 =	simm.s32 @p2 $0x1082  }
0x22: {  	[simem:s7], [sflag:s8] =	dma.local @!p0 [hbm:s6], $0xF7A  }
0x23: {  	s9 =	sor.u32 $0xD0000000, s2;
	s6 =	simm.s32 $0x108;
	_ =	swait.ge @!p0 [sflag:s8], $0x0  }
0x24: {  	s3 =	sadd.s32 $0x88, s3;
	s6 =	simm.s32 @!p1 $0x1082;
	[sflag:s4] =	ssyncset.s32 $0xFFFFF086  }
0x25: {  	[simem:s6], [sflag:s4] =	dma.local [hbm:s3], $0xF7A  }
0x26: {  	[smem:$0x3F9C] =	sst s1;
	(tag) =	ssettag s2;
	_ =	strace s9  }
0x27: {  	s1 =	sld [smem:$0x3FAC]  }
0x28: {  	s2 =	sld [smem:$0x3FAD]  }
0x29: {  	s4 =	sld [smem:$0x3FAF]  }
0x2a: {  	p0 =	seq.s32 s5, $0x0;
	s5 =	sld [smem:$0x3FB0]  }
0x2b: {  	s6 =	sld [smem:$0x3FB1]  }
0x2c: {  	s7 =	sld [smem:$0x3FB2]  }
0x2d: {  	s3 =	simm.s32 $0x108;
	s8 =	sld [smem:$0x3FB3]  }
0x2e: {  	s3 =	simm.s32 @!p0 $0x1082;
	s9 =	sld [smem:$0x3FB4]  }
0x2f: {  	lr =	sadd.s32 s0, s3;
	s0 =	sld [smem:$0x3FAB]  }
0x30: {  	s3 =	sld [smem:$0x3FAE]  }
0x31: {  	[smem:$0x3FB7] =	sst s10  }
0x32: {  	s10 =	sld [smem:$0x3FB5];
	_ =	sdelay $0x3  }
0x33: {  	p0 =	seq.s32 s10, $0x1;
	s10 =	sld [smem:$0x3FB7];
	_ =	sdelay $0x3  }
0x34: {  	[smem:$0x3FB7] =	sst s10  }
0x35: {  	s10 =	sld [smem:$0x3FB6];
	_ =	sdelay $0x3  }
0x36: {  	p1 =	seq.s32 s10, $0x1;
	s10 =	sld [smem:$0x3FB7];
	_ =	sdelay $0x3  }
0x37: {  	[smem:$0x3FB7] =	sst s10  }
0x38: {  	s10 =	sld [smem:$0x3FB8]  }
0x39: {  	_ = 	snop;
	(pc) =	sbr.ind lr, $3  }
0x3a: {  	_ = 	snop  }
0x3b: {  	_ = 	snop  }
0x3c: {  	p2 =	seq.s32 s10, $0x1;
	s10 =	sld [smem:$0x3FB7]  }
0x3d: {  	_ =	shalt  }
0x3e: {  	_ =	shalt  }
0x3f: {  	_ =	shalt  }
0x40: {  	_ =	shalt  }
0x41: {  	_ =	shalt  }
0x42: {  	_ =	shalt  }
0x43: {  	_ =	shalt  }
0x44: {  	_ =	shalt  }
0x45: {  	_ =	shalt  }
0x46: {  	_ =	shalt  }
0x47: {  	_ =	shalt  }
0x48: {  	_ =	shalt  }
0x49: {  	_ =	shalt  }
0x4a: {  	_ =	shalt  }
0x4b: {  	_ =	shalt  }
0x4c: {  	_ =	shalt  }
0x4d: {  	_ =	shalt  }
0x4e: {  	_ =	shalt  }
0x4f: {  	_ =	shalt  }
0x50: {  	_ =	shalt  }
0x51: {  	_ =	shalt  }
0x52: {  	_ =	shalt  }
0x53: {  	_ =	shalt  }
0x54: {  	_ =	shalt  }
0x55: {  	_ =	shalt  }
0x56: {  	_ =	shalt  }
0x57: {  	_ =	shalt  }
0x58: {  	_ =	shalt  }
0x59: {  	_ =	shalt  }
0x5a: {  	_ =	shalt  }
0x5b: {  	_ =	shalt  }
0x5c: {  	_ =	shalt  }
0x5d: {  	_ =	shalt  }
0x5e: {  	_ =	shalt  }
0x5f: {  	_ =	shalt  }
0x60: {  	_ =	shalt  }
0x61: {  	_ =	shalt  }
0x62: {  	_ =	shalt  }
0x63: {  	_ =	shalt  }
0x64: {  	_ =	shalt  }
0x65: {  	_ =	shalt  }
0x66: {  	_ =	shalt  }
0x67: {  	_ =	shalt  }
0x68: {  	_ =	shalt  }
0x69: {  	_ =	shalt  }
0x6a: {  	_ =	shalt  }
0x6b: {  	_ =	shalt  }
0x6c: {  	_ =	shalt  }
0x6d: {  	_ =	shalt  }
0x6e: {  	_ =	shalt  }
0x6f: {  	_ =	shalt  }
0x70: {  	_ =	shalt  }
0x71: {  	_ =	shalt  }
0x72: {  	_ =	shalt  }
0x73: {  	_ =	shalt  }
0x74: {  	_ =	shalt  }
0x75: {  	_ =	shalt  }
0x76: {  	_ =	shalt  }
0x77: {  	_ =	shalt  }
0x78: {  	_ =	shalt  }
0x79: {  	_ =	shalt  }
0x7a: {  	_ =	shalt  }
0x7b: {  	_ =	shalt  }
0x7c: {  	_ =	shalt  }
0x7d: {  	_ =	shalt  }
0x7e: {  	_ =	shalt  }
0x7f: {  	_ =	shalt  }
0x80: {  	_ =	shalt  }
0x81: {  	_ =	shalt  }
0x82: {  	_ =	shalt  }
0x83: {  	_ =	shalt  }
0x84: {  	_ =	shalt  }
0x85: {  	_ =	shalt  }
0x86: {  	_ =	shalt  }
0x87: {  	_ =	shalt  }
.Lfunc_end0:
.L_simem_size_0:
called_computation_lowered:
.L_overlay_start_0:
0x88: {  	s2 =	sld [smem:$0x3FD9]  }
0x89: {  	s3 =	sld [smem:$0x3FFE];
	_ =	sdelay $0x1  }
0x8a: {  	s1 =	srdreg.scid  }
0x8b: {  	s0 =	sand.u32 $0x1, s1  }
0x8c: {  	s17 =	sshll.u32 s0, $0xA;
	s2 =	sadd.s32 s3, s2  }
0x8d: {  	s2 =	sadd.s32 s2, s17  }
0x8e: {  	[smem:$0x3FC3] =	sst s2  }
0x8f: {  	_ = 	snop  }
0x90: {  	s2 =	sld [smem:$0x3FC8]  }
0x91: {  	s18 =	sld [smem:$0x3FC7]  }
0x92: {  	s4 =	sld [smem:$0x3FC6]  }
0x93: {  	s5 =	sld [smem:$0x3FC5]  }
0x94: {  	s6 =	sld [smem:$0x3FD0];
	(tm) =	ssettm $0x1  }
0x95: {  	s7 =	sld [smem:$0x3FFB];
	_ =	sdelay $0x3  }
0x96: {  	_ =	strace s7  }
0x97: {  	s7 =	sld [smem:$0x3FFC];
	_ =	sdelay $0x3  }
0x98: {  	_ =	strace s7  }
0x99: {  	s7 =	sld [smem:$0x3FFD];
	_ =	sdelay $0x3  }
0x9a: {  	_ =	strace s7  }
0x9b: {  	_ =	strace $0x8FFFFFFF  }
0x9c: {  	s19 =	sld [smem:$0x3FDB];
	_ =	sdelay $0x1  }
0x9d: {  	s8 =	simm.s32 $_scs_section_size  }
0x9e: {  	s9 =	simm.s32 $_size__tile_overlayer_lowered;
	s10 =	simm.s32 $_tile_overlayer_lowered  }
0x9f: {  	s22 =	simm.s32 $0x1BFF;
	s21 =	sshll.u32 s10, $0x1;
	s7 =	sadd.s32 s8, s19  }
0xa0: {  	s11 =	simm.s32 $0x0;
	s20 =	sshll.u32 s9, $0x1;
	s9 =	sadd.s32 s21, s7  }
0xa1: {  	[timem:s11], [sflag:s22] =	dma.local [hbm:s9], s20  }
0xa2: {  	_ =	swait.ge [sflag:s22], s20  }
0xa3: {  	s8 =	ssub.s32 $0x0, s20;
	[sflag:s22] =	ssyncset.done $0x0  }
0xa4: {  	[sflag:s22] =	ssyncadd.s32 s8;
	_ =	sdelay $0x1  }
0xa5: {  	s23 =	simm.s32 $0x1B8B  }
0xa6: {  	_ =	swait.ge [sflag:s23], $0x1  }
0xa7: {  	[sflag:s23] =	ssyncset.done $0x0  }
0xa8: {  	s25 =	simm.s32 $0x1B8E;
	s24 =	sld [smem:$0x3FFE];
	[sflag:s23] =	ssyncadd.s32 $0xFFFFFFFF  }
0xa9: {  	s26 =	simm.s32 $execute0_lowered;
	[smem:$0x3FD2] =	sst s25  }
0xaa: {  	s9 =	sshll.u32 s26, $0x1;
	_ =	strace $0x80000046;
	[dreg:$0x1] =	wrdreg $0xFFFFFFFF  }
0xab: {  	s28 =	simm.s32 $_size_execute0_lowered;
	s7 =	sadd.s32 s7, s9;
	[dreg:$0x0] =	wrdreg $0x0  }
0xac: {  	s9 =	sshll.u32 s28, $0x1;
	[dreg:$0x2] =	wrdreg s7  }
0xad: {  	[dreg:$0x3] =	wrdreg s9  }
0xae: {  	[dreg:$0x4] =	wrdreg $0xC0  }
0xaf: {  	_ =	task [dreg:s11], $0x5FFFF  }
0xb0: {  	[dreg:$0x1] =	wrdreg $0xFFFFFFFF  }
0xb1: {  	[dreg:$0x0] =	wrdreg $0x60  }
0xb2: {  	[dreg:$0x2] =	wrdreg s24  }
0xb3: {  	[dreg:$0x3] =	wrdreg s2  }
0xb4: {  	[dreg:$0x4] =	wrdreg s18  }
0xb5: {  	[dreg:$0x5] =	wrdreg s4  }
0xb6: {  	[dreg:$0x6] =	wrdreg s5  }
0xb7: {  	[dreg:$0x7] =	wrdreg s6  }
0xb8: {  	[dreg:$0x8] =	wrdreg $0x9  }
0xb9: {  	_ =	task.clear_ibuf [dreg:s11], $0x9FFFF;
	_ =	strace $0x90000046  }
0xba: {  	s29 =	simm.s32 $0x9;
	_ =	strace $0x80000048  }
0xbb: {  	_ =	swait.ge [sflag:s29], $0x1  }
0xbc: {  	[sflag:s29] =	ssyncadd.s32 $0xFFFFFFFF  }
0xbd: {  	_ =	strace $0x90000048  }
0xbe: {  	_ =	sfence  }
0xbf: {  	s30 =	sld [smem:$0x0];
	_ =	sdelay $0x2  }
0xc0: {  	s31 =	sshll.u32 s1, $0xD;
	s1 =	sshrl.u32 s1, $0x2  }
0xc1: {  	s3 =	sand.u32 $0x4000, s31;
	s1 =	sadd.s32 s1, s30  }
0xc2: {  	s0 =	sor.u32 s3, s0;
	s1 =	sshll.u32 s1, $0x11  }
0xc3: {  	s0 =	sor.u32 s1, s0  }
0xc4: {  	s0 =	sadd.s32 $0x8F2B, s0  }
0xc5: {  	[sflag:s0] =	ssyncadd.remote.s32 $0x1  }
0xc6: {  	_ =	sfence.sel $0xFFFF  }
0xc7: {  	[dreg:$0x0] =	wrdreg $0xFFFFFFFF;
	(pc) =	sbr.abs _section_cstart, $3  }
0xc8: {  	[dreg:$0x1] =	wrdreg $0xFFFFFFFF  }
0xc9: {  	_ =	task.clear_ibuf [dreg:s11], $0x2FFFF;
	_ =	strace $0x9FFFFFFF  }
0xca: {  	(tm) =	ssettm $0x7FFFFFFF  }
0xcb: {  	_ =	shalt  }
tec
execute0_lowered:
.L_overlay_start_1:
0x0: {  	(tag) =	ssettag $0x1  }
0x1: {  	s1 =	srdreg.scid;
	s0 =	stileid.u32  }
0x2: {  	s6 =	sand.u32 $0x1, s1;
	s30 =	sshll.u32 s0, $0x1  }
0x3: {  	s7 =	sor.u32 s6, s30  }
0x4: {  	v1 =	vlaneseq.u32;
	vm4 =	vcmask $0x300;
	s8 =	smul.u32 $0x140, s7  }
0x5: {  	v5 =	vimm.f32 $1.500000000e+01;
	vm5 =	vcmask $0x704;
	vm6 =	vcmask $0xB08  }
0x6: {  	vm7 =	vcmask $0xF0C;
	vm8 =	vcmask $0x1310;
	v0 =	vmov s8  }
0x7: {  	vm3 =	vcmask $0x1714;
	vm2 =	vcmask $0x1F1C;
	v0 =	vbroadcast v0, $0x0  }
0x8: {  	v6 =	vimm.f32 $3.100000000e+01;
	v7 =	vimm.f32 $4.700000000e+01;
	vm13 =	vcmask $0x2320  }
0x9: {  	vm14 =	vcmask $0x2724;
	v6 =	vsel vm4, $0x41800000, v6;
	v2 =	vor.u32 v1, v0  }
0xa: {  	v7 =	vsel vm4, $0x42000000, v7;
	v6 =	vsel vm5, $0x41880000, v6;
	v3 =	vmulhi.u32 $0xCCCCCCCD, v2  }
0xb: {  	vm15 =	vcmask $0x2B28;
	v7 =	vsel vm5, $0x42040000, v7;
	v6 =	vsel vm6, $0x41900000, v6  }
0xc: {  	v7 =	vsel vm6, $0x42080000, v7;
	v6 =	vsel vm7, $0x41980000, v6;
	v3 =	vshrl.u32 v3, $0x4  }
0xd: {  	v7 =	vsel vm7, $0x420C0000, v7;
	v6 =	vsel vm8, $0x41A00000, v6;
	v4 =	vmul.u32 $0xFFFFFFEC, v3  }
0xe: {  	v7 =	vsel vm8, $0x42100000, v7;
	v6 =	vsel vm3, $0x41A80000, v6;
	v2 =	vsub.s32 $0x0, v2  }
0xf: {  	v7 =	vsel vm3, $0x42140000, v7;
	vm1 =	vne.s32 v4, v2;
	v2 =	vsel vm4, $0x0, v5  }
0x10: {  	vm0 =	veq.s32 v0, v1;
	v4 =	vimm.s32 $0x0;
	v2 =	vsel vm5, $0x3F800000, v2  }
0x11: {  	vm0 =	vmand vm0, vm1;
	vm1 =	vcmask $0x1B18;
	v2 =	vsel vm6, $0x40000000, v2  }
0x12: {  	s9 =	rddreg [dreg:$0x0];
	v4 =	vsel vm0, $0xFFFFFFFF, v4;
	vm0 =	vmmov $0xffff;
	v6 =	vsel vm1, $0x41B00000, v6  }
0x13: {  	s10 =	rddreg [dreg:$0x1];
	v7 =	vsel vm1, $0x42180000, v7;
	v5 =	vsel vm7, $0x40400000, v2;
	v2 =	vmul.u32 $0x4, v1  }
0x14: {  	s2 =	rddreg [dreg:$0x3];
	v3 =	vadd.s32 v4, v3;
	v6 =	vsel vm2, $0x41B80000, v6;
	v5 =	vsel vm8, $0x40800000, v5  }
0x15: {  	s3 =	rddreg [dreg:$0x4];
	v7 =	vsel vm2, $0x421C0000, v7;
	v6 =	vsel vm13, $0x41C00000, v6;
	v5 =	vsel vm3, $0x40A00000, v5  }
0x16: {  	s11 =	rddreg [dreg:$0x5];
	v7 =	vsel vm13, $0x42200000, v7;
	v4 =	vor.u32 $0x1, v2;
	v5 =	vsel vm1, $0x40C00000, v5  }
0x17: {  	s4 =	rddreg [dreg:$0x6];
	s5 =	simm.s32 $0x0;
	s13 =	simm.s32 $0xA100;
	v6 =	vsel vm14, $0x41C80000, v6;
	v7 =	vsel vm14, $0x42240000, v7;
	v5 =	vsel vm2, $0x40E00000, v5  }
0x18: {  	s14 =	simm.s32 $0x1;
	s15 =	simm.s32 $0x2;
	s16 =	simm.s32 $0xA250;
	vm3 =	vcmask $0x3734;
	vm1 =	vcmask $0x2F2C;
	v5 =	vsel vm13, $0x41000000, v5  }
0x19: {  	s17 =	simm.s32 $0xA110;
	s18 =	simm.s32 $0x3;
	s19 =	simm.s32 $0x0;
	v6 =	vsel vm15, $0x41D00000, v6;
	v7 =	vsel vm15, $0x42280000, v7;
	v5 =	vsel vm14, $0x41100000, v5  }
0x1a: {  	s1 =	rddreg [dreg:$0x2];
	s12 =	ssub.s32 $0x2, s6;
	s7 =	smul.u32 $0xA0, s7;
	vm2 =	vcmask $0x3330;
	v6 =	vsel vm1, $0x41D80000, v6;
	v5 =	vsel vm15, $0x41200000, v5  }
0x1b: {  	[smem:$0x7FF] =	sst s5;
	s6 =	sadd.s32 $0x400400, s9;
	s31 =	sshrl.u32 s12, $0x1;
	v7 =	vsel vm1, $0x422C0000, v7;
	v6 =	vsel vm2, $0x41E00000, v6;
	v5 =	vsel vm1, $0x41300000, v5  }
0x1c: {  	s9 =	ssub.s32 s12, s31;
	s12 =	simm.s32 $0x9F00;
	s7 =	sadd.s32 s10, s7;
	v7 =	vsel vm2, $0x42300000, v7;
	v6 =	vsel vm3, $0x41E80000, v6;
	v5 =	vsel vm2, $0x41400000, v5  }
0x1d: {  	s8 =	sshrl.u32 s8, $0x3;
	s9 =	smax.u32 s9, $0x1;
	s10 =	simm.s32 $0x9600;
	[tilespmem:$0x1FFF0] =	vst v3;
	v7 =	vsel vm3, $0x42340000, v7;
	vm1 =	vcmask $0x3B38;
	v5 =	vsel vm3, $0x41500000, v5  }
0x1e: {  	s8 =	sadd.s32 s11, s8;
	s11 =	simm.s32 $0x9B00;
	_ =	strace $0x80000047;
	v6 =	vsel vm1, $0x41F00000, v6;
	v7 =	vsel vm1, $0x42380000, v7;
	v5 =	vsel vm1, $0x41600000, v5  }
.LBB2_1:
0x1f: {  	[tilespmem:s10], [sflag:$0x1] =	stream.linear.gather [hbm4b:s7+s5], $0x500, $0x38;
	[tilespmem:$0xA270] =	vst v63  }
0x20: {  	_ = 	snop  }
0x21: {  	[tilespmem:s11], [sflag:$0x1] =	stream.linear.gather [hbm4b:s1+s5], $0x400, $0x38;
	[tilespmem:$0xA270] =	vst v63  }
0x22: {  	_ = 	snop  }
0x23: {  	[tilespmem:s12], [sflag:$0x1] =	stream.linear.gather [hbm4b:s2+s5], $0x200, $0x38;
	[tilespmem:$0xA270] =	vst v63  }
0x24: {  	_ = 	snop  }
0x25: {  	[tilespmem:s13], [sflag:$0x1] =	stream.linear.gather [hbm4b:s3+s5], $0x10, $0x38;
	[tilespmem:$0xA270] =	vst v63  }
0x26: {  	_ =	swait.ge [sflag:s14], $0x500  }
0x27: {  	[sflag:s14] =	ssyncset.done $0x0  }
0x28: {  	[sflag:s14] =	ssyncadd.s32 $0xFFFFFB00  }
0x29: {  	_ =	swait.ge [sflag:s14], $0x400  }
0x2a: {  	[sflag:s14] =	ssyncset.done $0x0  }
0x2b: {  	[sflag:s14] =	ssyncadd.s32 $0xFFFFFC00  }
0x2c: {  	_ =	swait.ge [sflag:s14], $0x200  }
0x2d: {  	[sflag:s14] =	ssyncset.done $0x0  }
0x2e: {  	[sflag:s14] =	ssyncadd.s32 $0xFFFFFE00  }
0x2f: {  	_ =	swait.ge [sflag:s14], $0x10  }
0x30: {  	[sflag:s14] =	ssyncset.done $0x0  }
0x31: {  	[sflag:s14] =	ssyncadd.s32 $0xFFFFFFF0  }
0x32: {  	v8 =	vld [tilespmem:$0xA100];
	_ =	sdelay $0x4  }
0x33: {  	(erf) = vrcp.f32 v8;
	_ =	sdelay $0x1  }
0x34: {  	v3 =	vld [tilespmem:$0x1FFF0];
	_ =	sdelay $0x2  }
0x35: {  	v10 =	vld.idx.msk [tilespmem:v2+s10+$0x0], $0xffff;
	_ =	sdelay $0x3  }
0x36: {  	v11 =	vld.idx.msk [tilespmem:v4+s10+$0x0], $0xffff;
	v9 =	vpop (erf)  }
0x37: {  	v12 =	vld.idx.msk [tilespmem:v3+s12+$0x0], $0xffff;
	v10 =	vmul.f32 v9, v10;
	_ =	sdelay $0x1  }
0x38: {  	v10 =	vtrunc.f32 v10  }
0x39: {  	v10 =	vcvt.f32.s32 v10  }
0x3a: {  	v11 =	vmul.f32 v11, v9  }
0x3b: {  	v12 =	vshll.u32 v12, $0x10;
	v10 =	vadd.s32 $0xFFFFFFF4, v10  }
0x3c: {  	v11 =	vtrunc.f32 v11;
	v14 =	vshra.s32 v10, $0x4;
	v10 =	vshra.s32 v10, $0x1  }
0x3d: {  	v10 =	vand.u32 $0xFFFFFFC0, v10;
	v15 =	vadd.s32 $0x1, v14;
	v16 =	vadd.s32 $0x2, v14  }
0x3e: {  	v14 =	vand.u32 $0x7, v14;
	v13 =	vand.u32 $0x7, v15;
	v17 =	vand.u32 $0x7, v16  }
0x3f: {  	v10 =	vadd.s32 v12, v10;
	v18 =	vor.u32 v12, v13;
	v17 =	vor.u32 v12, v17  }
0x40: {  	v13 =	vcvt.f32.s32 v11;
	v11 =	vshll.u32 v15, $0x3;
	v12 =	vshll.u32 v16, $0x3  }
0x41: {  	v15 =	vand.u32 $0xFFFFFFC0, v12;
	v12 =	vor.u32 v14, v10;
	v14 =	vmov s5  }
0x42: {  	v14 =	vadd.s32 $0xFFFFFFF4, v14  }
0x43: {  	v14 =	vbroadcast v14, $0x0;
	_ =	sdelay $0x1  }
0x44: {  	v14 =	vadd.s32 v13, v14  }
0x45: {  	v10 =	vadd.s32 v15, v17;
	v15 =	vshll.u32 v14, $0x6;
	v14 =	vshll.u32 v14, $0x3  }
0x46: {  	v15 =	vand.u32 $0xFFFFFE00, v15;
	v14 =	vand.u32 $0x38, v14  }
0x47: {  	v14 =	vor.u32 v14, v15  }
0x48: {  	v11 =	vand.u32 $0xFFFFFFC0, v11;
	v15 =	vadd.s32 v14, v12  }
0x49: {  	s21 =	simm.s32 $0x1;
	v11 =	vadd.s32 v11, v18  }
0x4a: {  	v16 =	vmov s21;
	v17 =	vadd.s32 v14, v11  }
0x4b: {  	v16 =	vadd.s32 $0xFFFFFFF4, v16  }
0x4c: {  	s30 =	simm.s32 $0x2;
	s22 =	simm.s32 $0x0;
	v16 =	vbroadcast v16, $0x0  }
0x4d: {  	[tilespmem:s22], [sflag:$0x1] =	stream.indirect_vreg.gather [hbm4b:s6+s5], $0x10, v15, vm0, $0xb8;
	[tilespmem:$0xA270] =	vst v63  }
0x4e: {  	s31 =	simm.s32 $0x100;
	v18 =	vmov s30;
	v16 =	vadd.s32 v13, v16  }
0x4f: {  	v15 =	vshll.u32 v16, $0x6;
	v16 =	vshll.u32 v16, $0x3;
	[tilespmem:s31], [sflag:$0x1] =	stream.indirect_vreg.gather [hbm4b:s6+s5], $0x10, v17, vm0, $0xb8;
	v17 =	vadd.s32 v14, v10;
	[tilespmem:$0xA270] =	vst v63  }
0x50: {  	v18 =	vadd.s32 $0xFFFFFFF4, v18;
	v15 =	vand.u32 $0xFFFFFE00, v15;
	v16 =	vand.u32 $0x38, v16  }
0x51: {  	v18 =	vbroadcast v18, $0x0;
	v15 =	vor.u32 v16, v15  }
0x52: {  	v16 =	vadd.s32 v15, v12  }
0x53: {  	s20 =	simm.s32 $0x200;
	s21 =	simm.s32 $0x500;
	v18 =	vadd.s32 v13, v18;
	s22 =	simm.s32 $0x3;
	v14 =	vadd.s32 v15, v11  }
.LBB2_2:
0x54: {  	[tilespmem:s20], [sflag:$0x1] =	stream.indirect_vreg.gather [hbm4b:s6+s5], $0x10, v17, vm0, $0xb8;
	[tilespmem:$0xA270] =	vst v63  }
0x55: {  	v19 =	vmov s22;
	v20 =	vshll.u32 v18, $0x6;
	v18 =	vshll.u32 v18, $0x3;
	p0 =	seq.s32 s22, $0x18  }
.Ltmp0:
0x56: {  	s22 =	sadd.s32 $0x1, s22;
	s20 =	sadd.s32 $0xFFFFFE00, s21;
	v17 =	vadd.s32 v15, v10;
	v20 =	vand.u32 $0xFFFFFE00, v20;
	v18 =	vand.u32 $0x38, v18;
	(pc) =	sbr.rel @!p0 .LBB2_2-.Ltmp0, $4  }
0x57: {  	v19 =	vadd.s32 $0xFFFFFFF4, v19;
	v15 =	vor.u32 v18, v20;
	[tilespmem:s20], [sflag:$0x1] =	stream.indirect_vreg.gather [hbm4b:s6+s5], $0x10, v16, vm0, $0xb8;
	[tilespmem:$0xA270] =	vst v63  }
0x58: {  	s23 =	sadd.s32 $0xFFFFFF00, s21;
	v18 =	vbroadcast v19, $0x0;
	s20 =	smov.u32 s21;
	v16 =	vadd.s32 v15, v12  }
0x59: {  	[tilespmem:s23], [sflag:$0x1] =	stream.indirect_vreg.gather [hbm4b:s6+s5], $0x10, v14, vm0, $0xb8;
	[tilespmem:$0xA270] =	vst v63  }
0x5a: {  	s21 =	sadd.s32 $0x300, s21;
	v18 =	vadd.s32 v13, v18;
	v14 =	vadd.s32 v15, v11  }
0x5b: {  	_ =	sdelay $0x2  }
0x5c: {  	v13 =	vshll.u32 v18, $0x6;
	v18 =	vshll.u32 v18, $0x3;
	v19 =	vmul.f32 $7.000000000e+00, v8  }
0x5d: {  	[tilespmem:s20], [sflag:$0x1] =	stream.indirect_vreg.gather [hbm4b:s6+s5], $0x10, v17, vm0, $0xb8;
	v15 =	vadd.s32 v15, v10;
	v20 =	vmul.f32 $8.000000000e+00, v8;
	v21 =	vmul.f32 $9.000000000e+00, v8;
	[tilespmem:$0xA270] =	vst v63  }
0x5e: {  	s26 =	sadd.s32 $0xFFFFFE00, s21;
	v22 =	vmul.f32 $1.000000000e+01, v8;
	v13 =	vand.u32 $0xFFFFFE00, v13;
	v17 =	vand.u32 $0x38, v18  }
0x5f: {  	v23 =	vmul.f32 $1.100000000e+01, v8;
	v24 =	vmul.f32 $1.300000000e+01, v8;
	v13 =	vor.u32 v17, v13;
	[tilespmem:s26], [sflag:$0x1] =	stream.indirect_vreg.gather [hbm4b:s6+s5], $0x10, v16, vm0, $0xb8;
	[tilespmem:$0xA270] =	vst v63  }
0x60: {  	s28 =	sadd.s32 $0xFFFFFF00, s21;
	v25 =	vmul.f32 $1.400000000e+01, v8;
	v26 =	vmul.f32 $1.500000000e+01, v8;
	v12 =	vadd.s32 v13, v12  }
0x61: {  	v27 =	vmul.f32 $1.600000000e+01, v8;
	v28 =	vmul.f32 $1.700000000e+01, v8;
	[tilespmem:s28], [sflag:$0x1] =	stream.indirect_vreg.gather [hbm4b:s6+s5], $0x10, v14, vm0, $0xb8;
	[tilespmem:$0xA270] =	vst v63  }
0x62: {  	s29 =	sadd.s32 $0x300, s21;
	v29 =	vmul.f32 $1.800000000e+01, v8;
	v30 =	vmul.f32 $1.900000000e+01, v8;
	v11 =	vadd.s32 v13, v11  }
0x63: {  	v31 =	vmul.f32 $2.000000000e+01, v8;
	v32 =	vmul.f32 $2.100000000e+01, v8;
	[tilespmem:s21], [sflag:$0x1] =	stream.indirect_vreg.gather [hbm4b:s6+s5], $0x10, v15, vm0, $0xb8;
	[tilespmem:$0xA270] =	vst v63  }
0x64: {  	v33 =	vmul.f32 $2.200000000e+01, v8;
	v35 =	vmul.f32 $2.300000000e+01, v8;
	s30 =	sadd.s32 $0xFFFFFE00, s29;
	v10 =	vadd.s32 v13, v10  }
0x65: {  	v36 =	vmul.f32 $2.400000000e+01, v8;
	v18 =	vmul.f32 $6.000000000e+00, v8;
	[tilespmem:s30], [sflag:$0x1] =	stream.indirect_vreg.gather [hbm4b:s6+s5], $0x10, v12, vm0, $0xb8;
	[tilespmem:$0xA270] =	vst v63  }
0x66: {  	s31 =	sadd.s32 $0xFFFFFF00, s29;
	v16 =	vmul.f32 $4.000000000e+00, v8;
	v17 =	vmul.f32 $5.000000000e+00, v8  }
0x67: {  	v13 =	vmul.f32 v7, v8;
	v14 =	vmul.f32 $0.0e+00, v8;
	[tilespmem:s31], [sflag:$0x1] =	stream.indirect_vreg.gather [hbm4b:s6+s5], $0x10, v11, vm0, $0xb8;
	[tilespmem:$0xA270] =	vst v63  }
0x68: {  	v15 =	vmul.f32 $3.000000000e+00, v8;
	s21 =	simm.s32 $0x0;
	v12 =	vmul.f32 v6, v8  }
0x69: {  	v34 =	vadd.f32 v8, v8;
	v11 =	vmul.f32 v5, v8;
	[tilespmem:s29], [sflag:$0x1] =	stream.indirect_vreg.gather [hbm4b:s6+s5], $0x10, v10, vm0, $0xb8;
	v10 =	vmul.f32 $1.200000000e+01, v8;
	[tilespmem:$0xA270] =	vst v63  }
.LBB2_4:
0x6a: {  	s20 =	sshll.u32 s21, $0x4  }
0x6b: {  	v37 =	vor.u32 s20, v1  }
0x6c: {  	v38 =	vadd.s32 v0, v37  }
0x6d: {  	v38 =	vmulhi.u32 $0xCCCCCCCD, v38  }
0x6e: {  	v37 =	vshll.u32 v37, $0x2  }
0x6f: {  	v39 =	vor.u32 $0x1, v37;
	v38 =	vshrl.u32 v38, $0x3  }
0x70: {  	v40 =	vand.u32 $0x1FFFFFFE, v38  }
0x71: {  	p0 =	seq.s32 s21, $0x13;
	v41 =	vor.u32 $0x1, v40  }
.Ltmp1:
0x72: {  	_ = 	snop;
	(pc) =	sbr.rel @p0 .LBB2_12-.Ltmp1, $4  }
0x73: {  	v38 =	vld.idx.msk [tilespmem:v37+s10+$0x0], $0xffff  }
0x74: {  	v37 =	vld.idx.msk [tilespmem:v39+s10+$0x0], $0xffff  }
0x75: {  	v39 =	vld.idx.msk [tilespmem:v40+s11+$0x0], $0xffff  }
0x76: {  	s22 =	sand.u32 $0x1, s21;
	s21 =	sadd.s32 $0x1, s21;
	v40 =	vld.idx.msk [tilespmem:v41+s11+$0x0], $0xffff  }
0x77: {  	s23 =	sshll.u32 s21, $0x4  }
0x78: {  	v41 =	vor.u32 s23, v1  }
0x79: {  	v42 =	vshll.u32 v41, $0x2;
	_ =	sdelay $0x2  }
0x7a: {  	v41 =	vadd.s32 v0, v41  }
0x7b: {  	v41 =	vmulhi.u32 $0xCCCCCCCD, v41  }
0x7c: {  	v43 =	vld.idx.msk [tilespmem:v42+s10+$0x0], $0xffff;
	v42 =	vor.u32 $0x1, v42  }
0x7d: {  	v41 =	vshrl.u32 v41, $0x4;
	_ =	sdelay $0x3  }
0x7e: {  	v43 =	vmul.f32 v43, v9;
	v42 =	vld.idx.msk [tilespmem:v42+s10+$0x0], $0xffff  }
0x7f: {  	v41 =	vld.idx.msk [tilespmem:v41+s12+$0x0], $0xffff  }
0x80: {  	v43 =	vtrunc.f32 v43  }
0x81: {  	v43 =	vcvt.f32.s32 v43;
	_ =	sdelay $0x1  }
0x82: {  	v43 =	vadd.s32 $0xFFFFFFF4, v43;
	v42 =	vmul.f32 v42, v9  }
0x83: {  	v45 =	vshll.u32 v41, $0x10;
	v44 =	vshra.s32 v43, $0x1;
	v43 =	vshra.s32 v43, $0x4  }
0x84: {  	v57 =	vand.u32 $0xFFFFFFC0, v44;
	v42 =	vtrunc.f32 v42;
	v58 =	vadd.s32 $0x1, v43  }
0x85: {  	v46 =	vand.u32 $0x7, v43;
	v43 =	vadd.s32 $0x2, v43;
	v41 =	vadd.s32 v45, v57  }
0x86: {  	v47 =	vshll.u32 v58, $0x3;
	v60 =	vshll.u32 v43, $0x3;
	v42 =	vcvt.f32.s32 v42  }
0x87: {  	v61 =	vand.u32 $0x7, v58;
	v48 =	vand.u32 $0x7, v43;
	v41 =	vor.u32 v46, v41  }
0x88: {  	p0 =	seq.s32 s22, $0x1;
	s25 =	simm.s32 $0x0;
	v59 =	vand.u32 $0xFFFFFFC0, v47;
	v47 =	vand.u32 $0xFFFFFFC0, v60;
	v44 =	vadd.s32 $0xFFFFFFF4, v42  }
.Ltmp2:
0x89: {  	v46 =	vadd.s32 v45, v59;
	v45 =	vadd.s32 v45, v47;
	v62 =	vadd.s32 s25, v44;
	(pc) =	sbr.rel @!p0 .LBB2_6-.Ltmp2, $4  }
0x8a: {  	v42 =	vor.u32 v48, v45;
	v63 =	vshll.u32 v62, $0x6;
	v45 =	vshll.u32 v62, $0x3  }
0x8b: {  	v43 =	vor.u32 v61, v46;
	v46 =	vand.u32 $0xFFFFFE00, v63;
	v45 =	vand.u32 $0x38, v45  }
0x8c: {  	v46 =	vor.u32 v45, v46  }
0x8d: {  	s24 =	simm.s32 $0x200;
	s23 =	simm.s32 $0x4D00;
	v45 =	vadd.s32 v41, v46;
	v47 =	vadd.s32 v43, v46  }
0x8e: {  	_ =	sdelay $0x2  }
0x8f: {  	s23 =	simm.s32 $0x1;
	s25 =	simm.s32 $0x0  }
0x90: {  	[tilespmem:s25], [sflag:$0x1] =	stream.indirect_vreg.gather [hbm4b:s6+s5], $0x10, v45, vm0, $0xb8;
	[tilespmem:$0xA270] =	vst v63  }
0x91: {  	s31 =	simm.s32 $0x100;
	v48 =	vadd.s32 s23, v44  }
0x92: {  	v63 =	vshll.u32 v48, $0x6;
	v48 =	vshll.u32 v48, $0x3;
	[tilespmem:s31], [sflag:$0x1] =	stream.indirect_vreg.gather [hbm4b:s6+s5], $0x10, v47, vm0, $0xb8;
	v47 =	vadd.s32 v42, v46;
	[tilespmem:$0xA270] =	vst v63  }
0x93: {  	v45 =	vand.u32 $0xFFFFFE00, v63;
	v48 =	vand.u32 $0x38, v48  }
0x94: {  	v45 =	vor.u32 v48, v45  }
0x95: {  	s23 =	simm.s32 $0x2;
	s25 =	simm.s32 $0x200;
	v46 =	vadd.s32 v41, v45  }
.LBB2_10:
0x96: {  	v48 =	vadd.s32 s23, v44;
	p0 =	seq.s32 s23, $0x18;
	s23 =	sadd.s32 $0x1, s23;
	v49 =	vadd.s32 v43, v45;
	s24 =	sadd.s32 $0x300, s24  }
0x97: {  	[tilespmem:s25], [sflag:$0x1] =	stream.indirect_vreg.gather [hbm4b:s6+s5], $0x10, v47, vm0, $0xb8;
	[tilespmem:$0xA270] =	vst v63  }
.Ltmp3:
0x98: {  	v50 =	vshll.u32 v48, $0x6;
	v48 =	vshll.u32 v48, $0x3;
	(pc) =	sbr.rel @!p0 .LBB2_10-.Ltmp3, $4  }
0x99: {  	s26 =	sadd.s32 $0xFFFFFE00, s24;
	v47 =	vadd.s32 v42, v45;
	s25 =	smov.u32 s24;
	v50 =	vand.u32 $0xFFFFFE00, v50;
	v48 =	vand.u32 $0x38, v48  }
0x9a: {  	v45 =	vor.u32 v48, v50;
	[tilespmem:s26], [sflag:$0x1] =	stream.indirect_vreg.gather [hbm4b:s6+s5], $0x10, v46, vm0, $0xb8;
	[tilespmem:$0xA270] =	vst v63  }
0x9b: {  	s26 =	sadd.s32 $0xFFFFFF00, s24;
	v46 =	vadd.s32 v41, v45  }
0x9c: {  	[tilespmem:s26], [sflag:$0x1] =	stream.indirect_vreg.gather [hbm4b:s6+s5], $0x10, v49, vm0, $0xb8;
	[tilespmem:$0xA270] =	vst v63  }
0x9d: {  	_ =	sdelay $0x2  }
0x9e: {  	s23 =	sadd.s32 $0x300, s24  }
0x9f: {  	v41 =	vadd.s32 v43, v45;
	[tilespmem:s25], [sflag:$0x1] =	stream.indirect_vreg.gather [hbm4b:s6+s5], $0x10, v47, vm0, $0xb8;
	[tilespmem:$0xA270] =	vst v63  }
0xa0: {  	s24 =	sadd.s32 $0xFFFFFE00, s23  }
0xa1: {  	v42 =	vadd.s32 v42, v45;
	[tilespmem:s24], [sflag:$0x1] =	stream.indirect_vreg.gather [hbm4b:s6+s5], $0x10, v46, vm0, $0xb8;
	[tilespmem:$0xA270] =	vst v63  }
.Ltmp4:
0xa2: {  	_ = 	snop;
	(pc) =	sbr.rel .LBB2_12-.Ltmp4, $4  }
0xa3: {  	s31 =	sadd.s32 $0xFFFFFF00, s23  }
0xa4: {  	[tilespmem:s31], [sflag:$0x1] =	stream.indirect_vreg.gather [hbm4b:s6+s5], $0x10, v41, vm0, $0xb8;
	[tilespmem:$0xA270] =	vst v63  }
0xa5: {  	_ = 	snop  }
0xa6: {  	[tilespmem:s23], [sflag:$0x1] =	stream.indirect_vreg.gather [hbm4b:s6+s5], $0x10, v42, vm0, $0xb8;
	[tilespmem:$0xA270] =	vst v63  }
.LBB2_6:
0xa7: {  	_ =	sdelay $0x2  }
0xa8: {  	s24 =	simm.s32 $0x1;
	s25 =	simm.s32 $0x4B00  }
0xa9: {  	[tilespmem:s25], [sflag:$0x2] =	stream.indirect_vreg.gather [hbm4b:s6+s5], $0x10, v45, vm0, $0xb8;
	[tilespmem:$0xA270] =	vst v63  }
0xaa: {  	s31 =	simm.s32 $0x4C00;
	v48 =	vadd.s32 s24, v44  }
0xab: {  	v63 =	vshll.u32 v48, $0x6;
	v48 =	vshll.u32 v48, $0x3;
	[tilespmem:s31], [sflag:$0x2] =	stream.indirect_vreg.gather [hbm4b:s6+s5], $0x10, v47, vm0, $0xb8;
	v47 =	vadd.s32 v42, v46;
	[tilespmem:$0xA270] =	vst v63  }
0xac: {  	v45 =	vand.u32 $0xFFFFFE00, v63;
	v48 =	vand.u32 $0x38, v48  }
0xad: {  	v45 =	vor.u32 v48, v45  }
0xae: {  	s24 =	simm.s32 $0x2;
	s25 =	simm.s32 $0x4D00;
	v46 =	vadd.s32 v41, v45  }
.LBB2_7:
0xaf: {  	v48 =	vadd.s32 s24, v44;
	p0 =	seq.s32 s24, $0x18;
	s24 =	sadd.s32 $0x1, s24;
	v49 =	vadd.s32 v43, v45;
	s23 =	sadd.s32 $0x300, s23  }
0xb0: {  	[tilespmem:s25], [sflag:$0x2] =	stream.indirect_vreg.gather [hbm4b:s6+s5], $0x10, v47, vm0, $0xb8;
	[tilespmem:$0xA270] =	vst v63  }
.Ltmp5:
0xb1: {  	v50 =	vshll.u32 v48, $0x6;
	v48 =	vshll.u32 v48, $0x3;
	(pc) =	sbr.rel @!p0 .LBB2_7-.Ltmp5, $4  }
0xb2: {  	s26 =	sadd.s32 $0xFFFFFE00, s23;
	v47 =	vadd.s32 v42, v45;
	s25 =	smov.u32 s23;
	v50 =	vand.u32 $0xFFFFFE00, v50;
	v48 =	vand.u32 $0x38, v48  }
0xb3: {  	v45 =	vor.u32 v48, v50;
	[tilespmem:s26], [sflag:$0x2] =	stream.indirect_vreg.gather [hbm4b:s6+s5], $0x10, v46, vm0, $0xb8;
	[tilespmem:$0xA270] =	vst v63  }
0xb4: {  	s26 =	sadd.s32 $0xFFFFFF00, s23;
	v46 =	vadd.s32 v41, v45  }
0xb5: {  	[tilespmem:s26], [sflag:$0x2] =	stream.indirect_vreg.gather [hbm4b:s6+s5], $0x10, v49, vm0, $0xb8;
	[tilespmem:$0xA270] =	vst v63  }
0xb6: {  	_ =	sdelay $0x2  }
0xb7: {  	v41 =	vadd.s32 v43, v45;
	s23 =	sadd.s32 $0x300, s23  }
0xb8: {  	[tilespmem:s25], [sflag:$0x2] =	stream.indirect_vreg.gather [hbm4b:s6+s5], $0x10, v47, vm0, $0xb8;
	[tilespmem:$0xA270] =	vst v63  }
0xb9: {  	v42 =	vadd.s32 v42, v45;
	s24 =	sadd.s32 $0xFFFFFE00, s23  }
0xba: {  	[tilespmem:s24], [sflag:$0x2] =	stream.indirect_vreg.gather [hbm4b:s6+s5], $0x10, v46, vm0, $0xb8;
	[tilespmem:$0xA270] =	vst v63  }
0xbb: {  	p0 =	seq.s32 s22, $0x0;
	s31 =	sadd.s32 $0xFFFFFF00, s23  }
0xbc: {  	[tilespmem:s31], [sflag:$0x2] =	stream.indirect_vreg.gather [hbm4b:s6+s5], $0x10, v41, vm0, $0xb8;
	[tilespmem:$0xA270] =	vst v63  }
.Ltmp6:
0xbd: {  	_ = 	snop;
	(pc) =	sbr.rel @p0 .LBB2_13-.Ltmp6, $4  }
0xbe: {  	[tilespmem:s23], [sflag:$0x2] =	stream.indirect_vreg.gather [hbm4b:s6+s5], $0x10, v42, vm0, $0xb8;
	[tilespmem:$0xA270] =	vst v63  }
0xbf: {  	_ =	swait.ge [sflag:s14], $0x4B00  }
0xc0: {  	[sflag:s14] =	ssyncset.done $0x0  }
0xc1: {  	[sflag:s14] =	ssyncadd.s32 $0xFFFFB500  }
.LBB2_12:
0xc2: {  	_ =	swait.ge [sflag:s15], $0x4B00  }
0xc3: {  	[sflag:s15] =	ssyncset.done $0x0  }
0xc4: {  	[sflag:s15] =	ssyncadd.s32 $0xFFFFB500  }
.LBB2_13:
0xc5: {  	v41 =	vmul.f32 v38, v9;
	_ =	sdelay $0x1  }
0xc6: {  	v41 =	vtrunc.f32 v41  }
0xc7: {  	v42 =	vmul.f32 v37, v9;
	v41 =	vcvt.f32.s32 v41;
	_ =	sdelay $0x1  }
0xc8: {  	v42 =	vtrunc.f32 v42;
	v43 =	vcvt.s32.f32 v41  }
0xc9: {  	v42 =	vadd.f32 $5.000000000e-01, v42;
	v41 =	vadd.s32 $0x4, v41  }
0xca: {  	v41 =	vand.u32 $0xF, v41;
	v43 =	vadd.f32 $5.000000000e-01, v43  }
0xcb: {  	v42 =	vmul.f32 v42, v8;
	v41 =	vadd.s32 $0xC, v41  }
0xcc: {  	v41 =	vcvt.s32.f32 v41;
	v43 =	vmul.f32 v43, v8  }
0xcd: {  	v39 =	vmul.f32 v39, v39;
	v62 =	vsub.f32 v37, v42  }
0xce: {  	v40 =	vmul.f32 v40, v40;
	v41 =	vmul.f32 v41, v8;
	v61 =	vsub.f32 v38, v43  }
0xcf: {  	v63 =	vadd.f32 v62, v10  }
0xd0: {  	v39 =	vadd.f32 v40, v39;
	v38 =	vadd.f32 v41, v61  }
0xd1: {  	s22 =	smul.u32 $0x4B0, s22;
	[tilespmem:$0xA260] =	vst v63  }
0xd2: {  	s23 =	simm.s32 $0x0;
	v37 =	vmul.f32 $2.500000000e-01, v39;
	[tilespmem:$0xA250] =	vst v38;
	v38 =	vimm.f32 $9.999999950e+11  }
.LBB2_14:
0xd3: {  	s24 =	sadd.s32 s22, s23  }
0xd4: {  	s24 =	sshll.u32 s24, $0x4  }
0xd5: {  	s24 =	sand.u32 $0x3FFFFFF0, s24  }
0xd6: {  	v56 =	vld [tilespmem:s24+$0x0]  }
0xd7: {  	v45 =	vld [tilespmem:s24+$0x100]  }
0xd8: {  	v39 =	vmov s23;
	v46 =	vld [tilespmem:s24+$0x200]  }
0xd9: {  	v40 =	vor.u32 $0x10, v39;
	v47 =	vld [tilespmem:s24+$0x300]  }
0xda: {  	v49 =	vld [tilespmem:s24+$0x400]  }
0xdb: {  	v51 =	vld [tilespmem:s24+$0x500]  }
0xdc: {  	v52 =	vld [tilespmem:s24+$0x600]  }
0xdd: {  	v54 =	vld [tilespmem:s24+$0x800]  }
0xde: {  	v44 =	vld.idx.msk [tilespmem:v40+s16+$0x0], $0xffff  }
0xdf: {  	v41 =	vld.idx.msk [tilespmem:v39+s16+$0x0], $0xffff;
	_ =	sdelay $0x1  }
0xe0: {  	v53 =	vld [tilespmem:s24+$0x700];
	v40 =	vmul.f32 $1.000000000e+09, v56;
	v45 =	vmul.f32 $1.000000000e+09, v45  }
0xe1: {  	v46 =	vmul.f32 $1.000000000e+09, v46;
	v47 =	vmul.f32 $1.000000000e+09, v47  }
0xe2: {  	v49 =	vmul.f32 $1.000000000e+09, v49;
	v62 =	vmul.f32 $1.000000000e+09, v54;
	v54 =	vld [tilespmem:s24+$0xE00];
	v43 =	vsub.f32 v44, v14  }
0xe3: {  	v51 =	vmul.f32 $1.000000000e+09, v51;
	v52 =	vmul.f32 $1.000000000e+09, v52;
	v42 =	vsub.f32 v41, v11  }
0xe4: {  	v48 =	vsub.f32 v41, v12;
	v57 =	vsub.f32 v44, v8;
	v50 =	vmul.f32 v43, v43  }
0xe5: {  	v61 =	vmul.f32 $1.000000000e+09, v53;
	v58 =	vsub.f32 v44, v34;
	v63 =	vsub.f32 v44, v15  }
0xe6: {  	v43 =	vmul.f32 v48, v48;
	v48 =	vmul.f32 v57, v57;
	v40 =	vadd.f32 v40, v50  }
0xe7: {  	v55 =	vld [tilespmem:s24+$0x900];
	v54 =	vmul.f32 $1.000000000e+09, v54;
	v45 =	vadd.f32 v45, v50;
	v46 =	vadd.f32 v46, v50  }
0xe8: {  	v47 =	vadd.f32 v47, v48;
	v50 =	vmul.f32 v58, v58;
	v59 =	vadd.f32 v49, v48;
	v49 =	vld [tilespmem:s24+$0xA00]  }
0xe9: {  	v53 =	vld [tilespmem:s24+$0xB00];
	v48 =	vadd.f32 v51, v48;
	v40 =	vmin.f32 v40, $9.999999950e+11;
	v45 =	vmin.f32 v45, $9.999999950e+11  }
0xea: {  	v51 =	vld [tilespmem:s24+$0xD00];
	v46 =	vmin.f32 v46, $9.999999950e+11;
	v60 =	vadd.f32 v52, v50;
	v58 =	vadd.f32 v61, v50  }
0xeb: {  	v56 =	vld [tilespmem:s24+$0xC00];
	v61 =	vsub.f32 v44, v16;
	v40 =	vmin.f32 v40, v47;
	v45 =	vmin.f32 v45, v59  }
0xec: {  	v47 =	vadd.f32 v62, v50;
	v50 =	vmul.f32 v63, v63;
	v59 =	vmul.f32 $1.000000000e+09, v55  }
0xed: {  	v46 =	vmin.f32 v46, v48;
	v55 =	vld [tilespmem:s24+$0xF00];
	v40 =	vmin.f32 v40, v60;
	v60 =	vmul.f32 $1.000000000e+09, v49  }
0xee: {  	v57 =	vld [tilespmem:s24+$0x1100];
	v63 =	vmul.f32 $1.000000000e+09, v53;
	v45 =	vmin.f32 v45, v58;
	v62 =	vadd.f32 v59, v50  }
0xef: {  	v49 =	vmul.f32 v61, v61;
	v61 =	vld [tilespmem:s24+$0x1000];
	v51 =	vmul.f32 $1.000000000e+09, v51;
	v48 =	vadd.f32 v60, v50  }
0xf0: {  	v60 =	vmul.f32 $1.000000000e+09, v56;
	v40 =	vmin.f32 v40, v62;
	v62 =	vadd.f32 v63, v50  }
0xf1: {  	v46 =	vmin.f32 v46, v47;
	v63 =	vsub.f32 v44, v17;
	v59 =	vadd.f32 v51, v49  }
0xf2: {  	v58 =	vmul.f32 $1.000000000e+09, v55;
	v55 =	vld [tilespmem:s24+$0x1200];
	v53 =	vadd.f32 v60, v49;
	v45 =	vmin.f32 v45, v48  }
0xf3: {  	v48 =	vmul.f32 v63, v63;
	v46 =	vmin.f32 v46, v62;
	v60 =	vld [tilespmem:s24+$0x1300];
	v49 =	vadd.f32 v54, v49  }
0xf4: {  	v54 =	vld [tilespmem:s24+$0x1400];
	v62 =	vmul.f32 $1.000000000e+09, v57;
	v63 =	vsub.f32 v44, v18;
	v61 =	vmul.f32 $1.000000000e+09, v61  }
0xf5: {  	v56 =	vld [tilespmem:s24+$0x1500];
	v45 =	vmin.f32 v45, v59;
	v40 =	vmin.f32 v40, v53;
	v50 =	vadd.f32 v58, v48  }
0xf6: {  	v47 =	vadd.f32 v62, v48;
	v53 =	vld [tilespmem:s24+$0x1700];
	v58 =	vadd.f32 v61, v48;
	v48 =	vmul.f32 v63, v63  }
0xf7: {  	v61 =	vsub.f32 v44, v19;
	v40 =	vmin.f32 v40, v50;
	v50 =	vld [tilespmem:s24+$0x1600];
	v59 =	vmul.f32 $1.000000000e+09, v55  }
0xf8: {  	v41 =	vsub.f32 v41, v13;
	v46 =	vmin.f32 v46, v49;
	v55 =	vld [tilespmem:s24+$0x1800];
	v60 =	vmul.f32 $1.000000000e+09, v60  }
0xf9: {  	v63 =	vmul.f32 $1.000000000e+09, v54;
	v51 =	vmul.f32 v61, v61;
	v61 =	vld [tilespmem:s24+$0x1900];
	v62 =	vadd.f32 v59, v48  }
0xfa: {  	v57 =	vld [tilespmem:s24+$0x1A00];
	v46 =	vmin.f32 v46, v47;
	v49 =	vadd.f32 v60, v48;
	v60 =	vmul.f32 $1.000000000e+09, v56  }
0xfb: {  	v45 =	vmin.f32 v45, v58;
	v40 =	vmin.f32 v40, v62;
	v62 =	vadd.f32 v63, v48  }
0xfc: {  	v53 =	vmul.f32 $1.000000000e+09, v53;
	v63 =	vsub.f32 v44, v20;
	v54 =	vadd.f32 v60, v51  }
0xfd: {  	v56 =	vld [tilespmem:s24+$0x1E00];
	v50 =	vmul.f32 $1.000000000e+09, v50;
	v45 =	vmin.f32 v45, v49;
	v58 =	vmul.f32 $1.000000000e+09, v55  }
0xfe: {  	v55 =	vld [tilespmem:s24+$0x1B00];
	v48 =	vmul.f32 v63, v63;
	v46 =	vmin.f32 v46, v62;
	v61 =	vmul.f32 $1.000000000e+09, v61  }
0xff: {  	v60 =	vld [tilespmem:s24+$0x1C00];
	v62 =	vmul.f32 $1.000000000e+09, v57;
	v63 =	vsub.f32 v44, v21;
	v59 =	vadd.f32 v50, v51  }
0x100: {  	v40 =	vmin.f32 v40, v54;
	v51 =	vadd.f32 v53, v51;
	v54 =	vld [tilespmem:s24+$0x1D00];
	v49 =	vadd.f32 v58, v48  }
0x101: {  	v42 =	vmul.f32 v42, v42;
	v53 =	vld [tilespmem:s24+$0x2000];
	v58 =	vadd.f32 v61, v48;
	v47 =	vadd.f32 v62, v48  }
0x102: {  	v48 =	vmul.f32 v63, v63;
	v61 =	vsub.f32 v44, v22;
	v46 =	vmin.f32 v46, v51;
	v51 =	vld [tilespmem:s24+$0x1F00]  }
0x103: {  	v45 =	vmin.f32 v45, v59;
	v40 =	vmin.f32 v40, v49;
	v59 =	vmul.f32 $1.000000000e+09, v55;
	v55 =	vld [tilespmem:s24+$0x2100]  }
0x104: {  	v45 =	vmin.f32 v45, v58;
	v60 =	vmul.f32 $1.000000000e+09, v60;
	v50 =	vmul.f32 v61, v61;
	v61 =	vld [tilespmem:s24+$0x2200]  }
0x105: {  	v46 =	vmin.f32 v46, v47;
	v62 =	vadd.f32 v59, v48;
	v63 =	vmul.f32 $1.000000000e+09, v54  }
0x106: {  	v57 =	vld [tilespmem:s24+$0x2300];
	v49 =	vadd.f32 v60, v48;
	v60 =	vmul.f32 $1.000000000e+09, v56;
	v53 =	vmul.f32 $1.000000000e+09, v53  }
0x107: {  	v40 =	vmin.f32 v40, v62;
	v62 =	vadd.f32 v63, v48;
	v63 =	vsub.f32 v44, v23  }
0x108: {  	v56 =	vld [tilespmem:s24+$0x2700];
	v54 =	vadd.f32 v60, v50;
	v51 =	vmul.f32 $1.000000000e+09, v51;
	v58 =	vmul.f32 $1.000000000e+09, v55  }
0x109: {  	v45 =	vmin.f32 v45, v49;
	v60 =	vld [tilespmem:s24+$0x2500];
	v61 =	vmul.f32 $1.000000000e+09, v61;
	v48 =	vmul.f32 v63, v63  }
0x10a: {  	v55 =	vld [tilespmem:s24+$0x2400];
	v46 =	vmin.f32 v46, v62;
	v59 =	vadd.f32 v51, v50;
	v50 =	vadd.f32 v53, v50  }
0x10b: {  	v40 =	vmin.f32 v40, v54;
	v54 =	vld [tilespmem:s24+$0x2600];
	v62 =	vmul.f32 $1.000000000e+09, v57;
	v63 =	vsub.f32 v44, v10  }
0x10c: {  	v53 =	vld [tilespmem:s24+$0x2900];
	v49 =	vadd.f32 v58, v48;
	v45 =	vmin.f32 v45, v59;
	v46 =	vmin.f32 v46, v50  }
0x10d: {  	v58 =	vadd.f32 v61, v48;
	v50 =	vld [tilespmem:s24+$0x2800];
	v47 =	vadd.f32 v62, v48;
	v48 =	vmul.f32 v63, v63  }
0x10e: {  	v61 =	vsub.f32 v44, v24;
	v60 =	vmul.f32 $1.000000000e+09, v60;
	v40 =	vmin.f32 v40, v49  }
0x10f: {  	v59 =	vmul.f32 $1.000000000e+09, v55;
	v45 =	vmin.f32 v45, v58;
	v55 =	vld [tilespmem:s24+$0x2A00];
	v46 =	vmin.f32 v46, v47  }
0x110: {  	v51 =	vmul.f32 v61, v61;
	v61 =	vld [tilespmem:s24+$0x2B00];
	v49 =	vadd.f32 v60, v48;
	v60 =	vmul.f32 $1.000000000e+09, v56  }
0x111: {  	v57 =	vld [tilespmem:s24+$0x2C00];
	v63 =	vmul.f32 $1.000000000e+09, v54;
	v53 =	vmul.f32 $1.000000000e+09, v53;
	v62 =	vadd.f32 v59, v48  }
0x112: {  	v54 =	vadd.f32 v60, v51;
	v50 =	vmul.f32 $1.000000000e+09, v50;
	v45 =	vmin.f32 v45, v49  }
0x113: {  	v60 =	vld [tilespmem:s24+$0x2E00];
	v40 =	vmin.f32 v40, v62;
	v62 =	vadd.f32 v63, v48;
	v63 =	vsub.f32 v44, v25  }
0x114: {  	v58 =	vmul.f32 $1.000000000e+09, v55;
	v55 =	vld [tilespmem:s24+$0x2D00];
	v40 =	vmin.f32 v40, v54;
	v59 =	vadd.f32 v50, v51  }
0x115: {  	v51 =	vadd.f32 v53, v51;
	v61 =	vmul.f32 $1.000000000e+09, v61;
	v54 =	vld [tilespmem:s24+$0x2F00];
	v48 =	vmul.f32 v63, v63  }
0x116: {  	v56 =	vld [tilespmem:s24+$0x3000];
	v46 =	vmin.f32 v46, v62;
	v62 =	vmul.f32 $1.000000000e+09, v57;
	v63 =	vsub.f32 v44, v26  }
0x117: {  	v57 =	vsub.f32 v44, v28;
	v45 =	vmin.f32 v45, v59;
	v49 =	vadd.f32 v58, v48  }
0x118: {  	v53 =	vld [tilespmem:s24+$0x3200];
	v46 =	vmin.f32 v46, v51;
	v58 =	vadd.f32 v61, v48;
	v47 =	vadd.f32 v62, v48  }
0x119: {  	v51 =	vld [tilespmem:s24+$0x3100];
	v48 =	vmul.f32 v63, v63;
	v60 =	vmul.f32 $1.000000000e+09, v60;
	v61 =	vsub.f32 v44, v27  }
0x11a: {  	v40 =	vmin.f32 v40, v49;
	v59 =	vmul.f32 $1.000000000e+09, v55;
	v63 =	vmul.f32 $1.000000000e+09, v54;
	v54 =	vld [tilespmem:s24+$0x3300]  }
0x11b: {  	v45 =	vmin.f32 v45, v58;
	v49 =	vadd.f32 v60, v48;
	v60 =	vmul.f32 $1.000000000e+09, v56;
	v56 =	vld [tilespmem:s24+$0x3400]  }
0x11c: {  	v46 =	vmin.f32 v46, v47;
	v50 =	vmul.f32 v61, v61;
	v62 =	vadd.f32 v59, v48  }
0x11d: {  	v55 =	vld [tilespmem:s24+$0x3600];
	v61 =	vadd.f32 v63, v48;
	v45 =	vmin.f32 v45, v49;
	v59 =	vmul.f32 $1.000000000e+09, v53  }
0x11e: {  	v63 =	vadd.f32 v60, v50;
	v49 =	vmul.f32 v57, v57;
	v53 =	vld [tilespmem:s24+$0x3700];
	v40 =	vmin.f32 v40, v62  }
0x11f: {  	v62 =	vmul.f32 $1.000000000e+09, v51;
	v51 =	vld [tilespmem:s24+$0x3500];
	v46 =	vmin.f32 v46, v61;
	v61 =	vadd.f32 v59, v50  }
0x120: {  	v40 =	vmin.f32 v40, v63;
	v60 =	vmul.f32 $1.000000000e+09, v54;
	v63 =	vmul.f32 $1.000000000e+09, v56;
	v56 =	vld [tilespmem:s24+$0x3900]  }
0x121: {  	v41 =	vmul.f32 v41, v41;
	v58 =	vadd.f32 v62, v50;
	v62 =	vsub.f32 v44, v29;
	v50 =	vld [tilespmem:s24+$0x3800]  }
0x122: {  	v46 =	vmin.f32 v46, v61;
	v61 =	vld [tilespmem:s24+$0x3A00];
	v52 =	vadd.f32 v60, v49;
	v60 =	vmul.f32 $1.000000000e+09, v55  }
0x123: {  	v57 =	vsub.f32 v44, v30;
	v53 =	vmul.f32 $1.000000000e+09, v53;
	v47 =	vmul.f32 v62, v62  }
0x124: {  	v45 =	vmin.f32 v45, v58;
	v62 =	vadd.f32 v63, v49;
	v63 =	vld [tilespmem:s24+$0x3B00];
	v51 =	vmul.f32 $1.000000000e+09, v51  }
0x125: {  	v55 =	vld [tilespmem:s24+$0x3E00];
	v40 =	vmin.f32 v40, v52;
	v52 =	vmul.f32 v57, v57;
	v48 =	vadd.f32 v60, v47  }
0x126: {  	v45 =	vmin.f32 v45, v62;
	v59 =	vadd.f32 v53, v47;
	v53 =	vld [tilespmem:s24+$0x3D00];
	v60 =	vmul.f32 $1.000000000e+09, v56  }
0x127: {  	v56 =	vld [tilespmem:s24+$0x3F00];
	v49 =	vadd.f32 v51, v49;
	v58 =	vmul.f32 $1.000000000e+09, v50;
	v61 =	vmul.f32 $1.000000000e+09, v61  }
0x128: {  	v50 =	vld [tilespmem:s24+$0x3C00];
	v40 =	vmin.f32 v40, v48;
	v45 =	vmin.f32 v45, v59;
	v59 =	vadd.f32 v60, v52  }
0x129: {  	v46 =	vmin.f32 v46, v49;
	v47 =	vadd.f32 v58, v47;
	v62 =	vmul.f32 $1.000000000e+09, v63  }
0x12a: {  	v63 =	vsub.f32 v44, v31;
	v60 =	vadd.f32 v61, v52;
	v61 =	vld [tilespmem:s24+$0x4000];
	v58 =	vmul.f32 $1.000000000e+09, v55  }
0x12b: {  	v49 =	vld [tilespmem:s24+$0x4200];
	v40 =	vmin.f32 v40, v59;
	v46 =	vmin.f32 v46, v47;
	v48 =	vadd.f32 v62, v52  }
0x12c: {  	v51 =	vmul.f32 v63, v63;
	v62 =	vmul.f32 $1.000000000e+09, v53;
	v63 =	vsub.f32 v44, v32  }
0x12d: {  	v53 =	vld [tilespmem:s24+$0x4100];
	v45 =	vmin.f32 v45, v60;
	v59 =	vmul.f32 $1.000000000e+09, v56;
	v50 =	vmul.f32 $1.000000000e+09, v50  }
0x12e: {  	v60 =	vld [tilespmem:s24+$0x4300];
	v46 =	vmin.f32 v46, v48;
	v47 =	vadd.f32 v62, v51;
	v52 =	vmul.f32 v63, v63  }
0x12f: {  	v62 =	vsub.f32 v44, v33;
	v57 =	vadd.f32 v50, v51;
	v54 =	vmul.f32 $1.000000000e+09, v61  }
0x130: {  	v63 =	vld [tilespmem:s24+$0x4400];
	v61 =	vadd.f32 v58, v51;
	v49 =	vmul.f32 $1.000000000e+09, v49;
	v45 =	vmin.f32 v45, v47  }
0x131: {  	v56 =	vld [tilespmem:s24+$0x4500];
	v48 =	vadd.f32 v59, v52;
	v47 =	vmul.f32 v62, v62;
	v40 =	vmin.f32 v40, v57  }
0x132: {  	v50 =	vld [tilespmem:s24+$0x4600];
	v54 =	vadd.f32 v54, v52;
	v53 =	vmul.f32 $1.000000000e+09, v53;
	v46 =	vmin.f32 v46, v61  }
0x133: {  	s25 =	sor.u32 $0x1, s23;
	v58 =	vld [tilespmem:s24+$0x4900];
	v60 =	vmul.f32 $1.000000000e+09, v60;
	v57 =	vsub.f32 v44, v35;
	v44 =	vsub.f32 v44, v36  }
0x134: {  	v61 =	vld [tilespmem:s24+$0x4800];
	v48 =	vmin.f32 v40, v48;
	v49 =	vadd.f32 v49, v47;
	v40 =	vmov s25  }
0x135: {  	v45 =	vmin.f32 v45, v54;
	v52 =	vadd.f32 v53, v52;
	v53 =	vld [tilespmem:s24+$0x4700];
	v51 =	vmul.f32 $1.000000000e+09, v63  }
0x136: {  	s25 =	sadd.s32 s22, s25;
	v59 =	vor.u32 $0x10, v40;
	v62 =	vadd.f32 v60, v47;
	v63 =	vld [tilespmem:s24+$0x4A00];
	v44 =	vmul.f32 v44, v44  }
0x137: {  	s24 =	sshll.u32 s25, $0x4;
	v48 =	vmin.f32 v48, v49;
	v50 =	vmul.f32 $1.000000000e+09, v50;
	v46 =	vmin.f32 v46, v52  }
0x138: {  	s24 =	sand.u32 $0x3FFFFFF0, s24;
	v47 =	vadd.f32 v51, v47;
	v51 =	vmul.f32 v57, v57;
	v57 =	vmul.f32 $1.000000000e+09, v56  }
0x139: {  	v49 =	vmin.f32 v45, v62;
	v62 =	vmul.f32 $1.000000000e+09, v58;
	v55 =	vld [tilespmem:s24+$0x500];
	v60 =	vmul.f32 $1.000000000e+09, v61  }
0x13a: {  	v46 =	vmin.f32 v46, v47;
	v54 =	vld.idx.msk [tilespmem:v40+s16+$0x0], $0xffff;
	v61 =	vadd.f32 v57, v51;
	v50 =	vadd.f32 v50, v51  }
0x13b: {  	v57 =	vld [tilespmem:s24+$0x0];
	v53 =	vmul.f32 $1.000000000e+09, v53;
	v47 =	vadd.f32 v60, v44;
	v52 =	vmul.f32 $1.000000000e+09, v63  }
0x13c: {  	v45 =	vld.idx.msk [tilespmem:v59+s16+$0x0], $0xffff;
	v63 =	vadd.f32 v62, v44;
	v48 =	vmin.f32 v48, v61;
	v49 =	vmin.f32 v49, v50  }
0x13d: {  	v58 =	vld [tilespmem:s24+$0x100];
	v51 =	vadd.f32 v53, v51;
	v47 =	vmin.f32 v48, v47;
	v44 =	vadd.f32 v52, v44  }
0x13e: {  	v50 =	vld [tilespmem:s24+$0x200];
	v49 =	vmin.f32 v49, v63;
	v55 =	vmul.f32 $1.000000000e+09, v55;
	v42 =	vadd.f32 v47, v42  }
0x13f: {  	v52 =	vld [tilespmem:s24+$0x300];
	v49 =	vadd.f32 v49, v43;
	v59 =	vsub.f32 v54, v11;
	v46 =	vmin.f32 v46, v51  }
0x140: {  	v61 =	vsub.f32 v54, v12;
	v62 =	vmul.f32 $1.000000000e+09, v57;
	v63 =	vsub.f32 v54, v13  }
0x141: {  	v51 =	vld [tilespmem:s24+$0x400];
	v60 =	vsub.f32 v45, v14;
	v46 =	vmin.f32 v46, v44;
	v43 =	vmul.f32 v59, v59  }
0x142: {  	v54 =	vld [tilespmem:s24+$0x600];
	v42 =	vmin.f32 v42, v49;
	v44 =	vmul.f32 v61, v61;
	v61 =	vmul.f32 $1.000000000e+09, v58  }
0x143: {  	v50 =	vmul.f32 $1.000000000e+09, v50;
	v47 =	vmul.f32 v60, v60;
	v60 =	vsub.f32 v45, v8  }
0x144: {  	v46 =	vadd.f32 v46, v41;
	v48 =	vmul.f32 v63, v63;
	v63 =	vld [tilespmem:s24+$0x700];
	v52 =	vmul.f32 $1.000000000e+09, v52  }
0x145: {  	v49 =	vadd.f32 v62, v47;
	v41 =	vmul.f32 v60, v60;
	v62 =	vadd.f32 v61, v47  }
0x146: {  	v58 =	vld [tilespmem:s24+$0x900];
	v47 =	vadd.f32 v50, v47;
	v51 =	vmul.f32 $1.000000000e+09, v51;
	v61 =	vsub.f32 v45, v34  }
0x147: {  	v54 =	vmul.f32 $1.000000000e+09, v54;
	v60 =	vadd.f32 v52, v41;
	v52 =	vld [tilespmem:s24+$0x800];
	v53 =	vmin.f32 v62, $9.999999950e+11  }
0x148: {  	v57 =	vld [tilespmem:s24+$0xB00];
	v62 =	vadd.f32 v51, v41;
	v41 =	vadd.f32 v55, v41;
	v55 =	vmul.f32 v61, v61  }
0x149: {  	v49 =	vmin.f32 v49, $9.999999950e+11;
	v47 =	vmin.f32 v47, $9.999999950e+11;
	v51 =	vld [tilespmem:s24+$0xA00];
	v63 =	vmul.f32 $1.000000000e+09, v63  }
0x14a: {  	v59 =	vld [tilespmem:s24+$0xC00];
	v49 =	vmin.f32 v49, v60;
	v50 =	vmin.f32 v53, v62;
	v61 =	vadd.f32 v54, v55  }
0x14b: {  	v60 =	vsub.f32 v45, v15;
	v41 =	vmin.f32 v47, v41;
	v62 =	vmul.f32 $1.000000000e+09, v58;
	v58 =	vld [tilespmem:s24+$0xD00]  }
0x14c: {  	v53 =	vadd.f32 v63, v55;
	v47 =	vmin.f32 v49, v61;
	v61 =	vld [tilespmem:s24+$0xE00];
	v52 =	vmul.f32 $1.000000000e+09, v52  }
0x14d: {  	v57 =	vmul.f32 $1.000000000e+09, v57;
	v54 =	vmul.f32 v60, v60;
	v60 =	vsub.f32 v45, v16  }
0x14e: {  	v50 =	vmin.f32 v50, v53;
	v51 =	vmul.f32 $1.000000000e+09, v51;
	v63 =	vadd.f32 v52, v55  }
0x14f: {  	v56 =	vadd.f32 v62, v54;
	v62 =	vmul.f32 $1.000000000e+09, v59;
	v59 =	vld [tilespmem:s24+$0xF00];
	v52 =	vmul.f32 v60, v60  }
0x150: {  	v60 =	vmul.f32 $1.000000000e+09, v58;
	v58 =	vld [tilespmem:s24+$0x1200];
	v41 =	vmin.f32 v41, v63;
	v63 =	vadd.f32 v51, v54  }
0x151: {  	v47 =	vmin.f32 v47, v56;
	v51 =	vld [tilespmem:s24+$0x1000];
	v54 =	vadd.f32 v57, v54;
	v61 =	vmul.f32 $1.000000000e+09, v61  }
0x152: {  	v53 =	vadd.f32 v62, v52;
	v57 =	vld [tilespmem:s24+$0x1100];
	v62 =	vsub.f32 v45, v17;
	v49 =	vmin.f32 v50, v63  }
0x153: {  	v56 =	vld [tilespmem:s24+$0x1400];
	v41 =	vmin.f32 v41, v54;
	v63 =	vadd.f32 v60, v52;
	v50 =	vadd.f32 v61, v52  }
0x154: {  	v54 =	vld [tilespmem:s24+$0x1300];
	v52 =	vmul.f32 v62, v62;
	v60 =	vmul.f32 $1.000000000e+09, v59;
	v61 =	vsub.f32 v45, v18  }
0x155: {  	v47 =	vmin.f32 v47, v53;
	v59 =	vld [tilespmem:s24+$0x1500]  }
0x156: {  	v62 =	vadd.f32 v60, v52;
	v53 =	vmul.f32 v61, v61;
	v60 =	vmul.f32 $1.000000000e+09, v58  }
0x157: {  	v49 =	vmin.f32 v49, v63;
	v51 =	vmul.f32 $1.000000000e+09, v51;
	v63 =	vmul.f32 $1.000000000e+09, v57  }
0x158: {  	v58 =	vld [tilespmem:s24+$0x1600];
	v47 =	vmin.f32 v47, v62;
	v62 =	vsub.f32 v45, v19;
	v57 =	vadd.f32 v60, v53  }
0x159: {  	v56 =	vmul.f32 $1.000000000e+09, v56;
	v51 =	vadd.f32 v51, v52;
	v61 =	vadd.f32 v63, v52;
	v63 =	vld [tilespmem:s24+$0x1700]  }
0x15a: {  	v41 =	vmin.f32 v41, v50;
	v54 =	vmul.f32 $1.000000000e+09, v54;
	v60 =	vmul.f32 $1.000000000e+09, v59;
	v59 =	vld [tilespmem:s24+$0x1800]  }
0x15b: {  	v47 =	vmin.f32 v47, v57;
	v57 =	vld [tilespmem:s24+$0x1A00];
	v49 =	vmin.f32 v49, v51;
	v51 =	vmul.f32 v62, v62  }
0x15c: {  	v41 =	vmin.f32 v41, v61;
	v61 =	vadd.f32 v54, v53;
	v54 =	vld [tilespmem:s24+$0x1900]  }
0x15d: {  	v53 =	vadd.f32 v56, v53;
	v62 =	vmul.f32 $1.000000000e+09, v58;
	v56 =	vld [tilespmem:s24+$0x1D00];
	v52 =	vadd.f32 v60, v51  }
0x15e: {  	v58 =	vld [tilespmem:s24+$0x1B00];
	v49 =	vmin.f32 v49, v61;
	v60 =	vsub.f32 v45, v20;
	v63 =	vmul.f32 $1.000000000e+09, v63  }
0x15f: {  	v41 =	vmin.f32 v41, v53;
	v61 =	vadd.f32 v62, v51;
	v53 =	vld [tilespmem:s24+$0x1C00];
	v62 =	vmul.f32 $1.000000000e+09, v59  }
0x160: {  	v59 =	vld [tilespmem:s24+$0x1E00];
	v47 =	vmin.f32 v47, v52;
	v50 =	vadd.f32 v63, v51;
	v51 =	vmul.f32 v60, v60  }
0x161: {  	v49 =	vmin.f32 v49, v61;
	v63 =	vmul.f32 $1.000000000e+09, v54;
	v60 =	vsub.f32 v45, v21  }
0x162: {  	v56 =	vmul.f32 $1.000000000e+09, v56;
	v61 =	vadd.f32 v62, v51;
	v62 =	vmul.f32 $1.000000000e+09, v57  }
0x163: {  	v52 =	vadd.f32 v63, v51;
	v54 =	vmul.f32 v60, v60;
	v63 =	vmul.f32 $1.000000000e+09, v58;
	v58 =	vld [tilespmem:s24+$0x1F00]  }
0x164: {  	v47 =	vmin.f32 v47, v61;
	v60 =	vadd.f32 v62, v51;
	v61 =	vsub.f32 v45, v22;
	v62 =	vld [tilespmem:s24+$0x2000]  }
0x165: {  	v53 =	vmul.f32 $1.000000000e+09, v53;
	v57 =	vadd.f32 v63, v54;
	v63 =	vmul.f32 $1.000000000e+09, v59;
	v59 =	vld [tilespmem:s24+$0x2100]  }
0x166: {  	v41 =	vmin.f32 v41, v50;
	v49 =	vmin.f32 v49, v52;
	v51 =	vmul.f32 v61, v61  }
0x167: {  	v41 =	vmin.f32 v41, v60;
	v47 =	vmin.f32 v47, v57;
	v60 =	vadd.f32 v53, v54;
	v53 =	vld [tilespmem:s24+$0x2200]  }
0x168: {  	v54 =	vadd.f32 v56, v54;
	v57 =	vld [tilespmem:s24+$0x2300];
	v61 =	vmul.f32 $1.000000000e+09, v58;
	v52 =	vadd.f32 v63, v51  }
0x169: {  	v58 =	vld [tilespmem:s24+$0x2400];
	v49 =	vmin.f32 v49, v60;
	v63 =	vsub.f32 v45, v23;
	v62 =	vmul.f32 $1.000000000e+09, v62  }
0x16a: {  	v41 =	vmin.f32 v41, v54;
	v54 =	vld [tilespmem:s24+$0x2500];
	v60 =	vadd.f32 v61, v51;
	v61 =	vmul.f32 $1.000000000e+09, v59  }
0x16b: {  	v59 =	vld [tilespmem:s24+$0x2700];
	v47 =	vmin.f32 v47, v52;
	v50 =	vadd.f32 v62, v51;
	v51 =	vmul.f32 v63, v63  }
0x16c: {  	v56 =	vld [tilespmem:s24+$0x2600];
	v49 =	vmin.f32 v49, v60;
	v62 =	vmul.f32 $1.000000000e+09, v53;
	v63 =	vsub.f32 v45, v10  }
0x16d: {  	v41 =	vmin.f32 v41, v50;
	v60 =	vadd.f32 v61, v51;
	v61 =	vmul.f32 $1.000000000e+09, v57  }
0x16e: {  	v52 =	vadd.f32 v62, v51;
	v53 =	vmul.f32 v63, v63;
	v62 =	vmul.f32 $1.000000000e+09, v58;
	v58 =	vld [tilespmem:s24+$0x2800]  }
0x16f: {  	v54 =	vmul.f32 $1.000000000e+09, v54;
	v47 =	vmin.f32 v47, v60;
	v63 =	vadd.f32 v61, v51;
	v61 =	vld [tilespmem:s24+$0x2900]  }
0x170: {  	v60 =	vsub.f32 v45, v24;
	v57 =	vadd.f32 v62, v53;
	v62 =	vmul.f32 $1.000000000e+09, v59;
	v59 =	vld [tilespmem:s24+$0x2A00]  }
0x171: {  	v56 =	vmul.f32 $1.000000000e+09, v56;
	v41 =	vmin.f32 v41, v63;
	v63 =	vadd.f32 v54, v53;
	v54 =	vld [tilespmem:s24+$0x2B00]  }
0x172: {  	v51 =	vmul.f32 v60, v60;
	v47 =	vmin.f32 v47, v57;
	v57 =	vld [tilespmem:s24+$0x2C00]  }
0x173: {  	v49 =	vmin.f32 v49, v52;
	v53 =	vadd.f32 v56, v53;
	v56 =	vld [tilespmem:s24+$0x2F00]  }
0x174: {  	v60 =	vmul.f32 $1.000000000e+09, v58;
	v58 =	vld [tilespmem:s24+$0x2D00];
	v52 =	vadd.f32 v62, v51;
	v49 =	vmin.f32 v49, v63  }
0x175: {  	v62 =	vsub.f32 v45, v25;
	v41 =	vmin.f32 v41, v53;
	v53 =	vld [tilespmem:s24+$0x2E00];
	v61 =	vmul.f32 $1.000000000e+09, v61  }
0x176: {  	v63 =	vadd.f32 v60, v51;
	v60 =	vmul.f32 $1.000000000e+09, v59;
	v47 =	vmin.f32 v47, v52  }
0x177: {  	v59 =	vld [tilespmem:s24+$0x3000];
	v50 =	vadd.f32 v61, v51;
	v51 =	vmul.f32 v62, v62;
	v62 =	vsub.f32 v45, v26  }
0x178: {  	v49 =	vmin.f32 v49, v63;
	v61 =	vmul.f32 $1.000000000e+09, v54;
	v56 =	vmul.f32 $1.000000000e+09, v56  }
0x179: {  	v63 =	vadd.f32 v60, v51;
	v60 =	vmul.f32 $1.000000000e+09, v57;
	v54 =	vmul.f32 v62, v62  }
0x17a: {  	v52 =	vadd.f32 v61, v51;
	v61 =	vmul.f32 $1.000000000e+09, v58;
	v58 =	vld [tilespmem:s24+$0x3100];
	v53 =	vmul.f32 $1.000000000e+09, v53  }
0x17b: {  	v47 =	vmin.f32 v47, v63;
	v62 =	vadd.f32 v60, v51;
	v63 =	vsub.f32 v45, v27;
	v60 =	vld [tilespmem:s24+$0x3200]  }
0x17c: {  	v41 =	vmin.f32 v41, v50;
	v57 =	vadd.f32 v61, v54;
	v61 =	vmul.f32 $1.000000000e+09, v59;
	v59 =	vld [tilespmem:s24+$0x3300]  }
0x17d: {  	v51 =	vmul.f32 v63, v63;
	v41 =	vmin.f32 v41, v62;
	v62 =	vadd.f32 v53, v54;
	v53 =	vld [tilespmem:s24+$0x3400]  }
0x17e: {  	v49 =	vmin.f32 v49, v52;
	v47 =	vmin.f32 v47, v57;
	v57 =	vld [tilespmem:s24+$0x3500]  }
0x17f: {  	v54 =	vadd.f32 v56, v54;
	v63 =	vmul.f32 $1.000000000e+09, v58;
	v58 =	vld [tilespmem:s24+$0x3600];
	v52 =	vadd.f32 v61, v51  }
0x180: {  	v49 =	vmin.f32 v49, v62;
	v61 =	vsub.f32 v45, v28;
	v60 =	vmul.f32 $1.000000000e+09, v60  }
0x181: {  	v41 =	vmin.f32 v41, v54;
	v54 =	vld [tilespmem:s24+$0x3700];
	v62 =	vadd.f32 v63, v51;
	v63 =	vmul.f32 $1.000000000e+09, v59  }
0x182: {  	v47 =	vmin.f32 v47, v52;
	v50 =	vadd.f32 v60, v51;
	v51 =	vmul.f32 v61, v61  }
0x183: {  	v56 =	vld [tilespmem:s24+$0x3800];
	v49 =	vmin.f32 v49, v62;
	v60 =	vmul.f32 $1.000000000e+09, v53;
	v61 =	vsub.f32 v45, v29  }
0x184: {  	v58 =	vmul.f32 $1.000000000e+09, v58;
	v62 =	vadd.f32 v63, v51;
	v63 =	vmul.f32 $1.000000000e+09, v57;
	v57 =	vld [tilespmem:s24+$0x3900]  }
0x185: {  	v41 =	vmin.f32 v41, v50;
	v52 =	vadd.f32 v60, v51;
	v53 =	vmul.f32 v61, v61  }
0x186: {  	v59 =	vld [tilespmem:s24+$0x3A00];
	v61 =	vmul.f32 $1.000000000e+09, v54;
	v47 =	vmin.f32 v47, v62;
	v60 =	vadd.f32 v63, v51  }
0x187: {  	v54 =	vld [tilespmem:s24+$0x3B00];
	v49 =	vmin.f32 v49, v52;
	v62 =	vadd.f32 v58, v53;
	v63 =	vsub.f32 v45, v30  }
0x188: {  	v58 =	vld [tilespmem:s24+$0x3C00];
	v41 =	vmin.f32 v41, v60;
	v60 =	vadd.f32 v61, v53;
	v61 =	vmul.f32 $1.000000000e+09, v56  }
0x189: {  	v56 =	vld [tilespmem:s24+$0x3D00];
	v47 =	vmin.f32 v47, v62;
	v52 =	vmul.f32 v63, v63;
	v62 =	vmul.f32 $1.000000000e+09, v57  }
0x18a: {  	v57 =	vld [tilespmem:s24+$0x3E00];
	v63 =	vadd.f32 v61, v53  }
0x18b: {  	v49 =	vmin.f32 v49, v60;
	v60 =	vsub.f32 v45, v31;
	v61 =	vadd.f32 v62, v52  }
0x18c: {  	v54 =	vmul.f32 $1.000000000e+09, v54;
	v53 =	vld [tilespmem:s24+$0x4300];
	v62 =	vmul.f32 $1.000000000e+09, v59;
	v41 =	vmin.f32 v41, v63  }
0x18d: {  	v59 =	vld [tilespmem:s24+$0x3F00];
	v50 =	vmul.f32 v60, v60;
	v63 =	vmul.f32 $1.000000000e+09, v58;
	v47 =	vmin.f32 v47, v61  }
0x18e: {  	v60 =	vadd.f32 v62, v52;
	v52 =	vadd.f32 v54, v52;
	v61 =	vmul.f32 $1.000000000e+09, v56  }
0x18f: {  	v58 =	vld [tilespmem:s24+$0x4000];
	v51 =	vadd.f32 v63, v50;
	v62 =	vmul.f32 $1.000000000e+09, v57;
	v63 =	vsub.f32 v45, v32  }
0x190: {  	v54 =	vld [tilespmem:s24+$0x4100];
	v49 =	vmin.f32 v49, v60;
	v41 =	vmin.f32 v41, v52;
	v60 =	vadd.f32 v61, v50  }
0x191: {  	v57 =	vld [tilespmem:s24+$0x4200];
	v53 =	vmul.f32 $1.000000000e+09, v53;
	v47 =	vmin.f32 v47, v51;
	v50 =	vadd.f32 v62, v50  }
0x192: {  	v52 =	vmul.f32 v63, v63;
	v61 =	vmul.f32 $1.000000000e+09, v59;
	v62 =	vsub.f32 v45, v33  }
0x193: {  	v59 =	vld [tilespmem:s24+$0x4400];
	v63 =	vsub.f32 v45, v35;
	v45 =	vsub.f32 v45, v36;
	v49 =	vmin.f32 v49, v60  }
0x194: {  	s26 =	sor.u32 $0x2, s23;
	v51 =	vmul.f32 $1.000000000e+09, v58;
	v58 =	vld [tilespmem:s24+$0x4500];
	v50 =	vmin.f32 v41, v50;
	v55 =	vadd.f32 v61, v52  }
0x195: {  	v60 =	vld [tilespmem:s24+$0x4600];
	v54 =	vmul.f32 $1.000000000e+09, v54;
	v56 =	vmul.f32 v62, v62;
	v41 =	vmov s26  }
0x196: {  	v61 =	vld [tilespmem:s24+$0x4700];
	v57 =	vmul.f32 $1.000000000e+09, v57;
	v51 =	vadd.f32 v51, v52;
	v62 =	vor.u32 $0x10, v41  }
0x197: {  	v45 =	vmul.f32 v45, v45;
	v52 =	vadd.f32 v54, v52;
	v54 =	vld [tilespmem:s24+$0x4800];
	v47 =	vmin.f32 v47, v55  }
0x198: {  	v53 =	vadd.f32 v53, v56;
	v55 =	vadd.f32 v57, v56;
	v57 =	vld [tilespmem:s24+$0x4900];
	v49 =	vmin.f32 v49, v51  }
0x199: {  	s28 =	sadd.s32 s22, s26;
	v59 =	vmul.f32 $1.000000000e+09, v59;
	v51 =	vmul.f32 v63, v63;
	v50 =	vmin.f32 v50, v52;
	v52 =	vld [tilespmem:s24+$0x4A00]  }
0x19a: {  	v42 =	vmin.f32 v42, v46;
	v63 =	vmul.f32 $1.000000000e+09, v58;
	v60 =	vmul.f32 $1.000000000e+09, v60;
	s24 =	sshll.u32 s28, $0x4  }
0x19b: {  	v49 =	vmin.f32 v49, v53;
	v55 =	vmin.f32 v47, v55;
	v56 =	vadd.f32 v59, v56;
	s24 =	sand.u32 $0x3FFFFFF0, s24;
	v47 =	vld.idx.msk [tilespmem:v62+s16+$0x0], $0xffff  }
0x19c: {  	v59 =	vmul.f32 $1.000000000e+09, v61;
	v53 =	vadd.f32 v63, v51;
	v58 =	vadd.f32 v60, v51;
	v60 =	vld [tilespmem:s24+$0x0]  }
0x19d: {  	v63 =	vld [tilespmem:s24+$0x200];
	v54 =	vmul.f32 $1.000000000e+09, v54;
	v50 =	vmin.f32 v50, v56;
	v57 =	vmul.f32 $1.000000000e+09, v57  }
0x19e: {  	v51 =	vadd.f32 v59, v51;
	v56 =	vld.idx.msk [tilespmem:v41+s16+$0x0], $0xffff;
	v53 =	vmin.f32 v55, v53;
	v52 =	vmul.f32 $1.000000000e+09, v52  }
0x19f: {  	v49 =	vmin.f32 v49, v58;
	v55 =	vld [tilespmem:s24+$0x500];
	v54 =	vadd.f32 v54, v45;
	v61 =	vadd.f32 v57, v45  }
0x1a0: {  	v50 =	vmin.f32 v50, v51;
	v45 =	vadd.f32 v52, v45;
	v52 =	vld [tilespmem:s24+$0x100];
	v62 =	vsub.f32 v47, v14  }
0x1a1: {  	v53 =	vmin.f32 v53, v54;
	v59 =	vmul.f32 $1.000000000e+09, v60;
	v60 =	vld [tilespmem:s24+$0x300];
	v49 =	vmin.f32 v49, v61  }
0x1a2: {  	v58 =	vld [tilespmem:s24+$0x800];
	v50 =	vmin.f32 v50, v45;
	v45 =	vadd.f32 v53, v43;
	v46 =	vadd.f32 v49, v44  }
0x1a3: {  	v61 =	vld [tilespmem:s24+$0x400];
	v51 =	vmul.f32 v62, v62;
	v49 =	vsub.f32 v56, v12;
	v43 =	vadd.f32 v50, v48  }
0x1a4: {  	v57 =	vmul.f32 $1.000000000e+09, v63;
	v48 =	vsub.f32 v56, v11;
	v50 =	vsub.f32 v56, v13;
	v56 =	vld [tilespmem:s24+$0x700]  }
0x1a5: {  	v62 =	vsub.f32 v47, v8;
	v53 =	vadd.f32 v59, v51;
	v59 =	vld [tilespmem:s24+$0x600];
	v52 =	vmul.f32 $1.000000000e+09, v52  }
0x1a6: {  	v54 =	vmul.f32 $1.000000000e+09, v60;
	v60 =	vsub.f32 v47, v34  }
0x1a7: {  	v52 =	vadd.f32 v52, v51;
	v51 =	vadd.f32 v57, v51;
	v57 =	vmul.f32 v62, v62  }
0x1a8: {  	v63 =	vsub.f32 v47, v15;
	v55 =	vmul.f32 $1.000000000e+09, v55;
	v44 =	vmul.f32 $1.000000000e+09, v61;
	v61 =	vld [tilespmem:s24+$0x900]  }
0x1a9: {  	v58 =	vmul.f32 $1.000000000e+09, v58;
	v60 =	vmul.f32 v60, v60;
	v54 =	vadd.f32 v54, v57  }
0x1aa: {  	v53 =	vmin.f32 v53, $9.999999950e+11;
	v62 =	vld [tilespmem:s24+$0xA00];
	v56 =	vmul.f32 $1.000000000e+09, v56;
	v59 =	vmul.f32 $1.000000000e+09, v59  }
0x1ab: {  	v44 =	vadd.f32 v44, v57;
	v53 =	vmin.f32 v53, v54;
	v54 =	vadd.f32 v55, v57;
	v57 =	vld [tilespmem:s24+$0xB00]  }
0x1ac: {  	v52 =	vmin.f32 v52, $9.999999950e+11;
	v51 =	vmin.f32 v51, $9.999999950e+11;
	v59 =	vadd.f32 v59, v60  }
0x1ad: {  	v44 =	vmin.f32 v52, v44;
	v52 =	vmul.f32 v63, v63;
	v55 =	vmul.f32 $1.000000000e+09, v61;
	v61 =	vld [tilespmem:s24+$0xC00]  }
0x1ae: {  	v58 =	vadd.f32 v58, v60;
	v51 =	vmin.f32 v51, v54;
	v54 =	vadd.f32 v56, v60;
	v56 =	vld [tilespmem:s24+$0xD00]  }
0x1af: {  	v53 =	vmin.f32 v53, v59;
	v55 =	vadd.f32 v55, v52;
	v59 =	vmul.f32 $1.000000000e+09, v62;
	v60 =	vld [tilespmem:s24+$0xE00]  }
0x1b0: {  	v62 =	vld [tilespmem:s24+$0xF00];
	v44 =	vmin.f32 v44, v54;
	v54 =	vmul.f32 $1.000000000e+09, v57;
	v57 =	vsub.f32 v47, v16  }
0x1b1: {  	v51 =	vmin.f32 v51, v58;
	v58 =	vld [tilespmem:s24+$0x1000];
	v53 =	vmin.f32 v53, v55;
	v63 =	vadd.f32 v59, v52  }
0x1b2: {  	v59 =	vld [tilespmem:s24+$0x1100];
	v52 =	vadd.f32 v54, v52;
	v54 =	vmul.f32 v57, v57;
	v57 =	vmul.f32 $1.000000000e+09, v61  }
0x1b3: {  	v44 =	vmin.f32 v44, v63;
	v55 =	vmul.f32 $1.000000000e+09, v56;
	v56 =	vsub.f32 v47, v17;
	v61 =	vld [tilespmem:s24+$0x1200]  }
0x1b4: {  	v51 =	vmin.f32 v51, v52;
	v52 =	vadd.f32 v57, v54;
	v57 =	vmul.f32 $1.000000000e+09, v60  }
0x1b5: {  	v55 =	vadd.f32 v55, v54;
	v56 =	vmul.f32 v56, v56;
	v60 =	vmul.f32 $1.000000000e+09, v62;
	v62 =	vld [tilespmem:s24+$0x1300]  }
0x1b6: {  	v52 =	vmin.f32 v53, v52;
	v53 =	vadd.f32 v57, v54;
	v54 =	vsub.f32 v47, v18;
	v57 =	vld [tilespmem:s24+$0x1400]  }
0x1b7: {  	v58 =	vmul.f32 $1.000000000e+09, v58;
	v59 =	vmul.f32 $1.000000000e+09, v59;
	v60 =	vadd.f32 v60, v56  }
0x1b8: {  	v44 =	vmin.f32 v44, v55;
	v55 =	vmul.f32 $1.000000000e+09, v61;
	v61 =	vld [tilespmem:s24+$0x1500];
	v54 =	vmul.f32 v54, v54  }
0x1b9: {  	v51 =	vmin.f32 v51, v53;
	v52 =	vmin.f32 v52, v60;
	v53 =	vadd.f32 v58, v56;
	v58 =	vld [tilespmem:s24+$0x1600]  }
0x1ba: {  	v56 =	vadd.f32 v59, v56;
	v60 =	vld [tilespmem:s24+$0x1700];
	v59 =	vmul.f32 $1.000000000e+09, v62;
	v55 =	vadd.f32 v55, v54  }
0x1bb: {  	v62 =	vld [tilespmem:s24+$0x1800];
	v44 =	vmin.f32 v44, v53;
	v53 =	vmul.f32 $1.000000000e+09, v57;
	v57 =	vsub.f32 v47, v19  }
0x1bc: {  	v51 =	vmin.f32 v51, v56;
	v56 =	vld [tilespmem:s24+$0x1900];
	v63 =	vadd.f32 v59, v54;
	v52 =	vmin.f32 v52, v55  }
0x1bd: {  	v59 =	vld [tilespmem:s24+$0x1A00];
	v53 =	vadd.f32 v53, v54;
	v54 =	vmul.f32 v57, v57;
	v57 =	vmul.f32 $1.000000000e+09, v61  }
0x1be: {  	v44 =	vmin.f32 v44, v63;
	v55 =	vmul.f32 $1.000000000e+09, v58;
	v58 =	vsub.f32 v47, v20;
	v61 =	vld [tilespmem:s24+$0x1B00]  }
0x1bf: {  	v51 =	vmin.f32 v51, v53;
	v53 =	vadd.f32 v57, v54;
	v57 =	vmul.f32 $1.000000000e+09, v60  }
0x1c0: {  	v55 =	vadd.f32 v55, v54;
	v58 =	vmul.f32 v58, v58;
	v60 =	vmul.f32 $1.000000000e+09, v62;
	v62 =	vld [tilespmem:s24+$0x1C00]  }
0x1c1: {  	v52 =	vmin.f32 v52, v53;
	v53 =	vadd.f32 v57, v54;
	v54 =	vsub.f32 v47, v21;
	v57 =	vld [tilespmem:s24+$0x1D00]  }
0x1c2: {  	v56 =	vmul.f32 $1.000000000e+09, v56;
	v59 =	vmul.f32 $1.000000000e+09, v59;
	v60 =	vadd.f32 v60, v58  }
0x1c3: {  	v44 =	vmin.f32 v44, v55;
	v55 =	vmul.f32 $1.000000000e+09, v61;
	v61 =	vld [tilespmem:s24+$0x1E00];
	v54 =	vmul.f32 v54, v54  }
0x1c4: {  	v51 =	vmin.f32 v51, v53;
	v52 =	vmin.f32 v52, v60;
	v53 =	vadd.f32 v56, v58;
	v56 =	vld [tilespmem:s24+$0x1F00]  }
0x1c5: {  	v58 =	vadd.f32 v59, v58;
	v60 =	vld [tilespmem:s24+$0x2000];
	v59 =	vmul.f32 $1.000000000e+09, v62;
	v55 =	vadd.f32 v55, v54  }
0x1c6: {  	v62 =	vld [tilespmem:s24+$0x2100];
	v44 =	vmin.f32 v44, v53;
	v53 =	vmul.f32 $1.000000000e+09, v57;
	v57 =	vsub.f32 v47, v22  }
0x1c7: {  	v51 =	vmin.f32 v51, v58;
	v58 =	vld [tilespmem:s24+$0x2200];
	v63 =	vadd.f32 v59, v54;
	v52 =	vmin.f32 v52, v55  }
0x1c8: {  	v59 =	vld [tilespmem:s24+$0x2300];
	v53 =	vadd.f32 v53, v54;
	v54 =	vmul.f32 v57, v57;
	v57 =	vmul.f32 $1.000000000e+09, v61  }
0x1c9: {  	v44 =	vmin.f32 v44, v63;
	v55 =	vmul.f32 $1.000000000e+09, v56;
	v56 =	vsub.f32 v47, v23;
	v61 =	vld [tilespmem:s24+$0x2400]  }
0x1ca: {  	v51 =	vmin.f32 v51, v53;
	v53 =	vadd.f32 v57, v54;
	v57 =	vmul.f32 $1.000000000e+09, v60  }
0x1cb: {  	v55 =	vadd.f32 v55, v54;
	v56 =	vmul.f32 v56, v56;
	v60 =	vmul.f32 $1.000000000e+09, v62;
	v62 =	vld [tilespmem:s24+$0x2500]  }
0x1cc: {  	v52 =	vmin.f32 v52, v53;
	v53 =	vadd.f32 v57, v54;
	v54 =	vsub.f32 v47, v10;
	v57 =	vld [tilespmem:s24+$0x2600]  }
0x1cd: {  	v58 =	vmul.f32 $1.000000000e+09, v58;
	v59 =	vmul.f32 $1.000000000e+09, v59;
	v60 =	vadd.f32 v60, v56  }
0x1ce: {  	v44 =	vmin.f32 v44, v55;
	v55 =	vmul.f32 $1.000000000e+09, v61;
	v61 =	vld [tilespmem:s24+$0x2700];
	v54 =	vmul.f32 v54, v54  }
0x1cf: {  	v51 =	vmin.f32 v51, v53;
	v52 =	vmin.f32 v52, v60;
	v53 =	vadd.f32 v58, v56;
	v58 =	vld [tilespmem:s24+$0x2800]  }
0x1d0: {  	v56 =	vadd.f32 v59, v56;
	v60 =	vld [tilespmem:s24+$0x2900];
	v59 =	vmul.f32 $1.000000000e+09, v62;
	v55 =	vadd.f32 v55, v54  }
0x1d1: {  	v62 =	vld [tilespmem:s24+$0x2A00];
	v44 =	vmin.f32 v44, v53;
	v53 =	vmul.f32 $1.000000000e+09, v57;
	v57 =	vsub.f32 v47, v24  }
0x1d2: {  	v51 =	vmin.f32 v51, v56;
	v56 =	vld [tilespmem:s24+$0x2B00];
	v63 =	vadd.f32 v59, v54;
	v52 =	vmin.f32 v52, v55  }
0x1d3: {  	v59 =	vld [tilespmem:s24+$0x2C00];
	v53 =	vadd.f32 v53, v54;
	v54 =	vmul.f32 v57, v57;
	v57 =	vmul.f32 $1.000000000e+09, v61  }
0x1d4: {  	v44 =	vmin.f32 v44, v63;
	v55 =	vmul.f32 $1.000000000e+09, v58;
	v58 =	vsub.f32 v47, v25;
	v61 =	vld [tilespmem:s24+$0x2D00]  }
0x1d5: {  	v51 =	vmin.f32 v51, v53;
	v53 =	vadd.f32 v57, v54;
	v57 =	vmul.f32 $1.000000000e+09, v60  }
0x1d6: {  	v55 =	vadd.f32 v55, v54;
	v58 =	vmul.f32 v58, v58;
	v60 =	vmul.f32 $1.000000000e+09, v62;
	v62 =	vld [tilespmem:s24+$0x2E00]  }
0x1d7: {  	v52 =	vmin.f32 v52, v53;
	v53 =	vadd.f32 v57, v54;
	v54 =	vsub.f32 v47, v26;
	v57 =	vld [tilespmem:s24+$0x2F00]  }
0x1d8: {  	v56 =	vmul.f32 $1.000000000e+09, v56;
	v59 =	vmul.f32 $1.000000000e+09, v59;
	v60 =	vadd.f32 v60, v58  }
0x1d9: {  	v44 =	vmin.f32 v44, v55;
	v55 =	vmul.f32 $1.000000000e+09, v61;
	v61 =	vld [tilespmem:s24+$0x3000];
	v54 =	vmul.f32 v54, v54  }
0x1da: {  	v51 =	vmin.f32 v51, v53;
	v52 =	vmin.f32 v52, v60;
	v53 =	vadd.f32 v56, v58;
	v56 =	vld [tilespmem:s24+$0x3100]  }
0x1db: {  	v58 =	vadd.f32 v59, v58;
	v60 =	vld [tilespmem:s24+$0x3200];
	v59 =	vmul.f32 $1.000000000e+09, v62;
	v55 =	vadd.f32 v55, v54  }
0x1dc: {  	v62 =	vld [tilespmem:s24+$0x3300];
	v44 =	vmin.f32 v44, v53;
	v53 =	vmul.f32 $1.000000000e+09, v57;
	v57 =	vsub.f32 v47, v27  }
0x1dd: {  	v51 =	vmin.f32 v51, v58;
	v58 =	vld [tilespmem:s24+$0x3400];
	v63 =	vadd.f32 v59, v54;
	v52 =	vmin.f32 v52, v55  }
0x1de: {  	v59 =	vld [tilespmem:s24+$0x3500];
	v53 =	vadd.f32 v53, v54;
	v54 =	vmul.f32 v57, v57;
	v57 =	vmul.f32 $1.000000000e+09, v61  }
0x1df: {  	v44 =	vmin.f32 v44, v63;
	v55 =	vmul.f32 $1.000000000e+09, v56;
	v56 =	vsub.f32 v47, v28;
	v61 =	vld [tilespmem:s24+$0x3600]  }
0x1e0: {  	v51 =	vmin.f32 v51, v53;
	v53 =	vadd.f32 v57, v54;
	v57 =	vmul.f32 $1.000000000e+09, v60  }
0x1e1: {  	v55 =	vadd.f32 v55, v54;
	v56 =	vmul.f32 v56, v56;
	v60 =	vmul.f32 $1.000000000e+09, v62;
	v62 =	vld [tilespmem:s24+$0x3700]  }
0x1e2: {  	v52 =	vmin.f32 v52, v53;
	v53 =	vadd.f32 v57, v54;
	v54 =	vsub.f32 v47, v29;
	v57 =	vld [tilespmem:s24+$0x3800]  }
0x1e3: {  	v58 =	vmul.f32 $1.000000000e+09, v58;
	v59 =	vmul.f32 $1.000000000e+09, v59;
	v60 =	vadd.f32 v60, v56  }
0x1e4: {  	v44 =	vmin.f32 v44, v55;
	v55 =	vmul.f32 $1.000000000e+09, v61;
	v61 =	vld [tilespmem:s24+$0x3900];
	v54 =	vmul.f32 v54, v54  }
0x1e5: {  	v51 =	vmin.f32 v51, v53;
	v52 =	vmin.f32 v52, v60;
	v53 =	vadd.f32 v58, v56;
	v58 =	vld [tilespmem:s24+$0x3A00]  }
0x1e6: {  	v56 =	vadd.f32 v59, v56;
	v60 =	vld [tilespmem:s24+$0x3B00];
	v59 =	vmul.f32 $1.000000000e+09, v62;
	v55 =	vadd.f32 v55, v54  }
0x1e7: {  	v62 =	vld [tilespmem:s24+$0x3C00];
	v44 =	vmin.f32 v44, v53;
	v53 =	vmul.f32 $1.000000000e+09, v57;
	v57 =	vsub.f32 v47, v30  }
0x1e8: {  	v51 =	vmin.f32 v51, v56;
	v56 =	vld [tilespmem:s24+$0x3D00];
	v63 =	vadd.f32 v59, v54;
	v52 =	vmin.f32 v52, v55  }
0x1e9: {  	v61 =	vmul.f32 $1.000000000e+09, v61;
	v53 =	vadd.f32 v53, v54;
	v54 =	vmul.f32 v57, v57  }
0x1ea: {  	v59 =	vld [tilespmem:s24+$0x3E00];
	v44 =	vmin.f32 v44, v63;
	v55 =	vmul.f32 $1.000000000e+09, v58;
	v58 =	vsub.f32 v47, v31  }
0x1eb: {  	v57 =	vmul.f32 $1.000000000e+09, v60;
	v60 =	vld [tilespmem:s24+$0x3F00];
	v51 =	vmin.f32 v51, v53;
	v53 =	vadd.f32 v61, v54  }
0x1ec: {  	v55 =	vadd.f32 v55, v54;
	v58 =	vmul.f32 v58, v58;
	v61 =	vmul.f32 $1.000000000e+09, v62;
	v62 =	vld [tilespmem:s24+$0x4000]  }
0x1ed: {  	v52 =	vmin.f32 v52, v53;
	v53 =	vadd.f32 v57, v54;
	v54 =	vmul.f32 $1.000000000e+09, v56;
	v56 =	vld [tilespmem:s24+$0x4100]  }
0x1ee: {  	v44 =	vmin.f32 v44, v55;
	v55 =	vadd.f32 v61, v58;
	v57 =	vsub.f32 v47, v32;
	v61 =	vld [tilespmem:s24+$0x4200]  }
0x1ef: {  	v51 =	vmin.f32 v51, v53;
	v53 =	vadd.f32 v54, v58;
	v54 =	vmul.f32 $1.000000000e+09, v59;
	v59 =	vld [tilespmem:s24+$0x4300]  }
0x1f0: {  	v63 =	vmul.f32 $1.000000000e+09, v60;
	v52 =	vmin.f32 v52, v55;
	v55 =	vmul.f32 v57, v57  }
0x1f1: {  	v53 =	vmin.f32 v44, v53;
	v44 =	vadd.f32 v54, v58;
	v54 =	vsub.f32 v47, v33  }
0x1f2: {  	v60 =	vld [tilespmem:s24+$0x4400];
	v57 =	vadd.f32 v63, v55;
	v58 =	vmul.f32 $1.000000000e+09, v62;
	v56 =	vmul.f32 $1.000000000e+09, v56  }
0x1f3: {  	v51 =	vmin.f32 v51, v44;
	v54 =	vmul.f32 v54, v54;
	v44 =	vmul.f32 $1.000000000e+09, v61  }
0x1f4: {  	v62 =	vld [tilespmem:s24+$0x4700];
	v52 =	vmin.f32 v52, v57;
	v57 =	vadd.f32 v58, v55;
	v58 =	vmul.f32 $1.000000000e+09, v59  }
0x1f5: {  	s29 =	sor.u32 $0x3, s23;
	v61 =	vld [tilespmem:s24+$0x4500];
	v55 =	vadd.f32 v56, v55;
	v56 =	vadd.f32 v44, v54  }
0x1f6: {  	v59 =	vld [tilespmem:s24+$0x4600];
	v44 =	vmov s29;
	v53 =	vmin.f32 v53, v57;
	v57 =	vadd.f32 v58, v54  }
0x1f7: {  	v58 =	vld [tilespmem:s24+$0x4800];
	v63 =	vor.u32 $0x10, v44;
	v51 =	vmin.f32 v51, v55;
	v55 =	vmul.f32 $1.000000000e+09, v60  }
0x1f8: {  	v49 =	vmul.f32 v49, v49;
	v3 =	vmul.f32 v48, v48;
	v52 =	vmin.f32 v52, v56;
	v56 =	vld [tilespmem:s24+$0x4900]  }
0x1f9: {  	v60 =	vld [tilespmem:s24+$0x4A00];
	v53 =	vmin.f32 v53, v57;
	v57 =	vsub.f32 v47, v35;
	v54 =	vadd.f32 v55, v54  }
0x1fa: {  	s30 =	sadd.s32 s22, s29;
	v50 =	vmul.f32 v50, v50;
	v61 =	vmul.f32 $1.000000000e+09, v61;
	v47 =	vsub.f32 v47, v36  }
0x1fb: {  	s24 =	sshll.u32 s30, $0x4;
	v55 =	vmul.f32 v57, v57;
	v51 =	vmin.f32 v51, v54;
	v54 =	vmul.f32 $1.000000000e+09, v59  }
0x1fc: {  	s24 =	sand.u32 $0x3FFFFFF0, s24;
	v59 =	vmul.f32 $1.000000000e+09, v62;
	v47 =	vmul.f32 v47, v47;
	v48 =	vld.idx.msk [tilespmem:v63+s16+$0x0], $0xffff  }
0x1fd: {  	v62 =	vld [tilespmem:s24+$0x100];
	v58 =	vmul.f32 $1.000000000e+09, v58;
	v57 =	vadd.f32 v61, v55;
	v56 =	vmul.f32 $1.000000000e+09, v56  }
0x1fe: {  	v60 =	vmul.f32 $1.000000000e+09, v60;
	v61 =	vld [tilespmem:s24+$0x0];
	v54 =	vadd.f32 v54, v55;
	v55 =	vadd.f32 v59, v55  }
0x1ff: {  	v52 =	vmin.f32 v52, v57;
	v57 =	vadd.f32 v58, v47;
	v58 =	vld [tilespmem:s24+$0x200];
	v63 =	vadd.f32 v56, v47  }
0x200: {  	v53 =	vmin.f32 v53, v54;
	v47 =	vadd.f32 v60, v47;
	v56 =	vld [tilespmem:s24+$0x300];
	v51 =	vmin.f32 v51, v55  }
0x201: {  	v52 =	vmin.f32 v52, v57;
	v60 =	vsub.f32 v48, v14;
	v53 =	vmin.f32 v53, v63  }
0x202: {  	v51 =	vmin.f32 v51, v47;
	v63 =	vsub.f32 v48, v8;
	v47 =	vadd.f32 v52, v3  }
0x203: {  	v3 =	vld [tilespmem:s24+$0x400];
	v54 =	vmul.f32 $1.000000000e+09, v61;
	v49 =	vadd.f32 v53, v49;
	v52 =	vmul.f32 v60, v60  }
0x204: {  	v57 =	vld [tilespmem:s24+$0x500];
	v50 =	vadd.f32 v51, v50;
	v60 =	vmul.f32 $1.000000000e+09, v62;
	v51 =	vmul.f32 v63, v63  }
0x205: {  	v58 =	vmul.f32 $1.000000000e+09, v58;
	v61 =	vmul.f32 $1.000000000e+09, v56;
	v56 =	vld [tilespmem:s24+$0x700];
	v62 =	vadd.f32 v54, v52  }
0x206: {  	v53 =	vadd.f32 v60, v52;
	v54 =	vld [tilespmem:s24+$0x800];
	v60 =	vsub.f32 v48, v34  }
0x207: {  	v45 =	vmin.f32 v45, v46;
	v59 =	vld [tilespmem:s24+$0x600];
	v52 =	vadd.f32 v58, v52;
	v55 =	vadd.f32 v61, v51  }
0x208: {  	v61 =	vld [tilespmem:s24+$0xA00];
	v3 =	vmul.f32 $1.000000000e+09, v3;
	v46 =	vmin.f32 v62, $9.999999950e+11;
	v53 =	vmin.f32 v53, $9.999999950e+11  }
0x209: {  	v58 =	vld [tilespmem:s24+$0x900];
	v52 =	vmin.f32 v52, $9.999999950e+11;
	v46 =	vmin.f32 v46, v55;
	v55 =	vmul.f32 $1.000000000e+09, v57  }
0x20a: {  	v57 =	vmul.f32 v60, v60;
	v60 =	vsub.f32 v48, v15;
	v3 =	vadd.f32 v3, v51  }
0x20b: {  	v56 =	vmul.f32 $1.000000000e+09, v56;
	v51 =	vadd.f32 v55, v51;
	v54 =	vmul.f32 $1.000000000e+09, v54  }
0x20c: {  	v55 =	vmul.f32 v60, v60;
	v60 =	vld [tilespmem:s24+$0xC00];
	v3 =	vmin.f32 v53, v3;
	v53 =	vmul.f32 $1.000000000e+09, v59  }
0x20d: {  	v59 =	vld [tilespmem:s24+$0xB00];
	v61 =	vmul.f32 $1.000000000e+09, v61;
	v51 =	vmin.f32 v52, v51;
	v52 =	vadd.f32 v56, v57  }
0x20e: {  	v62 =	vld [tilespmem:s24+$0xD00];
	v58 =	vmul.f32 $1.000000000e+09, v58;
	v54 =	vadd.f32 v54, v57;
	v53 =	vadd.f32 v53, v57  }
0x20f: {  	v56 =	vld [tilespmem:s24+$0xE00];
	v63 =	vadd.f32 v61, v55;
	v61 =	vsub.f32 v48, v16  }
0x210: {  	v51 =	vmin.f32 v51, v54;
	v54 =	vld [tilespmem:s24+$0x1000];
	v46 =	vmin.f32 v46, v53;
	v53 =	vadd.f32 v58, v55  }
0x211: {  	v3 =	vmin.f32 v3, v52;
	v58 =	vld [tilespmem:s24+$0xF00];
	v52 =	vmul.f32 v61, v61;
	v57 =	vmul.f32 $1.000000000e+09, v60  }
0x212: {  	v60 =	vld [tilespmem:s24+$0x1100];
	v46 =	vmin.f32 v46, v53;
	v53 =	vmul.f32 $1.000000000e+09, v59  }
0x213: {  	v3 =	vmin.f32 v3, v63;
	v61 =	vld [tilespmem:s24+$0x1200];
	v59 =	vsub.f32 v48, v17;
	v57 =	vadd.f32 v57, v52  }
0x214: {  	v56 =	vmul.f32 $1.000000000e+09, v56;
	v53 =	vadd.f32 v53, v55;
	v55 =	vmul.f32 $1.000000000e+09, v62  }
0x215: {  	v59 =	vmul.f32 v59, v59;
	v62 =	vld [tilespmem:s24+$0x1300];
	v46 =	vmin.f32 v46, v57;
	v54 =	vmul.f32 $1.000000000e+09, v54  }
0x216: {  	v57 =	vld [tilespmem:s24+$0x1500];
	v58 =	vmul.f32 $1.000000000e+09, v58;
	v51 =	vmin.f32 v51, v53;
	v63 =	vadd.f32 v55, v52  }
0x217: {  	v52 =	vadd.f32 v56, v52;
	v55 =	vld [tilespmem:s24+$0x1400];
	v53 =	vadd.f32 v54, v59;
	v54 =	vmul.f32 $1.000000000e+09, v60  }
0x218: {  	v60 =	vsub.f32 v48, v19;
	v56 =	vadd.f32 v58, v59;
	v58 =	vmul.f32 $1.000000000e+09, v61  }
0x219: {  	v61 =	vld [tilespmem:s24+$0x1700];
	v3 =	vmin.f32 v3, v63;
	v51 =	vmin.f32 v51, v52;
	v63 =	vsub.f32 v48, v18  }
0x21a: {  	v46 =	vmin.f32 v46, v56;
	v56 =	vld [tilespmem:s24+$0x1600];
	v3 =	vmin.f32 v3, v53;
	v53 =	vmul.f32 v60, v60  }
0x21b: {  	v54 =	vadd.f32 v54, v59;
	v57 =	vmul.f32 $1.000000000e+09, v57;
	v60 =	vld [tilespmem:s24+$0x1900];
	v52 =	vmul.f32 v63, v63  }
0x21c: {  	v59 =	vmul.f32 $1.000000000e+09, v62;
	v62 =	vld [tilespmem:s24+$0x1800];
	v55 =	vmul.f32 $1.000000000e+09, v55  }
0x21d: {  	v51 =	vmin.f32 v51, v54;
	v63 =	vadd.f32 v57, v53;
	v57 =	vld [tilespmem:s24+$0x1B00];
	v54 =	vadd.f32 v58, v52  }
0x21e: {  	v58 =	vadd.f32 v59, v52;
	v59 =	vld [tilespmem:s24+$0x1A00];
	v52 =	vadd.f32 v55, v52  }
0x21f: {  	v55 =	vmul.f32 $1.000000000e+09, v61;
	v56 =	vmul.f32 $1.000000000e+09, v56;
	v46 =	vmin.f32 v46, v54  }
0x220: {  	v3 =	vmin.f32 v3, v58;
	v54 =	vsub.f32 v48, v20;
	v58 =	vld [tilespmem:s24+$0x1C00];
	v60 =	vmul.f32 $1.000000000e+09, v60  }
0x221: {  	v51 =	vmin.f32 v51, v52;
	v46 =	vmin.f32 v46, v63;
	v52 =	vmul.f32 $1.000000000e+09, v62  }
0x222: {  	v61 =	vld [tilespmem:s24+$0x1D00];
	v63 =	vadd.f32 v56, v53;
	v54 =	vmul.f32 v54, v54;
	v56 =	vsub.f32 v48, v21  }
0x223: {  	v62 =	vld [tilespmem:s24+$0x1F00];
	v53 =	vadd.f32 v55, v53;
	v57 =	vmul.f32 $1.000000000e+09, v57;
	v55 =	vmul.f32 $1.000000000e+09, v59  }
0x224: {  	v59 =	vld [tilespmem:s24+$0x1E00];
	v3 =	vmin.f32 v3, v63;
	v56 =	vmul.f32 v56, v56;
	v52 =	vadd.f32 v52, v54  }
0x225: {  	v60 =	vadd.f32 v60, v54;
	v58 =	vmul.f32 $1.000000000e+09, v58;
	v54 =	vadd.f32 v55, v54;
	v55 =	vld [tilespmem:s24+$0x2000]  }
0x226: {  	v51 =	vmin.f32 v51, v53;
	v46 =	vmin.f32 v46, v52;
	v52 =	vadd.f32 v57, v56  }
0x227: {  	v3 =	vmin.f32 v3, v60;
	v60 =	vsub.f32 v48, v22;
	v63 =	vadd.f32 v58, v56;
	v58 =	vld [tilespmem:s24+$0x2100]  }
0x228: {  	v51 =	vmin.f32 v51, v54;
	v54 =	vld [tilespmem:s24+$0x2200];
	v46 =	vmin.f32 v46, v52;
	v52 =	vmul.f32 $1.000000000e+09, v61  }
0x229: {  	v53 =	vmul.f32 v60, v60;
	v57 =	vmul.f32 $1.000000000e+09, v59;
	v59 =	vsub.f32 v48, v23  }
0x22a: {  	v60 =	vld [tilespmem:s24+$0x2300];
	v52 =	vadd.f32 v52, v56;
	v56 =	vmul.f32 $1.000000000e+09, v62;
	v55 =	vmul.f32 $1.000000000e+09, v55  }
0x22b: {  	v61 =	vld [tilespmem:s24+$0x2400];
	v3 =	vmin.f32 v3, v63;
	v57 =	vadd.f32 v57, v53;
	v59 =	vmul.f32 v59, v59  }
0x22c: {  	v62 =	vld [tilespmem:s24+$0x2500];
	v58 =	vmul.f32 $1.000000000e+09, v58;
	v63 =	vadd.f32 v56, v53;
	v53 =	vadd.f32 v55, v53  }
0x22d: {  	v51 =	vmin.f32 v51, v52;
	v55 =	vld [tilespmem:s24+$0x2600];
	v46 =	vmin.f32 v46, v57;
	v54 =	vmul.f32 $1.000000000e+09, v54  }
0x22e: {  	v57 =	vld [tilespmem:s24+$0x2700];
	v56 =	vadd.f32 v58, v59;
	v3 =	vmin.f32 v3, v63;
	v51 =	vmin.f32 v51, v53  }
0x22f: {  	v63 =	vsub.f32 v48, v10;
	v53 =	vadd.f32 v54, v59;
	v54 =	vmul.f32 $1.000000000e+09, v60  }
0x230: {  	v58 =	vmul.f32 $1.000000000e+09, v61;
	v60 =	vsub.f32 v48, v24  }
0x231: {  	v61 =	vld [tilespmem:s24+$0x2900];
	v46 =	vmin.f32 v46, v56;
	v52 =	vmul.f32 v63, v63;
	v54 =	vadd.f32 v54, v59  }
0x232: {  	v56 =	vld [tilespmem:s24+$0x2800];
	v59 =	vmul.f32 $1.000000000e+09, v62;
	v3 =	vmin.f32 v3, v53;
	v53 =	vmul.f32 v60, v60  }
0x233: {  	v62 =	vld [tilespmem:s24+$0x2A00];
	v55 =	vmul.f32 $1.000000000e+09, v55;
	v57 =	vmul.f32 $1.000000000e+09, v57  }
0x234: {  	v60 =	vld [tilespmem:s24+$0x2B00];
	v51 =	vmin.f32 v51, v54;
	v54 =	vadd.f32 v58, v52;
	v58 =	vadd.f32 v59, v52  }
0x235: {  	v59 =	vld [tilespmem:s24+$0x2C00];
	v52 =	vadd.f32 v55, v52;
	v63 =	vadd.f32 v57, v53  }
0x236: {  	v57 =	vld [tilespmem:s24+$0x2D00];
	v55 =	vmul.f32 $1.000000000e+09, v61;
	v46 =	vmin.f32 v46, v54;
	v54 =	vsub.f32 v48, v25  }
0x237: {  	v3 =	vmin.f32 v3, v58;
	v58 =	vld [tilespmem:s24+$0x2E00];
	v56 =	vmul.f32 $1.000000000e+09, v56;
	v51 =	vmin.f32 v51, v52  }
0x238: {  	v46 =	vmin.f32 v46, v63;
	v52 =	vmul.f32 $1.000000000e+09, v62;
	v54 =	vmul.f32 v54, v54  }
0x239: {  	v61 =	vld [tilespmem:s24+$0x2F00];
	v60 =	vmul.f32 $1.000000000e+09, v60;
	v63 =	vadd.f32 v56, v53;
	v56 =	vsub.f32 v48, v26  }
0x23a: {  	v62 =	vld [tilespmem:s24+$0x3100];
	v53 =	vadd.f32 v55, v53;
	v55 =	vmul.f32 $1.000000000e+09, v59;
	v52 =	vadd.f32 v52, v54  }
0x23b: {  	v59 =	vld [tilespmem:s24+$0x3000];
	v57 =	vmul.f32 $1.000000000e+09, v57;
	v60 =	vadd.f32 v60, v54;
	v56 =	vmul.f32 v56, v56  }
0x23c: {  	v3 =	vmin.f32 v3, v63;
	v58 =	vmul.f32 $1.000000000e+09, v58;
	v54 =	vadd.f32 v55, v54;
	v55 =	vld [tilespmem:s24+$0x3200]  }
0x23d: {  	v51 =	vmin.f32 v51, v53;
	v46 =	vmin.f32 v46, v52;
	v52 =	vadd.f32 v57, v56  }
0x23e: {  	v3 =	vmin.f32 v3, v60;
	v60 =	vsub.f32 v48, v27;
	v63 =	vadd.f32 v58, v56;
	v58 =	vld [tilespmem:s24+$0x3300]  }
0x23f: {  	v51 =	vmin.f32 v51, v54;
	v54 =	vld [tilespmem:s24+$0x3400];
	v46 =	vmin.f32 v46, v52;
	v52 =	vmul.f32 $1.000000000e+09, v61  }
0x240: {  	v53 =	vmul.f32 v60, v60;
	v57 =	vmul.f32 $1.000000000e+09, v59;
	v59 =	vsub.f32 v48, v28  }
0x241: {  	v60 =	vld [tilespmem:s24+$0x3500];
	v55 =	vmul.f32 $1.000000000e+09, v55;
	v52 =	vadd.f32 v52, v56;
	v56 =	vmul.f32 $1.000000000e+09, v62  }
0x242: {  	v3 =	vmin.f32 v3, v63;
	v61 =	vld [tilespmem:s24+$0x3600];
	v57 =	vadd.f32 v57, v53;
	v59 =	vmul.f32 v59, v59  }
0x243: {  	v62 =	vld [tilespmem:s24+$0x3700];
	v58 =	vmul.f32 $1.000000000e+09, v58;
	v63 =	vadd.f32 v56, v53;
	v53 =	vadd.f32 v55, v53  }
0x244: {  	v46 =	vmin.f32 v46, v57;
	v54 =	vmul.f32 $1.000000000e+09, v54;
	v57 =	vld [tilespmem:s24+$0x3900];
	v51 =	vmin.f32 v51, v52  }
0x245: {  	v55 =	vld [tilespmem:s24+$0x3800];
	v56 =	vadd.f32 v58, v59;
	v3 =	vmin.f32 v3, v63;
	v51 =	vmin.f32 v51, v53  }
0x246: {  	v63 =	vsub.f32 v48, v29;
	v53 =	vadd.f32 v54, v59;
	v54 =	vmul.f32 $1.000000000e+09, v60  }
0x247: {  	v58 =	vmul.f32 $1.000000000e+09, v61;
	v61 =	vld [tilespmem:s24+$0x3B00];
	v60 =	vsub.f32 v48, v30  }
0x248: {  	v46 =	vmin.f32 v46, v56;
	v56 =	vld [tilespmem:s24+$0x3A00];
	v52 =	vmul.f32 v63, v63;
	v54 =	vadd.f32 v54, v59  }
0x249: {  	v59 =	vmul.f32 $1.000000000e+09, v62;
	v62 =	vld [tilespmem:s24+$0x3C00];
	v3 =	vmin.f32 v3, v53;
	v53 =	vmul.f32 v60, v60  }
0x24a: {  	v57 =	vmul.f32 $1.000000000e+09, v57;
	v60 =	vld [tilespmem:s24+$0x3D00];
	v55 =	vmul.f32 $1.000000000e+09, v55  }
0x24b: {  	v51 =	vmin.f32 v51, v54;
	v54 =	vadd.f32 v58, v52;
	v58 =	vadd.f32 v59, v52;
	v59 =	vld [tilespmem:s24+$0x3E00]  }
0x24c: {  	v63 =	vadd.f32 v57, v53;
	v57 =	vld [tilespmem:s24+$0x3F00];
	v52 =	vadd.f32 v55, v52  }
0x24d: {  	v55 =	vmul.f32 $1.000000000e+09, v61;
	v56 =	vmul.f32 $1.000000000e+09, v56;
	v46 =	vmin.f32 v46, v54  }
0x24e: {  	v3 =	vmin.f32 v3, v58;
	v54 =	vsub.f32 v48, v31;
	v58 =	vld [tilespmem:s24+$0x4000];
	v51 =	vmin.f32 v51, v52  }
0x24f: {  	v46 =	vmin.f32 v46, v63;
	v52 =	vmul.f32 $1.000000000e+09, v62;
	v60 =	vmul.f32 $1.000000000e+09, v60  }
0x250: {  	v63 =	vadd.f32 v56, v53;
	v54 =	vmul.f32 v54, v54;
	v56 =	vsub.f32 v48, v32  }
0x251: {  	v61 =	vld [tilespmem:s24+$0x4100];
	v53 =	vadd.f32 v55, v53;
	v55 =	vmul.f32 $1.000000000e+09, v59;
	v57 =	vmul.f32 $1.000000000e+09, v57  }
0x252: {  	v62 =	vld [tilespmem:s24+$0x4300];
	v3 =	vmin.f32 v3, v63;
	v56 =	vmul.f32 v56, v56;
	v52 =	vadd.f32 v52, v54  }
0x253: {  	v59 =	vld [tilespmem:s24+$0x4200];
	v51 =	vmin.f32 v51, v53;
	v60 =	vadd.f32 v60, v54;
	v58 =	vmul.f32 $1.000000000e+09, v58  }
0x254: {  	v54 =	vadd.f32 v55, v54;
	v55 =	vld [tilespmem:s24+$0x4400];
	v46 =	vmin.f32 v46, v52;
	v52 =	vadd.f32 v57, v56  }
0x255: {  	v3 =	vmin.f32 v3, v60;
	v60 =	vsub.f32 v48, v33;
	v63 =	vadd.f32 v58, v56;
	v58 =	vld [tilespmem:s24+$0x4500]  }
0x256: {  	v57 =	vld.idx.msk [tilespmem:v44+s16+$0x0], $0xffff;
	v51 =	vmin.f32 v51, v54  }
0x257: {  	v54 =	vld [tilespmem:s24+$0x4600];
	v46 =	vmin.f32 v46, v52;
	v52 =	vmul.f32 $1.000000000e+09, v61;
	v53 =	vmul.f32 v60, v60  }
0x258: {  	v59 =	vmul.f32 $1.000000000e+09, v59;
	v60 =	vsub.f32 v48, v35;
	v61 =	vld [tilespmem:s24+$0x4700];
	v48 =	vsub.f32 v48, v36  }
0x259: {  	v52 =	vadd.f32 v52, v56;
	v56 =	vmul.f32 $1.000000000e+09, v62;
	v55 =	vmul.f32 $1.000000000e+09, v55  }
0x25a: {  	v3 =	vmin.f32 v3, v63;
	v60 =	vmul.f32 v60, v60;
	v62 =	vld [tilespmem:s24+$0x4800];
	v58 =	vmul.f32 $1.000000000e+09, v58  }
0x25b: {  	v59 =	vadd.f32 v59, v53;
	v51 =	vmin.f32 v51, v52;
	v63 =	vadd.f32 v56, v53;
	v56 =	vld [tilespmem:s24+$0x4900]  }
0x25c: {  	v54 =	vmul.f32 $1.000000000e+09, v54;
	v53 =	vadd.f32 v55, v53;
	v55 =	vadd.f32 v58, v60;
	v58 =	vld [tilespmem:s24+$0x4A00]  }
0x25d: {  	v46 =	vmin.f32 v46, v59;
	v52 =	vsub.f32 v57, v11;
	v59 =	vmul.f32 $1.000000000e+09, v61  }
0x25e: {  	v48 =	vmul.f32 v48, v48;
	v3 =	vmin.f32 v3, v63;
	v63 =	vadd.f32 v54, v60  }
0x25f: {  	v51 =	vmin.f32 v51, v53;
	v52 =	vmul.f32 v52, v52;
	v53 =	vadd.f32 v59, v60  }
0x260: {  	v61 =	vmul.f32 $1.000000000e+09, v62;
	v3 =	vmin.f32 v3, v63;
	v62 =	vmul.f32 $1.000000000e+09, v56  }
0x261: {  	v63 =	vsub.f32 v57, v12;
	v57 =	vsub.f32 v57, v13;
	v58 =	vmul.f32 $1.000000000e+09, v58  }
0x262: {  	v46 =	vmin.f32 v46, v55;
	v60 =	vadd.f32 v61, v48;
	v61 =	vadd.f32 v62, v48  }
0x263: {  	v51 =	vmin.f32 v51, v53;
	v62 =	vmul.f32 v63, v63;
	v48 =	vadd.f32 v58, v48  }
0x264: {  	v46 =	vmin.f32 v46, v60;
	v63 =	vmul.f32 v57, v57;
	v3 =	vmin.f32 v3, v61  }
0x265: {  	v46 =	vadd.f32 v46, v52;
	v3 =	vadd.f32 v3, v62;
	v48 =	vmin.f32 v51, v48  }
0x266: {  	(xrf0) =	vmin.scan.msk.f32 $0xffff, v42;
	v54 =	vmin.f32 v45, v43;
	v55 =	vmin.f32 v47, v49;
	v56 =	vadd.f32 v48, v63  }
0x267: {  	(xrf0) =	vmin.scan.msk.f32 $0xffff, v54;
	v57 =	vmin.f32 v55, v50;
	v3 =	vmin.f32 v46, v3  }
0x268: {  	(xrf0) =	vmin.scan.msk.f32 $0xffff, v57;
	v3 =	vmin.f32 v3, v56  }
0x269: {  	(xrf0) =	vmin.scan.msk.f32 $0xffff, v3;
	_ =	sdelay $0x2  }
0x26a: {  	v3, _, _ =	vpop (xrf0)  }
0x26b: {  	p0 =	slt.u32 s23, $0xC;
	v58, _, _ =	vpop (xrf0);
	v3 =	vbroadcast v3, $0xF  }
.Ltmp7:
0x26c: {  	vm1 =	veq.s32 v39, v1;
	v59, _, _ =	vpop (xrf0);
	v60 =	vbroadcast v58, $0xF;
	(pc) =	sbr.rel @p0 .LBB2_14-.Ltmp7, $4  }
0x26d: {  	v3 =	vsel vm1, v3, v38;
	vm1 =	veq.s32 v40, v1;
	v61 =	vbroadcast v59, $0xF;
	v62, _, _ =	vpop (xrf0)  }
0x26e: {  	v3 =	vsel vm1, v60, v3;
	vm1 =	veq.s32 v41, v1;
	v63 =	vbroadcast v62, $0xF  }
0x26f: {  	s31 =	sadd.s32 $0x4, s23;
	v3 =	vsel vm1, v61, v3;
	vm1 =	veq.s32 v44, v1  }
0x270: {  	s23 =	smov.u32 s31;
	v38 =	vsel vm1, v63, v3  }
0x271: {  	(erf) = vrcp.f32 v37;
	_ =	sdelay $0x8  }
0x272: {  	v3 =	vpop (erf)  }
0x273: {  	v3 =	vmul.f32 v38, v3;
	_ =	sdelay $0x1  }
0x274: {  	v63 =	vshra.s32 v3, $0x1;
	v38 =	vmul.f32 $5.000000000e-01, v3  }
0x275: {  	v37 =	vsub.s32 $0x5F3759DF, v63  }
0x276: {  	v39 =	vmul.f32 v37, v38;
	_ =	sdelay $0x1  }
0x277: {  	v39 =	vmul.f32 v37, v39;
	_ =	sdelay $0x1  }
0x278: {  	v39 =	vsub.f32 $1.500000000e+00, v39;
	_ =	sdelay $0x1  }
0x279: {  	v37 =	vmul.f32 v37, v39;
	_ =	sdelay $0x1  }
0x27a: {  	v39 =	vmul.f32 v37, v38;
	_ =	sdelay $0x1  }
0x27b: {  	v39 =	vmul.f32 v39, v37;
	_ =	sdelay $0x1  }
0x27c: {  	v39 =	vsub.f32 $1.500000000e+00, v39;
	_ =	sdelay $0x1  }
0x27d: {  	v37 =	vmul.f32 v39, v37;
	_ =	sdelay $0x1  }
0x27e: {  	v38 =	vmul.f32 v37, v38;
	_ =	sdelay $0x1  }
0x27f: {  	v38 =	vmul.f32 v38, v37;
	_ =	sdelay $0x1  }
0x280: {  	v38 =	vsub.f32 $1.500000000e+00, v38;
	_ =	sdelay $0x1  }
0x281: {  	v37 =	vmul.f32 v38, v37;
	_ =	sdelay $0x1  }
0x282: {  	p0 =	sne.s32 s21, $0x14;
	v37 =	vmul.f32 v37, v3  }
.Ltmp8:
0x283: {  	_ = 	snop;
	(pc) =	sbr.rel @p0 .LBB2_4-.Ltmp8, $4  }
0x284: {  	v37 =	vsub.f32 $1.000000000e+00, v37  }
0x285: {  	vm1 =	vle.f32 v3, $1.000000000e+00  }
0x286: {  	v3 =	vnsel vm1, $0x0, v37  }
0x287: {  	[tilespmem:s20+$0xA110] =	vst v3  }
0x288: {  	s19 =	sadd.s32 $0x1, s19  }
0x289: {  	p0 =	sne.s32 s19, s9  }
.Ltmp9:
0x28a: {  	_ = 	snop;
	(pc) =	sbr.rel @p0 .LBB2_1-.Ltmp9, $4  }
0x28b: {  	[hbm4b:s8+s5] =	stream.linear.scatter [tilespmem:s17], [sflag:$0x3], $0x140, $0x38;
	[tilespmem:$0xA270] =	vst v63  }
0x28c: {  	_ =	swait.ge [sflag:s18], $0x140  }
0x28d: {  	[sflag:s18] =	ssyncset.done $0x0  }
0x28e: {  	[sflag:s18] =	ssyncadd.s32 $0xFFFFFEC0  }
0x28f: {  	_ =	sfence.sel $0x180000  }
0x290: {  	[bflag:$0x0] =	sbarrier.arrive $0xFFFF  }
0x291: {  	p0 =	sne.s32 s0, $0x0;
	_ =	strace $0x90000047  }
0x292: {  	s0 =	sadd.s32 @!p0 $0x100000, s4;
	[bflag:$0x2] =	sbarrier.arrive $0xFFFF  }
0x293: {  	[sflag:s0] =	ssyncadd.tile.s32 @!p0 $0x1;
	_ =	shalt  }
.Lfunc_end2:
_tile_overlayer_lowered:
.L_overlay_start_2:
0x294: {  	(tag) =	ssettag $0x2  }
0x295: {  	s0 =	rddreg [dreg:$0x0];
	s2 =	stileid.u32  }
0x296: {  	s1 =	rddreg [dreg:$0x1];
	p0 =	sne.s32 s2, $0x0  }
0x297: {  	s3 =	rddreg [dreg:$0x2];
	[bflag:$0x3] =	sbarrier.arrive $0xFFFF;
	s2 =	simm.s32 @!p0 $0x1C03  }
0x298: {  	[timem:s3], [sflag:s2] =	dma.local @!p0 [hbm:s0], s1  }
0x299: {  	s0 =	simm.s32 @!p0 $0x3  }
0x29a: {  	_ =	swait.ge @!p0 [sflag:s0], s1  }
0x29b: {  	s1 =	ssub.s32 @!p0 $0x0, s1;
	[sflag:s0] =	ssyncset.done @!p0 $0x0  }
0x29c: {  	[sflag:s0] =	ssyncadd.s32 @!p0 s1  }
0x29d: {  	[bflag:$0x3] =	sbarrier.arrive $0xFFFF  }
0x29e: {  	_ =	shalt  }

</sc_bundles>
